<compile_context>
chip_gen: v7x
topology: tpu7x:2x2x1
jax: 0.10.2.dev20260603
libtpu: 0.0.44.dev20260713+nightly
codegen_flags: <defaults>
</compile_context>

<pallas_src>
import functools

import jax
import jax.numpy as jnp
from jax import lax
from jax.experimental import pallas as pl
from jax.experimental.pallas import tpu as pltpu
from jax.experimental.pallas import tpu_sc as plsc

N = 10000
E = 320000
D = 128
DA = 160
NS = 16
E_TILE = E // NS
CHUNK = 128
BCH = 8
NB = 20
NCH = NB * BCH
E_PAD = NCH * CHUNK
ACC_ROWS = 10240
ROWS_PER_TILE = ACC_ROWS // NS



def _agg_body(da, table, srcs, dsts, out, ixs0, ixs1, ixd0, ixd1, rows0,
              rows1, tb, acc, isem0, isem1, gsem0, gsem1, ssem0, ssem1):
    c = lax.axis_index("c")
    s = lax.axis_index("s")
    ixs = (ixs0, ixs1)
    ixd = (ixd0, ixd1)
    rows = (rows0, rows1)
    isem = (isem0, isem1)
    gsem = (gsem0, gsem1)
    ssem = (ssem0, ssem1)
    base = s * ROWS_PER_TILE

    def stage_block(off, nr):
        pltpu.sync_copy(table.at[c, pl.ds(off, nr)], tb.at[pl.ds(off, nr)])

    @pl.when(s < NS - 1)
    def _stage_full():
        stage_block(base, ROWS_PER_TILE)

    @pl.when(s == NS - 1)
    def _stage_last():
        stage_block(base, N - (NS - 1) * ROWS_PER_TILE)

    zero32 = jnp.zeros((32,), jnp.bfloat16)

    def zrow(i, _):
        def zcol(j, _):
            rows1[i, pl.ds(j * 32, 32)] = zero32
            return 0
        return lax.fori_loop(0, da // 32, zcol, 0)

    lax.fori_loop(0, CHUNK, zrow, 0)
    nfull = ROWS_PER_TILE // CHUNK
    for k in range(nfull):
        pltpu.sync_copy(rows1, acc.at[pl.ds(base + k * CHUNK, CHUNK)])
    rem = ROWS_PER_TILE - nfull * CHUNK
    if rem:
        pltpu.sync_copy(rows1.at[pl.ds(0, rem)],
                        acc.at[pl.ds(base + nfull * CHUNK, rem)])

    plsc.subcore_barrier()

    def load_batch(m, a):
        pltpu.async_copy(srcs.at[c, s, m], ixs[a], isem[a])
        pltpu.async_copy(dsts.at[c, s, m], ixd[a], isem[a])

    def wait_batch(a):
        pltpu.make_async_copy(srcs.at[c, s, 0], ixs[a], isem[a]).wait()
        pltpu.make_async_copy(dsts.at[c, s, 0], ixd[a], isem[a]).wait()

    def gather(a, k, b):
        pltpu.async_copy(tb.at[ixs[a].at[k]], rows[b], gsem[b])

    def wait_gather(a, k, b):
        pltpu.make_async_copy(tb.at[ixs[a].at[k]], rows[b], gsem[b]).wait()

    load_batch(0, 0)
    load_batch(1, 1)
    wait_batch(0)
    gather(0, 0, 0)
    gather(0, 1, 1)

    def superstep(t, _):
        for a in (0, 1):
            m = 2 * t + a
            for k in range(BCH):
                b = k % 2
                wait_gather(a, k, b)
                pltpu.async_copy(rows[b], acc.at[ixd[a].at[k]], ssem[b],
                                 add=True)
                pltpu.make_async_copy(rows[b], acc.at[ixd[a].at[k]],
                                      ssem[b]).wait()
                if k < BCH - 2:
                    gather(a, k + 2, b)
                else:
                    if k == BCH - 2:
                        @pl.when(m < NB - 1)
                        def _wait_next_idx():
                            wait_batch(1 - a)

                    @pl.when(m < NB - 1)
                    def _cross_batch_gather():
                        gather(1 - a, k + 2 - BCH, b)

            @pl.when(m + 2 < NB)
            def _prefetch_idx():
                load_batch(m + 2, a)
        return 0

    lax.fori_loop(0, NB // 2, superstep, 0)

    plsc.subcore_barrier()

    @pl.when(s < NS - 1)
    def _full_tile():
        pltpu.sync_copy(acc.at[pl.ds(base, ROWS_PER_TILE)],
                        out.at[c, pl.ds(base, ROWS_PER_TILE)])

    @pl.when(s == NS - 1)
    def _last_tile():
        tail = N - (NS - 1) * ROWS_PER_TILE
        pltpu.sync_copy(acc.at[pl.ds(base, tail)],
                        out.at[c, pl.ds(base, tail)])


def _make_agg(da):
    mesh = plsc.VectorSubcoreMesh(core_axis_name="c", subcore_axis_name="s",
                                  num_cores=2, num_subcores=NS)
    return pl.kernel(
        functools.partial(_agg_body, da),
        out_type=jax.ShapeDtypeStruct((2, N, da), jnp.bfloat16),
        mesh=mesh,
        scratch_types=[
            pltpu.VMEM((BCH, CHUNK), jnp.int32),
            pltpu.VMEM((BCH, CHUNK), jnp.int32),
            pltpu.VMEM((BCH, CHUNK), jnp.int32),
            pltpu.VMEM((BCH, CHUNK), jnp.int32),
            pltpu.VMEM((CHUNK, da), jnp.bfloat16),
            pltpu.VMEM((CHUNK, da), jnp.bfloat16),
            pltpu.VMEM_SHARED((ACC_ROWS, da), jnp.bfloat16),
            pltpu.VMEM_SHARED((ACC_ROWS, da), jnp.bfloat16),
            pltpu.SemaphoreType.DMA,
            pltpu.SemaphoreType.DMA,
            pltpu.SemaphoreType.DMA,
            pltpu.SemaphoreType.DMA,
            pltpu.SemaphoreType.DMA,
            pltpu.SemaphoreType.DMA,
        ],
        compiler_params=pltpu.CompilerParams(use_tc_tiling_on_sc=False),
    )



R_BLK = 2000


def _proj_body(x_ref, w_ref, b_ref, o_ref):
    y = jnp.maximum(
        jnp.dot(x_ref[0], w_ref[0], preferred_element_type=jnp.float32)
        + b_ref[0], 0.0)
    o_ref[0, :, :D] = y.astype(jnp.bfloat16)
    o_ref[0, :, D:DA] = jnp.ones((y.shape[0], DA - D), jnp.bfloat16)


def _proj(xs, wp, bp):
    return pl.pallas_call(
        _proj_body,
        grid=(2, N // R_BLK),
        in_specs=[
            pl.BlockSpec((1, R_BLK, D), lambda t, r: (t, r, 0)),
            pl.BlockSpec((1, D, D), lambda t, r: (t, 0, 0)),
            pl.BlockSpec((1, 1, D), lambda t, r: (t, 0, 0)),
        ],
        out_specs=pl.BlockSpec((1, R_BLK, DA), lambda t, r: (t, r, 0)),
        out_shape=jax.ShapeDtypeStruct((2, N, DA), jnp.bfloat16),
    )(xs, wp, bp)


def _sage_block(agg_ref, cnt_ref, h_ref, wl_ref, wr_ref, b_ref):
    x = agg_ref[0].astype(jnp.float32)
    cnt = cnt_ref[0][:, D:D + 1].astype(jnp.float32)
    inv = 1.0 / jnp.maximum(cnt, 1.0)
    mean = x[:, :D] * inv
    h = h_ref[0][:, :D].astype(jnp.float32)
    z = (jnp.dot(mean, wl_ref[0], preferred_element_type=jnp.float32)
         + jnp.dot(h, wr_ref[0], preferred_element_type=jnp.float32)
         + b_ref[0])
    return jnp.maximum(z, 0.0)


def _combine_body(agg_ref, h_ref, wl_ref, wr_ref, b_ref, o_ref):
    y = _sage_block(agg_ref, agg_ref, h_ref, wl_ref, wr_ref, b_ref)
    o_ref[0] = y.astype(jnp.bfloat16)


def _sage_specs(wa, wh):
    return [
        pl.BlockSpec((1, R_BLK, wa), lambda t, r: (1 - t, r, 0)),
        pl.BlockSpec((1, R_BLK, wh), lambda t, r: (t, r, 0)),
        pl.BlockSpec((1, D, D), lambda t, r: (t, 0, 0)),
        pl.BlockSpec((1, D, D), lambda t, r: (t, 0, 0)),
        pl.BlockSpec((1, 1, D), lambda t, r: (t, 0, 0)),
    ]


def _combine(agg, h, wl, wr, b):
    return pl.pallas_call(
        _combine_body,
        grid=(2, N // R_BLK),
        in_specs=_sage_specs(DA, DA),
        out_specs=pl.BlockSpec((1, R_BLK, D), lambda t, r: (t, r, 0)),
        out_shape=jax.ShapeDtypeStruct((2, N, D), jnp.bfloat16),
    )(agg, h, wl, wr, b)


def _combine_final_body(agg_ref, h_ref, wl_ref, wr_ref, b_ref, cnt_ref,
                        w1_ref, b1_ref, w2_ref, b2_ref, out_ref, cs_ref):
    t = pl.program_id(0)
    r = pl.program_id(1)
    y = _sage_block(agg_ref, cnt_ref, h_ref, wl_ref, wr_ref, b_ref)

    @pl.when((t == 0) & (r == 0))
    def _init():
        cs_ref[...] = jnp.zeros_like(cs_ref)

    cs_ref[...] += jnp.sum(y, axis=0, keepdims=True)

    @pl.when((t == 1) & (r == pl.num_programs(1) - 1))
    def _readout():
        ge = cs_ref[...] * (0.5 / N)
        z = jnp.maximum(
            jnp.dot(ge, w1_ref[...], preferred_element_type=jnp.float32)
            + b1_ref[...], 0.0)
        out_ref[...] = (jnp.dot(z, w2_ref[...],
                                preferred_element_type=jnp.float32)
                        + b2_ref[...])


def _combine_final(agg, h, wl, wr, b, cnt, w1, b1, w2, b2):
    C = w2.shape[1]
    return pl.pallas_call(
        _combine_final_body,
        grid=(2, N // R_BLK),
        in_specs=_sage_specs(D, D) + [
            pl.BlockSpec((1, R_BLK, DA), lambda t, r: (1 - t, r, 0)),
            pl.BlockSpec(w1.shape, lambda t, r: (0, 0)),
            pl.BlockSpec(b1.shape, lambda t, r: (0, 0)),
            pl.BlockSpec(w2.shape, lambda t, r: (0, 0)),
            pl.BlockSpec(b2.shape, lambda t, r: (0, 0)),
        ],
        out_specs=pl.BlockSpec((1, C), lambda t, r: (0, 0)),
        out_shape=jax.ShapeDtypeStruct((1, C), jnp.float32),
        scratch_shapes=[pltpu.VMEM((1, D), jnp.float32)],
    )(agg, h, wl, wr, b, cnt, w1, b1, w2, b2)



def _pad_idx(idx, fill, offset):
    a = idx.astype(jnp.int32).reshape(NS, E_TILE) + offset
    pad = jnp.full((NS, E_PAD - E_TILE), fill, jnp.int32)
    return jnp.concatenate([a, pad], axis=1).reshape(NS, NB, BCH, CHUNK)


def kernel(x_user, x_item, edge_index_ui, edge_index_iu, params):
    p = params

    xs = jnp.stack([x_user, x_item])
    wp = jnp.stack([p["Wp_user"], p["Wp_item"]])
    bp = jnp.stack([p["bp_user"], p["bp_item"]])[:, None, :]

    inv_eps = 1.0 / jnp.sqrt(jnp.float32(1.0 + 1e-5))
    wl, wr, bb = [], [], []
    for l in range(2):
        s_u = p[f"g_user_{l}"] * inv_eps
        s_i = p[f"g_item_{l}"] * inv_eps
        wl.append(jnp.stack([p[f"Wl_iu_{l}"] * s_u, p[f"Wl_ui_{l}"] * s_i]))
        wr.append(jnp.stack([p[f"Wr_iu_{l}"] * s_u, p[f"Wr_ui_{l}"] * s_i]))
        bb.append(jnp.stack([
            p[f"bl_iu_{l}"] * s_u + p[f"be_user_{l}"],
            p[f"bl_ui_{l}"] * s_i + p[f"be_item_{l}"],
        ])[:, None, :])

    src_idx = jnp.stack([
        _pad_idx(edge_index_ui[0], 0, 0),
        _pad_idx(edge_index_iu[0], 0, 0),
    ])
    dst_idx = jnp.stack([
        _pad_idx(edge_index_ui[1], N, 0),
        _pad_idx(edge_index_iu[1], N, 0),
    ])

    h = _proj(xs, wp, bp)
    agg0 = _make_agg(DA)(h, src_idx, dst_idx)
    h = _combine(agg0, h, wl[0], wr[0], bb[0])
    agg1 = _make_agg(D)(h, src_idx, dst_idx)
    out = _combine_final(agg1, h, wl[1], wr[1], bb[1], agg0,
                         p["W1"], p["b1"][None, :], p["W2"], p["b2"][None, :])
    return (out, jnp.zeros((), jnp.float32))

# --- scband reference (transcript-rebuilt; emitter-appended) ---
"""Pipeline reference for scband-heterogeneous-adaptive-spectral-gnn-34024730919243 (READ-ONLY COPY).

The authoritative reference and input builder live on the scoring server;
editing this copy changes nothing except your own understanding.
"""

import jax, jax.numpy as jnp
import numpy as np

N_USER = 10000
N_ITEM = 10000
N_EDGES = 320000
D = 128
H = 128
L = 2
C = 10


def _bn(x, g, b):
    # BatchNorm1d in eval mode with fresh running stats (mean=0, var=1), eps=1e-5
    return (x / jnp.sqrt(1.0 + 1e-5)) * g + b


def _sage(x_src, x_dst, ei, Wl, bl, Wr, n_dst):
    # PyG SAGEConv (aggr='mean'): lin_l(mean_j x_src[j]) + lin_r(x_dst)
    src = ei[0]
    dst = ei[1]
    msg = x_src[src]
    agg = jax.ops.segment_sum(msg, dst, num_segments=n_dst)
    cnt = jax.ops.segment_sum(jnp.ones((ei.shape[1],), jnp.float32), dst, num_segments=n_dst)
    mean = agg / jnp.maximum(cnt, 1.0)[:, None]
    return mean @ Wl + bl + x_dst @ Wr


def setup_inputs(seed: int = 0) -> dict:
    key = jax.random.key(seed)
    it = iter(jax.random.split(key, 64))

    def nk():
        return next(it)

    inp = {}
    inp["x_user"] = jax.random.normal(nk(), (N_USER, D), dtype=jnp.float32)
    inp["x_item"] = jax.random.normal(nk(), (N_ITEM, D), dtype=jnp.float32)
    inp["edge_index_ui"] = jax.random.randint(nk(), (2, N_EDGES), 0, N_ITEM)  # user->item, both sides < 10000
    inp["edge_index_iu"] = jax.random.randint(nk(), (2, N_EDGES), 0, N_USER)  # item->user

    p = {}
    # input projections
    for t in ("user", "item"):
        p[f"Wp_{t}"] = jax.random.normal(nk(), (D, H), jnp.float32) * 0.05
        p[f"bp_{t}"] = jnp.zeros((H,), jnp.float32)
    # per-layer, per-edge-type SAGEConv params + per-type BN params
    for l in range(L):
        for et in ("ui", "iu"):
            p[f"Wl_{et}_{l}"] = jax.random.normal(nk(), (H, H), jnp.float32) * 0.05
            p[f"bl_{et}_{l}"] = jnp.zeros((H,), jnp.float32)
            p[f"Wr_{et}_{l}"] = jax.random.normal(nk(), (H, H), jnp.float32) * 0.05
        for t in ("user", "item"):
            p[f"g_{t}_{l}"] = jnp.ones((H,), jnp.float32)
            p[f"be_{t}_{l}"] = jnp.zeros((H,), jnp.float32)
    # readout MLP
    p["W1"] = jax.random.normal(nk(), (H, H // 2), jnp.float32) * 0.05
    p["b1"] = jnp.zeros((H // 2,), jnp.float32)
    p["W2"] = jax.random.normal(nk(), (H // 2, C), jnp.float32) * 0.05
    p["b2"] = jnp.zeros((C,), jnp.float32)
    inp["params"] = p
    return inp


def reference(x_user, x_item, edge_index_ui, edge_index_iu, params):
    p = params
    # input projections (dropout identity in eval)
    h_u = jax.nn.relu(x_user @ p["Wp_user"] + p["bp_user"])
    h_i = jax.nn.relu(x_item @ p["Wp_item"] + p["bp_item"])
    for l in range(L):
        # HeteroConv(aggr='sum'): each node type is dst of exactly one edge type here
        new_i = _sage(h_u, h_i, edge_index_ui, p[f"Wl_ui_{l}"], p[f"bl_ui_{l}"], p[f"Wr_ui_{l}"], N_ITEM)
        new_u = _sage(h_i, h_u, edge_index_iu, p[f"Wl_iu_{l}"], p[f"bl_iu_{l}"], p[f"Wr_iu_{l}"], N_USER)
        h_u = jax.nn.relu(_bn(new_u, p[f"g_user_{l}"], p[f"be_user_{l}"]))
        h_i = jax.nn.relu(_bn(new_i, p[f"g_item_{l}"], p[f"be_item_{l}"]))
    # global mean pool (batch all zeros -> single graph)
    pu = jnp.mean(h_u, axis=0, keepdims=True)
    pi = jnp.mean(h_i, axis=0, keepdims=True)
    ge = (pu + pi) * 0.5
    out = jax.nn.relu(ge @ p["W1"] + p["b1"]) @ p["W2"] + p["b2"]
    rewiring_loss = jnp.array(0.0, dtype=jnp.float32)
    return (out, rewiring_loss)

if __name__ == "__main__":
    import jax
    _d = setup_inputs()
    print(jax.jit(kernel)(*tuple(_d.values())))

</pallas_src>

<mosaic_0001>
#map = affine_map<(d0, d1) -> (0, 0, 0)>
#map1 = affine_map<(d0, d1) -> (0, 0, 0, 0, 0)>
module attributes {stable_mosaic.version = 14 : i64} {
  func.func @_agg_body(%arg0: i32, %arg1: i32, %arg2: memref<2x10000x160xbf16, #tpu.memory_space<hbm>>, %arg3: memref<2x16x20x8x128xi32, #tpu.memory_space<hbm>>, %arg4: memref<2x16x20x8x128xi32, #tpu.memory_space<hbm>>, %arg5: memref<2x10000x160xbf16, #tpu.memory_space<hbm>>, %arg6: memref<8x128xi32, #tpu.memory_space<vmem>>, %arg7: memref<8x128xi32, #tpu.memory_space<vmem>>, %arg8: memref<8x128xi32, #tpu.memory_space<vmem>>, %arg9: memref<8x128xi32, #tpu.memory_space<vmem>>, %arg10: memref<128x160xbf16, #tpu.memory_space<vmem>>, %arg11: memref<128x160xbf16, #tpu.memory_space<vmem>>, %arg12: memref<10240x160xbf16, #tpu.memory_space<vmem_shared>>, %arg13: memref<10240x160xbf16, #tpu.memory_space<vmem_shared>>, %arg14: memref<!tpu.dma_semaphore, #tpu.memory_space<semaphore_mem>>, %arg15: memref<!tpu.dma_semaphore, #tpu.memory_space<semaphore_mem>>, %arg16: memref<!tpu.dma_semaphore, #tpu.memory_space<semaphore_mem>>, %arg17: memref<!tpu.dma_semaphore, #tpu.memory_space<semaphore_mem>>, %arg18: memref<!tpu.dma_semaphore, #tpu.memory_space<semaphore_mem>>, %arg19: memref<!tpu.dma_semaphore, #tpu.memory_space<semaphore_mem>>) attributes {dimension_semantics = [#tpu.dimension_semantics<core_parallel>, #tpu.dimension_semantics<subcore_parallel>], iteration_bounds = array<i64: 2, 16>, scalar_prefetch = 0 : i64, scratch_operands = 14 : i64, tpu.core_type = #tpu.core_type<sc_vector_subcore>, window_params = [{transform_indices = #map}, {transform_indices = #map1}, {transform_indices = #map1}, {transform_indices = #map}]} {
    %mul3A = arith.constant 640 : i32
    %mul3A_0 = arith.muli %arg1, %mul3A : i32
    %lt3A = arith.constant 15 : i32
    %lt3A_1 = arith.cmpi slt, %arg1, %lt3A : i32
    %convert_element_type3A = arith.extui %lt3A_1 : i1 to i32
    %cond3A = arith.constant 0 : i32
    %cond3A_2 = arith.cmpi ne, %convert_element_type3A, %cond3A : i32
    scf.if %cond3A_2 {
      "tpu.region"() ({
        %run_scoped3A = tpu.sem_alloc : memref<!tpu.dma_semaphore, #tpu.memory_space<semaphore_mem>>
        %dma_start3A_107 = arith.constant 0 : i32
        %dma_start3A_108 = tpu.memref_slice %arg12[%mul3A_0, %dma_start3A_107] : memref<10240x160xbf16, #tpu.memory_space<vmem_shared>> -> memref<640x160xbf16, #tpu.memory_space<vmem_shared>>
        %dma_start3A_109 = arith.constant 0 : i32
        %dma_start3A_110 = tpu.memref_slice %arg2[%arg0, %mul3A_0, %dma_start3A_109] : memref<2x10000x160xbf16, #tpu.memory_space<hbm>> -> memref<1x640x160xbf16, #tpu.memory_space<hbm>>
        %dma_start3A_111 = tpu.memref_squeeze %dma_start3A_110 : memref<1x640x160xbf16, #tpu.memory_space<hbm>> -> memref<640x160xbf16, #tpu.memory_space<hbm>>
        tpu.enqueue_dma source(%dma_start3A_111 : memref<640x160xbf16, #tpu.memory_space<hbm>>) target(%dma_start3A_108 : memref<640x160xbf16, #tpu.memory_space<vmem_shared>>) target_semaphore(%run_scoped3A : memref<!tpu.dma_semaphore, #tpu.memory_space<semaphore_mem>>)
        %dma_wait3A_112 = arith.constant 0 : i32
        %dma_wait3A_113 = tpu.memref_slice %arg12[%mul3A_0, %dma_wait3A_112] : memref<10240x160xbf16, #tpu.memory_space<vmem_shared>> -> memref<640x160xbf16, #tpu.memory_space<vmem_shared>>
        %dma_wait3A_114 = arith.constant 0 : i32
        %dma_wait3A_115 = tpu.memref_slice %arg2[%arg0, %mul3A_0, %dma_wait3A_114] : memref<2x10000x160xbf16, #tpu.memory_space<hbm>> -> memref<1x640x160xbf16, #tpu.memory_space<hbm>>
        %dma_wait3A_116 = tpu.memref_squeeze %dma_wait3A_115 : memref<1x640x160xbf16, #tpu.memory_space<hbm>> -> memref<640x160xbf16, #tpu.memory_space<hbm>>
        tpu.wait_dma2 semaphore(%run_scoped3A : memref<!tpu.dma_semaphore, #tpu.memory_space<semaphore_mem>>) src(%dma_wait3A_116 : memref<640x160xbf16, #tpu.memory_space<hbm>>) dst(%dma_wait3A_113 : memref<640x160xbf16, #tpu.memory_space<vmem_shared>>)
        tpu.yield
      }) : () -> ()
    } else {
    }
    %eq3A = arith.constant 15 : i32
    %eq3A_3 = arith.cmpi eq, %arg1, %eq3A : i32
    %convert_element_type3A_4 = arith.extui %eq3A_3 : i1 to i32
    %cond3A_5 = arith.constant 0 : i32
    %cond3A_6 = arith.cmpi ne, %convert_element_type3A_4, %cond3A_5 : i32
    scf.if %cond3A_6 {
      "tpu.region"() ({
        %run_scoped3A = tpu.sem_alloc : memref<!tpu.dma_semaphore, #tpu.memory_space<semaphore_mem>>
        %dma_start3A_107 = arith.constant 0 : i32
        %dma_start3A_108 = tpu.memref_slice %arg12[%mul3A_0, %dma_start3A_107] : memref<10240x160xbf16, #tpu.memory_space<vmem_shared>> -> memref<400x160xbf16, #tpu.memory_space<vmem_shared>>
        %dma_start3A_109 = arith.constant 0 : i32
        %dma_start3A_110 = tpu.memref_slice %arg2[%arg0, %mul3A_0, %dma_start3A_109] : memref<2x10000x160xbf16, #tpu.memory_space<hbm>> -> memref<1x400x160xbf16, #tpu.memory_space<hbm>>
        %dma_start3A_111 = tpu.memref_squeeze %dma_start3A_110 : memref<1x400x160xbf16, #tpu.memory_space<hbm>> -> memref<400x160xbf16, #tpu.memory_space<hbm>>
        tpu.enqueue_dma source(%dma_start3A_111 : memref<400x160xbf16, #tpu.memory_space<hbm>>) target(%dma_start3A_108 : memref<400x160xbf16, #tpu.memory_space<vmem_shared>>) target_semaphore(%run_scoped3A : memref<!tpu.dma_semaphore, #tpu.memory_space<semaphore_mem>>)
        %dma_wait3A_112 = arith.constant 0 : i32
        %dma_wait3A_113 = tpu.memref_slice %arg12[%mul3A_0, %dma_wait3A_112] : memref<10240x160xbf16, #tpu.memory_space<vmem_shared>> -> memref<400x160xbf16, #tpu.memory_space<vmem_shared>>
        %dma_wait3A_114 = arith.constant 0 : i32
        %dma_wait3A_115 = tpu.memref_slice %arg2[%arg0, %mul3A_0, %dma_wait3A_114] : memref<2x10000x160xbf16, #tpu.memory_space<hbm>> -> memref<1x400x160xbf16, #tpu.memory_space<hbm>>
        %dma_wait3A_116 = tpu.memref_squeeze %dma_wait3A_115 : memref<1x400x160xbf16, #tpu.memory_space<hbm>> -> memref<400x160xbf16, #tpu.memory_space<hbm>>
        tpu.wait_dma2 semaphore(%run_scoped3A : memref<!tpu.dma_semaphore, #tpu.memory_space<semaphore_mem>>) src(%dma_wait3A_116 : memref<400x160xbf16, #tpu.memory_space<hbm>>) dst(%dma_wait3A_113 : memref<400x160xbf16, #tpu.memory_space<vmem_shared>>)
        tpu.yield
      }) : () -> ()
    } else {
    }
    %broadcast_in_dim3A = arith.constant 0.000000e+00 : bf16
    %broadcast_in_dim3A_7 = vector.broadcast %broadcast_in_dim3A : bf16 to vector<32xbf16>
    %scan3A = arith.constant 0 : i32
    %scan3A_8 = arith.constant 0 : i32
    %scan3A_9 = arith.constant 128 : i32
    %scan3A_10 = arith.addi %scan3A_8, %scan3A_9 : i32
    %scan3A_11 = arith.constant 1 : i32
    %scan3A_12 = scf.for %scan3A_107 = %scan3A_8 to %scan3A_10 step %scan3A_11 iter_args(%scan3A_108 = %scan3A) -> (i32)  : i32 {
      %scan3A_109 = arith.constant 0 : i32
      %scan3A_110 = arith.constant 0 : i32
      %scan3A_111 = arith.constant 5 : i32
      %scan3A_112 = arith.addi %scan3A_110, %scan3A_111 : i32
      %scan3A_113 = arith.constant 1 : i32
      %scan3A_114 = scf.for %scan3A_116 = %scan3A_110 to %scan3A_112 step %scan3A_113 iter_args(%scan3A_117 = %scan3A_109) -> (i32)  : i32 {
        %mul3A_118 = arith.constant 32 : i32
        %mul3A_119 = arith.muli %scan3A_116, %mul3A_118 : i32
        %swap3A = arith.index_cast %scan3A_107 : i32 to index
        %swap3A_120 = arith.index_cast %mul3A_119 : i32 to index
        %swap3A_121 = tpu.vector_load %arg11[%swap3A, %swap3A_120] {strides = array<i32>} : memref<128x160xbf16, #tpu.memory_space<vmem>>, vector<1x32xbf16>,
        %swap3A_122 = vector.shape_cast %swap3A_121 : vector<1x32xbf16> to vector<32xbf16>
        %swap3A_123 = vector.shape_cast %broadcast_in_dim3A_7 : vector<32xbf16> to vector<1x32xbf16>
        tpu.vector_store %arg11[%swap3A, %swap3A_120], %swap3A_123 {strides = array<i32>} : memref<128x160xbf16, #tpu.memory_space<vmem>>, vector<1x32xbf16>,
        %scan3A_124 = arith.constant 0 : i32
        scf.yield %scan3A_124 : i32
      }
      %scan3A_115 = arith.constant 5 : i32
      scf.yield %scan3A_114 : i32
    }
    %scan3A_13 = arith.constant 128 : i32
    %add3A = arith.constant 0 : i32
    %add3A_14 = arith.addi %mul3A_0, %add3A : i32
    "tpu.region"() ({
      %run_scoped3A = tpu.sem_alloc : memref<!tpu.dma_semaphore, #tpu.memory_space<semaphore_mem>>
      %dma_start3A_107 = arith.constant 0 : i32
      %dma_start3A_108 = tpu.memref_slice %arg13[%add3A_14, %dma_start3A_107] : memref<10240x160xbf16, #tpu.memory_space<vmem_shared>> -> memref<128x160xbf16, #tpu.memory_space<vmem_shared>>
      %dma_start3A_109 = arith.constant 0 : i32
      %dma_start3A_110 = tpu.memref_slice %arg13[%add3A_14, %dma_start3A_109] : memref<10240x160xbf16, #tpu.memory_space<vmem_shared>> -> memref<128x160xbf16, #tpu.memory_space<vmem_shared>>
      tpu.enqueue_dma source(%arg11 : memref<128x160xbf16, #tpu.memory_space<vmem>>) target(%dma_start3A_110 : memref<128x160xbf16, #tpu.memory_space<vmem_shared>>) target_semaphore(%run_scoped3A : memref<!tpu.dma_semaphore, #tpu.memory_space<semaphore_mem>>)
      %dma_wait3A_111 = arith.constant 0 : i32
      %dma_wait3A_112 = tpu.memref_slice %arg13[%add3A_14, %dma_wait3A_111] : memref<10240x160xbf16, #tpu.memory_space<vmem_shared>> -> memref<128x160xbf16, #tpu.memory_space<vmem_shared>>
      %dma_wait3A_113 = arith.constant 0 : i32
      %dma_wait3A_114 = tpu.memref_slice %arg13[%add3A_14, %dma_wait3A_113] : memref<10240x160xbf16, #tpu.memory_space<vmem_shared>> -> memref<128x160xbf16, #tpu.memory_space<vmem_shared>>
      tpu.wait_dma2 semaphore(%run_scoped3A : memref<!tpu.dma_semaphore, #tpu.memory_space<semaphore_mem>>) src(%arg11 : memref<128x160xbf16, #tpu.memory_space<vmem>>) dst(%dma_wait3A_114 : memref<128x160xbf16, #tpu.memory_space<vmem_shared>>)
      tpu.yield
    }) : () -> ()
    %add3A_15 = arith.constant 128 : i32
    %add3A_16 = arith.addi %mul3A_0, %add3A_15 : i32
    "tpu.region"() ({
      %run_scoped3A = tpu.sem_alloc : memref<!tpu.dma_semaphore, #tpu.memory_space<semaphore_mem>>
      %dma_start3A_107 = arith.constant 0 : i32
      %dma_start3A_108 = tpu.memref_slice %arg13[%add3A_16, %dma_start3A_107] : memref<10240x160xbf16, #tpu.memory_space<vmem_shared>> -> memref<128x160xbf16, #tpu.memory_space<vmem_shared>>
      %dma_start3A_109 = arith.constant 0 : i32
      %dma_start3A_110 = tpu.memref_slice %arg13[%add3A_16, %dma_start3A_109] : memref<10240x160xbf16, #tpu.memory_space<vmem_shared>> -> memref<128x160xbf16, #tpu.memory_space<vmem_shared>>
      tpu.enqueue_dma source(%arg11 : memref<128x160xbf16, #tpu.memory_space<vmem>>) target(%dma_start3A_110 : memref<128x160xbf16, #tpu.memory_space<vmem_shared>>) target_semaphore(%run_scoped3A : memref<!tpu.dma_semaphore, #tpu.memory_space<semaphore_mem>>)
      %dma_wait3A_111 = arith.constant 0 : i32
      %dma_wait3A_112 = tpu.memref_slice %arg13[%add3A_16, %dma_wait3A_111] : memref<10240x160xbf16, #tpu.memory_space<vmem_shared>> -> memref<128x160xbf16, #tpu.memory_space<vmem_shared>>
      %dma_wait3A_113 = arith.constant 0 : i32
      %dma_wait3A_114 = tpu.memref_slice %arg13[%add3A_16, %dma_wait3A_113] : memref<10240x160xbf16, #tpu.memory_space<vmem_shared>> -> memref<128x160xbf16, #tpu.memory_space<vmem_shared>>
      tpu.wait_dma2 semaphore(%run_scoped3A : memref<!tpu.dma_semaphore, #tpu.memory_space<semaphore_mem>>) src(%arg11 : memref<128x160xbf16, #tpu.memory_space<vmem>>) dst(%dma_wait3A_114 : memref<128x160xbf16, #tpu.memory_space<vmem_shared>>)
      tpu.yield
    }) : () -> ()
    %add3A_17 = arith.constant 256 : i32
    %add3A_18 = arith.addi %mul3A_0, %add3A_17 : i32
    "tpu.region"() ({
      %run_scoped3A = tpu.sem_alloc : memref<!tpu.dma_semaphore, #tpu.memory_space<semaphore_mem>>
      %dma_start3A_107 = arith.constant 0 : i32
      %dma_start3A_108 = tpu.memref_slice %arg13[%add3A_18, %dma_start3A_107] : memref<10240x160xbf16, #tpu.memory_space<vmem_shared>> -> memref<128x160xbf16, #tpu.memory_space<vmem_shared>>
      %dma_start3A_109 = arith.constant 0 : i32
      %dma_start3A_110 = tpu.memref_slice %arg13[%add3A_18, %dma_start3A_109] : memref<10240x160xbf16, #tpu.memory_space<vmem_shared>> -> memref<128x160xbf16, #tpu.memory_space<vmem_shared>>
      tpu.enqueue_dma source(%arg11 : memref<128x160xbf16, #tpu.memory_space<vmem>>) target(%dma_start3A_110 : memref<128x160xbf16, #tpu.memory_space<vmem_shared>>) target_semaphore(%run_scoped3A : memref<!tpu.dma_semaphore, #tpu.memory_space<semaphore_mem>>)
      %dma_wait3A_111 = arith.constant 0 : i32
      %dma_wait3A_112 = tpu.memref_slice %arg13[%add3A_18, %dma_wait3A_111] : memref<10240x160xbf16, #tpu.memory_space<vmem_shared>> -> memref<128x160xbf16, #tpu.memory_space<vmem_shared>>
      %dma_wait3A_113 = arith.constant 0 : i32
      %dma_wait3A_114 = tpu.memref_slice %arg13[%add3A_18, %dma_wait3A_113] : memref<10240x160xbf16, #tpu.memory_space<vmem_shared>> -> memref<128x160xbf16, #tpu.memory_space<vmem_shared>>
      tpu.wait_dma2 semaphore(%run_scoped3A : memref<!tpu.dma_semaphore, #tpu.memory_space<semaphore_mem>>) src(%arg11 : memref<128x160xbf16, #tpu.memory_space<vmem>>) dst(%dma_wait3A_114 : memref<128x160xbf16, #tpu.memory_space<vmem_shared>>)
      tpu.yield
    }) : () -> ()
    %add3A_19 = arith.constant 384 : i32
    %add3A_20 = arith.addi %mul3A_0, %add3A_19 : i32
    "tpu.region"() ({
      %run_scoped3A = tpu.sem_alloc : memref<!tpu.dma_semaphore, #tpu.memory_space<semaphore_mem>>
      %dma_start3A_107 = arith.constant 0 : i32
      %dma_start3A_108 = tpu.memref_slice %arg13[%add3A_20, %dma_start3A_107] : memref<10240x160xbf16, #tpu.memory_space<vmem_shared>> -> memref<128x160xbf16, #tpu.memory_space<vmem_shared>>
      %dma_start3A_109 = arith.constant 0 : i32
      %dma_start3A_110 = tpu.memref_slice %arg13[%add3A_20, %dma_start3A_109] : memref<10240x160xbf16, #tpu.memory_space<vmem_shared>> -> memref<128x160xbf16, #tpu.memory_space<vmem_shared>>
      tpu.enqueue_dma source(%arg11 : memref<128x160xbf16, #tpu.memory_space<vmem>>) target(%dma_start3A_110 : memref<128x160xbf16, #tpu.memory_space<vmem_shared>>) target_semaphore(%run_scoped3A : memref<!tpu.dma_semaphore, #tpu.memory_space<semaphore_mem>>)
      %dma_wait3A_111 = arith.constant 0 : i32
      %dma_wait3A_112 = tpu.memref_slice %arg13[%add3A_20, %dma_wait3A_111] : memref<10240x160xbf16, #tpu.memory_space<vmem_shared>> -> memref<128x160xbf16, #tpu.memory_space<vmem_shared>>
      %dma_wait3A_113 = arith.constant 0 : i32
      %dma_wait3A_114 = tpu.memref_slice %arg13[%add3A_20, %dma_wait3A_113] : memref<10240x160xbf16, #tpu.memory_space<vmem_shared>> -> memref<128x160xbf16, #tpu.memory_space<vmem_shared>>
      tpu.wait_dma2 semaphore(%run_scoped3A : memref<!tpu.dma_semaphore, #tpu.memory_space<semaphore_mem>>) src(%arg11 : memref<128x160xbf16, #tpu.memory_space<vmem>>) dst(%dma_wait3A_114 : memref<128x160xbf16, #tpu.memory_space<vmem_shared>>)
      tpu.yield
    }) : () -> ()
    %add3A_21 = arith.constant 512 : i32
    %add3A_22 = arith.addi %mul3A_0, %add3A_21 : i32
    "tpu.region"() ({
      %run_scoped3A = tpu.sem_alloc : memref<!tpu.dma_semaphore, #tpu.memory_space<semaphore_mem>>
      %dma_start3A_107 = arith.constant 0 : i32
      %dma_start3A_108 = tpu.memref_slice %arg13[%add3A_22, %dma_start3A_107] : memref<10240x160xbf16, #tpu.memory_space<vmem_shared>> -> memref<128x160xbf16, #tpu.memory_space<vmem_shared>>
      %dma_start3A_109 = arith.constant 0 : i32
      %dma_start3A_110 = tpu.memref_slice %arg13[%add3A_22, %dma_start3A_109] : memref<10240x160xbf16, #tpu.memory_space<vmem_shared>> -> memref<128x160xbf16, #tpu.memory_space<vmem_shared>>
      tpu.enqueue_dma source(%arg11 : memref<128x160xbf16, #tpu.memory_space<vmem>>) target(%dma_start3A_110 : memref<128x160xbf16, #tpu.memory_space<vmem_shared>>) target_semaphore(%run_scoped3A : memref<!tpu.dma_semaphore, #tpu.memory_space<semaphore_mem>>)
      %dma_wait3A_111 = arith.constant 0 : i32
      %dma_wait3A_112 = tpu.memref_slice %arg13[%add3A_22, %dma_wait3A_111] : memref<10240x160xbf16, #tpu.memory_space<vmem_shared>> -> memref<128x160xbf16, #tpu.memory_space<vmem_shared>>
      %dma_wait3A_113 = arith.constant 0 : i32
      %dma_wait3A_114 = tpu.memref_slice %arg13[%add3A_22, %dma_wait3A_113] : memref<10240x160xbf16, #tpu.memory_space<vmem_shared>> -> memref<128x160xbf16, #tpu.memory_space<vmem_shared>>
      tpu.wait_dma2 semaphore(%run_scoped3A : memref<!tpu.dma_semaphore, #tpu.memory_space<semaphore_mem>>) src(%arg11 : memref<128x160xbf16, #tpu.memory_space<vmem>>) dst(%dma_wait3A_114 : memref<128x160xbf16, #tpu.memory_space<vmem_shared>>)
      tpu.yield
    }) : () -> ()
    %barrier3A = arith.constant 0 : index
    tpu.barrier barrier_id(%barrier3A)
    %dma_start3A = arith.constant 0 : i32
    %dma_start3A_23 = arith.constant 0 : i32
    %dma_start3A_24 = arith.constant 0 : i32
    %dma_start3A_25 = tpu.memref_slice %arg3[%arg0, %arg1, %dma_start3A, %dma_start3A_23, %dma_start3A_24] : memref<2x16x20x8x128xi32, #tpu.memory_space<hbm>> -> memref<1x1x1x8x128xi32, #tpu.memory_space<hbm>>
    %dma_start3A_26 = tpu.memref_squeeze %dma_start3A_25 : memref<1x1x1x8x128xi32, #tpu.memory_space<hbm>> -> memref<8x128xi32, #tpu.memory_space<hbm>>
    %dma_start3A_27 = arith.constant 0 : i32
    %dma_start3A_28 = arith.constant 0 : i32
    %dma_start3A_29 = tpu.memref_slice %arg3[%arg0, %arg1, %dma_start3A, %dma_start3A_27, %dma_start3A_28] : memref<2x16x20x8x128xi32, #tpu.memory_space<hbm>> -> memref<1x1x1x8x128xi32, #tpu.memory_space<hbm>>
    %dma_start3A_30 = tpu.memref_squeeze %dma_start3A_29 : memref<1x1x1x8x128xi32, #tpu.memory_space<hbm>> -> memref<8x128xi32, #tpu.memory_space<hbm>>
    tpu.enqueue_dma source(%dma_start3A_30 : memref<8x128xi32, #tpu.memory_space<hbm>>) target(%arg6 : memref<8x128xi32, #tpu.memory_space<vmem>>) target_semaphore(%arg14 : memref<!tpu.dma_semaphore, #tpu.memory_space<semaphore_mem>>)
    %dma_start3A_31 = arith.constant 0 : i32
    %dma_start3A_32 = arith.constant 0 : i32
    %dma_start3A_33 = arith.constant 0 : i32
    %dma_start3A_34 = tpu.memref_slice %arg4[%arg0, %arg1, %dma_start3A_31, %dma_start3A_32, %dma_start3A_33] : memref<2x16x20x8x128xi32, #tpu.memory_space<hbm>> -> memref<1x1x1x8x128xi32, #tpu.memory_space<hbm>>
    %dma_start3A_35 = tpu.memref_squeeze %dma_start3A_34 : memref<1x1x1x8x128xi32, #tpu.memory_space<hbm>> -> memref<8x128xi32, #tpu.memory_space<hbm>>
    %dma_start3A_36 = arith.constant 0 : i32
    %dma_start3A_37 = arith.constant 0 : i32
    %dma_start3A_38 = tpu.memref_slice %arg4[%arg0, %arg1, %dma_start3A_31, %dma_start3A_36, %dma_start3A_37] : memref<2x16x20x8x128xi32, #tpu.memory_space<hbm>> -> memref<1x1x1x8x128xi32, #tpu.memory_space<hbm>>
    %dma_start3A_39 = tpu.memref_squeeze %dma_start3A_38 : memref<1x1x1x8x128xi32, #tpu.memory_space<hbm>> -> memref<8x128xi32, #tpu.memory_space<hbm>>
    tpu.enqueue_dma source(%dma_start3A_39 : memref<8x128xi32, #tpu.memory_space<hbm>>) target(%arg8 : memref<8x128xi32, #tpu.memory_space<vmem>>) target_semaphore(%arg14 : memref<!tpu.dma_semaphore, #tpu.memory_space<semaphore_mem>>)
    %dma_start3A_40 = arith.constant 1 : i32
    %dma_start3A_41 = arith.constant 0 : i32
    %dma_start3A_42 = arith.constant 0 : i32
    %dma_start3A_43 = tpu.memref_slice %arg3[%arg0, %arg1, %dma_start3A_40, %dma_start3A_41, %dma_start3A_42] : memref<2x16x20x8x128xi32, #tpu.memory_space<hbm>> -> memref<1x1x1x8x128xi32, #tpu.memory_space<hbm>>
    %dma_start3A_44 = tpu.memref_squeeze %dma_start3A_43 : memref<1x1x1x8x128xi32, #tpu.memory_space<hbm>> -> memref<8x128xi32, #tpu.memory_space<hbm>>
    %dma_start3A_45 = arith.constant 0 : i32
    %dma_start3A_46 = arith.constant 0 : i32
    %dma_start3A_47 = tpu.memref_slice %arg3[%arg0, %arg1, %dma_start3A_40, %dma_start3A_45, %dma_start3A_46] : memref<2x16x20x8x128xi32, #tpu.memory_space<hbm>> -> memref<1x1x1x8x128xi32, #tpu.memory_space<hbm>>
    %dma_start3A_48 = tpu.memref_squeeze %dma_start3A_47 : memref<1x1x1x8x128xi32, #tpu.memory_space<hbm>> -> memref<8x128xi32, #tpu.memory_space<hbm>>
    tpu.enqueue_dma source(%dma_start3A_48 : memref<8x128xi32, #tpu.memory_space<hbm>>) target(%arg7 : memref<8x128xi32, #tpu.memory_space<vmem>>) target_semaphore(%arg15 : memref<!tpu.dma_semaphore, #tpu.memory_space<semaphore_mem>>)
    %dma_start3A_49 = arith.constant 1 : i32
    %dma_start3A_50 = arith.constant 0 : i32
    %dma_start3A_51 = arith.constant 0 : i32
    %dma_start3A_52 = tpu.memref_slice %arg4[%arg0, %arg1, %dma_start3A_49, %dma_start3A_50, %dma_start3A_51] : memref<2x16x20x8x128xi32, #tpu.memory_space<hbm>> -> memref<1x1x1x8x128xi32, #tpu.memory_space<hbm>>
    %dma_start3A_53 = tpu.memref_squeeze %dma_start3A_52 : memref<1x1x1x8x128xi32, #tpu.memory_space<hbm>> -> memref<8x128xi32, #tpu.memory_space<hbm>>
    %dma_start3A_54 = arith.constant 0 : i32
    %dma_start3A_55 = arith.constant 0 : i32
    %dma_start3A_56 = tpu.memref_slice %arg4[%arg0, %arg1, %dma_start3A_49, %dma_start3A_54, %dma_start3A_55] : memref<2x16x20x8x128xi32, #tpu.memory_space<hbm>> -> memref<1x1x1x8x128xi32, #tpu.memory_space<hbm>>
    %dma_start3A_57 = tpu.memref_squeeze %dma_start3A_56 : memref<1x1x1x8x128xi32, #tpu.memory_space<hbm>> -> memref<8x128xi32, #tpu.memory_space<hbm>>
    tpu.enqueue_dma source(%dma_start3A_57 : memref<8x128xi32, #tpu.memory_space<hbm>>) target(%arg9 : memref<8x128xi32, #tpu.memory_space<vmem>>) target_semaphore(%arg15 : memref<!tpu.dma_semaphore, #tpu.memory_space<semaphore_mem>>)
    %dma_wait3A = arith.constant 0 : i32
    %dma_wait3A_58 = arith.constant 0 : i32
    %dma_wait3A_59 = arith.constant 0 : i32
    %dma_wait3A_60 = tpu.memref_slice %arg3[%arg0, %arg1, %dma_wait3A, %dma_wait3A_58, %dma_wait3A_59] : memref<2x16x20x8x128xi32, #tpu.memory_space<hbm>> -> memref<1x1x1x8x128xi32, #tpu.memory_space<hbm>>
    %dma_wait3A_61 = tpu.memref_squeeze %dma_wait3A_60 : memref<1x1x1x8x128xi32, #tpu.memory_space<hbm>> -> memref<8x128xi32, #tpu.memory_space<hbm>>
    %dma_wait3A_62 = arith.constant 0 : i32
    %dma_wait3A_63 = arith.constant 0 : i32
    %dma_wait3A_64 = tpu.memref_slice %arg3[%arg0, %arg1, %dma_wait3A, %dma_wait3A_62, %dma_wait3A_63] : memref<2x16x20x8x128xi32, #tpu.memory_space<hbm>> -> memref<1x1x1x8x128xi32, #tpu.memory_space<hbm>>
    %dma_wait3A_65 = tpu.memref_squeeze %dma_wait3A_64 : memref<1x1x1x8x128xi32, #tpu.memory_space<hbm>> -> memref<8x128xi32, #tpu.memory_space<hbm>>
    tpu.wait_dma2 semaphore(%arg14 : memref<!tpu.dma_semaphore, #tpu.memory_space<semaphore_mem>>) src(%dma_wait3A_65 : memref<8x128xi32, #tpu.memory_space<hbm>>) dst(%arg6 : memref<8x128xi32, #tpu.memory_space<vmem>>)
    %dma_wait3A_66 = arith.constant 0 : i32
    %dma_wait3A_67 = arith.constant 0 : i32
    %dma_wait3A_68 = arith.constant 0 : i32
    %dma_wait3A_69 = tpu.memref_slice %arg4[%arg0, %arg1, %dma_wait3A_66, %dma_wait3A_67, %dma_wait3A_68] : memref<2x16x20x8x128xi32, #tpu.memory_space<hbm>> -> memref<1x1x1x8x128xi32, #tpu.memory_space<hbm>>
    %dma_wait3A_70 = tpu.memref_squeeze %dma_wait3A_69 : memref<1x1x1x8x128xi32, #tpu.memory_space<hbm>> -> memref<8x128xi32, #tpu.memory_space<hbm>>
    %dma_wait3A_71 = arith.constant 0 : i32
    %dma_wait3A_72 = arith.constant 0 : i32
    %dma_wait3A_73 = tpu.memref_slice %arg4[%arg0, %arg1, %dma_wait3A_66, %dma_wait3A_71, %dma_wait3A_72] : memref<2x16x20x8x128xi32, #tpu.memory_space<hbm>> -> memref<1x1x1x8x128xi32, #tpu.memory_space<hbm>>
    %dma_wait3A_74 = tpu.memref_squeeze %dma_wait3A_73 : memref<1x1x1x8x128xi32, #tpu.memory_space<hbm>> -> memref<8x128xi32, #tpu.memory_space<hbm>>
    tpu.wait_dma2 semaphore(%arg14 : memref<!tpu.dma_semaphore, #tpu.memory_space<semaphore_mem>>) src(%dma_wait3A_74 : memref<8x128xi32, #tpu.memory_space<hbm>>) dst(%arg8 : memref<8x128xi32, #tpu.memory_space<vmem>>)
    %dma_start3A_75 = arith.constant 0 : i32
    %dma_start3A_76 = arith.constant 0 : i32
    %dma_start3A_77 = tpu.memref_slice %arg6[%dma_start3A_75, %dma_start3A_76] : memref<8x128xi32, #tpu.memory_space<vmem>> -> memref<1x128xi32, #tpu.memory_space<vmem>>
    %dma_start3A_78 = tpu.memref_squeeze %dma_start3A_77 : memref<1x128xi32, #tpu.memory_space<vmem>> -> memref<128xi32, #tpu.memory_space<vmem>>
    %dma_start3A_79 = arith.constant 0 : i32
    %dma_start3A_80 = arith.constant 0 : i32
    %dma_start3A_81 = tpu.memref_slice %arg12[%dma_start3A_79, %dma_start3A_80] : memref<10240x160xbf16, #tpu.memory_space<vmem_shared>> -> memref<10240x160xbf16, #tpu.memory_space<vmem_shared>>
    tpu.enqueue_indirect_dma source(%dma_start3A_81 : memref<10240x160xbf16, #tpu.memory_space<vmem_shared>>) target(%arg10 : memref<128x160xbf16, #tpu.memory_space<vmem>>) offsets(%dma_start3A_78 : memref<128xi32, #tpu.memory_space<vmem>>) semaphore(%arg16 : memref<!tpu.dma_semaphore, #tpu.memory_space<semaphore_mem>>)
    %dma_start3A_82 = arith.constant 1 : i32
    %dma_start3A_83 = arith.constant 0 : i32
    %dma_start3A_84 = tpu.memref_slice %arg6[%dma_start3A_82, %dma_start3A_83] : memref<8x128xi32, #tpu.memory_space<vmem>> -> memref<1x128xi32, #tpu.memory_space<vmem>>
    %dma_start3A_85 = tpu.memref_squeeze %dma_start3A_84 : memref<1x128xi32, #tpu.memory_space<vmem>> -> memref<128xi32, #tpu.memory_space<vmem>>
    %dma_start3A_86 = arith.constant 0 : i32
    %dma_start3A_87 = arith.constant 0 : i32
    %dma_start3A_88 = tpu.memref_slice %arg12[%dma_start3A_86, %dma_start3A_87] : memref<10240x160xbf16, #tpu.memory_space<vmem_shared>> -> memref<10240x160xbf16, #tpu.memory_space<vmem_shared>>
    tpu.enqueue_indirect_dma source(%dma_start3A_88 : memref<10240x160xbf16, #tpu.memory_space<vmem_shared>>) target(%arg11 : memref<128x160xbf16, #tpu.memory_space<vmem>>) offsets(%dma_start3A_85 : memref<128xi32, #tpu.memory_space<vmem>>) semaphore(%arg17 : memref<!tpu.dma_semaphore, #tpu.memory_space<semaphore_mem>>)
    %scan3A_89 = arith.constant 0 : i32
    %scan3A_90 = arith.constant 0 : i32
    %scan3A_91 = arith.constant 10 : i32
    %scan3A_92 = arith.addi %scan3A_90, %scan3A_91 : i32
    %scan3A_93 = arith.constant 1 : i32
    %scan3A_94 = scf.for %scan3A_107 = %scan3A_90 to %scan3A_92 step %scan3A_93 iter_args(%scan3A_108 = %scan3A_89) -> (i32)  : i32 {
      %mul3A_109 = arith.constant 2 : i32
      %mul3A_110 = arith.muli %mul3A_109, %scan3A_107 : i32
      %add3A_111 = arith.constant 0 : i32
      %add3A_112 = arith.addi %mul3A_110, %add3A_111 : i32
      %dma_wait3A_113 = arith.constant 0 : i32
      %dma_wait3A_114 = arith.constant 0 : i32
      %dma_wait3A_115 = tpu.memref_slice %arg6[%dma_wait3A_113, %dma_wait3A_114] : memref<8x128xi32, #tpu.memory_space<vmem>> -> memref<1x128xi32, #tpu.memory_space<vmem>>
      %dma_wait3A_116 = tpu.memref_squeeze %dma_wait3A_115 : memref<1x128xi32, #tpu.memory_space<vmem>> -> memref<128xi32, #tpu.memory_space<vmem>>
      %dma_wait3A_117 = arith.constant 0 : i32
      %dma_wait3A_118 = arith.constant 0 : i32
      %dma_wait3A_119 = tpu.memref_slice %arg12[%dma_wait3A_117, %dma_wait3A_118] : memref<10240x160xbf16, #tpu.memory_space<vmem_shared>> -> memref<10240x160xbf16, #tpu.memory_space<vmem_shared>>
      tpu.wait_indirect_dma semaphore(%arg16 : memref<!tpu.dma_semaphore, #tpu.memory_space<semaphore_mem>>) src(%dma_wait3A_119 : memref<10240x160xbf16, #tpu.memory_space<vmem_shared>>) dst(%arg10 : memref<128x160xbf16, #tpu.memory_space<vmem>>)
      %dma_start3A_120 = arith.constant 0 : i32
      %dma_start3A_121 = arith.constant 0 : i32
      %dma_start3A_122 = tpu.memref_slice %arg8[%dma_start3A_120, %dma_start3A_121] : memref<8x128xi32, #tpu.memory_space<vmem>> -> memref<1x128xi32, #tpu.memory_space<vmem>>
      %dma_start3A_123 = tpu.memref_squeeze %dma_start3A_122 : memref<1x128xi32, #tpu.memory_space<vmem>> -> memref<128xi32, #tpu.memory_space<vmem>>
      %dma_start3A_124 = arith.constant 0 : i32
      %dma_start3A_125 = arith.constant 0 : i32
      %dma_start3A_126 = tpu.memref_slice %arg13[%dma_start3A_124, %dma_start3A_125] : memref<10240x160xbf16, #tpu.memory_space<vmem_shared>> -> memref<10240x160xbf16, #tpu.memory_space<vmem_shared>>
      tpu.enqueue_indirect_dma source(%arg10 : memref<128x160xbf16, #tpu.memory_space<vmem>>) target(%dma_start3A_126 : memref<10240x160xbf16, #tpu.memory_space<vmem_shared>>) offsets(%dma_start3A_123 : memref<128xi32, #tpu.memory_space<vmem>>) semaphore(%arg18 : memref<!tpu.dma_semaphore, #tpu.memory_space<semaphore_mem>>) {add = true}
      %dma_wait3A_127 = arith.constant 0 : i32
      %dma_wait3A_128 = arith.constant 0 : i32
      %dma_wait3A_129 = tpu.memref_slice %arg8[%dma_wait3A_127, %dma_wait3A_128] : memref<8x128xi32, #tpu.memory_space<vmem>> -> memref<1x128xi32, #tpu.memory_space<vmem>>
      %dma_wait3A_130 = tpu.memref_squeeze %dma_wait3A_129 : memref<1x128xi32, #tpu.memory_space<vmem>> -> memref<128xi32, #tpu.memory_space<vmem>>
      %dma_wait3A_131 = arith.constant 0 : i32
      %dma_wait3A_132 = arith.constant 0 : i32
      %dma_wait3A_133 = tpu.memref_slice %arg13[%dma_wait3A_131, %dma_wait3A_132] : memref<10240x160xbf16, #tpu.memory_space<vmem_shared>> -> memref<10240x160xbf16, #tpu.memory_space<vmem_shared>>
      tpu.wait_indirect_dma semaphore(%arg18 : memref<!tpu.dma_semaphore, #tpu.memory_space<semaphore_mem>>) src(%arg10 : memref<128x160xbf16, #tpu.memory_space<vmem>>) dst(%dma_wait3A_133 : memref<10240x160xbf16, #tpu.memory_space<vmem_shared>>)
      %dma_start3A_134 = arith.constant 2 : i32
      %dma_start3A_135 = arith.constant 0 : i32
      %dma_start3A_136 = tpu.memref_slice %arg6[%dma_start3A_134, %dma_start3A_135] : memref<8x128xi32, #tpu.memory_space<vmem>> -> memref<1x128xi32, #tpu.memory_space<vmem>>
      %dma_start3A_137 = tpu.memref_squeeze %dma_start3A_136 : memref<1x128xi32, #tpu.memory_space<vmem>> -> memref<128xi32, #tpu.memory_space<vmem>>
      %dma_start3A_138 = arith.constant 0 : i32
      %dma_start3A_139 = arith.constant 0 : i32
      %dma_start3A_140 = tpu.memref_slice %arg12[%dma_start3A_138, %dma_start3A_139] : memref<10240x160xbf16, #tpu.memory_space<vmem_shared>> -> memref<10240x160xbf16, #tpu.memory_space<vmem_shared>>
      tpu.enqueue_indirect_dma source(%dma_start3A_140 : memref<10240x160xbf16, #tpu.memory_space<vmem_shared>>) target(%arg10 : memref<128x160xbf16, #tpu.memory_space<vmem>>) offsets(%dma_start3A_137 : memref<128xi32, #tpu.memory_space<vmem>>) semaphore(%arg16 : memref<!tpu.dma_semaphore, #tpu.memory_space<semaphore_mem>>)
      %dma_wait3A_141 = arith.constant 1 : i32
      %dma_wait3A_142 = arith.constant 0 : i32
      %dma_wait3A_143 = tpu.memref_slice %arg6[%dma_wait3A_141, %dma_wait3A_142] : memref<8x128xi32, #tpu.memory_space<vmem>> -> memref<1x128xi32, #tpu.memory_space<vmem>>
      %dma_wait3A_144 = tpu.memref_squeeze %dma_wait3A_143 : memref<1x128xi32, #tpu.memory_space<vmem>> -> memref<128xi32, #tpu.memory_space<vmem>>
      %dma_wait3A_145 = arith.constant 0 : i32
      %dma_wait3A_146 = arith.constant 0 : i32
      %dma_wait3A_147 = tpu.memref_slice %arg12[%dma_wait3A_145, %dma_wait3A_146] : memref<10240x160xbf16, #tpu.memory_space<vmem_shared>> -> memref<10240x160xbf16, #tpu.memory_space<vmem_shared>>
      tpu.wait_indirect_dma semaphore(%arg17 : memref<!tpu.dma_semaphore, #tpu.memory_space<semaphore_mem>>) src(%dma_wait3A_147 : memref<10240x160xbf16, #tpu.memory_space<vmem_shared>>) dst(%arg11 : memref<128x160xbf16, #tpu.memory_space<vmem>>)
      %dma_start3A_148 = arith.constant 1 : i32
      %dma_start3A_149 = arith.constant 0 : i32
      %dma_start3A_150 = tpu.memref_slice %arg8[%dma_start3A_148, %dma_start3A_149] : memref<8x128xi32, #tpu.memory_space<vmem>> -> memref<1x128xi32, #tpu.memory_space<vmem>>
      %dma_start3A_151 = tpu.memref_squeeze %dma_start3A_150 : memref<1x128xi32, #tpu.memory_space<vmem>> -> memref<128xi32, #tpu.memory_space<vmem>>
      %dma_start3A_152 = arith.constant 0 : i32
      %dma_start3A_153 = arith.constant 0 : i32
      %dma_start3A_154 = tpu.memref_slice %arg13[%dma_start3A_152, %dma_start3A_153] : memref<10240x160xbf16, #tpu.memory_space<vmem_shared>> -> memref<10240x160xbf16, #tpu.memory_space<vmem_shared>>
      tpu.enqueue_indirect_dma source(%arg11 : memref<128x160xbf16, #tpu.memory_space<vmem>>) target(%dma_start3A_154 : memref<10240x160xbf16, #tpu.memory_space<vmem_shared>>) offsets(%dma_start3A_151 : memref<128xi32, #tpu.memory_space<vmem>>) semaphore(%arg19 : memref<!tpu.dma_semaphore, #tpu.memory_space<semaphore_mem>>) {add = true}
      %dma_wait3A_155 = arith.constant 1 : i32
      %dma_wait3A_156 = arith.constant 0 : i32
      %dma_wait3A_157 = tpu.memref_slice %arg8[%dma_wait3A_155, %dma_wait3A_156] : memref<8x128xi32, #tpu.memory_space<vmem>> -> memref<1x128xi32, #tpu.memory_space<vmem>>
      %dma_wait3A_158 = tpu.memref_squeeze %dma_wait3A_157 : memref<1x128xi32, #tpu.memory_space<vmem>> -> memref<128xi32, #tpu.memory_space<vmem>>
      %dma_wait3A_159 = arith.constant 0 : i32
      %dma_wait3A_160 = arith.constant 0 : i32
      %dma_wait3A_161 = tpu.memref_slice %arg13[%dma_wait3A_159, %dma_wait3A_160] : memref<10240x160xbf16, #tpu.memory_space<vmem_shared>> -> memref<10240x160xbf16, #tpu.memory_space<vmem_shared>>
      tpu.wait_indirect_dma semaphore(%arg19 : memref<!tpu.dma_semaphore, #tpu.memory_space<semaphore_mem>>) src(%arg11 : memref<128x160xbf16, #tpu.memory_space<vmem>>) dst(%dma_wait3A_161 : memref<10240x160xbf16, #tpu.memory_space<vmem_shared>>)
      %dma_start3A_162 = arith.constant 3 : i32
      %dma_start3A_163 = arith.constant 0 : i32
      %dma_start3A_164 = tpu.memref_slice %arg6[%dma_start3A_162, %dma_start3A_163] : memref<8x128xi32, #tpu.memory_space<vmem>> -> memref<1x128xi32, #tpu.memory_space<vmem>>
      %dma_start3A_165 = tpu.memref_squeeze %dma_start3A_164 : memref<1x128xi32, #tpu.memory_space<vmem>> -> memref<128xi32, #tpu.memory_space<vmem>>
      %dma_start3A_166 = arith.constant 0 : i32
      %dma_start3A_167 = arith.constant 0 : i32
      %dma_start3A_168 = tpu.memref_slice %arg12[%dma_start3A_166, %dma_start3A_167] : memref<10240x160xbf16, #tpu.memory_space<vmem_shared>> -> memref<10240x160xbf16, #tpu.memory_space<vmem_shared>>
      tpu.enqueue_indirect_dma source(%dma_start3A_168 : memref<10240x160xbf16, #tpu.memory_space<vmem_shared>>) target(%arg11 : memref<128x160xbf16, #tpu.memory_space<vmem>>) offsets(%dma_start3A_165 : memref<128xi32, #tpu.memory_space<vmem>>) semaphore(%arg17 : memref<!tpu.dma_semaphore, #tpu.memory_space<semaphore_mem>>)
      %dma_wait3A_169 = arith.constant 2 : i32
      %dma_wait3A_170 = arith.constant 0 : i32
      %dma_wait3A_171 = tpu.memref_slice %arg6[%dma_wait3A_169, %dma_wait3A_170] : memref<8x128xi32, #tpu.memory_space<vmem>> -> memref<1x128xi32, #tpu.memory_space<vmem>>
      %dma_wait3A_172 = tpu.memref_squeeze %dma_wait3A_171 : memref<1x128xi32, #tpu.memory_space<vmem>> -> memref<128xi32, #tpu.memory_space<vmem>>
      %dma_wait3A_173 = arith.constant 0 : i32
      %dma_wait3A_174 = arith.constant 0 : i32
      %dma_wait3A_175 = tpu.memref_slice %arg12[%dma_wait3A_173, %dma_wait3A_174] : memref<10240x160xbf16, #tpu.memory_space<vmem_shared>> -> memref<10240x160xbf16, #tpu.memory_space<vmem_shared>>
      tpu.wait_indirect_dma semaphore(%arg16 : memref<!tpu.dma_semaphore, #tpu.memory_space<semaphore_mem>>) src(%dma_wait3A_175 : memref<10240x160xbf16, #tpu.memory_space<vmem_shared>>) dst(%arg10 : memref<128x160xbf16, #tpu.memory_space<vmem>>)
      %dma_start3A_176 = arith.constant 2 : i32
      %dma_start3A_177 = arith.constant 0 : i32
      %dma_start3A_178 = tpu.memref_slice %arg8[%dma_start3A_176, %dma_start3A_177] : memref<8x128xi32, #tpu.memory_space<vmem>> -> memref<1x128xi32, #tpu.memory_space<vmem>>
      %dma_start3A_179 = tpu.memref_squeeze %dma_start3A_178 : memref<1x128xi32, #tpu.memory_space<vmem>> -> memref<128xi32, #tpu.memory_space<vmem>>
      %dma_start3A_180 = arith.constant 0 : i32
      %dma_start3A_181 = arith.constant 0 : i32
      %dma_start3A_182 = tpu.memref_slice %arg13[%dma_start3A_180, %dma_start3A_181] : memref<10240x160xbf16, #tpu.memory_space<vmem_shared>> -> memref<10240x160xbf16, #tpu.memory_space<vmem_shared>>
      tpu.enqueue_indirect_dma source(%arg10 : memref<128x160xbf16, #tpu.memory_space<vmem>>) target(%dma_start3A_182 : memref<10240x160xbf16, #tpu.memory_space<vmem_shared>>) offsets(%dma_start3A_179 : memref<128xi32, #tpu.memory_space<vmem>>) semaphore(%arg18 : memref<!tpu.dma_semaphore, #tpu.memory_space<semaphore_mem>>) {add = true}
      %dma_wait3A_183 = arith.constant 2 : i32
      %dma_wait3A_184 = arith.constant 0 : i32
      %dma_wait3A_185 = tpu.memref_slice %arg8[%dma_wait3A_183, %dma_wait3A_184] : memref<8x128xi32, #tpu.memory_space<vmem>> -> memref<1x128xi32, #tpu.memory_space<vmem>>
      %dma_wait3A_186 = tpu.memref_squeeze %dma_wait3A_185 : memref<1x128xi32, #tpu.memory_space<vmem>> -> memref<128xi32, #tpu.memory_space<vmem>>
      %dma_wait3A_187 = arith.constant 0 : i32
      %dma_wait3A_188 = arith.constant 0 : i32
      %dma_wait3A_189 = tpu.memref_slice %arg13[%dma_wait3A_187, %dma_wait3A_188] : memref<10240x160xbf16, #tpu.memory_space<vmem_shared>> -> memref<10240x160xbf16, #tpu.memory_space<vmem_shared>>
      tpu.wait_indirect_dma semaphore(%arg18 : memref<!tpu.dma_semaphore, #tpu.memory_space<semaphore_mem>>) src(%arg10 : memref<128x160xbf16, #tpu.memory_space<vmem>>) dst(%dma_wait3A_189 : memref<10240x160xbf16, #tpu.memory_space<vmem_shared>>)
      %dma_start3A_190 = arith.constant 4 : i32
      %dma_start3A_191 = arith.constant 0 : i32
      %dma_start3A_192 = tpu.memref_slice %arg6[%dma_start3A_190, %dma_start3A_191] : memref<8x128xi32, #tpu.memory_space<vmem>> -> memref<1x128xi32, #tpu.memory_space<vmem>>
      %dma_start3A_193 = tpu.memref_squeeze %dma_start3A_192 : memref<1x128xi32, #tpu.memory_space<vmem>> -> memref<128xi32, #tpu.memory_space<vmem>>
      %dma_start3A_194 = arith.constant 0 : i32
      %dma_start3A_195 = arith.constant 0 : i32
      %dma_start3A_196 = tpu.memref_slice %arg12[%dma_start3A_194, %dma_start3A_195] : memref<10240x160xbf16, #tpu.memory_space<vmem_shared>> -> memref<10240x160xbf16, #tpu.memory_space<vmem_shared>>
      tpu.enqueue_indirect_dma source(%dma_start3A_196 : memref<10240x160xbf16, #tpu.memory_space<vmem_shared>>) target(%arg10 : memref<128x160xbf16, #tpu.memory_space<vmem>>) offsets(%dma_start3A_193 : memref<128xi32, #tpu.memory_space<vmem>>) semaphore(%arg16 : memref<!tpu.dma_semaphore, #tpu.memory_space<semaphore_mem>>)
      %dma_wait3A_197 = arith.constant 3 : i32
      %dma_wait3A_198 = arith.constant 0 : i32
      %dma_wait3A_199 = tpu.memref_slice %arg6[%dma_wait3A_197, %dma_wait3A_198] : memref<8x128xi32, #tpu.memory_space<vmem>> -> memref<1x128xi32, #tpu.memory_space<vmem>>
      %dma_wait3A_200 = tpu.memref_squeeze %dma_wait3A_199 : memref<1x128xi32, #tpu.memory_space<vmem>> -> memref<128xi32, #tpu.memory_space<vmem>>
      %dma_wait3A_201 = arith.constant 0 : i32
      %dma_wait3A_202 = arith.constant 0 : i32
      %dma_wait3A_203 = tpu.memref_slice %arg12[%dma_wait3A_201, %dma_wait3A_202] : memref<10240x160xbf16, #tpu.memory_space<vmem_shared>> -> memref<10240x160xbf16, #tpu.memory_space<vmem_shared>>
      tpu.wait_indirect_dma semaphore(%arg17 : memref<!tpu.dma_semaphore, #tpu.memory_space<semaphore_mem>>) src(%dma_wait3A_203 : memref<10240x160xbf16, #tpu.memory_space<vmem_shared>>) dst(%arg11 : memref<128x160xbf16, #tpu.memory_space<vmem>>)
      %dma_start3A_204 = arith.constant 3 : i32
      %dma_start3A_205 = arith.constant 0 : i32
      %dma_start3A_206 = tpu.memref_slice %arg8[%dma_start3A_204, %dma_start3A_205] : memref<8x128xi32, #tpu.memory_space<vmem>> -> memref<1x128xi32, #tpu.memory_space<vmem>>
      %dma_start3A_207 = tpu.memref_squeeze %dma_start3A_206 : memref<1x128xi32, #tpu.memory_space<vmem>> -> memref<128xi32, #tpu.memory_space<vmem>>
      %dma_start3A_208 = arith.constant 0 : i32
      %dma_start3A_209 = arith.constant 0 : i32
      %dma_start3A_210 = tpu.memref_slice %arg13[%dma_start3A_208, %dma_start3A_209] : memref<10240x160xbf16, #tpu.memory_space<vmem_shared>> -> memref<10240x160xbf16, #tpu.memory_space<vmem_shared>>
      tpu.enqueue_indirect_dma source(%arg11 : memref<128x160xbf16, #tpu.memory_space<vmem>>) target(%dma_start3A_210 : memref<10240x160xbf16, #tpu.memory_space<vmem_shared>>) offsets(%dma_start3A_207 : memref<128xi32, #tpu.memory_space<vmem>>) semaphore(%arg19 : memref<!tpu.dma_semaphore, #tpu.memory_space<semaphore_mem>>) {add = true}
      %dma_wait3A_211 = arith.constant 3 : i32
      %dma_wait3A_212 = arith.constant 0 : i32
      %dma_wait3A_213 = tpu.memref_slice %arg8[%dma_wait3A_211, %dma_wait3A_212] : memref<8x128xi32, #tpu.memory_space<vmem>> -> memref<1x128xi32, #tpu.memory_space<vmem>>
      %dma_wait3A_214 = tpu.memref_squeeze %dma_wait3A_213 : memref<1x128xi32, #tpu.memory_space<vmem>> -> memref<128xi32, #tpu.memory_space<vmem>>
      %dma_wait3A_215 = arith.constant 0 : i32
      %dma_wait3A_216 = arith.constant 0 : i32
      %dma_wait3A_217 = tpu.memref_slice %arg13[%dma_wait3A_215, %dma_wait3A_216] : memref<10240x160xbf16, #tpu.memory_space<vmem_shared>> -> memref<10240x160xbf16, #tpu.memory_space<vmem_shared>>
      tpu.wait_indirect_dma semaphore(%arg19 : memref<!tpu.dma_semaphore, #tpu.memory_space<semaphore_mem>>) src(%arg11 : memref<128x160xbf16, #tpu.memory_space<vmem>>) dst(%dma_wait3A_217 : memref<10240x160xbf16, #tpu.memory_space<vmem_shared>>)
      %dma_start3A_218 = arith.constant 5 : i32
      %dma_start3A_219 = arith.constant 0 : i32
      %dma_start3A_220 = tpu.memref_slice %arg6[%dma_start3A_218, %dma_start3A_219] : memref<8x128xi32, #tpu.memory_space<vmem>> -> memref<1x128xi32, #tpu.memory_space<vmem>>
      %dma_start3A_221 = tpu.memref_squeeze %dma_start3A_220 : memref<1x128xi32, #tpu.memory_space<vmem>> -> memref<128xi32, #tpu.memory_space<vmem>>
      %dma_start3A_222 = arith.constant 0 : i32
      %dma_start3A_223 = arith.constant 0 : i32
      %dma_start3A_224 = tpu.memref_slice %arg12[%dma_start3A_222, %dma_start3A_223] : memref<10240x160xbf16, #tpu.memory_space<vmem_shared>> -> memref<10240x160xbf16, #tpu.memory_space<vmem_shared>>
      tpu.enqueue_indirect_dma source(%dma_start3A_224 : memref<10240x160xbf16, #tpu.memory_space<vmem_shared>>) target(%arg11 : memref<128x160xbf16, #tpu.memory_space<vmem>>) offsets(%dma_start3A_221 : memref<128xi32, #tpu.memory_space<vmem>>) semaphore(%arg17 : memref<!tpu.dma_semaphore, #tpu.memory_space<semaphore_mem>>)
      %dma_wait3A_225 = arith.constant 4 : i32
      %dma_wait3A_226 = arith.constant 0 : i32
      %dma_wait3A_227 = tpu.memref_slice %arg6[%dma_wait3A_225, %dma_wait3A_226] : memref<8x128xi32, #tpu.memory_space<vmem>> -> memref<1x128xi32, #tpu.memory_space<vmem>>
      %dma_wait3A_228 = tpu.memref_squeeze %dma_wait3A_227 : memref<1x128xi32, #tpu.memory_space<vmem>> -> memref<128xi32, #tpu.memory_space<vmem>>
      %dma_wait3A_229 = arith.constant 0 : i32
      %dma_wait3A_230 = arith.constant 0 : i32
      %dma_wait3A_231 = tpu.memref_slice %arg12[%dma_wait3A_229, %dma_wait3A_230] : memref<10240x160xbf16, #tpu.memory_space<vmem_shared>> -> memref<10240x160xbf16, #tpu.memory_space<vmem_shared>>
      tpu.wait_indirect_dma semaphore(%arg16 : memref<!tpu.dma_semaphore, #tpu.memory_space<semaphore_mem>>) src(%dma_wait3A_231 : memref<10240x160xbf16, #tpu.memory_space<vmem_shared>>) dst(%arg10 : memref<128x160xbf16, #tpu.memory_space<vmem>>)
      %dma_start3A_232 = arith.constant 4 : i32
      %dma_start3A_233 = arith.constant 0 : i32
      %dma_start3A_234 = tpu.memref_slice %arg8[%dma_start3A_232, %dma_start3A_233] : memref<8x128xi32, #tpu.memory_space<vmem>> -> memref<1x128xi32, #tpu.memory_space<vmem>>
      %dma_start3A_235 = tpu.memref_squeeze %dma_start3A_234 : memref<1x128xi32, #tpu.memory_space<vmem>> -> memref<128xi32, #tpu.memory_space<vmem>>
      %dma_start3A_236 = arith.constant 0 : i32
      %dma_start3A_237 = arith.constant 0 : i32
      %dma_start3A_238 = tpu.memref_slice %arg13[%dma_start3A_236, %dma_start3A_237] : memref<10240x160xbf16, #tpu.memory_space<vmem_shared>> -> memref<10240x160xbf16, #tpu.memory_space<vmem_shared>>
      tpu.enqueue_indirect_dma source(%arg10 : memref<128x160xbf16, #tpu.memory_space<vmem>>) target(%dma_start3A_238 : memref<10240x160xbf16, #tpu.memory_space<vmem_shared>>) offsets(%dma_start3A_235 : memref<128xi32, #tpu.memory_space<vmem>>) semaphore(%arg18 : memref<!tpu.dma_semaphore, #tpu.memory_space<semaphore_mem>>) {add = true}
      %dma_wait3A_239 = arith.constant 4 : i32
      %dma_wait3A_240 = arith.constant 0 : i32
      %dma_wait3A_241 = tpu.memref_slice %arg8[%dma_wait3A_239, %dma_wait3A_240] : memref<8x128xi32, #tpu.memory_space<vmem>> -> memref<1x128xi32, #tpu.memory_space<vmem>>
      %dma_wait3A_242 = tpu.memref_squeeze %dma_wait3A_241 : memref<1x128xi32, #tpu.memory_space<vmem>> -> memref<128xi32, #tpu.memory_space<vmem>>
      %dma_wait3A_243 = arith.constant 0 : i32
      %dma_wait3A_244 = arith.constant 0 : i32
      %dma_wait3A_245 = tpu.memref_slice %arg13[%dma_wait3A_243, %dma_wait3A_244] : memref<10240x160xbf16, #tpu.memory_space<vmem_shared>> -> memref<10240x160xbf16, #tpu.memory_space<vmem_shared>>
      tpu.wait_indirect_dma semaphore(%arg18 : memref<!tpu.dma_semaphore, #tpu.memory_space<semaphore_mem>>) src(%arg10 : memref<128x160xbf16, #tpu.memory_space<vmem>>) dst(%dma_wait3A_245 : memref<10240x160xbf16, #tpu.memory_space<vmem_shared>>)
      %dma_start3A_246 = arith.constant 6 : i32
      %dma_start3A_247 = arith.constant 0 : i32
      %dma_start3A_248 = tpu.memref_slice %arg6[%dma_start3A_246, %dma_start3A_247] : memref<8x128xi32, #tpu.memory_space<vmem>> -> memref<1x128xi32, #tpu.memory_space<vmem>>
      %dma_start3A_249 = tpu.memref_squeeze %dma_start3A_248 : memref<1x128xi32, #tpu.memory_space<vmem>> -> memref<128xi32, #tpu.memory_space<vmem>>
      %dma_start3A_250 = arith.constant 0 : i32
      %dma_start3A_251 = arith.constant 0 : i32
      %dma_start3A_252 = tpu.memref_slice %arg12[%dma_start3A_250, %dma_start3A_251] : memref<10240x160xbf16, #tpu.memory_space<vmem_shared>> -> memref<10240x160xbf16, #tpu.memory_space<vmem_shared>>
      tpu.enqueue_indirect_dma source(%dma_start3A_252 : memref<10240x160xbf16, #tpu.memory_space<vmem_shared>>) target(%arg10 : memref<128x160xbf16, #tpu.memory_space<vmem>>) offsets(%dma_start3A_249 : memref<128xi32, #tpu.memory_space<vmem>>) semaphore(%arg16 : memref<!tpu.dma_semaphore, #tpu.memory_space<semaphore_mem>>)
      %dma_wait3A_253 = arith.constant 5 : i32
      %dma_wait3A_254 = arith.constant 0 : i32
      %dma_wait3A_255 = tpu.memref_slice %arg6[%dma_wait3A_253, %dma_wait3A_254] : memref<8x128xi32, #tpu.memory_space<vmem>> -> memref<1x128xi32, #tpu.memory_space<vmem>>
      %dma_wait3A_256 = tpu.memref_squeeze %dma_wait3A_255 : memref<1x128xi32, #tpu.memory_space<vmem>> -> memref<128xi32, #tpu.memory_space<vmem>>
      %dma_wait3A_257 = arith.constant 0 : i32
      %dma_wait3A_258 = arith.constant 0 : i32
      %dma_wait3A_259 = tpu.memref_slice %arg12[%dma_wait3A_257, %dma_wait3A_258] : memref<10240x160xbf16, #tpu.memory_space<vmem_shared>> -> memref<10240x160xbf16, #tpu.memory_space<vmem_shared>>
      tpu.wait_indirect_dma semaphore(%arg17 : memref<!tpu.dma_semaphore, #tpu.memory_space<semaphore_mem>>) src(%dma_wait3A_259 : memref<10240x160xbf16, #tpu.memory_space<vmem_shared>>) dst(%arg11 : memref<128x160xbf16, #tpu.memory_space<vmem>>)
      %dma_start3A_260 = arith.constant 5 : i32
      %dma_start3A_261 = arith.constant 0 : i32
      %dma_start3A_262 = tpu.memref_slice %arg8[%dma_start3A_260, %dma_start3A_261] : memref<8x128xi32, #tpu.memory_space<vmem>> -> memref<1x128xi32, #tpu.memory_space<vmem>>
      %dma_start3A_263 = tpu.memref_squeeze %dma_start3A_262 : memref<1x128xi32, #tpu.memory_space<vmem>> -> memref<128xi32, #tpu.memory_space<vmem>>
      %dma_start3A_264 = arith.constant 0 : i32
      %dma_start3A_265 = arith.constant 0 : i32
      %dma_start3A_266 = tpu.memref_slice %arg13[%dma_start3A_264, %dma_start3A_265] : memref<10240x160xbf16, #tpu.memory_space<vmem_shared>> -> memref<10240x160xbf16, #tpu.memory_space<vmem_shared>>
      tpu.enqueue_indirect_dma source(%arg11 : memref<128x160xbf16, #tpu.memory_space<vmem>>) target(%dma_start3A_266 : memref<10240x160xbf16, #tpu.memory_space<vmem_shared>>) offsets(%dma_start3A_263 : memref<128xi32, #tpu.memory_space<vmem>>) semaphore(%arg19 : memref<!tpu.dma_semaphore, #tpu.memory_space<semaphore_mem>>) {add = true}
      %dma_wait3A_267 = arith.constant 5 : i32
      %dma_wait3A_268 = arith.constant 0 : i32
      %dma_wait3A_269 = tpu.memref_slice %arg8[%dma_wait3A_267, %dma_wait3A_268] : memref<8x128xi32, #tpu.memory_space<vmem>> -> memref<1x128xi32, #tpu.memory_space<vmem>>
      %dma_wait3A_270 = tpu.memref_squeeze %dma_wait3A_269 : memref<1x128xi32, #tpu.memory_space<vmem>> -> memref<128xi32, #tpu.memory_space<vmem>>
      %dma_wait3A_271 = arith.constant 0 : i32
      %dma_wait3A_272 = arith.constant 0 : i32
      %dma_wait3A_273 = tpu.memref_slice %arg13[%dma_wait3A_271, %dma_wait3A_272] : memref<10240x160xbf16, #tpu.memory_space<vmem_shared>> -> memref<10240x160xbf16, #tpu.memory_space<vmem_shared>>
      tpu.wait_indirect_dma semaphore(%arg19 : memref<!tpu.dma_semaphore, #tpu.memory_space<semaphore_mem>>) src(%arg11 : memref<128x160xbf16, #tpu.memory_space<vmem>>) dst(%dma_wait3A_273 : memref<10240x160xbf16, #tpu.memory_space<vmem_shared>>)
      %dma_start3A_274 = arith.constant 7 : i32
      %dma_start3A_275 = arith.constant 0 : i32
      %dma_start3A_276 = tpu.memref_slice %arg6[%dma_start3A_274, %dma_start3A_275] : memref<8x128xi32, #tpu.memory_space<vmem>> -> memref<1x128xi32, #tpu.memory_space<vmem>>
      %dma_start3A_277 = tpu.memref_squeeze %dma_start3A_276 : memref<1x128xi32, #tpu.memory_space<vmem>> -> memref<128xi32, #tpu.memory_space<vmem>>
      %dma_start3A_278 = arith.constant 0 : i32
      %dma_start3A_279 = arith.constant 0 : i32
      %dma_start3A_280 = tpu.memref_slice %arg12[%dma_start3A_278, %dma_start3A_279] : memref<10240x160xbf16, #tpu.memory_space<vmem_shared>> -> memref<10240x160xbf16, #tpu.memory_space<vmem_shared>>
      tpu.enqueue_indirect_dma source(%dma_start3A_280 : memref<10240x160xbf16, #tpu.memory_space<vmem_shared>>) target(%arg11 : memref<128x160xbf16, #tpu.memory_space<vmem>>) offsets(%dma_start3A_277 : memref<128xi32, #tpu.memory_space<vmem>>) semaphore(%arg17 : memref<!tpu.dma_semaphore, #tpu.memory_space<semaphore_mem>>)
      %dma_wait3A_281 = arith.constant 6 : i32
      %dma_wait3A_282 = arith.constant 0 : i32
      %dma_wait3A_283 = tpu.memref_slice %arg6[%dma_wait3A_281, %dma_wait3A_282] : memref<8x128xi32, #tpu.memory_space<vmem>> -> memref<1x128xi32, #tpu.memory_space<vmem>>
      %dma_wait3A_284 = tpu.memref_squeeze %dma_wait3A_283 : memref<1x128xi32, #tpu.memory_space<vmem>> -> memref<128xi32, #tpu.memory_space<vmem>>
      %dma_wait3A_285 = arith.constant 0 : i32
      %dma_wait3A_286 = arith.constant 0 : i32
      %dma_wait3A_287 = tpu.memref_slice %arg12[%dma_wait3A_285, %dma_wait3A_286] : memref<10240x160xbf16, #tpu.memory_space<vmem_shared>> -> memref<10240x160xbf16, #tpu.memory_space<vmem_shared>>
      tpu.wait_indirect_dma semaphore(%arg16 : memref<!tpu.dma_semaphore, #tpu.memory_space<semaphore_mem>>) src(%dma_wait3A_287 : memref<10240x160xbf16, #tpu.memory_space<vmem_shared>>) dst(%arg10 : memref<128x160xbf16, #tpu.memory_space<vmem>>)
      %dma_start3A_288 = arith.constant 6 : i32
      %dma_start3A_289 = arith.constant 0 : i32
      %dma_start3A_290 = tpu.memref_slice %arg8[%dma_start3A_288, %dma_start3A_289] : memref<8x128xi32, #tpu.memory_space<vmem>> -> memref<1x128xi32, #tpu.memory_space<vmem>>
      %dma_start3A_291 = tpu.memref_squeeze %dma_start3A_290 : memref<1x128xi32, #tpu.memory_space<vmem>> -> memref<128xi32, #tpu.memory_space<vmem>>
      %dma_start3A_292 = arith.constant 0 : i32
      %dma_start3A_293 = arith.constant 0 : i32
      %dma_start3A_294 = tpu.memref_slice %arg13[%dma_start3A_292, %dma_start3A_293] : memref<10240x160xbf16, #tpu.memory_space<vmem_shared>> -> memref<10240x160xbf16, #tpu.memory_space<vmem_shared>>
      tpu.enqueue_indirect_dma source(%arg10 : memref<128x160xbf16, #tpu.memory_space<vmem>>) target(%dma_start3A_294 : memref<10240x160xbf16, #tpu.memory_space<vmem_shared>>) offsets(%dma_start3A_291 : memref<128xi32, #tpu.memory_space<vmem>>) semaphore(%arg18 : memref<!tpu.dma_semaphore, #tpu.memory_space<semaphore_mem>>) {add = true}
      %dma_wait3A_295 = arith.constant 6 : i32
      %dma_wait3A_296 = arith.constant 0 : i32
      %dma_wait3A_297 = tpu.memref_slice %arg8[%dma_wait3A_295, %dma_wait3A_296] : memref<8x128xi32, #tpu.memory_space<vmem>> -> memref<1x128xi32, #tpu.memory_space<vmem>>
      %dma_wait3A_298 = tpu.memref_squeeze %dma_wait3A_297 : memref<1x128xi32, #tpu.memory_space<vmem>> -> memref<128xi32, #tpu.memory_space<vmem>>
      %dma_wait3A_299 = arith.constant 0 : i32
      %dma_wait3A_300 = arith.constant 0 : i32
      %dma_wait3A_301 = tpu.memref_slice %arg13[%dma_wait3A_299, %dma_wait3A_300] : memref<10240x160xbf16, #tpu.memory_space<vmem_shared>> -> memref<10240x160xbf16, #tpu.memory_space<vmem_shared>>
      tpu.wait_indirect_dma semaphore(%arg18 : memref<!tpu.dma_semaphore, #tpu.memory_space<semaphore_mem>>) src(%arg10 : memref<128x160xbf16, #tpu.memory_space<vmem>>) dst(%dma_wait3A_301 : memref<10240x160xbf16, #tpu.memory_space<vmem_shared>>)
      %lt3A_302 = arith.constant 19 : i32
      %lt3A_303 = arith.cmpi slt, %add3A_112, %lt3A_302 : i32
      %convert_element_type3A_304 = arith.extui %lt3A_303 : i1 to i32
      %cond3A_305 = arith.constant 0 : i32
      %cond3A_306 = arith.cmpi ne, %convert_element_type3A_304, %cond3A_305 : i32
      scf.if %cond3A_306 {
        %dma_wait3A_582 = arith.constant 0 : i32
        %dma_wait3A_583 = arith.constant 0 : i32
        %dma_wait3A_584 = arith.constant 0 : i32
        %dma_wait3A_585 = tpu.memref_slice %arg3[%arg0, %arg1, %dma_wait3A_582, %dma_wait3A_583, %dma_wait3A_584] : memref<2x16x20x8x128xi32, #tpu.memory_space<hbm>> -> memref<1x1x1x8x128xi32, #tpu.memory_space<hbm>>
        %dma_wait3A_586 = tpu.memref_squeeze %dma_wait3A_585 : memref<1x1x1x8x128xi32, #tpu.memory_space<hbm>> -> memref<8x128xi32, #tpu.memory_space<hbm>>
        %dma_wait3A_587 = arith.constant 0 : i32
        %dma_wait3A_588 = arith.constant 0 : i32
        %dma_wait3A_589 = tpu.memref_slice %arg3[%arg0, %arg1, %dma_wait3A_582, %dma_wait3A_587, %dma_wait3A_588] : memref<2x16x20x8x128xi32, #tpu.memory_space<hbm>> -> memref<1x1x1x8x128xi32, #tpu.memory_space<hbm>>
        %dma_wait3A_590 = tpu.memref_squeeze %dma_wait3A_589 : memref<1x1x1x8x128xi32, #tpu.memory_space<hbm>> -> memref<8x128xi32, #tpu.memory_space<hbm>>
        tpu.wait_dma2 semaphore(%arg15 : memref<!tpu.dma_semaphore, #tpu.memory_space<semaphore_mem>>) src(%dma_wait3A_590 : memref<8x128xi32, #tpu.memory_space<hbm>>) dst(%arg7 : memref<8x128xi32, #tpu.memory_space<vmem>>)
        %dma_wait3A_591 = arith.constant 0 : i32
        %dma_wait3A_592 = arith.constant 0 : i32
        %dma_wait3A_593 = arith.constant 0 : i32
        %dma_wait3A_594 = tpu.memref_slice %arg4[%arg0, %arg1, %dma_wait3A_591, %dma_wait3A_592, %dma_wait3A_593] : memref<2x16x20x8x128xi32, #tpu.memory_space<hbm>> -> memref<1x1x1x8x128xi32, #tpu.memory_space<hbm>>
        %dma_wait3A_595 = tpu.memref_squeeze %dma_wait3A_594 : memref<1x1x1x8x128xi32, #tpu.memory_space<hbm>> -> memref<8x128xi32, #tpu.memory_space<hbm>>
        %dma_wait3A_596 = arith.constant 0 : i32
        %dma_wait3A_597 = arith.constant 0 : i32
        %dma_wait3A_598 = tpu.memref_slice %arg4[%arg0, %arg1, %dma_wait3A_591, %dma_wait3A_596, %dma_wait3A_597] : memref<2x16x20x8x128xi32, #tpu.memory_space<hbm>> -> memref<1x1x1x8x128xi32, #tpu.memory_space<hbm>>
        %dma_wait3A_599 = tpu.memref_squeeze %dma_wait3A_598 : memref<1x1x1x8x128xi32, #tpu.memory_space<hbm>> -> memref<8x128xi32, #tpu.memory_space<hbm>>
        tpu.wait_dma2 semaphore(%arg15 : memref<!tpu.dma_semaphore, #tpu.memory_space<semaphore_mem>>) src(%dma_wait3A_599 : memref<8x128xi32, #tpu.memory_space<hbm>>) dst(%arg9 : memref<8x128xi32, #tpu.memory_space<vmem>>)
      } else {
      }
      %lt3A_307 = arith.constant 19 : i32
      %lt3A_308 = arith.cmpi slt, %add3A_112, %lt3A_307 : i32
      %convert_element_type3A_309 = arith.extui %lt3A_308 : i1 to i32
      %cond3A_310 = arith.constant 0 : i32
      %cond3A_311 = arith.cmpi ne, %convert_element_type3A_309, %cond3A_310 : i32
      scf.if %cond3A_311 {
        %dma_start3A_582 = arith.constant 0 : i32
        %dma_start3A_583 = arith.constant 0 : i32
        %dma_start3A_584 = tpu.memref_slice %arg7[%dma_start3A_582, %dma_start3A_583] : memref<8x128xi32, #tpu.memory_space<vmem>> -> memref<1x128xi32, #tpu.memory_space<vmem>>
        %dma_start3A_585 = tpu.memref_squeeze %dma_start3A_584 : memref<1x128xi32, #tpu.memory_space<vmem>> -> memref<128xi32, #tpu.memory_space<vmem>>
        %dma_start3A_586 = arith.constant 0 : i32
        %dma_start3A_587 = arith.constant 0 : i32
        %dma_start3A_588 = tpu.memref_slice %arg12[%dma_start3A_586, %dma_start3A_587] : memref<10240x160xbf16, #tpu.memory_space<vmem_shared>> -> memref<10240x160xbf16, #tpu.memory_space<vmem_shared>>
        tpu.enqueue_indirect_dma source(%dma_start3A_588 : memref<10240x160xbf16, #tpu.memory_space<vmem_shared>>) target(%arg10 : memref<128x160xbf16, #tpu.memory_space<vmem>>) offsets(%dma_start3A_585 : memref<128xi32, #tpu.memory_space<vmem>>) semaphore(%arg16 : memref<!tpu.dma_semaphore, #tpu.memory_space<semaphore_mem>>)
      } else {
      }
      %dma_wait3A_312 = arith.constant 7 : i32
      %dma_wait3A_313 = arith.constant 0 : i32
      %dma_wait3A_314 = tpu.memref_slice %arg6[%dma_wait3A_312, %dma_wait3A_313] : memref<8x128xi32, #tpu.memory_space<vmem>> -> memref<1x128xi32, #tpu.memory_space<vmem>>
      %dma_wait3A_315 = tpu.memref_squeeze %dma_wait3A_314 : memref<1x128xi32, #tpu.memory_space<vmem>> -> memref<128xi32, #tpu.memory_space<vmem>>
      %dma_wait3A_316 = arith.constant 0 : i32
      %dma_wait3A_317 = arith.constant 0 : i32
      %dma_wait3A_318 = tpu.memref_slice %arg12[%dma_wait3A_316, %dma_wait3A_317] : memref<10240x160xbf16, #tpu.memory_space<vmem_shared>> -> memref<10240x160xbf16, #tpu.memory_space<vmem_shared>>
      tpu.wait_indirect_dma semaphore(%arg17 : memref<!tpu.dma_semaphore, #tpu.memory_space<semaphore_mem>>) src(%dma_wait3A_318 : memref<10240x160xbf16, #tpu.memory_space<vmem_shared>>) dst(%arg11 : memref<128x160xbf16, #tpu.memory_space<vmem>>)
      %dma_start3A_319 = arith.constant 7 : i32
      %dma_start3A_320 = arith.constant 0 : i32
      %dma_start3A_321 = tpu.memref_slice %arg8[%dma_start3A_319, %dma_start3A_320] : memref<8x128xi32, #tpu.memory_space<vmem>> -> memref<1x128xi32, #tpu.memory_space<vmem>>
      %dma_start3A_322 = tpu.memref_squeeze %dma_start3A_321 : memref<1x128xi32, #tpu.memory_space<vmem>> -> memref<128xi32, #tpu.memory_space<vmem>>
      %dma_start3A_323 = arith.constant 0 : i32
      %dma_start3A_324 = arith.constant 0 : i32
      %dma_start3A_325 = tpu.memref_slice %arg13[%dma_start3A_323, %dma_start3A_324] : memref<10240x160xbf16, #tpu.memory_space<vmem_shared>> -> memref<10240x160xbf16, #tpu.memory_space<vmem_shared>>
      tpu.enqueue_indirect_dma source(%arg11 : memref<128x160xbf16, #tpu.memory_space<vmem>>) target(%dma_start3A_325 : memref<10240x160xbf16, #tpu.memory_space<vmem_shared>>) offsets(%dma_start3A_322 : memref<128xi32, #tpu.memory_space<vmem>>) semaphore(%arg19 : memref<!tpu.dma_semaphore, #tpu.memory_space<semaphore_mem>>) {add = true}
      %dma_wait3A_326 = arith.constant 7 : i32
      %dma_wait3A_327 = arith.constant 0 : i32
      %dma_wait3A_328 = tpu.memref_slice %arg8[%dma_wait3A_326, %dma_wait3A_327] : memref<8x128xi32, #tpu.memory_space<vmem>> -> memref<1x128xi32, #tpu.memory_space<vmem>>
      %dma_wait3A_329 = tpu.memref_squeeze %dma_wait3A_328 : memref<1x128xi32, #tpu.memory_space<vmem>> -> memref<128xi32, #tpu.memory_space<vmem>>
      %dma_wait3A_330 = arith.constant 0 : i32
      %dma_wait3A_331 = arith.constant 0 : i32
      %dma_wait3A_332 = tpu.memref_slice %arg13[%dma_wait3A_330, %dma_wait3A_331] : memref<10240x160xbf16, #tpu.memory_space<vmem_shared>> -> memref<10240x160xbf16, #tpu.memory_space<vmem_shared>>
      tpu.wait_indirect_dma semaphore(%arg19 : memref<!tpu.dma_semaphore, #tpu.memory_space<semaphore_mem>>) src(%arg11 : memref<128x160xbf16, #tpu.memory_space<vmem>>) dst(%dma_wait3A_332 : memref<10240x160xbf16, #tpu.memory_space<vmem_shared>>)
      %lt3A_333 = arith.constant 19 : i32
      %lt3A_334 = arith.cmpi slt, %add3A_112, %lt3A_333 : i32
      %convert_element_type3A_335 = arith.extui %lt3A_334 : i1 to i32
      %cond3A_336 = arith.constant 0 : i32
      %cond3A_337 = arith.cmpi ne, %convert_element_type3A_335, %cond3A_336 : i32
      scf.if %cond3A_337 {
        %dma_start3A_582 = arith.constant 1 : i32
        %dma_start3A_583 = arith.constant 0 : i32
        %dma_start3A_584 = tpu.memref_slice %arg7[%dma_start3A_582, %dma_start3A_583] : memref<8x128xi32, #tpu.memory_space<vmem>> -> memref<1x128xi32, #tpu.memory_space<vmem>>
        %dma_start3A_585 = tpu.memref_squeeze %dma_start3A_584 : memref<1x128xi32, #tpu.memory_space<vmem>> -> memref<128xi32, #tpu.memory_space<vmem>>
        %dma_start3A_586 = arith.constant 0 : i32
        %dma_start3A_587 = arith.constant 0 : i32
        %dma_start3A_588 = tpu.memref_slice %arg12[%dma_start3A_586, %dma_start3A_587] : memref<10240x160xbf16, #tpu.memory_space<vmem_shared>> -> memref<10240x160xbf16, #tpu.memory_space<vmem_shared>>
        tpu.enqueue_indirect_dma source(%dma_start3A_588 : memref<10240x160xbf16, #tpu.memory_space<vmem_shared>>) target(%arg11 : memref<128x160xbf16, #tpu.memory_space<vmem>>) offsets(%dma_start3A_585 : memref<128xi32, #tpu.memory_space<vmem>>) semaphore(%arg17 : memref<!tpu.dma_semaphore, #tpu.memory_space<semaphore_mem>>)
      } else {
      }
      %add3A_338 = arith.constant 2 : i32
      %add3A_339 = arith.addi %add3A_112, %add3A_338 : i32
      %lt3A_340 = arith.constant 20 : i32
      %lt3A_341 = arith.cmpi slt, %add3A_339, %lt3A_340 : i32
      %convert_element_type3A_342 = arith.extui %lt3A_341 : i1 to i32
      %cond3A_343 = arith.constant 0 : i32
      %cond3A_344 = arith.cmpi ne, %convert_element_type3A_342, %cond3A_343 : i32
      scf.if %cond3A_344 {
        %add3A_582 = arith.constant 2 : i32
        %add3A_583 = arith.addi %add3A_112, %add3A_582 : i32
        %dma_start3A_584 = arith.constant 0 : i32
        %dma_start3A_585 = arith.constant 0 : i32
        %dma_start3A_586 = tpu.memref_slice %arg3[%arg0, %arg1, %add3A_583, %dma_start3A_584, %dma_start3A_585] : memref<2x16x20x8x128xi32, #tpu.memory_space<hbm>> -> memref<1x1x1x8x128xi32, #tpu.memory_space<hbm>>
        %dma_start3A_587 = tpu.memref_squeeze %dma_start3A_586 : memref<1x1x1x8x128xi32, #tpu.memory_space<hbm>> -> memref<8x128xi32, #tpu.memory_space<hbm>>
        %dma_start3A_588 = arith.constant 0 : i32
        %dma_start3A_589 = arith.constant 0 : i32
        %dma_start3A_590 = tpu.memref_slice %arg3[%arg0, %arg1, %add3A_583, %dma_start3A_588, %dma_start3A_589] : memref<2x16x20x8x128xi32, #tpu.memory_space<hbm>> -> memref<1x1x1x8x128xi32, #tpu.memory_space<hbm>>
        %dma_start3A_591 = tpu.memref_squeeze %dma_start3A_590 : memref<1x1x1x8x128xi32, #tpu.memory_space<hbm>> -> memref<8x128xi32, #tpu.memory_space<hbm>>
        tpu.enqueue_dma source(%dma_start3A_591 : memref<8x128xi32, #tpu.memory_space<hbm>>) target(%arg6 : memref<8x128xi32, #tpu.memory_space<vmem>>) target_semaphore(%arg14 : memref<!tpu.dma_semaphore, #tpu.memory_space<semaphore_mem>>)
        %dma_start3A_592 = arith.constant 0 : i32
        %dma_start3A_593 = arith.constant 0 : i32
        %dma_start3A_594 = tpu.memref_slice %arg4[%arg0, %arg1, %add3A_583, %dma_start3A_592, %dma_start3A_593] : memref<2x16x20x8x128xi32, #tpu.memory_space<hbm>> -> memref<1x1x1x8x128xi32, #tpu.memory_space<hbm>>
        %dma_start3A_595 = tpu.memref_squeeze %dma_start3A_594 : memref<1x1x1x8x128xi32, #tpu.memory_space<hbm>> -> memref<8x128xi32, #tpu.memory_space<hbm>>
        %dma_start3A_596 = arith.constant 0 : i32
        %dma_start3A_597 = arith.constant 0 : i32
        %dma_start3A_598 = tpu.memref_slice %arg4[%arg0, %arg1, %add3A_583, %dma_start3A_596, %dma_start3A_597] : memref<2x16x20x8x128xi32, #tpu.memory_space<hbm>> -> memref<1x1x1x8x128xi32, #tpu.memory_space<hbm>>
        %dma_start3A_599 = tpu.memref_squeeze %dma_start3A_598 : memref<1x1x1x8x128xi32, #tpu.memory_space<hbm>> -> memref<8x128xi32, #tpu.memory_space<hbm>>
        tpu.enqueue_dma source(%dma_start3A_599 : memref<8x128xi32, #tpu.memory_space<hbm>>) target(%arg8 : memref<8x128xi32, #tpu.memory_space<vmem>>) target_semaphore(%arg14 : memref<!tpu.dma_semaphore, #tpu.memory_space<semaphore_mem>>)
      } else {
      }
      %mul3A_345 = arith.constant 2 : i32
      %mul3A_346 = arith.muli %mul3A_345, %scan3A_107 : i32
      %add3A_347 = arith.constant 1 : i32
      %add3A_348 = arith.addi %mul3A_346, %add3A_347 : i32
      %dma_wait3A_349 = arith.constant 0 : i32
      %dma_wait3A_350 = arith.constant 0 : i32
      %dma_wait3A_351 = tpu.memref_slice %arg7[%dma_wait3A_349, %dma_wait3A_350] : memref<8x128xi32, #tpu.memory_space<vmem>> -> memref<1x128xi32, #tpu.memory_space<vmem>>
      %dma_wait3A_352 = tpu.memref_squeeze %dma_wait3A_351 : memref<1x128xi32, #tpu.memory_space<vmem>> -> memref<128xi32, #tpu.memory_space<vmem>>
      %dma_wait3A_353 = arith.constant 0 : i32
      %dma_wait3A_354 = arith.constant 0 : i32
      %dma_wait3A_355 = tpu.memref_slice %arg12[%dma_wait3A_353, %dma_wait3A_354] : memref<10240x160xbf16, #tpu.memory_space<vmem_shared>> -> memref<10240x160xbf16, #tpu.memory_space<vmem_shared>>
      tpu.wait_indirect_dma semaphore(%arg16 : memref<!tpu.dma_semaphore, #tpu.memory_space<semaphore_mem>>) src(%dma_wait3A_355 : memref<10240x160xbf16, #tpu.memory_space<vmem_shared>>) dst(%arg10 : memref<128x160xbf16, #tpu.memory_space<vmem>>)
      %dma_start3A_356 = arith.constant 0 : i32
      %dma_start3A_357 = arith.constant 0 : i32
      %dma_start3A_358 = tpu.memref_slice %arg9[%dma_start3A_356, %dma_start3A_357] : memref<8x128xi32, #tpu.memory_space<vmem>> -> memref<1x128xi32, #tpu.memory_space<vmem>>
      %dma_start3A_359 = tpu.memref_squeeze %dma_start3A_358 : memref<1x128xi32, #tpu.memory_space<vmem>> -> memref<128xi32, #tpu.memory_space<vmem>>
      %dma_start3A_360 = arith.constant 0 : i32
      %dma_start3A_361 = arith.constant 0 : i32
      %dma_start3A_362 = tpu.memref_slice %arg13[%dma_start3A_360, %dma_start3A_361] : memref<10240x160xbf16, #tpu.memory_space<vmem_shared>> -> memref<10240x160xbf16, #tpu.memory_space<vmem_shared>>
      tpu.enqueue_indirect_dma source(%arg10 : memref<128x160xbf16, #tpu.memory_space<vmem>>) target(%dma_start3A_362 : memref<10240x160xbf16, #tpu.memory_space<vmem_shared>>) offsets(%dma_start3A_359 : memref<128xi32, #tpu.memory_space<vmem>>) semaphore(%arg18 : memref<!tpu.dma_semaphore, #tpu.memory_space<semaphore_mem>>) {add = true}
      %dma_wait3A_363 = arith.constant 0 : i32
      %dma_wait3A_364 = arith.constant 0 : i32
      %dma_wait3A_365 = tpu.memref_slice %arg9[%dma_wait3A_363, %dma_wait3A_364] : memref<8x128xi32, #tpu.memory_space<vmem>> -> memref<1x128xi32, #tpu.memory_space<vmem>>
      %dma_wait3A_366 = tpu.memref_squeeze %dma_wait3A_365 : memref<1x128xi32, #tpu.memory_space<vmem>> -> memref<128xi32, #tpu.memory_space<vmem>>
      %dma_wait3A_367 = arith.constant 0 : i32
      %dma_wait3A_368 = arith.constant 0 : i32
      %dma_wait3A_369 = tpu.memref_slice %arg13[%dma_wait3A_367, %dma_wait3A_368] : memref<10240x160xbf16, #tpu.memory_space<vmem_shared>> -> memref<10240x160xbf16, #tpu.memory_space<vmem_shared>>
      tpu.wait_indirect_dma semaphore(%arg18 : memref<!tpu.dma_semaphore, #tpu.memory_space<semaphore_mem>>) src(%arg10 : memref<128x160xbf16, #tpu.memory_space<vmem>>) dst(%dma_wait3A_369 : memref<10240x160xbf16, #tpu.memory_space<vmem_shared>>)
      %dma_start3A_370 = arith.constant 2 : i32
      %dma_start3A_371 = arith.constant 0 : i32
      %dma_start3A_372 = tpu.memref_slice %arg7[%dma_start3A_370, %dma_start3A_371] : memref<8x128xi32, #tpu.memory_space<vmem>> -> memref<1x128xi32, #tpu.memory_space<vmem>>
      %dma_start3A_373 = tpu.memref_squeeze %dma_start3A_372 : memref<1x128xi32, #tpu.memory_space<vmem>> -> memref<128xi32, #tpu.memory_space<vmem>>
      %dma_start3A_374 = arith.constant 0 : i32
      %dma_start3A_375 = arith.constant 0 : i32
      %dma_start3A_376 = tpu.memref_slice %arg12[%dma_start3A_374, %dma_start3A_375] : memref<10240x160xbf16, #tpu.memory_space<vmem_shared>> -> memref<10240x160xbf16, #tpu.memory_space<vmem_shared>>
      tpu.enqueue_indirect_dma source(%dma_start3A_376 : memref<10240x160xbf16, #tpu.memory_space<vmem_shared>>) target(%arg10 : memref<128x160xbf16, #tpu.memory_space<vmem>>) offsets(%dma_start3A_373 : memref<128xi32, #tpu.memory_space<vmem>>) semaphore(%arg16 : memref<!tpu.dma_semaphore, #tpu.memory_space<semaphore_mem>>)
      %dma_wait3A_377 = arith.constant 1 : i32
      %dma_wait3A_378 = arith.constant 0 : i32
      %dma_wait3A_379 = tpu.memref_slice %arg7[%dma_wait3A_377, %dma_wait3A_378] : memref<8x128xi32, #tpu.memory_space<vmem>> -> memref<1x128xi32, #tpu.memory_space<vmem>>
      %dma_wait3A_380 = tpu.memref_squeeze %dma_wait3A_379 : memref<1x128xi32, #tpu.memory_space<vmem>> -> memref<128xi32, #tpu.memory_space<vmem>>
      %dma_wait3A_381 = arith.constant 0 : i32
      %dma_wait3A_382 = arith.constant 0 : i32
      %dma_wait3A_383 = tpu.memref_slice %arg12[%dma_wait3A_381, %dma_wait3A_382] : memref<10240x160xbf16, #tpu.memory_space<vmem_shared>> -> memref<10240x160xbf16, #tpu.memory_space<vmem_shared>>
      tpu.wait_indirect_dma semaphore(%arg17 : memref<!tpu.dma_semaphore, #tpu.memory_space<semaphore_mem>>) src(%dma_wait3A_383 : memref<10240x160xbf16, #tpu.memory_space<vmem_shared>>) dst(%arg11 : memref<128x160xbf16, #tpu.memory_space<vmem>>)
      %dma_start3A_384 = arith.constant 1 : i32
      %dma_start3A_385 = arith.constant 0 : i32
      %dma_start3A_386 = tpu.memref_slice %arg9[%dma_start3A_384, %dma_start3A_385] : memref<8x128xi32, #tpu.memory_space<vmem>> -> memref<1x128xi32, #tpu.memory_space<vmem>>
      %dma_start3A_387 = tpu.memref_squeeze %dma_start3A_386 : memref<1x128xi32, #tpu.memory_space<vmem>> -> memref<128xi32, #tpu.memory_space<vmem>>
      %dma_start3A_388 = arith.constant 0 : i32
      %dma_start3A_389 = arith.constant 0 : i32
      %dma_start3A_390 = tpu.memref_slice %arg13[%dma_start3A_388, %dma_start3A_389] : memref<10240x160xbf16, #tpu.memory_space<vmem_shared>> -> memref<10240x160xbf16, #tpu.memory_space<vmem_shared>>
      tpu.enqueue_indirect_dma source(%arg11 : memref<128x160xbf16, #tpu.memory_space<vmem>>) target(%dma_start3A_390 : memref<10240x160xbf16, #tpu.memory_space<vmem_shared>>) offsets(%dma_start3A_387 : memref<128xi32, #tpu.memory_space<vmem>>) semaphore(%arg19 : memref<!tpu.dma_semaphore, #tpu.memory_space<semaphore_mem>>) {add = true}
      %dma_wait3A_391 = arith.constant 1 : i32
      %dma_wait3A_392 = arith.constant 0 : i32
      %dma_wait3A_393 = tpu.memref_slice %arg9[%dma_wait3A_391, %dma_wait3A_392] : memref<8x128xi32, #tpu.memory_space<vmem>> -> memref<1x128xi32, #tpu.memory_space<vmem>>
      %dma_wait3A_394 = tpu.memref_squeeze %dma_wait3A_393 : memref<1x128xi32, #tpu.memory_space<vmem>> -> memref<128xi32, #tpu.memory_space<vmem>>
      %dma_wait3A_395 = arith.constant 0 : i32
      %dma_wait3A_396 = arith.constant 0 : i32
      %dma_wait3A_397 = tpu.memref_slice %arg13[%dma_wait3A_395, %dma_wait3A_396] : memref<10240x160xbf16, #tpu.memory_space<vmem_shared>> -> memref<10240x160xbf16, #tpu.memory_space<vmem_shared>>
      tpu.wait_indirect_dma semaphore(%arg19 : memref<!tpu.dma_semaphore, #tpu.memory_space<semaphore_mem>>) src(%arg11 : memref<128x160xbf16, #tpu.memory_space<vmem>>) dst(%dma_wait3A_397 : memref<10240x160xbf16, #tpu.memory_space<vmem_shared>>)
      %dma_start3A_398 = arith.constant 3 : i32
      %dma_start3A_399 = arith.constant 0 : i32
      %dma_start3A_400 = tpu.memref_slice %arg7[%dma_start3A_398, %dma_start3A_399] : memref<8x128xi32, #tpu.memory_space<vmem>> -> memref<1x128xi32, #tpu.memory_space<vmem>>
      %dma_start3A_401 = tpu.memref_squeeze %dma_start3A_400 : memref<1x128xi32, #tpu.memory_space<vmem>> -> memref<128xi32, #tpu.memory_space<vmem>>
      %dma_start3A_402 = arith.constant 0 : i32
      %dma_start3A_403 = arith.constant 0 : i32
      %dma_start3A_404 = tpu.memref_slice %arg12[%dma_start3A_402, %dma_start3A_403] : memref<10240x160xbf16, #tpu.memory_space<vmem_shared>> -> memref<10240x160xbf16, #tpu.memory_space<vmem_shared>>
      tpu.enqueue_indirect_dma source(%dma_start3A_404 : memref<10240x160xbf16, #tpu.memory_space<vmem_shared>>) target(%arg11 : memref<128x160xbf16, #tpu.memory_space<vmem>>) offsets(%dma_start3A_401 : memref<128xi32, #tpu.memory_space<vmem>>) semaphore(%arg17 : memref<!tpu.dma_semaphore, #tpu.memory_space<semaphore_mem>>)
      %dma_wait3A_405 = arith.constant 2 : i32
      %dma_wait3A_406 = arith.constant 0 : i32
      %dma_wait3A_407 = tpu.memref_slice %arg7[%dma_wait3A_405, %dma_wait3A_406] : memref<8x128xi32, #tpu.memory_space<vmem>> -> memref<1x128xi32, #tpu.memory_space<vmem>>
      %dma_wait3A_408 = tpu.memref_squeeze %dma_wait3A_407 : memref<1x128xi32, #tpu.memory_space<vmem>> -> memref<128xi32, #tpu.memory_space<vmem>>
      %dma_wait3A_409 = arith.constant 0 : i32
      %dma_wait3A_410 = arith.constant 0 : i32
      %dma_wait3A_411 = tpu.memref_slice %arg12[%dma_wait3A_409, %dma_wait3A_410] : memref<10240x160xbf16, #tpu.memory_space<vmem_shared>> -> memref<10240x160xbf16, #tpu.memory_space<vmem_shared>>
      tpu.wait_indirect_dma semaphore(%arg16 : memref<!tpu.dma_semaphore, #tpu.memory_space<semaphore_mem>>) src(%dma_wait3A_411 : memref<10240x160xbf16, #tpu.memory_space<vmem_shared>>) dst(%arg10 : memref<128x160xbf16, #tpu.memory_space<vmem>>)
      %dma_start3A_412 = arith.constant 2 : i32
      %dma_start3A_413 = arith.constant 0 : i32
      %dma_start3A_414 = tpu.memref_slice %arg9[%dma_start3A_412, %dma_start3A_413] : memref<8x128xi32, #tpu.memory_space<vmem>> -> memref<1x128xi32, #tpu.memory_space<vmem>>
      %dma_start3A_415 = tpu.memref_squeeze %dma_start3A_414 : memref<1x128xi32, #tpu.memory_space<vmem>> -> memref<128xi32, #tpu.memory_space<vmem>>
      %dma_start3A_416 = arith.constant 0 : i32
      %dma_start3A_417 = arith.constant 0 : i32
      %dma_start3A_418 = tpu.memref_slice %arg13[%dma_start3A_416, %dma_start3A_417] : memref<10240x160xbf16, #tpu.memory_space<vmem_shared>> -> memref<10240x160xbf16, #tpu.memory_space<vmem_shared>>
      tpu.enqueue_indirect_dma source(%arg10 : memref<128x160xbf16, #tpu.memory_space<vmem>>) target(%dma_start3A_418 : memref<10240x160xbf16, #tpu.memory_space<vmem_shared>>) offsets(%dma_start3A_415 : memref<128xi32, #tpu.memory_space<vmem>>) semaphore(%arg18 : memref<!tpu.dma_semaphore, #tpu.memory_space<semaphore_mem>>) {add = true}
      %dma_wait3A_419 = arith.constant 2 : i32
      %dma_wait3A_420 = arith.constant 0 : i32
      %dma_wait3A_421 = tpu.memref_slice %arg9[%dma_wait3A_419, %dma_wait3A_420] : memref<8x128xi32, #tpu.memory_space<vmem>> -> memref<1x128xi32, #tpu.memory_space<vmem>>
      %dma_wait3A_422 = tpu.memref_squeeze %dma_wait3A_421 : memref<1x128xi32, #tpu.memory_space<vmem>> -> memref<128xi32, #tpu.memory_space<vmem>>
      %dma_wait3A_423 = arith.constant 0 : i32
      %dma_wait3A_424 = arith.constant 0 : i32
      %dma_wait3A_425 = tpu.memref_slice %arg13[%dma_wait3A_423, %dma_wait3A_424] : memref<10240x160xbf16, #tpu.memory_space<vmem_shared>> -> memref<10240x160xbf16, #tpu.memory_space<vmem_shared>>
      tpu.wait_indirect_dma semaphore(%arg18 : memref<!tpu.dma_semaphore, #tpu.memory_space<semaphore_mem>>) src(%arg10 : memref<128x160xbf16, #tpu.memory_space<vmem>>) dst(%dma_wait3A_425 : memref<10240x160xbf16, #tpu.memory_space<vmem_shared>>)
      %dma_start3A_426 = arith.constant 4 : i32
      %dma_start3A_427 = arith.constant 0 : i32
      %dma_start3A_428 = tpu.memref_slice %arg7[%dma_start3A_426, %dma_start3A_427] : memref<8x128xi32, #tpu.memory_space<vmem>> -> memref<1x128xi32, #tpu.memory_space<vmem>>
      %dma_start3A_429 = tpu.memref_squeeze %dma_start3A_428 : memref<1x128xi32, #tpu.memory_space<vmem>> -> memref<128xi32, #tpu.memory_space<vmem>>
      %dma_start3A_430 = arith.constant 0 : i32
      %dma_start3A_431 = arith.constant 0 : i32
      %dma_start3A_432 = tpu.memref_slice %arg12[%dma_start3A_430, %dma_start3A_431] : memref<10240x160xbf16, #tpu.memory_space<vmem_shared>> -> memref<10240x160xbf16, #tpu.memory_space<vmem_shared>>
      tpu.enqueue_indirect_dma source(%dma_start3A_432 : memref<10240x160xbf16, #tpu.memory_space<vmem_shared>>) target(%arg10 : memref<128x160xbf16, #tpu.memory_space<vmem>>) offsets(%dma_start3A_429 : memref<128xi32, #tpu.memory_space<vmem>>) semaphore(%arg16 : memref<!tpu.dma_semaphore, #tpu.memory_space<semaphore_mem>>)
      %dma_wait3A_433 = arith.constant 3 : i32
      %dma_wait3A_434 = arith.constant 0 : i32
      %dma_wait3A_435 = tpu.memref_slice %arg7[%dma_wait3A_433, %dma_wait3A_434] : memref<8x128xi32, #tpu.memory_space<vmem>> -> memref<1x128xi32, #tpu.memory_space<vmem>>
      %dma_wait3A_436 = tpu.memref_squeeze %dma_wait3A_435 : memref<1x128xi32, #tpu.memory_space<vmem>> -> memref<128xi32, #tpu.memory_space<vmem>>
      %dma_wait3A_437 = arith.constant 0 : i32
      %dma_wait3A_438 = arith.constant 0 : i32
      %dma_wait3A_439 = tpu.memref_slice %arg12[%dma_wait3A_437, %dma_wait3A_438] : memref<10240x160xbf16, #tpu.memory_space<vmem_shared>> -> memref<10240x160xbf16, #tpu.memory_space<vmem_shared>>
      tpu.wait_indirect_dma semaphore(%arg17 : memref<!tpu.dma_semaphore, #tpu.memory_space<semaphore_mem>>) src(%dma_wait3A_439 : memref<10240x160xbf16, #tpu.memory_space<vmem_shared>>) dst(%arg11 : memref<128x160xbf16, #tpu.memory_space<vmem>>)
      %dma_start3A_440 = arith.constant 3 : i32
      %dma_start3A_441 = arith.constant 0 : i32
      %dma_start3A_442 = tpu.memref_slice %arg9[%dma_start3A_440, %dma_start3A_441] : memref<8x128xi32, #tpu.memory_space<vmem>> -> memref<1x128xi32, #tpu.memory_space<vmem>>
      %dma_start3A_443 = tpu.memref_squeeze %dma_start3A_442 : memref<1x128xi32, #tpu.memory_space<vmem>> -> memref<128xi32, #tpu.memory_space<vmem>>
      %dma_start3A_444 = arith.constant 0 : i32
      %dma_start3A_445 = arith.constant 0 : i32
      %dma_start3A_446 = tpu.memref_slice %arg13[%dma_start3A_444, %dma_start3A_445] : memref<10240x160xbf16, #tpu.memory_space<vmem_shared>> -> memref<10240x160xbf16, #tpu.memory_space<vmem_shared>>
      tpu.enqueue_indirect_dma source(%arg11 : memref<128x160xbf16, #tpu.memory_space<vmem>>) target(%dma_start3A_446 : memref<10240x160xbf16, #tpu.memory_space<vmem_shared>>) offsets(%dma_start3A_443 : memref<128xi32, #tpu.memory_space<vmem>>) semaphore(%arg19 : memref<!tpu.dma_semaphore, #tpu.memory_space<semaphore_mem>>) {add = true}
      %dma_wait3A_447 = arith.constant 3 : i32
      %dma_wait3A_448 = arith.constant 0 : i32
      %dma_wait3A_449 = tpu.memref_slice %arg9[%dma_wait3A_447, %dma_wait3A_448] : memref<8x128xi32, #tpu.memory_space<vmem>> -> memref<1x128xi32, #tpu.memory_space<vmem>>
      %dma_wait3A_450 = tpu.memref_squeeze %dma_wait3A_449 : memref<1x128xi32, #tpu.memory_space<vmem>> -> memref<128xi32, #tpu.memory_space<vmem>>
      %dma_wait3A_451 = arith.constant 0 : i32
      %dma_wait3A_452 = arith.constant 0 : i32
      %dma_wait3A_453 = tpu.memref_slice %arg13[%dma_wait3A_451, %dma_wait3A_452] : memref<10240x160xbf16, #tpu.memory_space<vmem_shared>> -> memref<10240x160xbf16, #tpu.memory_space<vmem_shared>>
      tpu.wait_indirect_dma semaphore(%arg19 : memref<!tpu.dma_semaphore, #tpu.memory_space<semaphore_mem>>) src(%arg11 : memref<128x160xbf16, #tpu.memory_space<vmem>>) dst(%dma_wait3A_453 : memref<10240x160xbf16, #tpu.memory_space<vmem_shared>>)
      %dma_start3A_454 = arith.constant 5 : i32
      %dma_start3A_455 = arith.constant 0 : i32
      %dma_start3A_456 = tpu.memref_slice %arg7[%dma_start3A_454, %dma_start3A_455] : memref<8x128xi32, #tpu.memory_space<vmem>> -> memref<1x128xi32, #tpu.memory_space<vmem>>
      %dma_start3A_457 = tpu.memref_squeeze %dma_start3A_456 : memref<1x128xi32, #tpu.memory_space<vmem>> -> memref<128xi32, #tpu.memory_space<vmem>>
      %dma_start3A_458 = arith.constant 0 : i32
      %dma_start3A_459 = arith.constant 0 : i32
      %dma_start3A_460 = tpu.memref_slice %arg12[%dma_start3A_458, %dma_start3A_459] : memref<10240x160xbf16, #tpu.memory_space<vmem_shared>> -> memref<10240x160xbf16, #tpu.memory_space<vmem_shared>>
      tpu.enqueue_indirect_dma source(%dma_start3A_460 : memref<10240x160xbf16, #tpu.memory_space<vmem_shared>>) target(%arg11 : memref<128x160xbf16, #tpu.memory_space<vmem>>) offsets(%dma_start3A_457 : memref<128xi32, #tpu.memory_space<vmem>>) semaphore(%arg17 : memref<!tpu.dma_semaphore, #tpu.memory_space<semaphore_mem>>)
      %dma_wait3A_461 = arith.constant 4 : i32
      %dma_wait3A_462 = arith.constant 0 : i32
      %dma_wait3A_463 = tpu.memref_slice %arg7[%dma_wait3A_461, %dma_wait3A_462] : memref<8x128xi32, #tpu.memory_space<vmem>> -> memref<1x128xi32, #tpu.memory_space<vmem>>
      %dma_wait3A_464 = tpu.memref_squeeze %dma_wait3A_463 : memref<1x128xi32, #tpu.memory_space<vmem>> -> memref<128xi32, #tpu.memory_space<vmem>>
      %dma_wait3A_465 = arith.constant 0 : i32
      %dma_wait3A_466 = arith.constant 0 : i32
      %dma_wait3A_467 = tpu.memref_slice %arg12[%dma_wait3A_465, %dma_wait3A_466] : memref<10240x160xbf16, #tpu.memory_space<vmem_shared>> -> memref<10240x160xbf16, #tpu.memory_space<vmem_shared>>
      tpu.wait_indirect_dma semaphore(%arg16 : memref<!tpu.dma_semaphore, #tpu.memory_space<semaphore_mem>>) src(%dma_wait3A_467 : memref<10240x160xbf16, #tpu.memory_space<vmem_shared>>) dst(%arg10 : memref<128x160xbf16, #tpu.memory_space<vmem>>)
      %dma_start3A_468 = arith.constant 4 : i32
      %dma_start3A_469 = arith.constant 0 : i32
      %dma_start3A_470 = tpu.memref_slice %arg9[%dma_start3A_468, %dma_start3A_469] : memref<8x128xi32, #tpu.memory_space<vmem>> -> memref<1x128xi32, #tpu.memory_space<vmem>>
      %dma_start3A_471 = tpu.memref_squeeze %dma_start3A_470 : memref<1x128xi32, #tpu.memory_space<vmem>> -> memref<128xi32, #tpu.memory_space<vmem>>
      %dma_start3A_472 = arith.constant 0 : i32
      %dma_start3A_473 = arith.constant 0 : i32
      %dma_start3A_474 = tpu.memref_slice %arg13[%dma_start3A_472, %dma_start3A_473] : memref<10240x160xbf16, #tpu.memory_space<vmem_shared>> -> memref<10240x160xbf16, #tpu.memory_space<vmem_shared>>
      tpu.enqueue_indirect_dma source(%arg10 : memref<128x160xbf16, #tpu.memory_space<vmem>>) target(%dma_start3A_474 : memref<10240x160xbf16, #tpu.memory_space<vmem_shared>>) offsets(%dma_start3A_471 : memref<128xi32, #tpu.memory_space<vmem>>) semaphore(%arg18 : memref<!tpu.dma_semaphore, #tpu.memory_space<semaphore_mem>>) {add = true}
      %dma_wait3A_475 = arith.constant 4 : i32
      %dma_wait3A_476 = arith.constant 0 : i32
      %dma_wait3A_477 = tpu.memref_slice %arg9[%dma_wait3A_475, %dma_wait3A_476] : memref<8x128xi32, #tpu.memory_space<vmem>> -> memref<1x128xi32, #tpu.memory_space<vmem>>
      %dma_wait3A_478 = tpu.memref_squeeze %dma_wait3A_477 : memref<1x128xi32, #tpu.memory_space<vmem>> -> memref<128xi32, #tpu.memory_space<vmem>>
      %dma_wait3A_479 = arith.constant 0 : i32
      %dma_wait3A_480 = arith.constant 0 : i32
      %dma_wait3A_481 = tpu.memref_slice %arg13[%dma_wait3A_479, %dma_wait3A_480] : memref<10240x160xbf16, #tpu.memory_space<vmem_shared>> -> memref<10240x160xbf16, #tpu.memory_space<vmem_shared>>
      tpu.wait_indirect_dma semaphore(%arg18 : memref<!tpu.dma_semaphore, #tpu.memory_space<semaphore_mem>>) src(%arg10 : memref<128x160xbf16, #tpu.memory_space<vmem>>) dst(%dma_wait3A_481 : memref<10240x160xbf16, #tpu.memory_space<vmem_shared>>)
      %dma_start3A_482 = arith.constant 6 : i32
      %dma_start3A_483 = arith.constant 0 : i32
      %dma_start3A_484 = tpu.memref_slice %arg7[%dma_start3A_482, %dma_start3A_483] : memref<8x128xi32, #tpu.memory_space<vmem>> -> memref<1x128xi32, #tpu.memory_space<vmem>>
      %dma_start3A_485 = tpu.memref_squeeze %dma_start3A_484 : memref<1x128xi32, #tpu.memory_space<vmem>> -> memref<128xi32, #tpu.memory_space<vmem>>
      %dma_start3A_486 = arith.constant 0 : i32
      %dma_start3A_487 = arith.constant 0 : i32
      %dma_start3A_488 = tpu.memref_slice %arg12[%dma_start3A_486, %dma_start3A_487] : memref<10240x160xbf16, #tpu.memory_space<vmem_shared>> -> memref<10240x160xbf16, #tpu.memory_space<vmem_shared>>
      tpu.enqueue_indirect_dma source(%dma_start3A_488 : memref<10240x160xbf16, #tpu.memory_space<vmem_shared>>) target(%arg10 : memref<128x160xbf16, #tpu.memory_space<vmem>>) offsets(%dma_start3A_485 : memref<128xi32, #tpu.memory_space<vmem>>) semaphore(%arg16 : memref<!tpu.dma_semaphore, #tpu.memory_space<semaphore_mem>>)
      %dma_wait3A_489 = arith.constant 5 : i32
      %dma_wait3A_490 = arith.constant 0 : i32
      %dma_wait3A_491 = tpu.memref_slice %arg7[%dma_wait3A_489, %dma_wait3A_490] : memref<8x128xi32, #tpu.memory_space<vmem>> -> memref<1x128xi32, #tpu.memory_space<vmem>>
      %dma_wait3A_492 = tpu.memref_squeeze %dma_wait3A_491 : memref<1x128xi32, #tpu.memory_space<vmem>> -> memref<128xi32, #tpu.memory_space<vmem>>
      %dma_wait3A_493 = arith.constant 0 : i32
      %dma_wait3A_494 = arith.constant 0 : i32
      %dma_wait3A_495 = tpu.memref_slice %arg12[%dma_wait3A_493, %dma_wait3A_494] : memref<10240x160xbf16, #tpu.memory_space<vmem_shared>> -> memref<10240x160xbf16, #tpu.memory_space<vmem_shared>>
      tpu.wait_indirect_dma semaphore(%arg17 : memref<!tpu.dma_semaphore, #tpu.memory_space<semaphore_mem>>) src(%dma_wait3A_495 : memref<10240x160xbf16, #tpu.memory_space<vmem_shared>>) dst(%arg11 : memref<128x160xbf16, #tpu.memory_space<vmem>>)
      %dma_start3A_496 = arith.constant 5 : i32
      %dma_start3A_497 = arith.constant 0 : i32
      %dma_start3A_498 = tpu.memref_slice %arg9[%dma_start3A_496, %dma_start3A_497] : memref<8x128xi32, #tpu.memory_space<vmem>> -> memref<1x128xi32, #tpu.memory_space<vmem>>
      %dma_start3A_499 = tpu.memref_squeeze %dma_start3A_498 : memref<1x128xi32, #tpu.memory_space<vmem>> -> memref<128xi32, #tpu.memory_space<vmem>>
      %dma_start3A_500 = arith.constant 0 : i32
      %dma_start3A_501 = arith.constant 0 : i32
      %dma_start3A_502 = tpu.memref_slice %arg13[%dma_start3A_500, %dma_start3A_501] : memref<10240x160xbf16, #tpu.memory_space<vmem_shared>> -> memref<10240x160xbf16, #tpu.memory_space<vmem_shared>>
      tpu.enqueue_indirect_dma source(%arg11 : memref<128x160xbf16, #tpu.memory_space<vmem>>) target(%dma_start3A_502 : memref<10240x160xbf16, #tpu.memory_space<vmem_shared>>) offsets(%dma_start3A_499 : memref<128xi32, #tpu.memory_space<vmem>>) semaphore(%arg19 : memref<!tpu.dma_semaphore, #tpu.memory_space<semaphore_mem>>) {add = true}
      %dma_wait3A_503 = arith.constant 5 : i32
      %dma_wait3A_504 = arith.constant 0 : i32
      %dma_wait3A_505 = tpu.memref_slice %arg9[%dma_wait3A_503, %dma_wait3A_504] : memref<8x128xi32, #tpu.memory_space<vmem>> -> memref<1x128xi32, #tpu.memory_space<vmem>>
      %dma_wait3A_506 = tpu.memref_squeeze %dma_wait3A_505 : memref<1x128xi32, #tpu.memory_space<vmem>> -> memref<128xi32, #tpu.memory_space<vmem>>
      %dma_wait3A_507 = arith.constant 0 : i32
      %dma_wait3A_508 = arith.constant 0 : i32
      %dma_wait3A_509 = tpu.memref_slice %arg13[%dma_wait3A_507, %dma_wait3A_508] : memref<10240x160xbf16, #tpu.memory_space<vmem_shared>> -> memref<10240x160xbf16, #tpu.memory_space<vmem_shared>>
      tpu.wait_indirect_dma semaphore(%arg19 : memref<!tpu.dma_semaphore, #tpu.memory_space<semaphore_mem>>) src(%arg11 : memref<128x160xbf16, #tpu.memory_space<vmem>>) dst(%dma_wait3A_509 : memref<10240x160xbf16, #tpu.memory_space<vmem_shared>>)
      %dma_start3A_510 = arith.constant 7 : i32
      %dma_start3A_511 = arith.constant 0 : i32
      %dma_start3A_512 = tpu.memref_slice %arg7[%dma_start3A_510, %dma_start3A_511] : memref<8x128xi32, #tpu.memory_space<vmem>> -> memref<1x128xi32, #tpu.memory_space<vmem>>
      %dma_start3A_513 = tpu.memref_squeeze %dma_start3A_512 : memref<1x128xi32, #tpu.memory_space<vmem>> -> memref<128xi32, #tpu.memory_space<vmem>>
      %dma_start3A_514 = arith.constant 0 : i32
      %dma_start3A_515 = arith.constant 0 : i32
      %dma_start3A_516 = tpu.memref_slice %arg12[%dma_start3A_514, %dma_start3A_515] : memref<10240x160xbf16, #tpu.memory_space<vmem_shared>> -> memref<10240x160xbf16, #tpu.memory_space<vmem_shared>>
      tpu.enqueue_indirect_dma source(%dma_start3A_516 : memref<10240x160xbf16, #tpu.memory_space<vmem_shared>>) target(%arg11 : memref<128x160xbf16, #tpu.memory_space<vmem>>) offsets(%dma_start3A_513 : memref<128xi32, #tpu.memory_space<vmem>>) semaphore(%arg17 : memref<!tpu.dma_semaphore, #tpu.memory_space<semaphore_mem>>)
      %dma_wait3A_517 = arith.constant 6 : i32
      %dma_wait3A_518 = arith.constant 0 : i32
      %dma_wait3A_519 = tpu.memref_slice %arg7[%dma_wait3A_517, %dma_wait3A_518] : memref<8x128xi32, #tpu.memory_space<vmem>> -> memref<1x128xi32, #tpu.memory_space<vmem>>
      %dma_wait3A_520 = tpu.memref_squeeze %dma_wait3A_519 : memref<1x128xi32, #tpu.memory_space<vmem>> -> memref<128xi32, #tpu.memory_space<vmem>>
      %dma_wait3A_521 = arith.constant 0 : i32
      %dma_wait3A_522 = arith.constant 0 : i32
      %dma_wait3A_523 = tpu.memref_slice %arg12[%dma_wait3A_521, %dma_wait3A_522] : memref<10240x160xbf16, #tpu.memory_space<vmem_shared>> -> memref<10240x160xbf16, #tpu.memory_space<vmem_shared>>
      tpu.wait_indirect_dma semaphore(%arg16 : memref<!tpu.dma_semaphore, #tpu.memory_space<semaphore_mem>>) src(%dma_wait3A_523 : memref<10240x160xbf16, #tpu.memory_space<vmem_shared>>) dst(%arg10 : memref<128x160xbf16, #tpu.memory_space<vmem>>)
      %dma_start3A_524 = arith.constant 6 : i32
      %dma_start3A_525 = arith.constant 0 : i32
      %dma_start3A_526 = tpu.memref_slice %arg9[%dma_start3A_524, %dma_start3A_525] : memref<8x128xi32, #tpu.memory_space<vmem>> -> memref<1x128xi32, #tpu.memory_space<vmem>>
      %dma_start3A_527 = tpu.memref_squeeze %dma_start3A_526 : memref<1x128xi32, #tpu.memory_space<vmem>> -> memref<128xi32, #tpu.memory_space<vmem>>
      %dma_start3A_528 = arith.constant 0 : i32
      %dma_start3A_529 = arith.constant 0 : i32
      %dma_start3A_530 = tpu.memref_slice %arg13[%dma_start3A_528, %dma_start3A_529] : memref<10240x160xbf16, #tpu.memory_space<vmem_shared>> -> memref<10240x160xbf16, #tpu.memory_space<vmem_shared>>
      tpu.enqueue_indirect_dma source(%arg10 : memref<128x160xbf16, #tpu.memory_space<vmem>>) target(%dma_start3A_530 : memref<10240x160xbf16, #tpu.memory_space<vmem_shared>>) offsets(%dma_start3A_527 : memref<128xi32, #tpu.memory_space<vmem>>) semaphore(%arg18 : memref<!tpu.dma_semaphore, #tpu.memory_space<semaphore_mem>>) {add = true}
      %dma_wait3A_531 = arith.constant 6 : i32
      %dma_wait3A_532 = arith.constant 0 : i32
      %dma_wait3A_533 = tpu.memref_slice %arg9[%dma_wait3A_531, %dma_wait3A_532] : memref<8x128xi32, #tpu.memory_space<vmem>> -> memref<1x128xi32, #tpu.memory_space<vmem>>
      %dma_wait3A_534 = tpu.memref_squeeze %dma_wait3A_533 : memref<1x128xi32, #tpu.memory_space<vmem>> -> memref<128xi32, #tpu.memory_space<vmem>>
      %dma_wait3A_535 = arith.constant 0 : i32
      %dma_wait3A_536 = arith.constant 0 : i32
      %dma_wait3A_537 = tpu.memref_slice %arg13[%dma_wait3A_535, %dma_wait3A_536] : memref<10240x160xbf16, #tpu.memory_space<vmem_shared>> -> memref<10240x160xbf16, #tpu.memory_space<vmem_shared>>
      tpu.wait_indirect_dma semaphore(%arg18 : memref<!tpu.dma_semaphore, #tpu.memory_space<semaphore_mem>>) src(%arg10 : memref<128x160xbf16, #tpu.memory_space<vmem>>) dst(%dma_wait3A_537 : memref<10240x160xbf16, #tpu.memory_space<vmem_shared>>)
      %lt3A_538 = arith.constant 19 : i32
      %lt3A_539 = arith.cmpi slt, %add3A_348, %lt3A_538 : i32
      %convert_element_type3A_540 = arith.extui %lt3A_539 : i1 to i32
      %cond3A_541 = arith.constant 0 : i32
      %cond3A_542 = arith.cmpi ne, %convert_element_type3A_540, %cond3A_541 : i32
      scf.if %cond3A_542 {
        %dma_wait3A_582 = arith.constant 0 : i32
        %dma_wait3A_583 = arith.constant 0 : i32
        %dma_wait3A_584 = arith.constant 0 : i32
        %dma_wait3A_585 = tpu.memref_slice %arg3[%arg0, %arg1, %dma_wait3A_582, %dma_wait3A_583, %dma_wait3A_584] : memref<2x16x20x8x128xi32, #tpu.memory_space<hbm>> -> memref<1x1x1x8x128xi32, #tpu.memory_space<hbm>>
        %dma_wait3A_586 = tpu.memref_squeeze %dma_wait3A_585 : memref<1x1x1x8x128xi32, #tpu.memory_space<hbm>> -> memref<8x128xi32, #tpu.memory_space<hbm>>
        %dma_wait3A_587 = arith.constant 0 : i32
        %dma_wait3A_588 = arith.constant 0 : i32
        %dma_wait3A_589 = tpu.memref_slice %arg3[%arg0, %arg1, %dma_wait3A_582, %dma_wait3A_587, %dma_wait3A_588] : memref<2x16x20x8x128xi32, #tpu.memory_space<hbm>> -> memref<1x1x1x8x128xi32, #tpu.memory_space<hbm>>
        %dma_wait3A_590 = tpu.memref_squeeze %dma_wait3A_589 : memref<1x1x1x8x128xi32, #tpu.memory_space<hbm>> -> memref<8x128xi32, #tpu.memory_space<hbm>>
        tpu.wait_dma2 semaphore(%arg14 : memref<!tpu.dma_semaphore, #tpu.memory_space<semaphore_mem>>) src(%dma_wait3A_590 : memref<8x128xi32, #tpu.memory_space<hbm>>) dst(%arg6 : memref<8x128xi32, #tpu.memory_space<vmem>>)
        %dma_wait3A_591 = arith.constant 0 : i32
        %dma_wait3A_592 = arith.constant 0 : i32
        %dma_wait3A_593 = arith.constant 0 : i32
        %dma_wait3A_594 = tpu.memref_slice %arg4[%arg0, %arg1, %dma_wait3A_591, %dma_wait3A_592, %dma_wait3A_593] : memref<2x16x20x8x128xi32, #tpu.memory_space<hbm>> -> memref<1x1x1x8x128xi32, #tpu.memory_space<hbm>>
        %dma_wait3A_595 = tpu.memref_squeeze %dma_wait3A_594 : memref<1x1x1x8x128xi32, #tpu.memory_space<hbm>> -> memref<8x128xi32, #tpu.memory_space<hbm>>
        %dma_wait3A_596 = arith.constant 0 : i32
        %dma_wait3A_597 = arith.constant 0 : i32
        %dma_wait3A_598 = tpu.memref_slice %arg4[%arg0, %arg1, %dma_wait3A_591, %dma_wait3A_596, %dma_wait3A_597] : memref<2x16x20x8x128xi32, #tpu.memory_space<hbm>> -> memref<1x1x1x8x128xi32, #tpu.memory_space<hbm>>
        %dma_wait3A_599 = tpu.memref_squeeze %dma_wait3A_598 : memref<1x1x1x8x128xi32, #tpu.memory_space<hbm>> -> memref<8x128xi32, #tpu.memory_space<hbm>>
        tpu.wait_dma2 semaphore(%arg14 : memref<!tpu.dma_semaphore, #tpu.memory_space<semaphore_mem>>) src(%dma_wait3A_599 : memref<8x128xi32, #tpu.memory_space<hbm>>) dst(%arg8 : memref<8x128xi32, #tpu.memory_space<vmem>>)
      } else {
      }
      %lt3A_543 = arith.constant 19 : i32
      %lt3A_544 = arith.cmpi slt, %add3A_348, %lt3A_543 : i32
      %convert_element_type3A_545 = arith.extui %lt3A_544 : i1 to i32
      %cond3A_546 = arith.constant 0 : i32
      %cond3A_547 = arith.cmpi ne, %convert_element_type3A_545, %cond3A_546 : i32
      scf.if %cond3A_547 {
        %dma_start3A_582 = arith.constant 0 : i32
        %dma_start3A_583 = arith.constant 0 : i32
        %dma_start3A_584 = tpu.memref_slice %arg6[%dma_start3A_582, %dma_start3A_583] : memref<8x128xi32, #tpu.memory_space<vmem>> -> memref<1x128xi32, #tpu.memory_space<vmem>>
        %dma_start3A_585 = tpu.memref_squeeze %dma_start3A_584 : memref<1x128xi32, #tpu.memory_space<vmem>> -> memref<128xi32, #tpu.memory_space<vmem>>
        %dma_start3A_586 = arith.constant 0 : i32
        %dma_start3A_587 = arith.constant 0 : i32
        %dma_start3A_588 = tpu.memref_slice %arg12[%dma_start3A_586, %dma_start3A_587] : memref<10240x160xbf16, #tpu.memory_space<vmem_shared>> -> memref<10240x160xbf16, #tpu.memory_space<vmem_shared>>
        tpu.enqueue_indirect_dma source(%dma_start3A_588 : memref<10240x160xbf16, #tpu.memory_space<vmem_shared>>) target(%arg10 : memref<128x160xbf16, #tpu.memory_space<vmem>>) offsets(%dma_start3A_585 : memref<128xi32, #tpu.memory_space<vmem>>) semaphore(%arg16 : memref<!tpu.dma_semaphore, #tpu.memory_space<semaphore_mem>>)
      } else {
      }
      %dma_wait3A_548 = arith.constant 7 : i32
      %dma_wait3A_549 = arith.constant 0 : i32
      %dma_wait3A_550 = tpu.memref_slice %arg7[%dma_wait3A_548, %dma_wait3A_549] : memref<8x128xi32, #tpu.memory_space<vmem>> -> memref<1x128xi32, #tpu.memory_space<vmem>>
      %dma_wait3A_551 = tpu.memref_squeeze %dma_wait3A_550 : memref<1x128xi32, #tpu.memory_space<vmem>> -> memref<128xi32, #tpu.memory_space<vmem>>
      %dma_wait3A_552 = arith.constant 0 : i32
      %dma_wait3A_553 = arith.constant 0 : i32
      %dma_wait3A_554 = tpu.memref_slice %arg12[%dma_wait3A_552, %dma_wait3A_553] : memref<10240x160xbf16, #tpu.memory_space<vmem_shared>> -> memref<10240x160xbf16, #tpu.memory_space<vmem_shared>>
      tpu.wait_indirect_dma semaphore(%arg17 : memref<!tpu.dma_semaphore, #tpu.memory_space<semaphore_mem>>) src(%dma_wait3A_554 : memref<10240x160xbf16, #tpu.memory_space<vmem_shared>>) dst(%arg11 : memref<128x160xbf16, #tpu.memory_space<vmem>>)
      %dma_start3A_555 = arith.constant 7 : i32
      %dma_start3A_556 = arith.constant 0 : i32
      %dma_start3A_557 = tpu.memref_slice %arg9[%dma_start3A_555, %dma_start3A_556] : memref<8x128xi32, #tpu.memory_space<vmem>> -> memref<1x128xi32, #tpu.memory_space<vmem>>
      %dma_start3A_558 = tpu.memref_squeeze %dma_start3A_557 : memref<1x128xi32, #tpu.memory_space<vmem>> -> memref<128xi32, #tpu.memory_space<vmem>>
      %dma_start3A_559 = arith.constant 0 : i32
      %dma_start3A_560 = arith.constant 0 : i32
      %dma_start3A_561 = tpu.memref_slice %arg13[%dma_start3A_559, %dma_start3A_560] : memref<10240x160xbf16, #tpu.memory_space<vmem_shared>> -> memref<10240x160xbf16, #tpu.memory_space<vmem_shared>>
      tpu.enqueue_indirect_dma source(%arg11 : memref<128x160xbf16, #tpu.memory_space<vmem>>) target(%dma_start3A_561 : memref<10240x160xbf16, #tpu.memory_space<vmem_shared>>) offsets(%dma_start3A_558 : memref<128xi32, #tpu.memory_space<vmem>>) semaphore(%arg19 : memref<!tpu.dma_semaphore, #tpu.memory_space<semaphore_mem>>) {add = true}
      %dma_wait3A_562 = arith.constant 7 : i32
      %dma_wait3A_563 = arith.constant 0 : i32
      %dma_wait3A_564 = tpu.memref_slice %arg9[%dma_wait3A_562, %dma_wait3A_563] : memref<8x128xi32, #tpu.memory_space<vmem>> -> memref<1x128xi32, #tpu.memory_space<vmem>>
      %dma_wait3A_565 = tpu.memref_squeeze %dma_wait3A_564 : memref<1x128xi32, #tpu.memory_space<vmem>> -> memref<128xi32, #tpu.memory_space<vmem>>
      %dma_wait3A_566 = arith.constant 0 : i32
      %dma_wait3A_567 = arith.constant 0 : i32
      %dma_wait3A_568 = tpu.memref_slice %arg13[%dma_wait3A_566, %dma_wait3A_567] : memref<10240x160xbf16, #tpu.memory_space<vmem_shared>> -> memref<10240x160xbf16, #tpu.memory_space<vmem_shared>>
      tpu.wait_indirect_dma semaphore(%arg19 : memref<!tpu.dma_semaphore, #tpu.memory_space<semaphore_mem>>) src(%arg11 : memref<128x160xbf16, #tpu.memory_space<vmem>>) dst(%dma_wait3A_568 : memref<10240x160xbf16, #tpu.memory_space<vmem_shared>>)
      %lt3A_569 = arith.constant 19 : i32
      %lt3A_570 = arith.cmpi slt, %add3A_348, %lt3A_569 : i32
      %convert_element_type3A_571 = arith.extui %lt3A_570 : i1 to i32
      %cond3A_572 = arith.constant 0 : i32
      %cond3A_573 = arith.cmpi ne, %convert_element_type3A_571, %cond3A_572 : i32
      scf.if %cond3A_573 {
        %dma_start3A_582 = arith.constant 1 : i32
        %dma_start3A_583 = arith.constant 0 : i32
        %dma_start3A_584 = tpu.memref_slice %arg6[%dma_start3A_582, %dma_start3A_583] : memref<8x128xi32, #tpu.memory_space<vmem>> -> memref<1x128xi32, #tpu.memory_space<vmem>>
        %dma_start3A_585 = tpu.memref_squeeze %dma_start3A_584 : memref<1x128xi32, #tpu.memory_space<vmem>> -> memref<128xi32, #tpu.memory_space<vmem>>
        %dma_start3A_586 = arith.constant 0 : i32
        %dma_start3A_587 = arith.constant 0 : i32
        %dma_start3A_588 = tpu.memref_slice %arg12[%dma_start3A_586, %dma_start3A_587] : memref<10240x160xbf16, #tpu.memory_space<vmem_shared>> -> memref<10240x160xbf16, #tpu.memory_space<vmem_shared>>
        tpu.enqueue_indirect_dma source(%dma_start3A_588 : memref<10240x160xbf16, #tpu.memory_space<vmem_shared>>) target(%arg11 : memref<128x160xbf16, #tpu.memory_space<vmem>>) offsets(%dma_start3A_585 : memref<128xi32, #tpu.memory_space<vmem>>) semaphore(%arg17 : memref<!tpu.dma_semaphore, #tpu.memory_space<semaphore_mem>>)
      } else {
      }
      %add3A_574 = arith.constant 2 : i32
      %add3A_575 = arith.addi %add3A_348, %add3A_574 : i32
      %lt3A_576 = arith.constant 20 : i32
      %lt3A_577 = arith.cmpi slt, %add3A_575, %lt3A_576 : i32
      %convert_element_type3A_578 = arith.extui %lt3A_577 : i1 to i32
      %cond3A_579 = arith.constant 0 : i32
      %cond3A_580 = arith.cmpi ne, %convert_element_type3A_578, %cond3A_579 : i32
      scf.if %cond3A_580 {
        %add3A_582 = arith.constant 2 : i32
        %add3A_583 = arith.addi %add3A_348, %add3A_582 : i32
        %dma_start3A_584 = arith.constant 0 : i32
        %dma_start3A_585 = arith.constant 0 : i32
        %dma_start3A_586 = tpu.memref_slice %arg3[%arg0, %arg1, %add3A_583, %dma_start3A_584, %dma_start3A_585] : memref<2x16x20x8x128xi32, #tpu.memory_space<hbm>> -> memref<1x1x1x8x128xi32, #tpu.memory_space<hbm>>
        %dma_start3A_587 = tpu.memref_squeeze %dma_start3A_586 : memref<1x1x1x8x128xi32, #tpu.memory_space<hbm>> -> memref<8x128xi32, #tpu.memory_space<hbm>>
        %dma_start3A_588 = arith.constant 0 : i32
        %dma_start3A_589 = arith.constant 0 : i32
        %dma_start3A_590 = tpu.memref_slice %arg3[%arg0, %arg1, %add3A_583, %dma_start3A_588, %dma_start3A_589] : memref<2x16x20x8x128xi32, #tpu.memory_space<hbm>> -> memref<1x1x1x8x128xi32, #tpu.memory_space<hbm>>
        %dma_start3A_591 = tpu.memref_squeeze %dma_start3A_590 : memref<1x1x1x8x128xi32, #tpu.memory_space<hbm>> -> memref<8x128xi32, #tpu.memory_space<hbm>>
        tpu.enqueue_dma source(%dma_start3A_591 : memref<8x128xi32, #tpu.memory_space<hbm>>) target(%arg7 : memref<8x128xi32, #tpu.memory_space<vmem>>) target_semaphore(%arg15 : memref<!tpu.dma_semaphore, #tpu.memory_space<semaphore_mem>>)
        %dma_start3A_592 = arith.constant 0 : i32
        %dma_start3A_593 = arith.constant 0 : i32
        %dma_start3A_594 = tpu.memref_slice %arg4[%arg0, %arg1, %add3A_583, %dma_start3A_592, %dma_start3A_593] : memref<2x16x20x8x128xi32, #tpu.memory_space<hbm>> -> memref<1x1x1x8x128xi32, #tpu.memory_space<hbm>>
        %dma_start3A_595 = tpu.memref_squeeze %dma_start3A_594 : memref<1x1x1x8x128xi32, #tpu.memory_space<hbm>> -> memref<8x128xi32, #tpu.memory_space<hbm>>
        %dma_start3A_596 = arith.constant 0 : i32
        %dma_start3A_597 = arith.constant 0 : i32
        %dma_start3A_598 = tpu.memref_slice %arg4[%arg0, %arg1, %add3A_583, %dma_start3A_596, %dma_start3A_597] : memref<2x16x20x8x128xi32, #tpu.memory_space<hbm>> -> memref<1x1x1x8x128xi32, #tpu.memory_space<hbm>>
        %dma_start3A_599 = tpu.memref_squeeze %dma_start3A_598 : memref<1x1x1x8x128xi32, #tpu.memory_space<hbm>> -> memref<8x128xi32, #tpu.memory_space<hbm>>
        tpu.enqueue_dma source(%dma_start3A_599 : memref<8x128xi32, #tpu.memory_space<hbm>>) target(%arg9 : memref<8x128xi32, #tpu.memory_space<vmem>>) target_semaphore(%arg15 : memref<!tpu.dma_semaphore, #tpu.memory_space<semaphore_mem>>)
      } else {
      }
      %scan3A_581 = arith.constant 0 : i32
      scf.yield %scan3A_581 : i32
    }
    %scan3A_95 = arith.constant 10 : i32
    %barrier3A_96 = arith.constant 0 : index
    tpu.barrier barrier_id(%barrier3A_96)
    %lt3A_97 = arith.constant 15 : i32
    %lt3A_98 = arith.cmpi slt, %arg1, %lt3A_97 : i32
    %convert_element_type3A_99 = arith.extui %lt3A_98 : i1 to i32
    %cond3A_100 = arith.constant 0 : i32
    %cond3A_101 = arith.cmpi ne, %convert_element_type3A_99, %cond3A_100 : i32
    scf.if %cond3A_101 {
      "tpu.region"() ({
        %run_scoped3A = tpu.sem_alloc : memref<!tpu.dma_semaphore, #tpu.memory_space<semaphore_mem>>
        %dma_start3A_107 = arith.constant 0 : i32
        %dma_start3A_108 = tpu.memref_slice %arg5[%arg0, %mul3A_0, %dma_start3A_107] : memref<2x10000x160xbf16, #tpu.memory_space<hbm>> -> memref<1x640x160xbf16, #tpu.memory_space<hbm>>
        %dma_start3A_109 = tpu.memref_squeeze %dma_start3A_108 : memref<1x640x160xbf16, #tpu.memory_space<hbm>> -> memref<640x160xbf16, #tpu.memory_space<hbm>>
        %dma_start3A_110 = arith.constant 0 : i32
        %dma_start3A_111 = tpu.memref_slice %arg13[%mul3A_0, %dma_start3A_110] : memref<10240x160xbf16, #tpu.memory_space<vmem_shared>> -> memref<640x160xbf16, #tpu.memory_space<vmem_shared>>
        tpu.enqueue_dma source(%dma_start3A_111 : memref<640x160xbf16, #tpu.memory_space<vmem_shared>>) target(%dma_start3A_109 : memref<640x160xbf16, #tpu.memory_space<hbm>>) target_semaphore(%run_scoped3A : memref<!tpu.dma_semaphore, #tpu.memory_space<semaphore_mem>>)
        %dma_wait3A_112 = arith.constant 0 : i32
        %dma_wait3A_113 = tpu.memref_slice %arg5[%arg0, %mul3A_0, %dma_wait3A_112] : memref<2x10000x160xbf16, #tpu.memory_space<hbm>> -> memref<1x640x160xbf16, #tpu.memory_space<hbm>>
        %dma_wait3A_114 = tpu.memref_squeeze %dma_wait3A_113 : memref<1x640x160xbf16, #tpu.memory_space<hbm>> -> memref<640x160xbf16, #tpu.memory_space<hbm>>
        %dma_wait3A_115 = arith.constant 0 : i32
        %dma_wait3A_116 = tpu.memref_slice %arg13[%mul3A_0, %dma_wait3A_115] : memref<10240x160xbf16, #tpu.memory_space<vmem_shared>> -> memref<640x160xbf16, #tpu.memory_space<vmem_shared>>
        tpu.wait_dma2 semaphore(%run_scoped3A : memref<!tpu.dma_semaphore, #tpu.memory_space<semaphore_mem>>) src(%dma_wait3A_116 : memref<640x160xbf16, #tpu.memory_space<vmem_shared>>) dst(%dma_wait3A_114 : memref<640x160xbf16, #tpu.memory_space<hbm>>)
        tpu.yield
      }) : () -> ()
    } else {
    }
    %eq3A_102 = arith.constant 15 : i32
    %eq3A_103 = arith.cmpi eq, %arg1, %eq3A_102 : i32
    %convert_element_type3A_104 = arith.extui %eq3A_103 : i1 to i32
    %cond3A_105 = arith.constant 0 : i32
    %cond3A_106 = arith.cmpi ne, %convert_element_type3A_104, %cond3A_105 : i32
    scf.if %cond3A_106 {
      "tpu.region"() ({
        %run_scoped3A = tpu.sem_alloc : memref<!tpu.dma_semaphore, #tpu.memory_space<semaphore_mem>>
        %dma_start3A_107 = arith.constant 0 : i32
        %dma_start3A_108 = tpu.memref_slice %arg5[%arg0, %mul3A_0, %dma_start3A_107] : memref<2x10000x160xbf16, #tpu.memory_space<hbm>> -> memref<1x400x160xbf16, #tpu.memory_space<hbm>>
        %dma_start3A_109 = tpu.memref_squeeze %dma_start3A_108 : memref<1x400x160xbf16, #tpu.memory_space<hbm>> -> memref<400x160xbf16, #tpu.memory_space<hbm>>
        %dma_start3A_110 = arith.constant 0 : i32
        %dma_start3A_111 = tpu.memref_slice %arg13[%mul3A_0, %dma_start3A_110] : memref<10240x160xbf16, #tpu.memory_space<vmem_shared>> -> memref<400x160xbf16, #tpu.memory_space<vmem_shared>>
        tpu.enqueue_dma source(%dma_start3A_111 : memref<400x160xbf16, #tpu.memory_space<vmem_shared>>) target(%dma_start3A_109 : memref<400x160xbf16, #tpu.memory_space<hbm>>) target_semaphore(%run_scoped3A : memref<!tpu.dma_semaphore, #tpu.memory_space<semaphore_mem>>)
        %dma_wait3A_112 = arith.constant 0 : i32
        %dma_wait3A_113 = tpu.memref_slice %arg5[%arg0, %mul3A_0, %dma_wait3A_112] : memref<2x10000x160xbf16, #tpu.memory_space<hbm>> -> memref<1x400x160xbf16, #tpu.memory_space<hbm>>
        %dma_wait3A_114 = tpu.memref_squeeze %dma_wait3A_113 : memref<1x400x160xbf16, #tpu.memory_space<hbm>> -> memref<400x160xbf16, #tpu.memory_space<hbm>>
        %dma_wait3A_115 = arith.constant 0 : i32
        %dma_wait3A_116 = tpu.memref_slice %arg13[%mul3A_0, %dma_wait3A_115] : memref<10240x160xbf16, #tpu.memory_space<vmem_shared>> -> memref<400x160xbf16, #tpu.memory_space<vmem_shared>>
        tpu.wait_dma2 semaphore(%run_scoped3A : memref<!tpu.dma_semaphore, #tpu.memory_space<semaphore_mem>>) src(%dma_wait3A_116 : memref<400x160xbf16, #tpu.memory_space<vmem_shared>>) dst(%dma_wait3A_114 : memref<400x160xbf16, #tpu.memory_space<hbm>>)
        tpu.yield
      }) : () -> ()
    } else {
    }
    return
  }
}

#map = affine_map<(d0, d1) -> (0, 0, 0)>
#map1 = affine_map<(d0, d1) -> (0, 0, 0, 0, 0)>
module attributes {stable_mosaic.version = 14 : i64} {
  func.func @_agg_body(%arg0: i32, %arg1: i32, %arg2: memref<2x10000x128xbf16, #tpu.memory_space<hbm>>, %arg3: memref<2x16x20x8x128xi32, #tpu.memory_space<hbm>>, %arg4: memref<2x16x20x8x128xi32, #tpu.memory_space<hbm>>, %arg5: memref<2x10000x128xbf16, #tpu.memory_space<hbm>>, %arg6: memref<8x128xi32, #tpu.memory_space<vmem>>, %arg7: memref<8x128xi32, #tpu.memory_space<vmem>>, %arg8: memref<8x128xi32, #tpu.memory_space<vmem>>, %arg9: memref<8x128xi32, #tpu.memory_space<vmem>>, %arg10: memref<128x128xbf16, #tpu.memory_space<vmem>>, %arg11: memref<128x128xbf16, #tpu.memory_space<vmem>>, %arg12: memref<10240x128xbf16, #tpu.memory_space<vmem_shared>>, %arg13: memref<10240x128xbf16, #tpu.memory_space<vmem_shared>>, %arg14: memref<!tpu.dma_semaphore, #tpu.memory_space<semaphore_mem>>, %arg15: memref<!tpu.dma_semaphore, #tpu.memory_space<semaphore_mem>>, %arg16: memref<!tpu.dma_semaphore, #tpu.memory_space<semaphore_mem>>, %arg17: memref<!tpu.dma_semaphore, #tpu.memory_space<semaphore_mem>>, %arg18: memref<!tpu.dma_semaphore, #tpu.memory_space<semaphore_mem>>, %arg19: memref<!tpu.dma_semaphore, #tpu.memory_space<semaphore_mem>>) attributes {dimension_semantics = [#tpu.dimension_semantics<core_parallel>, #tpu.dimension_semantics<subcore_parallel>], iteration_bounds = array<i64: 2, 16>, scalar_prefetch = 0 : i64, scratch_operands = 14 : i64, tpu.core_type = #tpu.core_type<sc_vector_subcore>, window_params = [{transform_indices = #map}, {transform_indices = #map1}, {transform_indices = #map1}, {transform_indices = #map}]} {
    %mul3A = arith.constant 640 : i32
    %mul3A_0 = arith.muli %arg1, %mul3A : i32
    %lt3A = arith.constant 15 : i32
    %lt3A_1 = arith.cmpi slt, %arg1, %lt3A : i32
    %convert_element_type3A = arith.extui %lt3A_1 : i1 to i32
    %cond3A = arith.constant 0 : i32
    %cond3A_2 = arith.cmpi ne, %convert_element_type3A, %cond3A : i32
    scf.if %cond3A_2 {
      "tpu.region"() ({
        %run_scoped3A = tpu.sem_alloc : memref<!tpu.dma_semaphore, #tpu.memory_space<semaphore_mem>>
        %dma_start3A_107 = arith.constant 0 : i32
        %dma_start3A_108 = tpu.memref_slice %arg12[%mul3A_0, %dma_start3A_107] : memref<10240x128xbf16, #tpu.memory_space<vmem_shared>> -> memref<640x128xbf16, #tpu.memory_space<vmem_shared>>
        %dma_start3A_109 = arith.constant 0 : i32
        %dma_start3A_110 = tpu.memref_slice %arg2[%arg0, %mul3A_0, %dma_start3A_109] : memref<2x10000x128xbf16, #tpu.memory_space<hbm>> -> memref<1x640x128xbf16, #tpu.memory_space<hbm>>
        %dma_start3A_111 = tpu.memref_squeeze %dma_start3A_110 : memref<1x640x128xbf16, #tpu.memory_space<hbm>> -> memref<640x128xbf16, #tpu.memory_space<hbm>>
        tpu.enqueue_dma source(%dma_start3A_111 : memref<640x128xbf16, #tpu.memory_space<hbm>>) target(%dma_start3A_108 : memref<640x128xbf16, #tpu.memory_space<vmem_shared>>) target_semaphore(%run_scoped3A : memref<!tpu.dma_semaphore, #tpu.memory_space<semaphore_mem>>)
        %dma_wait3A_112 = arith.constant 0 : i32
        %dma_wait3A_113 = tpu.memref_slice %arg12[%mul3A_0, %dma_wait3A_112] : memref<10240x128xbf16, #tpu.memory_space<vmem_shared>> -> memref<640x128xbf16, #tpu.memory_space<vmem_shared>>
        %dma_wait3A_114 = arith.constant 0 : i32
        %dma_wait3A_115 = tpu.memref_slice %arg2[%arg0, %mul3A_0, %dma_wait3A_114] : memref<2x10000x128xbf16, #tpu.memory_space<hbm>> -> memref<1x640x128xbf16, #tpu.memory_space<hbm>>
        %dma_wait3A_116 = tpu.memref_squeeze %dma_wait3A_115 : memref<1x640x128xbf16, #tpu.memory_space<hbm>> -> memref<640x128xbf16, #tpu.memory_space<hbm>>
        tpu.wait_dma2 semaphore(%run_scoped3A : memref<!tpu.dma_semaphore, #tpu.memory_space<semaphore_mem>>) src(%dma_wait3A_116 : memref<640x128xbf16, #tpu.memory_space<hbm>>) dst(%dma_wait3A_113 : memref<640x128xbf16, #tpu.memory_space<vmem_shared>>)
        tpu.yield
      }) : () -> ()
    } else {
    }
    %eq3A = arith.constant 15 : i32
    %eq3A_3 = arith.cmpi eq, %arg1, %eq3A : i32
    %convert_element_type3A_4 = arith.extui %eq3A_3 : i1 to i32
    %cond3A_5 = arith.constant 0 : i32
    %cond3A_6 = arith.cmpi ne, %convert_element_type3A_4, %cond3A_5 : i32
    scf.if %cond3A_6 {
      "tpu.region"() ({
        %run_scoped3A = tpu.sem_alloc : memref<!tpu.dma_semaphore, #tpu.memory_space<semaphore_mem>>
        %dma_start3A_107 = arith.constant 0 : i32
        %dma_start3A_108 = tpu.memref_slice %arg12[%mul3A_0, %dma_start3A_107] : memref<10240x128xbf16, #tpu.memory_space<vmem_shared>> -> memref<400x128xbf16, #tpu.memory_space<vmem_shared>>
        %dma_start3A_109 = arith.constant 0 : i32
        %dma_start3A_110 = tpu.memref_slice %arg2[%arg0, %mul3A_0, %dma_start3A_109] : memref<2x10000x128xbf16, #tpu.memory_space<hbm>> -> memref<1x400x128xbf16, #tpu.memory_space<hbm>>
        %dma_start3A_111 = tpu.memref_squeeze %dma_start3A_110 : memref<1x400x128xbf16, #tpu.memory_space<hbm>> -> memref<400x128xbf16, #tpu.memory_space<hbm>>
        tpu.enqueue_dma source(%dma_start3A_111 : memref<400x128xbf16, #tpu.memory_space<hbm>>) target(%dma_start3A_108 : memref<400x128xbf16, #tpu.memory_space<vmem_shared>>) target_semaphore(%run_scoped3A : memref<!tpu.dma_semaphore, #tpu.memory_space<semaphore_mem>>)
        %dma_wait3A_112 = arith.constant 0 : i32
        %dma_wait3A_113 = tpu.memref_slice %arg12[%mul3A_0, %dma_wait3A_112] : memref<10240x128xbf16, #tpu.memory_space<vmem_shared>> -> memref<400x128xbf16, #tpu.memory_space<vmem_shared>>
        %dma_wait3A_114 = arith.constant 0 : i32
        %dma_wait3A_115 = tpu.memref_slice %arg2[%arg0, %mul3A_0, %dma_wait3A_114] : memref<2x10000x128xbf16, #tpu.memory_space<hbm>> -> memref<1x400x128xbf16, #tpu.memory_space<hbm>>
        %dma_wait3A_116 = tpu.memref_squeeze %dma_wait3A_115 : memref<1x400x128xbf16, #tpu.memory_space<hbm>> -> memref<400x128xbf16, #tpu.memory_space<hbm>>
        tpu.wait_dma2 semaphore(%run_scoped3A : memref<!tpu.dma_semaphore, #tpu.memory_space<semaphore_mem>>) src(%dma_wait3A_116 : memref<400x128xbf16, #tpu.memory_space<hbm>>) dst(%dma_wait3A_113 : memref<400x128xbf16, #tpu.memory_space<vmem_shared>>)
        tpu.yield
      }) : () -> ()
    } else {
    }
    %broadcast_in_dim3A = arith.constant 0.000000e+00 : bf16
    %broadcast_in_dim3A_7 = vector.broadcast %broadcast_in_dim3A : bf16 to vector<32xbf16>
    %scan3A = arith.constant 0 : i32
    %scan3A_8 = arith.constant 0 : i32
    %scan3A_9 = arith.constant 128 : i32
    %scan3A_10 = arith.addi %scan3A_8, %scan3A_9 : i32
    %scan3A_11 = arith.constant 1 : i32
    %scan3A_12 = scf.for %scan3A_107 = %scan3A_8 to %scan3A_10 step %scan3A_11 iter_args(%scan3A_108 = %scan3A) -> (i32)  : i32 {
      %scan3A_109 = arith.constant 0 : i32
      %scan3A_110 = arith.constant 0 : i32
      %scan3A_111 = arith.constant 4 : i32
      %scan3A_112 = arith.addi %scan3A_110, %scan3A_111 : i32
      %scan3A_113 = arith.constant 1 : i32
      %scan3A_114 = scf.for %scan3A_116 = %scan3A_110 to %scan3A_112 step %scan3A_113 iter_args(%scan3A_117 = %scan3A_109) -> (i32)  : i32 {
        %mul3A_118 = arith.constant 32 : i32
        %mul3A_119 = arith.muli %scan3A_116, %mul3A_118 : i32
        %swap3A = arith.index_cast %scan3A_107 : i32 to index
        %swap3A_120 = arith.index_cast %mul3A_119 : i32 to index
        %swap3A_121 = tpu.vector_load %arg11[%swap3A, %swap3A_120] {strides = array<i32>} : memref<128x128xbf16, #tpu.memory_space<vmem>>, vector<1x32xbf16>,
        %swap3A_122 = vector.shape_cast %swap3A_121 : vector<1x32xbf16> to vector<32xbf16>
        %swap3A_123 = vector.shape_cast %broadcast_in_dim3A_7 : vector<32xbf16> to vector<1x32xbf16>
        tpu.vector_store %arg11[%swap3A, %swap3A_120], %swap3A_123 {strides = array<i32>} : memref<128x128xbf16, #tpu.memory_space<vmem>>, vector<1x32xbf16>,
        %scan3A_124 = arith.constant 0 : i32
        scf.yield %scan3A_124 : i32
      }
      %scan3A_115 = arith.constant 4 : i32
      scf.yield %scan3A_114 : i32
    }
    %scan3A_13 = arith.constant 128 : i32
    %add3A = arith.constant 0 : i32
    %add3A_14 = arith.addi %mul3A_0, %add3A : i32
    "tpu.region"() ({
      %run_scoped3A = tpu.sem_alloc : memref<!tpu.dma_semaphore, #tpu.memory_space<semaphore_mem>>
      %dma_start3A_107 = arith.constant 0 : i32
      %dma_start3A_108 = tpu.memref_slice %arg13[%add3A_14, %dma_start3A_107] : memref<10240x128xbf16, #tpu.memory_space<vmem_shared>> -> memref<128x128xbf16, #tpu.memory_space<vmem_shared>>
      %dma_start3A_109 = arith.constant 0 : i32
      %dma_start3A_110 = tpu.memref_slice %arg13[%add3A_14, %dma_start3A_109] : memref<10240x128xbf16, #tpu.memory_space<vmem_shared>> -> memref<128x128xbf16, #tpu.memory_space<vmem_shared>>
      tpu.enqueue_dma source(%arg11 : memref<128x128xbf16, #tpu.memory_space<vmem>>) target(%dma_start3A_110 : memref<128x128xbf16, #tpu.memory_space<vmem_shared>>) target_semaphore(%run_scoped3A : memref<!tpu.dma_semaphore, #tpu.memory_space<semaphore_mem>>)
      %dma_wait3A_111 = arith.constant 0 : i32
      %dma_wait3A_112 = tpu.memref_slice %arg13[%add3A_14, %dma_wait3A_111] : memref<10240x128xbf16, #tpu.memory_space<vmem_shared>> -> memref<128x128xbf16, #tpu.memory_space<vmem_shared>>
      %dma_wait3A_113 = arith.constant 0 : i32
      %dma_wait3A_114 = tpu.memref_slice %arg13[%add3A_14, %dma_wait3A_113] : memref<10240x128xbf16, #tpu.memory_space<vmem_shared>> -> memref<128x128xbf16, #tpu.memory_space<vmem_shared>>
      tpu.wait_dma2 semaphore(%run_scoped3A : memref<!tpu.dma_semaphore, #tpu.memory_space<semaphore_mem>>) src(%arg11 : memref<128x128xbf16, #tpu.memory_space<vmem>>) dst(%dma_wait3A_114 : memref<128x128xbf16, #tpu.memory_space<vmem_shared>>)
      tpu.yield
    }) : () -> ()
    %add3A_15 = arith.constant 128 : i32
    %add3A_16 = arith.addi %mul3A_0, %add3A_15 : i32
    "tpu.region"() ({
      %run_scoped3A = tpu.sem_alloc : memref<!tpu.dma_semaphore, #tpu.memory_space<semaphore_mem>>
      %dma_start3A_107 = arith.constant 0 : i32
      %dma_start3A_108 = tpu.memref_slice %arg13[%add3A_16, %dma_start3A_107] : memref<10240x128xbf16, #tpu.memory_space<vmem_shared>> -> memref<128x128xbf16, #tpu.memory_space<vmem_shared>>
      %dma_start3A_109 = arith.constant 0 : i32
      %dma_start3A_110 = tpu.memref_slice %arg13[%add3A_16, %dma_start3A_109] : memref<10240x128xbf16, #tpu.memory_space<vmem_shared>> -> memref<128x128xbf16, #tpu.memory_space<vmem_shared>>
      tpu.enqueue_dma source(%arg11 : memref<128x128xbf16, #tpu.memory_space<vmem>>) target(%dma_start3A_110 : memref<128x128xbf16, #tpu.memory_space<vmem_shared>>) target_semaphore(%run_scoped3A : memref<!tpu.dma_semaphore, #tpu.memory_space<semaphore_mem>>)
      %dma_wait3A_111 = arith.constant 0 : i32
      %dma_wait3A_112 = tpu.memref_slice %arg13[%add3A_16, %dma_wait3A_111] : memref<10240x128xbf16, #tpu.memory_space<vmem_shared>> -> memref<128x128xbf16, #tpu.memory_space<vmem_shared>>
      %dma_wait3A_113 = arith.constant 0 : i32
      %dma_wait3A_114 = tpu.memref_slice %arg13[%add3A_16, %dma_wait3A_113] : memref<10240x128xbf16, #tpu.memory_space<vmem_shared>> -> memref<128x128xbf16, #tpu.memory_space<vmem_shared>>
      tpu.wait_dma2 semaphore(%run_scoped3A : memref<!tpu.dma_semaphore, #tpu.memory_space<semaphore_mem>>) src(%arg11 : memref<128x128xbf16, #tpu.memory_space<vmem>>) dst(%dma_wait3A_114 : memref<128x128xbf16, #tpu.memory_space<vmem_shared>>)
      tpu.yield
    }) : () -> ()
    %add3A_17 = arith.constant 256 : i32
    %add3A_18 = arith.addi %mul3A_0, %add3A_17 : i32
    "tpu.region"() ({
      %run_scoped3A = tpu.sem_alloc : memref<!tpu.dma_semaphore, #tpu.memory_space<semaphore_mem>>
      %dma_start3A_107 = arith.constant 0 : i32
      %dma_start3A_108 = tpu.memref_slice %arg13[%add3A_18, %dma_start3A_107] : memref<10240x128xbf16, #tpu.memory_space<vmem_shared>> -> memref<128x128xbf16, #tpu.memory_space<vmem_shared>>
      %dma_start3A_109 = arith.constant 0 : i32
      %dma_start3A_110 = tpu.memref_slice %arg13[%add3A_18, %dma_start3A_109] : memref<10240x128xbf16, #tpu.memory_space<vmem_shared>> -> memref<128x128xbf16, #tpu.memory_space<vmem_shared>>
      tpu.enqueue_dma source(%arg11 : memref<128x128xbf16, #tpu.memory_space<vmem>>) target(%dma_start3A_110 : memref<128x128xbf16, #tpu.memory_space<vmem_shared>>) target_semaphore(%run_scoped3A : memref<!tpu.dma_semaphore, #tpu.memory_space<semaphore_mem>>)
      %dma_wait3A_111 = arith.constant 0 : i32
      %dma_wait3A_112 = tpu.memref_slice %arg13[%add3A_18, %dma_wait3A_111] : memref<10240x128xbf16, #tpu.memory_space<vmem_shared>> -> memref<128x128xbf16, #tpu.memory_space<vmem_shared>>
      %dma_wait3A_113 = arith.constant 0 : i32
      %dma_wait3A_114 = tpu.memref_slice %arg13[%add3A_18, %dma_wait3A_113] : memref<10240x128xbf16, #tpu.memory_space<vmem_shared>> -> memref<128x128xbf16, #tpu.memory_space<vmem_shared>>
      tpu.wait_dma2 semaphore(%run_scoped3A : memref<!tpu.dma_semaphore, #tpu.memory_space<semaphore_mem>>) src(%arg11 : memref<128x128xbf16, #tpu.memory_space<vmem>>) dst(%dma_wait3A_114 : memref<128x128xbf16, #tpu.memory_space<vmem_shared>>)
      tpu.yield
    }) : () -> ()
    %add3A_19 = arith.constant 384 : i32
    %add3A_20 = arith.addi %mul3A_0, %add3A_19 : i32
    "tpu.region"() ({
      %run_scoped3A = tpu.sem_alloc : memref<!tpu.dma_semaphore, #tpu.memory_space<semaphore_mem>>
      %dma_start3A_107 = arith.constant 0 : i32
      %dma_start3A_108 = tpu.memref_slice %arg13[%add3A_20, %dma_start3A_107] : memref<10240x128xbf16, #tpu.memory_space<vmem_shared>> -> memref<128x128xbf16, #tpu.memory_space<vmem_shared>>
      %dma_start3A_109 = arith.constant 0 : i32
      %dma_start3A_110 = tpu.memref_slice %arg13[%add3A_20, %dma_start3A_109] : memref<10240x128xbf16, #tpu.memory_space<vmem_shared>> -> memref<128x128xbf16, #tpu.memory_space<vmem_shared>>
      tpu.enqueue_dma source(%arg11 : memref<128x128xbf16, #tpu.memory_space<vmem>>) target(%dma_start3A_110 : memref<128x128xbf16, #tpu.memory_space<vmem_shared>>) target_semaphore(%run_scoped3A : memref<!tpu.dma_semaphore, #tpu.memory_space<semaphore_mem>>)
      %dma_wait3A_111 = arith.constant 0 : i32
      %dma_wait3A_112 = tpu.memref_slice %arg13[%add3A_20, %dma_wait3A_111] : memref<10240x128xbf16, #tpu.memory_space<vmem_shared>> -> memref<128x128xbf16, #tpu.memory_space<vmem_shared>>
      %dma_wait3A_113 = arith.constant 0 : i32
      %dma_wait3A_114 = tpu.memref_slice %arg13[%add3A_20, %dma_wait3A_113] : memref<10240x128xbf16, #tpu.memory_space<vmem_shared>> -> memref<128x128xbf16, #tpu.memory_space<vmem_shared>>
      tpu.wait_dma2 semaphore(%run_scoped3A : memref<!tpu.dma_semaphore, #tpu.memory_space<semaphore_mem>>) src(%arg11 : memref<128x128xbf16, #tpu.memory_space<vmem>>) dst(%dma_wait3A_114 : memref<128x128xbf16, #tpu.memory_space<vmem_shared>>)
      tpu.yield
    }) : () -> ()
    %add3A_21 = arith.constant 512 : i32
    %add3A_22 = arith.addi %mul3A_0, %add3A_21 : i32
    "tpu.region"() ({
      %run_scoped3A = tpu.sem_alloc : memref<!tpu.dma_semaphore, #tpu.memory_space<semaphore_mem>>
      %dma_start3A_107 = arith.constant 0 : i32
      %dma_start3A_108 = tpu.memref_slice %arg13[%add3A_22, %dma_start3A_107] : memref<10240x128xbf16, #tpu.memory_space<vmem_shared>> -> memref<128x128xbf16, #tpu.memory_space<vmem_shared>>
      %dma_start3A_109 = arith.constant 0 : i32
      %dma_start3A_110 = tpu.memref_slice %arg13[%add3A_22, %dma_start3A_109] : memref<10240x128xbf16, #tpu.memory_space<vmem_shared>> -> memref<128x128xbf16, #tpu.memory_space<vmem_shared>>
      tpu.enqueue_dma source(%arg11 : memref<128x128xbf16, #tpu.memory_space<vmem>>) target(%dma_start3A_110 : memref<128x128xbf16, #tpu.memory_space<vmem_shared>>) target_semaphore(%run_scoped3A : memref<!tpu.dma_semaphore, #tpu.memory_space<semaphore_mem>>)
      %dma_wait3A_111 = arith.constant 0 : i32
      %dma_wait3A_112 = tpu.memref_slice %arg13[%add3A_22, %dma_wait3A_111] : memref<10240x128xbf16, #tpu.memory_space<vmem_shared>> -> memref<128x128xbf16, #tpu.memory_space<vmem_shared>>
      %dma_wait3A_113 = arith.constant 0 : i32
      %dma_wait3A_114 = tpu.memref_slice %arg13[%add3A_22, %dma_wait3A_113] : memref<10240x128xbf16, #tpu.memory_space<vmem_shared>> -> memref<128x128xbf16, #tpu.memory_space<vmem_shared>>
      tpu.wait_dma2 semaphore(%run_scoped3A : memref<!tpu.dma_semaphore, #tpu.memory_space<semaphore_mem>>) src(%arg11 : memref<128x128xbf16, #tpu.memory_space<vmem>>) dst(%dma_wait3A_114 : memref<128x128xbf16, #tpu.memory_space<vmem_shared>>)
      tpu.yield
    }) : () -> ()
    %barrier3A = arith.constant 0 : index
    tpu.barrier barrier_id(%barrier3A)
    %dma_start3A = arith.constant 0 : i32
    %dma_start3A_23 = arith.constant 0 : i32
    %dma_start3A_24 = arith.constant 0 : i32
    %dma_start3A_25 = tpu.memref_slice %arg3[%arg0, %arg1, %dma_start3A, %dma_start3A_23, %dma_start3A_24] : memref<2x16x20x8x128xi32, #tpu.memory_space<hbm>> -> memref<1x1x1x8x128xi32, #tpu.memory_space<hbm>>
    %dma_start3A_26 = tpu.memref_squeeze %dma_start3A_25 : memref<1x1x1x8x128xi32, #tpu.memory_space<hbm>> -> memref<8x128xi32, #tpu.memory_space<hbm>>
    %dma_start3A_27 = arith.constant 0 : i32
    %dma_start3A_28 = arith.constant 0 : i32
    %dma_start3A_29 = tpu.memref_slice %arg3[%arg0, %arg1, %dma_start3A, %dma_start3A_27, %dma_start3A_28] : memref<2x16x20x8x128xi32, #tpu.memory_space<hbm>> -> memref<1x1x1x8x128xi32, #tpu.memory_space<hbm>>
    %dma_start3A_30 = tpu.memref_squeeze %dma_start3A_29 : memref<1x1x1x8x128xi32, #tpu.memory_space<hbm>> -> memref<8x128xi32, #tpu.memory_space<hbm>>
    tpu.enqueue_dma source(%dma_start3A_30 : memref<8x128xi32, #tpu.memory_space<hbm>>) target(%arg6 : memref<8x128xi32, #tpu.memory_space<vmem>>) target_semaphore(%arg14 : memref<!tpu.dma_semaphore, #tpu.memory_space<semaphore_mem>>)
    %dma_start3A_31 = arith.constant 0 : i32
    %dma_start3A_32 = arith.constant 0 : i32
    %dma_start3A_33 = arith.constant 0 : i32
    %dma_start3A_34 = tpu.memref_slice %arg4[%arg0, %arg1, %dma_start3A_31, %dma_start3A_32, %dma_start3A_33] : memref<2x16x20x8x128xi32, #tpu.memory_space<hbm>> -> memref<1x1x1x8x128xi32, #tpu.memory_space<hbm>>
    %dma_start3A_35 = tpu.memref_squeeze %dma_start3A_34 : memref<1x1x1x8x128xi32, #tpu.memory_space<hbm>> -> memref<8x128xi32, #tpu.memory_space<hbm>>
    %dma_start3A_36 = arith.constant 0 : i32
    %dma_start3A_37 = arith.constant 0 : i32
    %dma_start3A_38 = tpu.memref_slice %arg4[%arg0, %arg1, %dma_start3A_31, %dma_start3A_36, %dma_start3A_37] : memref<2x16x20x8x128xi32, #tpu.memory_space<hbm>> -> memref<1x1x1x8x128xi32, #tpu.memory_space<hbm>>
    %dma_start3A_39 = tpu.memref_squeeze %dma_start3A_38 : memref<1x1x1x8x128xi32, #tpu.memory_space<hbm>> -> memref<8x128xi32, #tpu.memory_space<hbm>>
    tpu.enqueue_dma source(%dma_start3A_39 : memref<8x128xi32, #tpu.memory_space<hbm>>) target(%arg8 : memref<8x128xi32, #tpu.memory_space<vmem>>) target_semaphore(%arg14 : memref<!tpu.dma_semaphore, #tpu.memory_space<semaphore_mem>>)
    %dma_start3A_40 = arith.constant 1 : i32
    %dma_start3A_41 = arith.constant 0 : i32
    %dma_start3A_42 = arith.constant 0 : i32
    %dma_start3A_43 = tpu.memref_slice %arg3[%arg0, %arg1, %dma_start3A_40, %dma_start3A_41, %dma_start3A_42] : memref<2x16x20x8x128xi32, #tpu.memory_space<hbm>> -> memref<1x1x1x8x128xi32, #tpu.memory_space<hbm>>
    %dma_start3A_44 = tpu.memref_squeeze %dma_start3A_43 : memref<1x1x1x8x128xi32, #tpu.memory_space<hbm>> -> memref<8x128xi32, #tpu.memory_space<hbm>>
    %dma_start3A_45 = arith.constant 0 : i32
    %dma_start3A_46 = arith.constant 0 : i32
    %dma_start3A_47 = tpu.memref_slice %arg3[%arg0, %arg1, %dma_start3A_40, %dma_start3A_45, %dma_start3A_46] : memref<2x16x20x8x128xi32, #tpu.memory_space<hbm>> -> memref<1x1x1x8x128xi32, #tpu.memory_space<hbm>>
    %dma_start3A_48 = tpu.memref_squeeze %dma_start3A_47 : memref<1x1x1x8x128xi32, #tpu.memory_space<hbm>> -> memref<8x128xi32, #tpu.memory_space<hbm>>
    tpu.enqueue_dma source(%dma_start3A_48 : memref<8x128xi32, #tpu.memory_space<hbm>>) target(%arg7 : memref<8x128xi32, #tpu.memory_space<vmem>>) target_semaphore(%arg15 : memref<!tpu.dma_semaphore, #tpu.memory_space<semaphore_mem>>)
    %dma_start3A_49 = arith.constant 1 : i32
    %dma_start3A_50 = arith.constant 0 : i32
    %dma_start3A_51 = arith.constant 0 : i32
    %dma_start3A_52 = tpu.memref_slice %arg4[%arg0, %arg1, %dma_start3A_49, %dma_start3A_50, %dma_start3A_51] : memref<2x16x20x8x128xi32, #tpu.memory_space<hbm>> -> memref<1x1x1x8x128xi32, #tpu.memory_space<hbm>>
    %dma_start3A_53 = tpu.memref_squeeze %dma_start3A_52 : memref<1x1x1x8x128xi32, #tpu.memory_space<hbm>> -> memref<8x128xi32, #tpu.memory_space<hbm>>
    %dma_start3A_54 = arith.constant 0 : i32
    %dma_start3A_55 = arith.constant 0 : i32
    %dma_start3A_56 = tpu.memref_slice %arg4[%arg0, %arg1, %dma_start3A_49, %dma_start3A_54, %dma_start3A_55] : memref<2x16x20x8x128xi32, #tpu.memory_space<hbm>> -> memref<1x1x1x8x128xi32, #tpu.memory_space<hbm>>
    %dma_start3A_57 = tpu.memref_squeeze %dma_start3A_56 : memref<1x1x1x8x128xi32, #tpu.memory_space<hbm>> -> memref<8x128xi32, #tpu.memory_space<hbm>>
    tpu.enqueue_dma source(%dma_start3A_57 : memref<8x128xi32, #tpu.memory_space<hbm>>) target(%arg9 : memref<8x128xi32, #tpu.memory_space<vmem>>) target_semaphore(%arg15 : memref<!tpu.dma_semaphore, #tpu.memory_space<semaphore_mem>>)
    %dma_wait3A = arith.constant 0 : i32
    %dma_wait3A_58 = arith.constant 0 : i32
    %dma_wait3A_59 = arith.constant 0 : i32
    %dma_wait3A_60 = tpu.memref_slice %arg3[%arg0, %arg1, %dma_wait3A, %dma_wait3A_58, %dma_wait3A_59] : memref<2x16x20x8x128xi32, #tpu.memory_space<hbm>> -> memref<1x1x1x8x128xi32, #tpu.memory_space<hbm>>
    %dma_wait3A_61 = tpu.memref_squeeze %dma_wait3A_60 : memref<1x1x1x8x128xi32, #tpu.memory_space<hbm>> -> memref<8x128xi32, #tpu.memory_space<hbm>>
    %dma_wait3A_62 = arith.constant 0 : i32
    %dma_wait3A_63 = arith.constant 0 : i32
    %dma_wait3A_64 = tpu.memref_slice %arg3[%arg0, %arg1, %dma_wait3A, %dma_wait3A_62, %dma_wait3A_63] : memref<2x16x20x8x128xi32, #tpu.memory_space<hbm>> -> memref<1x1x1x8x128xi32, #tpu.memory_space<hbm>>
    %dma_wait3A_65 = tpu.memref_squeeze %dma_wait3A_64 : memref<1x1x1x8x128xi32, #tpu.memory_space<hbm>> -> memref<8x128xi32, #tpu.memory_space<hbm>>
    tpu.wait_dma2 semaphore(%arg14 : memref<!tpu.dma_semaphore, #tpu.memory_space<semaphore_mem>>) src(%dma_wait3A_65 : memref<8x128xi32, #tpu.memory_space<hbm>>) dst(%arg6 : memref<8x128xi32, #tpu.memory_space<vmem>>)
    %dma_wait3A_66 = arith.constant 0 : i32
    %dma_wait3A_67 = arith.constant 0 : i32
    %dma_wait3A_68 = arith.constant 0 : i32
    %dma_wait3A_69 = tpu.memref_slice %arg4[%arg0, %arg1, %dma_wait3A_66, %dma_wait3A_67, %dma_wait3A_68] : memref<2x16x20x8x128xi32, #tpu.memory_space<hbm>> -> memref<1x1x1x8x128xi32, #tpu.memory_space<hbm>>
    %dma_wait3A_70 = tpu.memref_squeeze %dma_wait3A_69 : memref<1x1x1x8x128xi32, #tpu.memory_space<hbm>> -> memref<8x128xi32, #tpu.memory_space<hbm>>
    %dma_wait3A_71 = arith.constant 0 : i32
    %dma_wait3A_72 = arith.constant 0 : i32
    %dma_wait3A_73 = tpu.memref_slice %arg4[%arg0, %arg1, %dma_wait3A_66, %dma_wait3A_71, %dma_wait3A_72] : memref<2x16x20x8x128xi32, #tpu.memory_space<hbm>> -> memref<1x1x1x8x128xi32, #tpu.memory_space<hbm>>
    %dma_wait3A_74 = tpu.memref_squeeze %dma_wait3A_73 : memref<1x1x1x8x128xi32, #tpu.memory_space<hbm>> -> memref<8x128xi32, #tpu.memory_space<hbm>>
    tpu.wait_dma2 semaphore(%arg14 : memref<!tpu.dma_semaphore, #tpu.memory_space<semaphore_mem>>) src(%dma_wait3A_74 : memref<8x128xi32, #tpu.memory_space<hbm>>) dst(%arg8 : memref<8x128xi32, #tpu.memory_space<vmem>>)
    %dma_start3A_75 = arith.constant 0 : i32
    %dma_start3A_76 = arith.constant 0 : i32
    %dma_start3A_77 = tpu.memref_slice %arg6[%dma_start3A_75, %dma_start3A_76] : memref<8x128xi32, #tpu.memory_space<vmem>> -> memref<1x128xi32, #tpu.memory_space<vmem>>
    %dma_start3A_78 = tpu.memref_squeeze %dma_start3A_77 : memref<1x128xi32, #tpu.memory_space<vmem>> -> memref<128xi32, #tpu.memory_space<vmem>>
    %dma_start3A_79 = arith.constant 0 : i32
    %dma_start3A_80 = arith.constant 0 : i32
    %dma_start3A_81 = tpu.memref_slice %arg12[%dma_start3A_79, %dma_start3A_80] : memref<10240x128xbf16, #tpu.memory_space<vmem_shared>> -> memref<10240x128xbf16, #tpu.memory_space<vmem_shared>>
    tpu.enqueue_indirect_dma source(%dma_start3A_81 : memref<10240x128xbf16, #tpu.memory_space<vmem_shared>>) target(%arg10 : memref<128x128xbf16, #tpu.memory_space<vmem>>) offsets(%dma_start3A_78 : memref<128xi32, #tpu.memory_space<vmem>>) semaphore(%arg16 : memref<!tpu.dma_semaphore, #tpu.memory_space<semaphore_mem>>)
    %dma_start3A_82 = arith.constant 1 : i32
    %dma_start3A_83 = arith.constant 0 : i32
    %dma_start3A_84 = tpu.memref_slice %arg6[%dma_start3A_82, %dma_start3A_83] : memref<8x128xi32, #tpu.memory_space<vmem>> -> memref<1x128xi32, #tpu.memory_space<vmem>>
    %dma_start3A_85 = tpu.memref_squeeze %dma_start3A_84 : memref<1x128xi32, #tpu.memory_space<vmem>> -> memref<128xi32, #tpu.memory_space<vmem>>
    %dma_start3A_86 = arith.constant 0 : i32
    %dma_start3A_87 = arith.constant 0 : i32
    %dma_start3A_88 = tpu.memref_slice %arg12[%dma_start3A_86, %dma_start3A_87] : memref<10240x128xbf16, #tpu.memory_space<vmem_shared>> -> memref<10240x128xbf16, #tpu.memory_space<vmem_shared>>
    tpu.enqueue_indirect_dma source(%dma_start3A_88 : memref<10240x128xbf16, #tpu.memory_space<vmem_shared>>) target(%arg11 : memref<128x128xbf16, #tpu.memory_space<vmem>>) offsets(%dma_start3A_85 : memref<128xi32, #tpu.memory_space<vmem>>) semaphore(%arg17 : memref<!tpu.dma_semaphore, #tpu.memory_space<semaphore_mem>>)
    %scan3A_89 = arith.constant 0 : i32
    %scan3A_90 = arith.constant 0 : i32
    %scan3A_91 = arith.constant 10 : i32
    %scan3A_92 = arith.addi %scan3A_90, %scan3A_91 : i32
    %scan3A_93 = arith.constant 1 : i32
    %scan3A_94 = scf.for %scan3A_107 = %scan3A_90 to %scan3A_92 step %scan3A_93 iter_args(%scan3A_108 = %scan3A_89) -> (i32)  : i32 {
      %mul3A_109 = arith.constant 2 : i32
      %mul3A_110 = arith.muli %mul3A_109, %scan3A_107 : i32
      %add3A_111 = arith.constant 0 : i32
      %add3A_112 = arith.addi %mul3A_110, %add3A_111 : i32
      %dma_wait3A_113 = arith.constant 0 : i32
      %dma_wait3A_114 = arith.constant 0 : i32
      %dma_wait3A_115 = tpu.memref_slice %arg6[%dma_wait3A_113, %dma_wait3A_114] : memref<8x128xi32, #tpu.memory_space<vmem>> -> memref<1x128xi32, #tpu.memory_space<vmem>>
      %dma_wait3A_116 = tpu.memref_squeeze %dma_wait3A_115 : memref<1x128xi32, #tpu.memory_space<vmem>> -> memref<128xi32, #tpu.memory_space<vmem>>
      %dma_wait3A_117 = arith.constant 0 : i32
      %dma_wait3A_118 = arith.constant 0 : i32
      %dma_wait3A_119 = tpu.memref_slice %arg12[%dma_wait3A_117, %dma_wait3A_118] : memref<10240x128xbf16, #tpu.memory_space<vmem_shared>> -> memref<10240x128xbf16, #tpu.memory_space<vmem_shared>>
      tpu.wait_indirect_dma semaphore(%arg16 : memref<!tpu.dma_semaphore, #tpu.memory_space<semaphore_mem>>) src(%dma_wait3A_119 : memref<10240x128xbf16, #tpu.memory_space<vmem_shared>>) dst(%arg10 : memref<128x128xbf16, #tpu.memory_space<vmem>>)
      %dma_start3A_120 = arith.constant 0 : i32
      %dma_start3A_121 = arith.constant 0 : i32
      %dma_start3A_122 = tpu.memref_slice %arg8[%dma_start3A_120, %dma_start3A_121] : memref<8x128xi32, #tpu.memory_space<vmem>> -> memref<1x128xi32, #tpu.memory_space<vmem>>
      %dma_start3A_123 = tpu.memref_squeeze %dma_start3A_122 : memref<1x128xi32, #tpu.memory_space<vmem>> -> memref<128xi32, #tpu.memory_space<vmem>>
      %dma_start3A_124 = arith.constant 0 : i32
      %dma_start3A_125 = arith.constant 0 : i32
      %dma_start3A_126 = tpu.memref_slice %arg13[%dma_start3A_124, %dma_start3A_125] : memref<10240x128xbf16, #tpu.memory_space<vmem_shared>> -> memref<10240x128xbf16, #tpu.memory_space<vmem_shared>>
      tpu.enqueue_indirect_dma source(%arg10 : memref<128x128xbf16, #tpu.memory_space<vmem>>) target(%dma_start3A_126 : memref<10240x128xbf16, #tpu.memory_space<vmem_shared>>) offsets(%dma_start3A_123 : memref<128xi32, #tpu.memory_space<vmem>>) semaphore(%arg18 : memref<!tpu.dma_semaphore, #tpu.memory_space<semaphore_mem>>) {add = true}
      %dma_wait3A_127 = arith.constant 0 : i32
      %dma_wait3A_128 = arith.constant 0 : i32
      %dma_wait3A_129 = tpu.memref_slice %arg8[%dma_wait3A_127, %dma_wait3A_128] : memref<8x128xi32, #tpu.memory_space<vmem>> -> memref<1x128xi32, #tpu.memory_space<vmem>>
      %dma_wait3A_130 = tpu.memref_squeeze %dma_wait3A_129 : memref<1x128xi32, #tpu.memory_space<vmem>> -> memref<128xi32, #tpu.memory_space<vmem>>
      %dma_wait3A_131 = arith.constant 0 : i32
      %dma_wait3A_132 = arith.constant 0 : i32
      %dma_wait3A_133 = tpu.memref_slice %arg13[%dma_wait3A_131, %dma_wait3A_132] : memref<10240x128xbf16, #tpu.memory_space<vmem_shared>> -> memref<10240x128xbf16, #tpu.memory_space<vmem_shared>>
      tpu.wait_indirect_dma semaphore(%arg18 : memref<!tpu.dma_semaphore, #tpu.memory_space<semaphore_mem>>) src(%arg10 : memref<128x128xbf16, #tpu.memory_space<vmem>>) dst(%dma_wait3A_133 : memref<10240x128xbf16, #tpu.memory_space<vmem_shared>>)
      %dma_start3A_134 = arith.constant 2 : i32
      %dma_start3A_135 = arith.constant 0 : i32
      %dma_start3A_136 = tpu.memref_slice %arg6[%dma_start3A_134, %dma_start3A_135] : memref<8x128xi32, #tpu.memory_space<vmem>> -> memref<1x128xi32, #tpu.memory_space<vmem>>
      %dma_start3A_137 = tpu.memref_squeeze %dma_start3A_136 : memref<1x128xi32, #tpu.memory_space<vmem>> -> memref<128xi32, #tpu.memory_space<vmem>>
      %dma_start3A_138 = arith.constant 0 : i32
      %dma_start3A_139 = arith.constant 0 : i32
      %dma_start3A_140 = tpu.memref_slice %arg12[%dma_start3A_138, %dma_start3A_139] : memref<10240x128xbf16, #tpu.memory_space<vmem_shared>> -> memref<10240x128xbf16, #tpu.memory_space<vmem_shared>>
      tpu.enqueue_indirect_dma source(%dma_start3A_140 : memref<10240x128xbf16, #tpu.memory_space<vmem_shared>>) target(%arg10 : memref<128x128xbf16, #tpu.memory_space<vmem>>) offsets(%dma_start3A_137 : memref<128xi32, #tpu.memory_space<vmem>>) semaphore(%arg16 : memref<!tpu.dma_semaphore, #tpu.memory_space<semaphore_mem>>)
      %dma_wait3A_141 = arith.constant 1 : i32
      %dma_wait3A_142 = arith.constant 0 : i32
      %dma_wait3A_143 = tpu.memref_slice %arg6[%dma_wait3A_141, %dma_wait3A_142] : memref<8x128xi32, #tpu.memory_space<vmem>> -> memref<1x128xi32, #tpu.memory_space<vmem>>
      %dma_wait3A_144 = tpu.memref_squeeze %dma_wait3A_143 : memref<1x128xi32, #tpu.memory_space<vmem>> -> memref<128xi32, #tpu.memory_space<vmem>>
      %dma_wait3A_145 = arith.constant 0 : i32
      %dma_wait3A_146 = arith.constant 0 : i32
      %dma_wait3A_147 = tpu.memref_slice %arg12[%dma_wait3A_145, %dma_wait3A_146] : memref<10240x128xbf16, #tpu.memory_space<vmem_shared>> -> memref<10240x128xbf16, #tpu.memory_space<vmem_shared>>
      tpu.wait_indirect_dma semaphore(%arg17 : memref<!tpu.dma_semaphore, #tpu.memory_space<semaphore_mem>>) src(%dma_wait3A_147 : memref<10240x128xbf16, #tpu.memory_space<vmem_shared>>) dst(%arg11 : memref<128x128xbf16, #tpu.memory_space<vmem>>)
      %dma_start3A_148 = arith.constant 1 : i32
      %dma_start3A_149 = arith.constant 0 : i32
      %dma_start3A_150 = tpu.memref_slice %arg8[%dma_start3A_148, %dma_start3A_149] : memref<8x128xi32, #tpu.memory_space<vmem>> -> memref<1x128xi32, #tpu.memory_space<vmem>>
      %dma_start3A_151 = tpu.memref_squeeze %dma_start3A_150 : memref<1x128xi32, #tpu.memory_space<vmem>> -> memref<128xi32, #tpu.memory_space<vmem>>
      %dma_start3A_152 = arith.constant 0 : i32
      %dma_start3A_153 = arith.constant 0 : i32
      %dma_start3A_154 = tpu.memref_slice %arg13[%dma_start3A_152, %dma_start3A_153] : memref<10240x128xbf16, #tpu.memory_space<vmem_shared>> -> memref<10240x128xbf16, #tpu.memory_space<vmem_shared>>
      tpu.enqueue_indirect_dma source(%arg11 : memref<128x128xbf16, #tpu.memory_space<vmem>>) target(%dma_start3A_154 : memref<10240x128xbf16, #tpu.memory_space<vmem_shared>>) offsets(%dma_start3A_151 : memref<128xi32, #tpu.memory_space<vmem>>) semaphore(%arg19 : memref<!tpu.dma_semaphore, #tpu.memory_space<semaphore_mem>>) {add = true}
      %dma_wait3A_155 = arith.constant 1 : i32
      %dma_wait3A_156 = arith.constant 0 : i32
      %dma_wait3A_157 = tpu.memref_slice %arg8[%dma_wait3A_155, %dma_wait3A_156] : memref<8x128xi32, #tpu.memory_space<vmem>> -> memref<1x128xi32, #tpu.memory_space<vmem>>
      %dma_wait3A_158 = tpu.memref_squeeze %dma_wait3A_157 : memref<1x128xi32, #tpu.memory_space<vmem>> -> memref<128xi32, #tpu.memory_space<vmem>>
      %dma_wait3A_159 = arith.constant 0 : i32
      %dma_wait3A_160 = arith.constant 0 : i32
      %dma_wait3A_161 = tpu.memref_slice %arg13[%dma_wait3A_159, %dma_wait3A_160] : memref<10240x128xbf16, #tpu.memory_space<vmem_shared>> -> memref<10240x128xbf16, #tpu.memory_space<vmem_shared>>
      tpu.wait_indirect_dma semaphore(%arg19 : memref<!tpu.dma_semaphore, #tpu.memory_space<semaphore_mem>>) src(%arg11 : memref<128x128xbf16, #tpu.memory_space<vmem>>) dst(%dma_wait3A_161 : memref<10240x128xbf16, #tpu.memory_space<vmem_shared>>)
      %dma_start3A_162 = arith.constant 3 : i32
      %dma_start3A_163 = arith.constant 0 : i32
      %dma_start3A_164 = tpu.memref_slice %arg6[%dma_start3A_162, %dma_start3A_163] : memref<8x128xi32, #tpu.memory_space<vmem>> -> memref<1x128xi32, #tpu.memory_space<vmem>>
      %dma_start3A_165 = tpu.memref_squeeze %dma_start3A_164 : memref<1x128xi32, #tpu.memory_space<vmem>> -> memref<128xi32, #tpu.memory_space<vmem>>
      %dma_start3A_166 = arith.constant 0 : i32
      %dma_start3A_167 = arith.constant 0 : i32
      %dma_start3A_168 = tpu.memref_slice %arg12[%dma_start3A_166, %dma_start3A_167] : memref<10240x128xbf16, #tpu.memory_space<vmem_shared>> -> memref<10240x128xbf16, #tpu.memory_space<vmem_shared>>
      tpu.enqueue_indirect_dma source(%dma_start3A_168 : memref<10240x128xbf16, #tpu.memory_space<vmem_shared>>) target(%arg11 : memref<128x128xbf16, #tpu.memory_space<vmem>>) offsets(%dma_start3A_165 : memref<128xi32, #tpu.memory_space<vmem>>) semaphore(%arg17 : memref<!tpu.dma_semaphore, #tpu.memory_space<semaphore_mem>>)
      %dma_wait3A_169 = arith.constant 2 : i32
      %dma_wait3A_170 = arith.constant 0 : i32
      %dma_wait3A_171 = tpu.memref_slice %arg6[%dma_wait3A_169, %dma_wait3A_170] : memref<8x128xi32, #tpu.memory_space<vmem>> -> memref<1x128xi32, #tpu.memory_space<vmem>>
      %dma_wait3A_172 = tpu.memref_squeeze %dma_wait3A_171 : memref<1x128xi32, #tpu.memory_space<vmem>> -> memref<128xi32, #tpu.memory_space<vmem>>
      %dma_wait3A_173 = arith.constant 0 : i32
      %dma_wait3A_174 = arith.constant 0 : i32
      %dma_wait3A_175 = tpu.memref_slice %arg12[%dma_wait3A_173, %dma_wait3A_174] : memref<10240x128xbf16, #tpu.memory_space<vmem_shared>> -> memref<10240x128xbf16, #tpu.memory_space<vmem_shared>>
      tpu.wait_indirect_dma semaphore(%arg16 : memref<!tpu.dma_semaphore, #tpu.memory_space<semaphore_mem>>) src(%dma_wait3A_175 : memref<10240x128xbf16, #tpu.memory_space<vmem_shared>>) dst(%arg10 : memref<128x128xbf16, #tpu.memory_space<vmem>>)
      %dma_start3A_176 = arith.constant 2 : i32
      %dma_start3A_177 = arith.constant 0 : i32
      %dma_start3A_178 = tpu.memref_slice %arg8[%dma_start3A_176, %dma_start3A_177] : memref<8x128xi32, #tpu.memory_space<vmem>> -> memref<1x128xi32, #tpu.memory_space<vmem>>
      %dma_start3A_179 = tpu.memref_squeeze %dma_start3A_178 : memref<1x128xi32, #tpu.memory_space<vmem>> -> memref<128xi32, #tpu.memory_space<vmem>>
      %dma_start3A_180 = arith.constant 0 : i32
      %dma_start3A_181 = arith.constant 0 : i32
      %dma_start3A_182 = tpu.memref_slice %arg13[%dma_start3A_180, %dma_start3A_181] : memref<10240x128xbf16, #tpu.memory_space<vmem_shared>> -> memref<10240x128xbf16, #tpu.memory_space<vmem_shared>>
      tpu.enqueue_indirect_dma source(%arg10 : memref<128x128xbf16, #tpu.memory_space<vmem>>) target(%dma_start3A_182 : memref<10240x128xbf16, #tpu.memory_space<vmem_shared>>) offsets(%dma_start3A_179 : memref<128xi32, #tpu.memory_space<vmem>>) semaphore(%arg18 : memref<!tpu.dma_semaphore, #tpu.memory_space<semaphore_mem>>) {add = true}
      %dma_wait3A_183 = arith.constant 2 : i32
      %dma_wait3A_184 = arith.constant 0 : i32
      %dma_wait3A_185 = tpu.memref_slice %arg8[%dma_wait3A_183, %dma_wait3A_184] : memref<8x128xi32, #tpu.memory_space<vmem>> -> memref<1x128xi32, #tpu.memory_space<vmem>>
      %dma_wait3A_186 = tpu.memref_squeeze %dma_wait3A_185 : memref<1x128xi32, #tpu.memory_space<vmem>> -> memref<128xi32, #tpu.memory_space<vmem>>
      %dma_wait3A_187 = arith.constant 0 : i32
      %dma_wait3A_188 = arith.constant 0 : i32
      %dma_wait3A_189 = tpu.memref_slice %arg13[%dma_wait3A_187, %dma_wait3A_188] : memref<10240x128xbf16, #tpu.memory_space<vmem_shared>> -> memref<10240x128xbf16, #tpu.memory_space<vmem_shared>>
      tpu.wait_indirect_dma semaphore(%arg18 : memref<!tpu.dma_semaphore, #tpu.memory_space<semaphore_mem>>) src(%arg10 : memref<128x128xbf16, #tpu.memory_space<vmem>>) dst(%dma_wait3A_189 : memref<10240x128xbf16, #tpu.memory_space<vmem_shared>>)
      %dma_start3A_190 = arith.constant 4 : i32
      %dma_start3A_191 = arith.constant 0 : i32
      %dma_start3A_192 = tpu.memref_slice %arg6[%dma_start3A_190, %dma_start3A_191] : memref<8x128xi32, #tpu.memory_space<vmem>> -> memref<1x128xi32, #tpu.memory_space<vmem>>
      %dma_start3A_193 = tpu.memref_squeeze %dma_start3A_192 : memref<1x128xi32, #tpu.memory_space<vmem>> -> memref<128xi32, #tpu.memory_space<vmem>>
      %dma_start3A_194 = arith.constant 0 : i32
      %dma_start3A_195 = arith.constant 0 : i32
      %dma_start3A_196 = tpu.memref_slice %arg12[%dma_start3A_194, %dma_start3A_195] : memref<10240x128xbf16, #tpu.memory_space<vmem_shared>> -> memref<10240x128xbf16, #tpu.memory_space<vmem_shared>>
      tpu.enqueue_indirect_dma source(%dma_start3A_196 : memref<10240x128xbf16, #tpu.memory_space<vmem_shared>>) target(%arg10 : memref<128x128xbf16, #tpu.memory_space<vmem>>) offsets(%dma_start3A_193 : memref<128xi32, #tpu.memory_space<vmem>>) semaphore(%arg16 : memref<!tpu.dma_semaphore, #tpu.memory_space<semaphore_mem>>)
      %dma_wait3A_197 = arith.constant 3 : i32
      %dma_wait3A_198 = arith.constant 0 : i32
      %dma_wait3A_199 = tpu.memref_slice %arg6[%dma_wait3A_197, %dma_wait3A_198] : memref<8x128xi32, #tpu.memory_space<vmem>> -> memref<1x128xi32, #tpu.memory_space<vmem>>
      %dma_wait3A_200 = tpu.memref_squeeze %dma_wait3A_199 : memref<1x128xi32, #tpu.memory_space<vmem>> -> memref<128xi32, #tpu.memory_space<vmem>>
      %dma_wait3A_201 = arith.constant 0 : i32
      %dma_wait3A_202 = arith.constant 0 : i32
      %dma_wait3A_203 = tpu.memref_slice %arg12[%dma_wait3A_201, %dma_wait3A_202] : memref<10240x128xbf16, #tpu.memory_space<vmem_shared>> -> memref<10240x128xbf16, #tpu.memory_space<vmem_shared>>
      tpu.wait_indirect_dma semaphore(%arg17 : memref<!tpu.dma_semaphore, #tpu.memory_space<semaphore_mem>>) src(%dma_wait3A_203 : memref<10240x128xbf16, #tpu.memory_space<vmem_shared>>) dst(%arg11 : memref<128x128xbf16, #tpu.memory_space<vmem>>)
      %dma_start3A_204 = arith.constant 3 : i32
      %dma_start3A_205 = arith.constant 0 : i32
      %dma_start3A_206 = tpu.memref_slice %arg8[%dma_start3A_204, %dma_start3A_205] : memref<8x128xi32, #tpu.memory_space<vmem>> -> memref<1x128xi32, #tpu.memory_space<vmem>>
      %dma_start3A_207 = tpu.memref_squeeze %dma_start3A_206 : memref<1x128xi32, #tpu.memory_space<vmem>> -> memref<128xi32, #tpu.memory_space<vmem>>
      %dma_start3A_208 = arith.constant 0 : i32
      %dma_start3A_209 = arith.constant 0 : i32
      %dma_start3A_210 = tpu.memref_slice %arg13[%dma_start3A_208, %dma_start3A_209] : memref<10240x128xbf16, #tpu.memory_space<vmem_shared>> -> memref<10240x128xbf16, #tpu.memory_space<vmem_shared>>
      tpu.enqueue_indirect_dma source(%arg11 : memref<128x128xbf16, #tpu.memory_space<vmem>>) target(%dma_start3A_210 : memref<10240x128xbf16, #tpu.memory_space<vmem_shared>>) offsets(%dma_start3A_207 : memref<128xi32, #tpu.memory_space<vmem>>) semaphore(%arg19 : memref<!tpu.dma_semaphore, #tpu.memory_space<semaphore_mem>>) {add = true}
      %dma_wait3A_211 = arith.constant 3 : i32
      %dma_wait3A_212 = arith.constant 0 : i32
      %dma_wait3A_213 = tpu.memref_slice %arg8[%dma_wait3A_211, %dma_wait3A_212] : memref<8x128xi32, #tpu.memory_space<vmem>> -> memref<1x128xi32, #tpu.memory_space<vmem>>
      %dma_wait3A_214 = tpu.memref_squeeze %dma_wait3A_213 : memref<1x128xi32, #tpu.memory_space<vmem>> -> memref<128xi32, #tpu.memory_space<vmem>>
      %dma_wait3A_215 = arith.constant 0 : i32
      %dma_wait3A_216 = arith.constant 0 : i32
      %dma_wait3A_217 = tpu.memref_slice %arg13[%dma_wait3A_215, %dma_wait3A_216] : memref<10240x128xbf16, #tpu.memory_space<vmem_shared>> -> memref<10240x128xbf16, #tpu.memory_space<vmem_shared>>
      tpu.wait_indirect_dma semaphore(%arg19 : memref<!tpu.dma_semaphore, #tpu.memory_space<semaphore_mem>>) src(%arg11 : memref<128x128xbf16, #tpu.memory_space<vmem>>) dst(%dma_wait3A_217 : memref<10240x128xbf16, #tpu.memory_space<vmem_shared>>)
      %dma_start3A_218 = arith.constant 5 : i32
      %dma_start3A_219 = arith.constant 0 : i32
      %dma_start3A_220 = tpu.memref_slice %arg6[%dma_start3A_218, %dma_start3A_219] : memref<8x128xi32, #tpu.memory_space<vmem>> -> memref<1x128xi32, #tpu.memory_space<vmem>>
      %dma_start3A_221 = tpu.memref_squeeze %dma_start3A_220 : memref<1x128xi32, #tpu.memory_space<vmem>> -> memref<128xi32, #tpu.memory_space<vmem>>
      %dma_start3A_222 = arith.constant 0 : i32
      %dma_start3A_223 = arith.constant 0 : i32
      %dma_start3A_224 = tpu.memref_slice %arg12[%dma_start3A_222, %dma_start3A_223] : memref<10240x128xbf16, #tpu.memory_space<vmem_shared>> -> memref<10240x128xbf16, #tpu.memory_space<vmem_shared>>
      tpu.enqueue_indirect_dma source(%dma_start3A_224 : memref<10240x128xbf16, #tpu.memory_space<vmem_shared>>) target(%arg11 : memref<128x128xbf16, #tpu.memory_space<vmem>>) offsets(%dma_start3A_221 : memref<128xi32, #tpu.memory_space<vmem>>) semaphore(%arg17 : memref<!tpu.dma_semaphore, #tpu.memory_space<semaphore_mem>>)
      %dma_wait3A_225 = arith.constant 4 : i32
      %dma_wait3A_226 = arith.constant 0 : i32
      %dma_wait3A_227 = tpu.memref_slice %arg6[%dma_wait3A_225, %dma_wait3A_226] : memref<8x128xi32, #tpu.memory_space<vmem>> -> memref<1x128xi32, #tpu.memory_space<vmem>>
      %dma_wait3A_228 = tpu.memref_squeeze %dma_wait3A_227 : memref<1x128xi32, #tpu.memory_space<vmem>> -> memref<128xi32, #tpu.memory_space<vmem>>
      %dma_wait3A_229 = arith.constant 0 : i32
      %dma_wait3A_230 = arith.constant 0 : i32
      %dma_wait3A_231 = tpu.memref_slice %arg12[%dma_wait3A_229, %dma_wait3A_230] : memref<10240x128xbf16, #tpu.memory_space<vmem_shared>> -> memref<10240x128xbf16, #tpu.memory_space<vmem_shared>>
      tpu.wait_indirect_dma semaphore(%arg16 : memref<!tpu.dma_semaphore, #tpu.memory_space<semaphore_mem>>) src(%dma_wait3A_231 : memref<10240x128xbf16, #tpu.memory_space<vmem_shared>>) dst(%arg10 : memref<128x128xbf16, #tpu.memory_space<vmem>>)
      %dma_start3A_232 = arith.constant 4 : i32
      %dma_start3A_233 = arith.constant 0 : i32
      %dma_start3A_234 = tpu.memref_slice %arg8[%dma_start3A_232, %dma_start3A_233] : memref<8x128xi32, #tpu.memory_space<vmem>> -> memref<1x128xi32, #tpu.memory_space<vmem>>
      %dma_start3A_235 = tpu.memref_squeeze %dma_start3A_234 : memref<1x128xi32, #tpu.memory_space<vmem>> -> memref<128xi32, #tpu.memory_space<vmem>>
      %dma_start3A_236 = arith.constant 0 : i32
      %dma_start3A_237 = arith.constant 0 : i32
      %dma_start3A_238 = tpu.memref_slice %arg13[%dma_start3A_236, %dma_start3A_237] : memref<10240x128xbf16, #tpu.memory_space<vmem_shared>> -> memref<10240x128xbf16, #tpu.memory_space<vmem_shared>>
      tpu.enqueue_indirect_dma source(%arg10 : memref<128x128xbf16, #tpu.memory_space<vmem>>) target(%dma_start3A_238 : memref<10240x128xbf16, #tpu.memory_space<vmem_shared>>) offsets(%dma_start3A_235 : memref<128xi32, #tpu.memory_space<vmem>>) semaphore(%arg18 : memref<!tpu.dma_semaphore, #tpu.memory_space<semaphore_mem>>) {add = true}
      %dma_wait3A_239 = arith.constant 4 : i32
      %dma_wait3A_240 = arith.constant 0 : i32
      %dma_wait3A_241 = tpu.memref_slice %arg8[%dma_wait3A_239, %dma_wait3A_240] : memref<8x128xi32, #tpu.memory_space<vmem>> -> memref<1x128xi32, #tpu.memory_space<vmem>>
      %dma_wait3A_242 = tpu.memref_squeeze %dma_wait3A_241 : memref<1x128xi32, #tpu.memory_space<vmem>> -> memref<128xi32, #tpu.memory_space<vmem>>
      %dma_wait3A_243 = arith.constant 0 : i32
      %dma_wait3A_244 = arith.constant 0 : i32
      %dma_wait3A_245 = tpu.memref_slice %arg13[%dma_wait3A_243, %dma_wait3A_244] : memref<10240x128xbf16, #tpu.memory_space<vmem_shared>> -> memref<10240x128xbf16, #tpu.memory_space<vmem_shared>>
      tpu.wait_indirect_dma semaphore(%arg18 : memref<!tpu.dma_semaphore, #tpu.memory_space<semaphore_mem>>) src(%arg10 : memref<128x128xbf16, #tpu.memory_space<vmem>>) dst(%dma_wait3A_245 : memref<10240x128xbf16, #tpu.memory_space<vmem_shared>>)
      %dma_start3A_246 = arith.constant 6 : i32
      %dma_start3A_247 = arith.constant 0 : i32
      %dma_start3A_248 = tpu.memref_slice %arg6[%dma_start3A_246, %dma_start3A_247] : memref<8x128xi32, #tpu.memory_space<vmem>> -> memref<1x128xi32, #tpu.memory_space<vmem>>
      %dma_start3A_249 = tpu.memref_squeeze %dma_start3A_248 : memref<1x128xi32, #tpu.memory_space<vmem>> -> memref<128xi32, #tpu.memory_space<vmem>>
      %dma_start3A_250 = arith.constant 0 : i32
      %dma_start3A_251 = arith.constant 0 : i32
      %dma_start3A_252 = tpu.memref_slice %arg12[%dma_start3A_250, %dma_start3A_251] : memref<10240x128xbf16, #tpu.memory_space<vmem_shared>> -> memref<10240x128xbf16, #tpu.memory_space<vmem_shared>>
      tpu.enqueue_indirect_dma source(%dma_start3A_252 : memref<10240x128xbf16, #tpu.memory_space<vmem_shared>>) target(%arg10 : memref<128x128xbf16, #tpu.memory_space<vmem>>) offsets(%dma_start3A_249 : memref<128xi32, #tpu.memory_space<vmem>>) semaphore(%arg16 : memref<!tpu.dma_semaphore, #tpu.memory_space<semaphore_mem>>)
      %dma_wait3A_253 = arith.constant 5 : i32
      %dma_wait3A_254 = arith.constant 0 : i32
      %dma_wait3A_255 = tpu.memref_slice %arg6[%dma_wait3A_253, %dma_wait3A_254] : memref<8x128xi32, #tpu.memory_space<vmem>> -> memref<1x128xi32, #tpu.memory_space<vmem>>
      %dma_wait3A_256 = tpu.memref_squeeze %dma_wait3A_255 : memref<1x128xi32, #tpu.memory_space<vmem>> -> memref<128xi32, #tpu.memory_space<vmem>>
      %dma_wait3A_257 = arith.constant 0 : i32
      %dma_wait3A_258 = arith.constant 0 : i32
      %dma_wait3A_259 = tpu.memref_slice %arg12[%dma_wait3A_257, %dma_wait3A_258] : memref<10240x128xbf16, #tpu.memory_space<vmem_shared>> -> memref<10240x128xbf16, #tpu.memory_space<vmem_shared>>
      tpu.wait_indirect_dma semaphore(%arg17 : memref<!tpu.dma_semaphore, #tpu.memory_space<semaphore_mem>>) src(%dma_wait3A_259 : memref<10240x128xbf16, #tpu.memory_space<vmem_shared>>) dst(%arg11 : memref<128x128xbf16, #tpu.memory_space<vmem>>)
      %dma_start3A_260 = arith.constant 5 : i32
      %dma_start3A_261 = arith.constant 0 : i32
      %dma_start3A_262 = tpu.memref_slice %arg8[%dma_start3A_260, %dma_start3A_261] : memref<8x128xi32, #tpu.memory_space<vmem>> -> memref<1x128xi32, #tpu.memory_space<vmem>>
      %dma_start3A_263 = tpu.memref_squeeze %dma_start3A_262 : memref<1x128xi32, #tpu.memory_space<vmem>> -> memref<128xi32, #tpu.memory_space<vmem>>
      %dma_start3A_264 = arith.constant 0 : i32
      %dma_start3A_265 = arith.constant 0 : i32
      %dma_start3A_266 = tpu.memref_slice %arg13[%dma_start3A_264, %dma_start3A_265] : memref<10240x128xbf16, #tpu.memory_space<vmem_shared>> -> memref<10240x128xbf16, #tpu.memory_space<vmem_shared>>
      tpu.enqueue_indirect_dma source(%arg11 : memref<128x128xbf16, #tpu.memory_space<vmem>>) target(%dma_start3A_266 : memref<10240x128xbf16, #tpu.memory_space<vmem_shared>>) offsets(%dma_start3A_263 : memref<128xi32, #tpu.memory_space<vmem>>) semaphore(%arg19 : memref<!tpu.dma_semaphore, #tpu.memory_space<semaphore_mem>>) {add = true}
      %dma_wait3A_267 = arith.constant 5 : i32
      %dma_wait3A_268 = arith.constant 0 : i32
      %dma_wait3A_269 = tpu.memref_slice %arg8[%dma_wait3A_267, %dma_wait3A_268] : memref<8x128xi32, #tpu.memory_space<vmem>> -> memref<1x128xi32, #tpu.memory_space<vmem>>
      %dma_wait3A_270 = tpu.memref_squeeze %dma_wait3A_269 : memref<1x128xi32, #tpu.memory_space<vmem>> -> memref<128xi32, #tpu.memory_space<vmem>>
      %dma_wait3A_271 = arith.constant 0 : i32
      %dma_wait3A_272 = arith.constant 0 : i32
      %dma_wait3A_273 = tpu.memref_slice %arg13[%dma_wait3A_271, %dma_wait3A_272] : memref<10240x128xbf16, #tpu.memory_space<vmem_shared>> -> memref<10240x128xbf16, #tpu.memory_space<vmem_shared>>
      tpu.wait_indirect_dma semaphore(%arg19 : memref<!tpu.dma_semaphore, #tpu.memory_space<semaphore_mem>>) src(%arg11 : memref<128x128xbf16, #tpu.memory_space<vmem>>) dst(%dma_wait3A_273 : memref<10240x128xbf16, #tpu.memory_space<vmem_shared>>)
      %dma_start3A_274 = arith.constant 7 : i32
      %dma_start3A_275 = arith.constant 0 : i32
      %dma_start3A_276 = tpu.memref_slice %arg6[%dma_start3A_274, %dma_start3A_275] : memref<8x128xi32, #tpu.memory_space<vmem>> -> memref<1x128xi32, #tpu.memory_space<vmem>>
      %dma_start3A_277 = tpu.memref_squeeze %dma_start3A_276 : memref<1x128xi32, #tpu.memory_space<vmem>> -> memref<128xi32, #tpu.memory_space<vmem>>
      %dma_start3A_278 = arith.constant 0 : i32
      %dma_start3A_279 = arith.constant 0 : i32
      %dma_start3A_280 = tpu.memref_slice %arg12[%dma_start3A_278, %dma_start3A_279] : memref<10240x128xbf16, #tpu.memory_space<vmem_shared>> -> memref<10240x128xbf16, #tpu.memory_space<vmem_shared>>
      tpu.enqueue_indirect_dma source(%dma_start3A_280 : memref<10240x128xbf16, #tpu.memory_space<vmem_shared>>) target(%arg11 : memref<128x128xbf16, #tpu.memory_space<vmem>>) offsets(%dma_start3A_277 : memref<128xi32, #tpu.memory_space<vmem>>) semaphore(%arg17 : memref<!tpu.dma_semaphore, #tpu.memory_space<semaphore_mem>>)
      %dma_wait3A_281 = arith.constant 6 : i32
      %dma_wait3A_282 = arith.constant 0 : i32
      %dma_wait3A_283 = tpu.memref_slice %arg6[%dma_wait3A_281, %dma_wait3A_282] : memref<8x128xi32, #tpu.memory_space<vmem>> -> memref<1x128xi32, #tpu.memory_space<vmem>>
      %dma_wait3A_284 = tpu.memref_squeeze %dma_wait3A_283 : memref<1x128xi32, #tpu.memory_space<vmem>> -> memref<128xi32, #tpu.memory_space<vmem>>
      %dma_wait3A_285 = arith.constant 0 : i32
      %dma_wait3A_286 = arith.constant 0 : i32
      %dma_wait3A_287 = tpu.memref_slice %arg12[%dma_wait3A_285, %dma_wait3A_286] : memref<10240x128xbf16, #tpu.memory_space<vmem_shared>> -> memref<10240x128xbf16, #tpu.memory_space<vmem_shared>>
      tpu.wait_indirect_dma semaphore(%arg16 : memref<!tpu.dma_semaphore, #tpu.memory_space<semaphore_mem>>) src(%dma_wait3A_287 : memref<10240x128xbf16, #tpu.memory_space<vmem_shared>>) dst(%arg10 : memref<128x128xbf16, #tpu.memory_space<vmem>>)
      %dma_start3A_288 = arith.constant 6 : i32
      %dma_start3A_289 = arith.constant 0 : i32
      %dma_start3A_290 = tpu.memref_slice %arg8[%dma_start3A_288, %dma_start3A_289] : memref<8x128xi32, #tpu.memory_space<vmem>> -> memref<1x128xi32, #tpu.memory_space<vmem>>
      %dma_start3A_291 = tpu.memref_squeeze %dma_start3A_290 : memref<1x128xi32, #tpu.memory_space<vmem>> -> memref<128xi32, #tpu.memory_space<vmem>>
      %dma_start3A_292 = arith.constant 0 : i32
      %dma_start3A_293 = arith.constant 0 : i32
      %dma_start3A_294 = tpu.memref_slice %arg13[%dma_start3A_292, %dma_start3A_293] : memref<10240x128xbf16, #tpu.memory_space<vmem_shared>> -> memref<10240x128xbf16, #tpu.memory_space<vmem_shared>>
      tpu.enqueue_indirect_dma source(%arg10 : memref<128x128xbf16, #tpu.memory_space<vmem>>) target(%dma_start3A_294 : memref<10240x128xbf16, #tpu.memory_space<vmem_shared>>) offsets(%dma_start3A_291 : memref<128xi32, #tpu.memory_space<vmem>>) semaphore(%arg18 : memref<!tpu.dma_semaphore, #tpu.memory_space<semaphore_mem>>) {add = true}
      %dma_wait3A_295 = arith.constant 6 : i32
      %dma_wait3A_296 = arith.constant 0 : i32
      %dma_wait3A_297 = tpu.memref_slice %arg8[%dma_wait3A_295, %dma_wait3A_296] : memref<8x128xi32, #tpu.memory_space<vmem>> -> memref<1x128xi32, #tpu.memory_space<vmem>>
      %dma_wait3A_298 = tpu.memref_squeeze %dma_wait3A_297 : memref<1x128xi32, #tpu.memory_space<vmem>> -> memref<128xi32, #tpu.memory_space<vmem>>
      %dma_wait3A_299 = arith.constant 0 : i32
      %dma_wait3A_300 = arith.constant 0 : i32
      %dma_wait3A_301 = tpu.memref_slice %arg13[%dma_wait3A_299, %dma_wait3A_300] : memref<10240x128xbf16, #tpu.memory_space<vmem_shared>> -> memref<10240x128xbf16, #tpu.memory_space<vmem_shared>>
      tpu.wait_indirect_dma semaphore(%arg18 : memref<!tpu.dma_semaphore, #tpu.memory_space<semaphore_mem>>) src(%arg10 : memref<128x128xbf16, #tpu.memory_space<vmem>>) dst(%dma_wait3A_301 : memref<10240x128xbf16, #tpu.memory_space<vmem_shared>>)
      %lt3A_302 = arith.constant 19 : i32
      %lt3A_303 = arith.cmpi slt, %add3A_112, %lt3A_302 : i32
      %convert_element_type3A_304 = arith.extui %lt3A_303 : i1 to i32
      %cond3A_305 = arith.constant 0 : i32
      %cond3A_306 = arith.cmpi ne, %convert_element_type3A_304, %cond3A_305 : i32
      scf.if %cond3A_306 {
        %dma_wait3A_582 = arith.constant 0 : i32
        %dma_wait3A_583 = arith.constant 0 : i32
        %dma_wait3A_584 = arith.constant 0 : i32
        %dma_wait3A_585 = tpu.memref_slice %arg3[%arg0, %arg1, %dma_wait3A_582, %dma_wait3A_583, %dma_wait3A_584] : memref<2x16x20x8x128xi32, #tpu.memory_space<hbm>> -> memref<1x1x1x8x128xi32, #tpu.memory_space<hbm>>
        %dma_wait3A_586 = tpu.memref_squeeze %dma_wait3A_585 : memref<1x1x1x8x128xi32, #tpu.memory_space<hbm>> -> memref<8x128xi32, #tpu.memory_space<hbm>>
        %dma_wait3A_587 = arith.constant 0 : i32
        %dma_wait3A_588 = arith.constant 0 : i32
        %dma_wait3A_589 = tpu.memref_slice %arg3[%arg0, %arg1, %dma_wait3A_582, %dma_wait3A_587, %dma_wait3A_588] : memref<2x16x20x8x128xi32, #tpu.memory_space<hbm>> -> memref<1x1x1x8x128xi32, #tpu.memory_space<hbm>>
        %dma_wait3A_590 = tpu.memref_squeeze %dma_wait3A_589 : memref<1x1x1x8x128xi32, #tpu.memory_space<hbm>> -> memref<8x128xi32, #tpu.memory_space<hbm>>
        tpu.wait_dma2 semaphore(%arg15 : memref<!tpu.dma_semaphore, #tpu.memory_space<semaphore_mem>>) src(%dma_wait3A_590 : memref<8x128xi32, #tpu.memory_space<hbm>>) dst(%arg7 : memref<8x128xi32, #tpu.memory_space<vmem>>)
        %dma_wait3A_591 = arith.constant 0 : i32
        %dma_wait3A_592 = arith.constant 0 : i32
        %dma_wait3A_593 = arith.constant 0 : i32
        %dma_wait3A_594 = tpu.memref_slice %arg4[%arg0, %arg1, %dma_wait3A_591, %dma_wait3A_592, %dma_wait3A_593] : memref<2x16x20x8x128xi32, #tpu.memory_space<hbm>> -> memref<1x1x1x8x128xi32, #tpu.memory_space<hbm>>
        %dma_wait3A_595 = tpu.memref_squeeze %dma_wait3A_594 : memref<1x1x1x8x128xi32, #tpu.memory_space<hbm>> -> memref<8x128xi32, #tpu.memory_space<hbm>>
        %dma_wait3A_596 = arith.constant 0 : i32
        %dma_wait3A_597 = arith.constant 0 : i32
        %dma_wait3A_598 = tpu.memref_slice %arg4[%arg0, %arg1, %dma_wait3A_591, %dma_wait3A_596, %dma_wait3A_597] : memref<2x16x20x8x128xi32, #tpu.memory_space<hbm>> -> memref<1x1x1x8x128xi32, #tpu.memory_space<hbm>>
        %dma_wait3A_599 = tpu.memref_squeeze %dma_wait3A_598 : memref<1x1x1x8x128xi32, #tpu.memory_space<hbm>> -> memref<8x128xi32, #tpu.memory_space<hbm>>
        tpu.wait_dma2 semaphore(%arg15 : memref<!tpu.dma_semaphore, #tpu.memory_space<semaphore_mem>>) src(%dma_wait3A_599 : memref<8x128xi32, #tpu.memory_space<hbm>>) dst(%arg9 : memref<8x128xi32, #tpu.memory_space<vmem>>)
      } else {
      }
      %lt3A_307 = arith.constant 19 : i32
      %lt3A_308 = arith.cmpi slt, %add3A_112, %lt3A_307 : i32
      %convert_element_type3A_309 = arith.extui %lt3A_308 : i1 to i32
      %cond3A_310 = arith.constant 0 : i32
      %cond3A_311 = arith.cmpi ne, %convert_element_type3A_309, %cond3A_310 : i32
      scf.if %cond3A_311 {
        %dma_start3A_582 = arith.constant 0 : i32
        %dma_start3A_583 = arith.constant 0 : i32
        %dma_start3A_584 = tpu.memref_slice %arg7[%dma_start3A_582, %dma_start3A_583] : memref<8x128xi32, #tpu.memory_space<vmem>> -> memref<1x128xi32, #tpu.memory_space<vmem>>
        %dma_start3A_585 = tpu.memref_squeeze %dma_start3A_584 : memref<1x128xi32, #tpu.memory_space<vmem>> -> memref<128xi32, #tpu.memory_space<vmem>>
        %dma_start3A_586 = arith.constant 0 : i32
        %dma_start3A_587 = arith.constant 0 : i32
        %dma_start3A_588 = tpu.memref_slice %arg12[%dma_start3A_586, %dma_start3A_587] : memref<10240x128xbf16, #tpu.memory_space<vmem_shared>> -> memref<10240x128xbf16, #tpu.memory_space<vmem_shared>>
        tpu.enqueue_indirect_dma source(%dma_start3A_588 : memref<10240x128xbf16, #tpu.memory_space<vmem_shared>>) target(%arg10 : memref<128x128xbf16, #tpu.memory_space<vmem>>) offsets(%dma_start3A_585 : memref<128xi32, #tpu.memory_space<vmem>>) semaphore(%arg16 : memref<!tpu.dma_semaphore, #tpu.memory_space<semaphore_mem>>)
      } else {
      }
      %dma_wait3A_312 = arith.constant 7 : i32
      %dma_wait3A_313 = arith.constant 0 : i32
      %dma_wait3A_314 = tpu.memref_slice %arg6[%dma_wait3A_312, %dma_wait3A_313] : memref<8x128xi32, #tpu.memory_space<vmem>> -> memref<1x128xi32, #tpu.memory_space<vmem>>
      %dma_wait3A_315 = tpu.memref_squeeze %dma_wait3A_314 : memref<1x128xi32, #tpu.memory_space<vmem>> -> memref<128xi32, #tpu.memory_space<vmem>>
      %dma_wait3A_316 = arith.constant 0 : i32
      %dma_wait3A_317 = arith.constant 0 : i32
      %dma_wait3A_318 = tpu.memref_slice %arg12[%dma_wait3A_316, %dma_wait3A_317] : memref<10240x128xbf16, #tpu.memory_space<vmem_shared>> -> memref<10240x128xbf16, #tpu.memory_space<vmem_shared>>
      tpu.wait_indirect_dma semaphore(%arg17 : memref<!tpu.dma_semaphore, #tpu.memory_space<semaphore_mem>>) src(%dma_wait3A_318 : memref<10240x128xbf16, #tpu.memory_space<vmem_shared>>) dst(%arg11 : memref<128x128xbf16, #tpu.memory_space<vmem>>)
      %dma_start3A_319 = arith.constant 7 : i32
      %dma_start3A_320 = arith.constant 0 : i32
      %dma_start3A_321 = tpu.memref_slice %arg8[%dma_start3A_319, %dma_start3A_320] : memref<8x128xi32, #tpu.memory_space<vmem>> -> memref<1x128xi32, #tpu.memory_space<vmem>>
      %dma_start3A_322 = tpu.memref_squeeze %dma_start3A_321 : memref<1x128xi32, #tpu.memory_space<vmem>> -> memref<128xi32, #tpu.memory_space<vmem>>
      %dma_start3A_323 = arith.constant 0 : i32
      %dma_start3A_324 = arith.constant 0 : i32
      %dma_start3A_325 = tpu.memref_slice %arg13[%dma_start3A_323, %dma_start3A_324] : memref<10240x128xbf16, #tpu.memory_space<vmem_shared>> -> memref<10240x128xbf16, #tpu.memory_space<vmem_shared>>
      tpu.enqueue_indirect_dma source(%arg11 : memref<128x128xbf16, #tpu.memory_space<vmem>>) target(%dma_start3A_325 : memref<10240x128xbf16, #tpu.memory_space<vmem_shared>>) offsets(%dma_start3A_322 : memref<128xi32, #tpu.memory_space<vmem>>) semaphore(%arg19 : memref<!tpu.dma_semaphore, #tpu.memory_space<semaphore_mem>>) {add = true}
      %dma_wait3A_326 = arith.constant 7 : i32
      %dma_wait3A_327 = arith.constant 0 : i32
      %dma_wait3A_328 = tpu.memref_slice %arg8[%dma_wait3A_326, %dma_wait3A_327] : memref<8x128xi32, #tpu.memory_space<vmem>> -> memref<1x128xi32, #tpu.memory_space<vmem>>
      %dma_wait3A_329 = tpu.memref_squeeze %dma_wait3A_328 : memref<1x128xi32, #tpu.memory_space<vmem>> -> memref<128xi32, #tpu.memory_space<vmem>>
      %dma_wait3A_330 = arith.constant 0 : i32
      %dma_wait3A_331 = arith.constant 0 : i32
      %dma_wait3A_332 = tpu.memref_slice %arg13[%dma_wait3A_330, %dma_wait3A_331] : memref<10240x128xbf16, #tpu.memory_space<vmem_shared>> -> memref<10240x128xbf16, #tpu.memory_space<vmem_shared>>
      tpu.wait_indirect_dma semaphore(%arg19 : memref<!tpu.dma_semaphore, #tpu.memory_space<semaphore_mem>>) src(%arg11 : memref<128x128xbf16, #tpu.memory_space<vmem>>) dst(%dma_wait3A_332 : memref<10240x128xbf16, #tpu.memory_space<vmem_shared>>)
      %lt3A_333 = arith.constant 19 : i32
      %lt3A_334 = arith.cmpi slt, %add3A_112, %lt3A_333 : i32
      %convert_element_type3A_335 = arith.extui %lt3A_334 : i1 to i32
      %cond3A_336 = arith.constant 0 : i32
      %cond3A_337 = arith.cmpi ne, %convert_element_type3A_335, %cond3A_336 : i32
      scf.if %cond3A_337 {
        %dma_start3A_582 = arith.constant 1 : i32
        %dma_start3A_583 = arith.constant 0 : i32
        %dma_start3A_584 = tpu.memref_slice %arg7[%dma_start3A_582, %dma_start3A_583] : memref<8x128xi32, #tpu.memory_space<vmem>> -> memref<1x128xi32, #tpu.memory_space<vmem>>
        %dma_start3A_585 = tpu.memref_squeeze %dma_start3A_584 : memref<1x128xi32, #tpu.memory_space<vmem>> -> memref<128xi32, #tpu.memory_space<vmem>>
        %dma_start3A_586 = arith.constant 0 : i32
        %dma_start3A_587 = arith.constant 0 : i32
        %dma_start3A_588 = tpu.memref_slice %arg12[%dma_start3A_586, %dma_start3A_587] : memref<10240x128xbf16, #tpu.memory_space<vmem_shared>> -> memref<10240x128xbf16, #tpu.memory_space<vmem_shared>>
        tpu.enqueue_indirect_dma source(%dma_start3A_588 : memref<10240x128xbf16, #tpu.memory_space<vmem_shared>>) target(%arg11 : memref<128x128xbf16, #tpu.memory_space<vmem>>) offsets(%dma_start3A_585 : memref<128xi32, #tpu.memory_space<vmem>>) semaphore(%arg17 : memref<!tpu.dma_semaphore, #tpu.memory_space<semaphore_mem>>)
      } else {
      }
      %add3A_338 = arith.constant 2 : i32
      %add3A_339 = arith.addi %add3A_112, %add3A_338 : i32
      %lt3A_340 = arith.constant 20 : i32
      %lt3A_341 = arith.cmpi slt, %add3A_339, %lt3A_340 : i32
      %convert_element_type3A_342 = arith.extui %lt3A_341 : i1 to i32
      %cond3A_343 = arith.constant 0 : i32
      %cond3A_344 = arith.cmpi ne, %convert_element_type3A_342, %cond3A_343 : i32
      scf.if %cond3A_344 {
        %add3A_582 = arith.constant 2 : i32
        %add3A_583 = arith.addi %add3A_112, %add3A_582 : i32
        %dma_start3A_584 = arith.constant 0 : i32
        %dma_start3A_585 = arith.constant 0 : i32
        %dma_start3A_586 = tpu.memref_slice %arg3[%arg0, %arg1, %add3A_583, %dma_start3A_584, %dma_start3A_585] : memref<2x16x20x8x128xi32, #tpu.memory_space<hbm>> -> memref<1x1x1x8x128xi32, #tpu.memory_space<hbm>>
        %dma_start3A_587 = tpu.memref_squeeze %dma_start3A_586 : memref<1x1x1x8x128xi32, #tpu.memory_space<hbm>> -> memref<8x128xi32, #tpu.memory_space<hbm>>
        %dma_start3A_588 = arith.constant 0 : i32
        %dma_start3A_589 = arith.constant 0 : i32
        %dma_start3A_590 = tpu.memref_slice %arg3[%arg0, %arg1, %add3A_583, %dma_start3A_588, %dma_start3A_589] : memref<2x16x20x8x128xi32, #tpu.memory_space<hbm>> -> memref<1x1x1x8x128xi32, #tpu.memory_space<hbm>>
        %dma_start3A_591 = tpu.memref_squeeze %dma_start3A_590 : memref<1x1x1x8x128xi32, #tpu.memory_space<hbm>> -> memref<8x128xi32, #tpu.memory_space<hbm>>
        tpu.enqueue_dma source(%dma_start3A_591 : memref<8x128xi32, #tpu.memory_space<hbm>>) target(%arg6 : memref<8x128xi32, #tpu.memory_space<vmem>>) target_semaphore(%arg14 : memref<!tpu.dma_semaphore, #tpu.memory_space<semaphore_mem>>)
        %dma_start3A_592 = arith.constant 0 : i32
        %dma_start3A_593 = arith.constant 0 : i32
        %dma_start3A_594 = tpu.memref_slice %arg4[%arg0, %arg1, %add3A_583, %dma_start3A_592, %dma_start3A_593] : memref<2x16x20x8x128xi32, #tpu.memory_space<hbm>> -> memref<1x1x1x8x128xi32, #tpu.memory_space<hbm>>
        %dma_start3A_595 = tpu.memref_squeeze %dma_start3A_594 : memref<1x1x1x8x128xi32, #tpu.memory_space<hbm>> -> memref<8x128xi32, #tpu.memory_space<hbm>>
        %dma_start3A_596 = arith.constant 0 : i32
        %dma_start3A_597 = arith.constant 0 : i32
        %dma_start3A_598 = tpu.memref_slice %arg4[%arg0, %arg1, %add3A_583, %dma_start3A_596, %dma_start3A_597] : memref<2x16x20x8x128xi32, #tpu.memory_space<hbm>> -> memref<1x1x1x8x128xi32, #tpu.memory_space<hbm>>
        %dma_start3A_599 = tpu.memref_squeeze %dma_start3A_598 : memref<1x1x1x8x128xi32, #tpu.memory_space<hbm>> -> memref<8x128xi32, #tpu.memory_space<hbm>>
        tpu.enqueue_dma source(%dma_start3A_599 : memref<8x128xi32, #tpu.memory_space<hbm>>) target(%arg8 : memref<8x128xi32, #tpu.memory_space<vmem>>) target_semaphore(%arg14 : memref<!tpu.dma_semaphore, #tpu.memory_space<semaphore_mem>>)
      } else {
      }
      %mul3A_345 = arith.constant 2 : i32
      %mul3A_346 = arith.muli %mul3A_345, %scan3A_107 : i32
      %add3A_347 = arith.constant 1 : i32
      %add3A_348 = arith.addi %mul3A_346, %add3A_347 : i32
      %dma_wait3A_349 = arith.constant 0 : i32
      %dma_wait3A_350 = arith.constant 0 : i32
      %dma_wait3A_351 = tpu.memref_slice %arg7[%dma_wait3A_349, %dma_wait3A_350] : memref<8x128xi32, #tpu.memory_space<vmem>> -> memref<1x128xi32, #tpu.memory_space<vmem>>
      %dma_wait3A_352 = tpu.memref_squeeze %dma_wait3A_351 : memref<1x128xi32, #tpu.memory_space<vmem>> -> memref<128xi32, #tpu.memory_space<vmem>>
      %dma_wait3A_353 = arith.constant 0 : i32
      %dma_wait3A_354 = arith.constant 0 : i32
      %dma_wait3A_355 = tpu.memref_slice %arg12[%dma_wait3A_353, %dma_wait3A_354] : memref<10240x128xbf16, #tpu.memory_space<vmem_shared>> -> memref<10240x128xbf16, #tpu.memory_space<vmem_shared>>
      tpu.wait_indirect_dma semaphore(%arg16 : memref<!tpu.dma_semaphore, #tpu.memory_space<semaphore_mem>>) src(%dma_wait3A_355 : memref<10240x128xbf16, #tpu.memory_space<vmem_shared>>) dst(%arg10 : memref<128x128xbf16, #tpu.memory_space<vmem>>)
      %dma_start3A_356 = arith.constant 0 : i32
      %dma_start3A_357 = arith.constant 0 : i32
      %dma_start3A_358 = tpu.memref_slice %arg9[%dma_start3A_356, %dma_start3A_357] : memref<8x128xi32, #tpu.memory_space<vmem>> -> memref<1x128xi32, #tpu.memory_space<vmem>>
      %dma_start3A_359 = tpu.memref_squeeze %dma_start3A_358 : memref<1x128xi32, #tpu.memory_space<vmem>> -> memref<128xi32, #tpu.memory_space<vmem>>
      %dma_start3A_360 = arith.constant 0 : i32
      %dma_start3A_361 = arith.constant 0 : i32
      %dma_start3A_362 = tpu.memref_slice %arg13[%dma_start3A_360, %dma_start3A_361] : memref<10240x128xbf16, #tpu.memory_space<vmem_shared>> -> memref<10240x128xbf16, #tpu.memory_space<vmem_shared>>
      tpu.enqueue_indirect_dma source(%arg10 : memref<128x128xbf16, #tpu.memory_space<vmem>>) target(%dma_start3A_362 : memref<10240x128xbf16, #tpu.memory_space<vmem_shared>>) offsets(%dma_start3A_359 : memref<128xi32, #tpu.memory_space<vmem>>) semaphore(%arg18 : memref<!tpu.dma_semaphore, #tpu.memory_space<semaphore_mem>>) {add = true}
      %dma_wait3A_363 = arith.constant 0 : i32
      %dma_wait3A_364 = arith.constant 0 : i32
      %dma_wait3A_365 = tpu.memref_slice %arg9[%dma_wait3A_363, %dma_wait3A_364] : memref<8x128xi32, #tpu.memory_space<vmem>> -> memref<1x128xi32, #tpu.memory_space<vmem>>
      %dma_wait3A_366 = tpu.memref_squeeze %dma_wait3A_365 : memref<1x128xi32, #tpu.memory_space<vmem>> -> memref<128xi32, #tpu.memory_space<vmem>>
      %dma_wait3A_367 = arith.constant 0 : i32
      %dma_wait3A_368 = arith.constant 0 : i32
      %dma_wait3A_369 = tpu.memref_slice %arg13[%dma_wait3A_367, %dma_wait3A_368] : memref<10240x128xbf16, #tpu.memory_space<vmem_shared>> -> memref<10240x128xbf16, #tpu.memory_space<vmem_shared>>
      tpu.wait_indirect_dma semaphore(%arg18 : memref<!tpu.dma_semaphore, #tpu.memory_space<semaphore_mem>>) src(%arg10 : memref<128x128xbf16, #tpu.memory_space<vmem>>) dst(%dma_wait3A_369 : memref<10240x128xbf16, #tpu.memory_space<vmem_shared>>)
      %dma_start3A_370 = arith.constant 2 : i32
      %dma_start3A_371 = arith.constant 0 : i32
      %dma_start3A_372 = tpu.memref_slice %arg7[%dma_start3A_370, %dma_start3A_371] : memref<8x128xi32, #tpu.memory_space<vmem>> -> memref<1x128xi32, #tpu.memory_space<vmem>>
      %dma_start3A_373 = tpu.memref_squeeze %dma_start3A_372 : memref<1x128xi32, #tpu.memory_space<vmem>> -> memref<128xi32, #tpu.memory_space<vmem>>
      %dma_start3A_374 = arith.constant 0 : i32
      %dma_start3A_375 = arith.constant 0 : i32
      %dma_start3A_376 = tpu.memref_slice %arg12[%dma_start3A_374, %dma_start3A_375] : memref<10240x128xbf16, #tpu.memory_space<vmem_shared>> -> memref<10240x128xbf16, #tpu.memory_space<vmem_shared>>
      tpu.enqueue_indirect_dma source(%dma_start3A_376 : memref<10240x128xbf16, #tpu.memory_space<vmem_shared>>) target(%arg10 : memref<128x128xbf16, #tpu.memory_space<vmem>>) offsets(%dma_start3A_373 : memref<128xi32, #tpu.memory_space<vmem>>) semaphore(%arg16 : memref<!tpu.dma_semaphore, #tpu.memory_space<semaphore_mem>>)
      %dma_wait3A_377 = arith.constant 1 : i32
      %dma_wait3A_378 = arith.constant 0 : i32
      %dma_wait3A_379 = tpu.memref_slice %arg7[%dma_wait3A_377, %dma_wait3A_378] : memref<8x128xi32, #tpu.memory_space<vmem>> -> memref<1x128xi32, #tpu.memory_space<vmem>>
      %dma_wait3A_380 = tpu.memref_squeeze %dma_wait3A_379 : memref<1x128xi32, #tpu.memory_space<vmem>> -> memref<128xi32, #tpu.memory_space<vmem>>
      %dma_wait3A_381 = arith.constant 0 : i32
      %dma_wait3A_382 = arith.constant 0 : i32
      %dma_wait3A_383 = tpu.memref_slice %arg12[%dma_wait3A_381, %dma_wait3A_382] : memref<10240x128xbf16, #tpu.memory_space<vmem_shared>> -> memref<10240x128xbf16, #tpu.memory_space<vmem_shared>>
      tpu.wait_indirect_dma semaphore(%arg17 : memref<!tpu.dma_semaphore, #tpu.memory_space<semaphore_mem>>) src(%dma_wait3A_383 : memref<10240x128xbf16, #tpu.memory_space<vmem_shared>>) dst(%arg11 : memref<128x128xbf16, #tpu.memory_space<vmem>>)
      %dma_start3A_384 = arith.constant 1 : i32
      %dma_start3A_385 = arith.constant 0 : i32
      %dma_start3A_386 = tpu.memref_slice %arg9[%dma_start3A_384, %dma_start3A_385] : memref<8x128xi32, #tpu.memory_space<vmem>> -> memref<1x128xi32, #tpu.memory_space<vmem>>
      %dma_start3A_387 = tpu.memref_squeeze %dma_start3A_386 : memref<1x128xi32, #tpu.memory_space<vmem>> -> memref<128xi32, #tpu.memory_space<vmem>>
      %dma_start3A_388 = arith.constant 0 : i32
      %dma_start3A_389 = arith.constant 0 : i32
      %dma_start3A_390 = tpu.memref_slice %arg13[%dma_start3A_388, %dma_start3A_389] : memref<10240x128xbf16, #tpu.memory_space<vmem_shared>> -> memref<10240x128xbf16, #tpu.memory_space<vmem_shared>>
      tpu.enqueue_indirect_dma source(%arg11 : memref<128x128xbf16, #tpu.memory_space<vmem>>) target(%dma_start3A_390 : memref<10240x128xbf16, #tpu.memory_space<vmem_shared>>) offsets(%dma_start3A_387 : memref<128xi32, #tpu.memory_space<vmem>>) semaphore(%arg19 : memref<!tpu.dma_semaphore, #tpu.memory_space<semaphore_mem>>) {add = true}
      %dma_wait3A_391 = arith.constant 1 : i32
      %dma_wait3A_392 = arith.constant 0 : i32
      %dma_wait3A_393 = tpu.memref_slice %arg9[%dma_wait3A_391, %dma_wait3A_392] : memref<8x128xi32, #tpu.memory_space<vmem>> -> memref<1x128xi32, #tpu.memory_space<vmem>>
      %dma_wait3A_394 = tpu.memref_squeeze %dma_wait3A_393 : memref<1x128xi32, #tpu.memory_space<vmem>> -> memref<128xi32, #tpu.memory_space<vmem>>
      %dma_wait3A_395 = arith.constant 0 : i32
      %dma_wait3A_396 = arith.constant 0 : i32
      %dma_wait3A_397 = tpu.memref_slice %arg13[%dma_wait3A_395, %dma_wait3A_396] : memref<10240x128xbf16, #tpu.memory_space<vmem_shared>> -> memref<10240x128xbf16, #tpu.memory_space<vmem_shared>>
      tpu.wait_indirect_dma semaphore(%arg19 : memref<!tpu.dma_semaphore, #tpu.memory_space<semaphore_mem>>) src(%arg11 : memref<128x128xbf16, #tpu.memory_space<vmem>>) dst(%dma_wait3A_397 : memref<10240x128xbf16, #tpu.memory_space<vmem_shared>>)
      %dma_start3A_398 = arith.constant 3 : i32
      %dma_start3A_399 = arith.constant 0 : i32
      %dma_start3A_400 = tpu.memref_slice %arg7[%dma_start3A_398, %dma_start3A_399] : memref<8x128xi32, #tpu.memory_space<vmem>> -> memref<1x128xi32, #tpu.memory_space<vmem>>
      %dma_start3A_401 = tpu.memref_squeeze %dma_start3A_400 : memref<1x128xi32, #tpu.memory_space<vmem>> -> memref<128xi32, #tpu.memory_space<vmem>>
      %dma_start3A_402 = arith.constant 0 : i32
      %dma_start3A_403 = arith.constant 0 : i32
      %dma_start3A_404 = tpu.memref_slice %arg12[%dma_start3A_402, %dma_start3A_403] : memref<10240x128xbf16, #tpu.memory_space<vmem_shared>> -> memref<10240x128xbf16, #tpu.memory_space<vmem_shared>>
      tpu.enqueue_indirect_dma source(%dma_start3A_404 : memref<10240x128xbf16, #tpu.memory_space<vmem_shared>>) target(%arg11 : memref<128x128xbf16, #tpu.memory_space<vmem>>) offsets(%dma_start3A_401 : memref<128xi32, #tpu.memory_space<vmem>>) semaphore(%arg17 : memref<!tpu.dma_semaphore, #tpu.memory_space<semaphore_mem>>)
      %dma_wait3A_405 = arith.constant 2 : i32
      %dma_wait3A_406 = arith.constant 0 : i32
      %dma_wait3A_407 = tpu.memref_slice %arg7[%dma_wait3A_405, %dma_wait3A_406] : memref<8x128xi32, #tpu.memory_space<vmem>> -> memref<1x128xi32, #tpu.memory_space<vmem>>
      %dma_wait3A_408 = tpu.memref_squeeze %dma_wait3A_407 : memref<1x128xi32, #tpu.memory_space<vmem>> -> memref<128xi32, #tpu.memory_space<vmem>>
      %dma_wait3A_409 = arith.constant 0 : i32
      %dma_wait3A_410 = arith.constant 0 : i32
      %dma_wait3A_411 = tpu.memref_slice %arg12[%dma_wait3A_409, %dma_wait3A_410] : memref<10240x128xbf16, #tpu.memory_space<vmem_shared>> -> memref<10240x128xbf16, #tpu.memory_space<vmem_shared>>
      tpu.wait_indirect_dma semaphore(%arg16 : memref<!tpu.dma_semaphore, #tpu.memory_space<semaphore_mem>>) src(%dma_wait3A_411 : memref<10240x128xbf16, #tpu.memory_space<vmem_shared>>) dst(%arg10 : memref<128x128xbf16, #tpu.memory_space<vmem>>)
      %dma_start3A_412 = arith.constant 2 : i32
      %dma_start3A_413 = arith.constant 0 : i32
      %dma_start3A_414 = tpu.memref_slice %arg9[%dma_start3A_412, %dma_start3A_413] : memref<8x128xi32, #tpu.memory_space<vmem>> -> memref<1x128xi32, #tpu.memory_space<vmem>>
      %dma_start3A_415 = tpu.memref_squeeze %dma_start3A_414 : memref<1x128xi32, #tpu.memory_space<vmem>> -> memref<128xi32, #tpu.memory_space<vmem>>
      %dma_start3A_416 = arith.constant 0 : i32
      %dma_start3A_417 = arith.constant 0 : i32
      %dma_start3A_418 = tpu.memref_slice %arg13[%dma_start3A_416, %dma_start3A_417] : memref<10240x128xbf16, #tpu.memory_space<vmem_shared>> -> memref<10240x128xbf16, #tpu.memory_space<vmem_shared>>
      tpu.enqueue_indirect_dma source(%arg10 : memref<128x128xbf16, #tpu.memory_space<vmem>>) target(%dma_start3A_418 : memref<10240x128xbf16, #tpu.memory_space<vmem_shared>>) offsets(%dma_start3A_415 : memref<128xi32, #tpu.memory_space<vmem>>) semaphore(%arg18 : memref<!tpu.dma_semaphore, #tpu.memory_space<semaphore_mem>>) {add = true}
      %dma_wait3A_419 = arith.constant 2 : i32
      %dma_wait3A_420 = arith.constant 0 : i32
      %dma_wait3A_421 = tpu.memref_slice %arg9[%dma_wait3A_419, %dma_wait3A_420] : memref<8x128xi32, #tpu.memory_space<vmem>> -> memref<1x128xi32, #tpu.memory_space<vmem>>
      %dma_wait3A_422 = tpu.memref_squeeze %dma_wait3A_421 : memref<1x128xi32, #tpu.memory_space<vmem>> -> memref<128xi32, #tpu.memory_space<vmem>>
      %dma_wait3A_423 = arith.constant 0 : i32
      %dma_wait3A_424 = arith.constant 0 : i32
      %dma_wait3A_425 = tpu.memref_slice %arg13[%dma_wait3A_423, %dma_wait3A_424] : memref<10240x128xbf16, #tpu.memory_space<vmem_shared>> -> memref<10240x128xbf16, #tpu.memory_space<vmem_shared>>
      tpu.wait_indirect_dma semaphore(%arg18 : memref<!tpu.dma_semaphore, #tpu.memory_space<semaphore_mem>>) src(%arg10 : memref<128x128xbf16, #tpu.memory_space<vmem>>) dst(%dma_wait3A_425 : memref<10240x128xbf16, #tpu.memory_space<vmem_shared>>)
      %dma_start3A_426 = arith.constant 4 : i32
      %dma_start3A_427 = arith.constant 0 : i32
      %dma_start3A_428 = tpu.memref_slice %arg7[%dma_start3A_426, %dma_start3A_427] : memref<8x128xi32, #tpu.memory_space<vmem>> -> memref<1x128xi32, #tpu.memory_space<vmem>>
      %dma_start3A_429 = tpu.memref_squeeze %dma_start3A_428 : memref<1x128xi32, #tpu.memory_space<vmem>> -> memref<128xi32, #tpu.memory_space<vmem>>
      %dma_start3A_430 = arith.constant 0 : i32
      %dma_start3A_431 = arith.constant 0 : i32
      %dma_start3A_432 = tpu.memref_slice %arg12[%dma_start3A_430, %dma_start3A_431] : memref<10240x128xbf16, #tpu.memory_space<vmem_shared>> -> memref<10240x128xbf16, #tpu.memory_space<vmem_shared>>
      tpu.enqueue_indirect_dma source(%dma_start3A_432 : memref<10240x128xbf16, #tpu.memory_space<vmem_shared>>) target(%arg10 : memref<128x128xbf16, #tpu.memory_space<vmem>>) offsets(%dma_start3A_429 : memref<128xi32, #tpu.memory_space<vmem>>) semaphore(%arg16 : memref<!tpu.dma_semaphore, #tpu.memory_space<semaphore_mem>>)
      %dma_wait3A_433 = arith.constant 3 : i32
      %dma_wait3A_434 = arith.constant 0 : i32
      %dma_wait3A_435 = tpu.memref_slice %arg7[%dma_wait3A_433, %dma_wait3A_434] : memref<8x128xi32, #tpu.memory_space<vmem>> -> memref<1x128xi32, #tpu.memory_space<vmem>>
      %dma_wait3A_436 = tpu.memref_squeeze %dma_wait3A_435 : memref<1x128xi32, #tpu.memory_space<vmem>> -> memref<128xi32, #tpu.memory_space<vmem>>
      %dma_wait3A_437 = arith.constant 0 : i32
      %dma_wait3A_438 = arith.constant 0 : i32
      %dma_wait3A_439 = tpu.memref_slice %arg12[%dma_wait3A_437, %dma_wait3A_438] : memref<10240x128xbf16, #tpu.memory_space<vmem_shared>> -> memref<10240x128xbf16, #tpu.memory_space<vmem_shared>>
      tpu.wait_indirect_dma semaphore(%arg17 : memref<!tpu.dma_semaphore, #tpu.memory_space<semaphore_mem>>) src(%dma_wait3A_439 : memref<10240x128xbf16, #tpu.memory_space<vmem_shared>>) dst(%arg11 : memref<128x128xbf16, #tpu.memory_space<vmem>>)
      %dma_start3A_440 = arith.constant 3 : i32
      %dma_start3A_441 = arith.constant 0 : i32
      %dma_start3A_442 = tpu.memref_slice %arg9[%dma_start3A_440, %dma_start3A_441] : memref<8x128xi32, #tpu.memory_space<vmem>> -> memref<1x128xi32, #tpu.memory_space<vmem>>
      %dma_start3A_443 = tpu.memref_squeeze %dma_start3A_442 : memref<1x128xi32, #tpu.memory_space<vmem>> -> memref<128xi32, #tpu.memory_space<vmem>>
      %dma_start3A_444 = arith.constant 0 : i32
      %dma_start3A_445 = arith.constant 0 : i32
      %dma_start3A_446 = tpu.memref_slice %arg13[%dma_start3A_444, %dma_start3A_445] : memref<10240x128xbf16, #tpu.memory_space<vmem_shared>> -> memref<10240x128xbf16, #tpu.memory_space<vmem_shared>>
      tpu.enqueue_indirect_dma source(%arg11 : memref<128x128xbf16, #tpu.memory_space<vmem>>) target(%dma_start3A_446 : memref<10240x128xbf16, #tpu.memory_space<vmem_shared>>) offsets(%dma_start3A_443 : memref<128xi32, #tpu.memory_space<vmem>>) semaphore(%arg19 : memref<!tpu.dma_semaphore, #tpu.memory_space<semaphore_mem>>) {add = true}
      %dma_wait3A_447 = arith.constant 3 : i32
      %dma_wait3A_448 = arith.constant 0 : i32
      %dma_wait3A_449 = tpu.memref_slice %arg9[%dma_wait3A_447, %dma_wait3A_448] : memref<8x128xi32, #tpu.memory_space<vmem>> -> memref<1x128xi32, #tpu.memory_space<vmem>>
      %dma_wait3A_450 = tpu.memref_squeeze %dma_wait3A_449 : memref<1x128xi32, #tpu.memory_space<vmem>> -> memref<128xi32, #tpu.memory_space<vmem>>
      %dma_wait3A_451 = arith.constant 0 : i32
      %dma_wait3A_452 = arith.constant 0 : i32
      %dma_wait3A_453 = tpu.memref_slice %arg13[%dma_wait3A_451, %dma_wait3A_452] : memref<10240x128xbf16, #tpu.memory_space<vmem_shared>> -> memref<10240x128xbf16, #tpu.memory_space<vmem_shared>>
      tpu.wait_indirect_dma semaphore(%arg19 : memref<!tpu.dma_semaphore, #tpu.memory_space<semaphore_mem>>) src(%arg11 : memref<128x128xbf16, #tpu.memory_space<vmem>>) dst(%dma_wait3A_453 : memref<10240x128xbf16, #tpu.memory_space<vmem_shared>>)
      %dma_start3A_454 = arith.constant 5 : i32
      %dma_start3A_455 = arith.constant 0 : i32
      %dma_start3A_456 = tpu.memref_slice %arg7[%dma_start3A_454, %dma_start3A_455] : memref<8x128xi32, #tpu.memory_space<vmem>> -> memref<1x128xi32, #tpu.memory_space<vmem>>
      %dma_start3A_457 = tpu.memref_squeeze %dma_start3A_456 : memref<1x128xi32, #tpu.memory_space<vmem>> -> memref<128xi32, #tpu.memory_space<vmem>>
      %dma_start3A_458 = arith.constant 0 : i32
      %dma_start3A_459 = arith.constant 0 : i32
      %dma_start3A_460 = tpu.memref_slice %arg12[%dma_start3A_458, %dma_start3A_459] : memref<10240x128xbf16, #tpu.memory_space<vmem_shared>> -> memref<10240x128xbf16, #tpu.memory_space<vmem_shared>>
      tpu.enqueue_indirect_dma source(%dma_start3A_460 : memref<10240x128xbf16, #tpu.memory_space<vmem_shared>>) target(%arg11 : memref<128x128xbf16, #tpu.memory_space<vmem>>) offsets(%dma_start3A_457 : memref<128xi32, #tpu.memory_space<vmem>>) semaphore(%arg17 : memref<!tpu.dma_semaphore, #tpu.memory_space<semaphore_mem>>)
      %dma_wait3A_461 = arith.constant 4 : i32
      %dma_wait3A_462 = arith.constant 0 : i32
      %dma_wait3A_463 = tpu.memref_slice %arg7[%dma_wait3A_461, %dma_wait3A_462] : memref<8x128xi32, #tpu.memory_space<vmem>> -> memref<1x128xi32, #tpu.memory_space<vmem>>
      %dma_wait3A_464 = tpu.memref_squeeze %dma_wait3A_463 : memref<1x128xi32, #tpu.memory_space<vmem>> -> memref<128xi32, #tpu.memory_space<vmem>>
      %dma_wait3A_465 = arith.constant 0 : i32
      %dma_wait3A_466 = arith.constant 0 : i32
      %dma_wait3A_467 = tpu.memref_slice %arg12[%dma_wait3A_465, %dma_wait3A_466] : memref<10240x128xbf16, #tpu.memory_space<vmem_shared>> -> memref<10240x128xbf16, #tpu.memory_space<vmem_shared>>
      tpu.wait_indirect_dma semaphore(%arg16 : memref<!tpu.dma_semaphore, #tpu.memory_space<semaphore_mem>>) src(%dma_wait3A_467 : memref<10240x128xbf16, #tpu.memory_space<vmem_shared>>) dst(%arg10 : memref<128x128xbf16, #tpu.memory_space<vmem>>)
      %dma_start3A_468 = arith.constant 4 : i32
      %dma_start3A_469 = arith.constant 0 : i32
      %dma_start3A_470 = tpu.memref_slice %arg9[%dma_start3A_468, %dma_start3A_469] : memref<8x128xi32, #tpu.memory_space<vmem>> -> memref<1x128xi32, #tpu.memory_space<vmem>>
      %dma_start3A_471 = tpu.memref_squeeze %dma_start3A_470 : memref<1x128xi32, #tpu.memory_space<vmem>> -> memref<128xi32, #tpu.memory_space<vmem>>
      %dma_start3A_472 = arith.constant 0 : i32
      %dma_start3A_473 = arith.constant 0 : i32
      %dma_start3A_474 = tpu.memref_slice %arg13[%dma_start3A_472, %dma_start3A_473] : memref<10240x128xbf16, #tpu.memory_space<vmem_shared>> -> memref<10240x128xbf16, #tpu.memory_space<vmem_shared>>
      tpu.enqueue_indirect_dma source(%arg10 : memref<128x128xbf16, #tpu.memory_space<vmem>>) target(%dma_start3A_474 : memref<10240x128xbf16, #tpu.memory_space<vmem_shared>>) offsets(%dma_start3A_471 : memref<128xi32, #tpu.memory_space<vmem>>) semaphore(%arg18 : memref<!tpu.dma_semaphore, #tpu.memory_space<semaphore_mem>>) {add = true}
      %dma_wait3A_475 = arith.constant 4 : i32
      %dma_wait3A_476 = arith.constant 0 : i32
      %dma_wait3A_477 = tpu.memref_slice %arg9[%dma_wait3A_475, %dma_wait3A_476] : memref<8x128xi32, #tpu.memory_space<vmem>> -> memref<1x128xi32, #tpu.memory_space<vmem>>
      %dma_wait3A_478 = tpu.memref_squeeze %dma_wait3A_477 : memref<1x128xi32, #tpu.memory_space<vmem>> -> memref<128xi32, #tpu.memory_space<vmem>>
      %dma_wait3A_479 = arith.constant 0 : i32
      %dma_wait3A_480 = arith.constant 0 : i32
      %dma_wait3A_481 = tpu.memref_slice %arg13[%dma_wait3A_479, %dma_wait3A_480] : memref<10240x128xbf16, #tpu.memory_space<vmem_shared>> -> memref<10240x128xbf16, #tpu.memory_space<vmem_shared>>
      tpu.wait_indirect_dma semaphore(%arg18 : memref<!tpu.dma_semaphore, #tpu.memory_space<semaphore_mem>>) src(%arg10 : memref<128x128xbf16, #tpu.memory_space<vmem>>) dst(%dma_wait3A_481 : memref<10240x128xbf16, #tpu.memory_space<vmem_shared>>)
      %dma_start3A_482 = arith.constant 6 : i32
      %dma_start3A_483 = arith.constant 0 : i32
      %dma_start3A_484 = tpu.memref_slice %arg7[%dma_start3A_482, %dma_start3A_483] : memref<8x128xi32, #tpu.memory_space<vmem>> -> memref<1x128xi32, #tpu.memory_space<vmem>>
      %dma_start3A_485 = tpu.memref_squeeze %dma_start3A_484 : memref<1x128xi32, #tpu.memory_space<vmem>> -> memref<128xi32, #tpu.memory_space<vmem>>
      %dma_start3A_486 = arith.constant 0 : i32
      %dma_start3A_487 = arith.constant 0 : i32
      %dma_start3A_488 = tpu.memref_slice %arg12[%dma_start3A_486, %dma_start3A_487] : memref<10240x128xbf16, #tpu.memory_space<vmem_shared>> -> memref<10240x128xbf16, #tpu.memory_space<vmem_shared>>
      tpu.enqueue_indirect_dma source(%dma_start3A_488 : memref<10240x128xbf16, #tpu.memory_space<vmem_shared>>) target(%arg10 : memref<128x128xbf16, #tpu.memory_space<vmem>>) offsets(%dma_start3A_485 : memref<128xi32, #tpu.memory_space<vmem>>) semaphore(%arg16 : memref<!tpu.dma_semaphore, #tpu.memory_space<semaphore_mem>>)
      %dma_wait3A_489 = arith.constant 5 : i32
      %dma_wait3A_490 = arith.constant 0 : i32
      %dma_wait3A_491 = tpu.memref_slice %arg7[%dma_wait3A_489, %dma_wait3A_490] : memref<8x128xi32, #tpu.memory_space<vmem>> -> memref<1x128xi32, #tpu.memory_space<vmem>>
      %dma_wait3A_492 = tpu.memref_squeeze %dma_wait3A_491 : memref<1x128xi32, #tpu.memory_space<vmem>> -> memref<128xi32, #tpu.memory_space<vmem>>
      %dma_wait3A_493 = arith.constant 0 : i32
      %dma_wait3A_494 = arith.constant 0 : i32
      %dma_wait3A_495 = tpu.memref_slice %arg12[%dma_wait3A_493, %dma_wait3A_494] : memref<10240x128xbf16, #tpu.memory_space<vmem_shared>> -> memref<10240x128xbf16, #tpu.memory_space<vmem_shared>>
      tpu.wait_indirect_dma semaphore(%arg17 : memref<!tpu.dma_semaphore, #tpu.memory_space<semaphore_mem>>) src(%dma_wait3A_495 : memref<10240x128xbf16, #tpu.memory_space<vmem_shared>>) dst(%arg11 : memref<128x128xbf16, #tpu.memory_space<vmem>>)
      %dma_start3A_496 = arith.constant 5 : i32
      %dma_start3A_497 = arith.constant 0 : i32
      %dma_start3A_498 = tpu.memref_slice %arg9[%dma_start3A_496, %dma_start3A_497] : memref<8x128xi32, #tpu.memory_space<vmem>> -> memref<1x128xi32, #tpu.memory_space<vmem>>
      %dma_start3A_499 = tpu.memref_squeeze %dma_start3A_498 : memref<1x128xi32, #tpu.memory_space<vmem>> -> memref<128xi32, #tpu.memory_space<vmem>>
      %dma_start3A_500 = arith.constant 0 : i32
      %dma_start3A_501 = arith.constant 0 : i32
      %dma_start3A_502 = tpu.memref_slice %arg13[%dma_start3A_500, %dma_start3A_501] : memref<10240x128xbf16, #tpu.memory_space<vmem_shared>> -> memref<10240x128xbf16, #tpu.memory_space<vmem_shared>>
      tpu.enqueue_indirect_dma source(%arg11 : memref<128x128xbf16, #tpu.memory_space<vmem>>) target(%dma_start3A_502 : memref<10240x128xbf16, #tpu.memory_space<vmem_shared>>) offsets(%dma_start3A_499 : memref<128xi32, #tpu.memory_space<vmem>>) semaphore(%arg19 : memref<!tpu.dma_semaphore, #tpu.memory_space<semaphore_mem>>) {add = true}
      %dma_wait3A_503 = arith.constant 5 : i32
      %dma_wait3A_504 = arith.constant 0 : i32
      %dma_wait3A_505 = tpu.memref_slice %arg9[%dma_wait3A_503, %dma_wait3A_504] : memref<8x128xi32, #tpu.memory_space<vmem>> -> memref<1x128xi32, #tpu.memory_space<vmem>>
      %dma_wait3A_506 = tpu.memref_squeeze %dma_wait3A_505 : memref<1x128xi32, #tpu.memory_space<vmem>> -> memref<128xi32, #tpu.memory_space<vmem>>
      %dma_wait3A_507 = arith.constant 0 : i32
      %dma_wait3A_508 = arith.constant 0 : i32
      %dma_wait3A_509 = tpu.memref_slice %arg13[%dma_wait3A_507, %dma_wait3A_508] : memref<10240x128xbf16, #tpu.memory_space<vmem_shared>> -> memref<10240x128xbf16, #tpu.memory_space<vmem_shared>>
      tpu.wait_indirect_dma semaphore(%arg19 : memref<!tpu.dma_semaphore, #tpu.memory_space<semaphore_mem>>) src(%arg11 : memref<128x128xbf16, #tpu.memory_space<vmem>>) dst(%dma_wait3A_509 : memref<10240x128xbf16, #tpu.memory_space<vmem_shared>>)
      %dma_start3A_510 = arith.constant 7 : i32
      %dma_start3A_511 = arith.constant 0 : i32
      %dma_start3A_512 = tpu.memref_slice %arg7[%dma_start3A_510, %dma_start3A_511] : memref<8x128xi32, #tpu.memory_space<vmem>> -> memref<1x128xi32, #tpu.memory_space<vmem>>
      %dma_start3A_513 = tpu.memref_squeeze %dma_start3A_512 : memref<1x128xi32, #tpu.memory_space<vmem>> -> memref<128xi32, #tpu.memory_space<vmem>>
      %dma_start3A_514 = arith.constant 0 : i32
      %dma_start3A_515 = arith.constant 0 : i32
      %dma_start3A_516 = tpu.memref_slice %arg12[%dma_start3A_514, %dma_start3A_515] : memref<10240x128xbf16, #tpu.memory_space<vmem_shared>> -> memref<10240x128xbf16, #tpu.memory_space<vmem_shared>>
      tpu.enqueue_indirect_dma source(%dma_start3A_516 : memref<10240x128xbf16, #tpu.memory_space<vmem_shared>>) target(%arg11 : memref<128x128xbf16, #tpu.memory_space<vmem>>) offsets(%dma_start3A_513 : memref<128xi32, #tpu.memory_space<vmem>>) semaphore(%arg17 : memref<!tpu.dma_semaphore, #tpu.memory_space<semaphore_mem>>)
      %dma_wait3A_517 = arith.constant 6 : i32
      %dma_wait3A_518 = arith.constant 0 : i32
      %dma_wait3A_519 = tpu.memref_slice %arg7[%dma_wait3A_517, %dma_wait3A_518] : memref<8x128xi32, #tpu.memory_space<vmem>> -> memref<1x128xi32, #tpu.memory_space<vmem>>
      %dma_wait3A_520 = tpu.memref_squeeze %dma_wait3A_519 : memref<1x128xi32, #tpu.memory_space<vmem>> -> memref<128xi32, #tpu.memory_space<vmem>>
      %dma_wait3A_521 = arith.constant 0 : i32
      %dma_wait3A_522 = arith.constant 0 : i32
      %dma_wait3A_523 = tpu.memref_slice %arg12[%dma_wait3A_521, %dma_wait3A_522] : memref<10240x128xbf16, #tpu.memory_space<vmem_shared>> -> memref<10240x128xbf16, #tpu.memory_space<vmem_shared>>
      tpu.wait_indirect_dma semaphore(%arg16 : memref<!tpu.dma_semaphore, #tpu.memory_space<semaphore_mem>>) src(%dma_wait3A_523 : memref<10240x128xbf16, #tpu.memory_space<vmem_shared>>) dst(%arg10 : memref<128x128xbf16, #tpu.memory_space<vmem>>)
      %dma_start3A_524 = arith.constant 6 : i32
      %dma_start3A_525 = arith.constant 0 : i32
      %dma_start3A_526 = tpu.memref_slice %arg9[%dma_start3A_524, %dma_start3A_525] : memref<8x128xi32, #tpu.memory_space<vmem>> -> memref<1x128xi32, #tpu.memory_space<vmem>>
      %dma_start3A_527 = tpu.memref_squeeze %dma_start3A_526 : memref<1x128xi32, #tpu.memory_space<vmem>> -> memref<128xi32, #tpu.memory_space<vmem>>
      %dma_start3A_528 = arith.constant 0 : i32
      %dma_start3A_529 = arith.constant 0 : i32
      %dma_start3A_530 = tpu.memref_slice %arg13[%dma_start3A_528, %dma_start3A_529] : memref<10240x128xbf16, #tpu.memory_space<vmem_shared>> -> memref<10240x128xbf16, #tpu.memory_space<vmem_shared>>
      tpu.enqueue_indirect_dma source(%arg10 : memref<128x128xbf16, #tpu.memory_space<vmem>>) target(%dma_start3A_530 : memref<10240x128xbf16, #tpu.memory_space<vmem_shared>>) offsets(%dma_start3A_527 : memref<128xi32, #tpu.memory_space<vmem>>) semaphore(%arg18 : memref<!tpu.dma_semaphore, #tpu.memory_space<semaphore_mem>>) {add = true}
      %dma_wait3A_531 = arith.constant 6 : i32
      %dma_wait3A_532 = arith.constant 0 : i32
      %dma_wait3A_533 = tpu.memref_slice %arg9[%dma_wait3A_531, %dma_wait3A_532] : memref<8x128xi32, #tpu.memory_space<vmem>> -> memref<1x128xi32, #tpu.memory_space<vmem>>
      %dma_wait3A_534 = tpu.memref_squeeze %dma_wait3A_533 : memref<1x128xi32, #tpu.memory_space<vmem>> -> memref<128xi32, #tpu.memory_space<vmem>>
      %dma_wait3A_535 = arith.constant 0 : i32
      %dma_wait3A_536 = arith.constant 0 : i32
      %dma_wait3A_537 = tpu.memref_slice %arg13[%dma_wait3A_535, %dma_wait3A_536] : memref<10240x128xbf16, #tpu.memory_space<vmem_shared>> -> memref<10240x128xbf16, #tpu.memory_space<vmem_shared>>
      tpu.wait_indirect_dma semaphore(%arg18 : memref<!tpu.dma_semaphore, #tpu.memory_space<semaphore_mem>>) src(%arg10 : memref<128x128xbf16, #tpu.memory_space<vmem>>) dst(%dma_wait3A_537 : memref<10240x128xbf16, #tpu.memory_space<vmem_shared>>)
      %lt3A_538 = arith.constant 19 : i32
      %lt3A_539 = arith.cmpi slt, %add3A_348, %lt3A_538 : i32
      %convert_element_type3A_540 = arith.extui %lt3A_539 : i1 to i32
      %cond3A_541 = arith.constant 0 : i32
      %cond3A_542 = arith.cmpi ne, %convert_element_type3A_540, %cond3A_541 : i32
      scf.if %cond3A_542 {
        %dma_wait3A_582 = arith.constant 0 : i32
        %dma_wait3A_583 = arith.constant 0 : i32
        %dma_wait3A_584 = arith.constant 0 : i32
        %dma_wait3A_585 = tpu.memref_slice %arg3[%arg0, %arg1, %dma_wait3A_582, %dma_wait3A_583, %dma_wait3A_584] : memref<2x16x20x8x128xi32, #tpu.memory_space<hbm>> -> memref<1x1x1x8x128xi32, #tpu.memory_space<hbm>>
        %dma_wait3A_586 = tpu.memref_squeeze %dma_wait3A_585 : memref<1x1x1x8x128xi32, #tpu.memory_space<hbm>> -> memref<8x128xi32, #tpu.memory_space<hbm>>
        %dma_wait3A_587 = arith.constant 0 : i32
        %dma_wait3A_588 = arith.constant 0 : i32
        %dma_wait3A_589 = tpu.memref_slice %arg3[%arg0, %arg1, %dma_wait3A_582, %dma_wait3A_587, %dma_wait3A_588] : memref<2x16x20x8x128xi32, #tpu.memory_space<hbm>> -> memref<1x1x1x8x128xi32, #tpu.memory_space<hbm>>
        %dma_wait3A_590 = tpu.memref_squeeze %dma_wait3A_589 : memref<1x1x1x8x128xi32, #tpu.memory_space<hbm>> -> memref<8x128xi32, #tpu.memory_space<hbm>>
        tpu.wait_dma2 semaphore(%arg14 : memref<!tpu.dma_semaphore, #tpu.memory_space<semaphore_mem>>) src(%dma_wait3A_590 : memref<8x128xi32, #tpu.memory_space<hbm>>) dst(%arg6 : memref<8x128xi32, #tpu.memory_space<vmem>>)
        %dma_wait3A_591 = arith.constant 0 : i32
        %dma_wait3A_592 = arith.constant 0 : i32
        %dma_wait3A_593 = arith.constant 0 : i32
        %dma_wait3A_594 = tpu.memref_slice %arg4[%arg0, %arg1, %dma_wait3A_591, %dma_wait3A_592, %dma_wait3A_593] : memref<2x16x20x8x128xi32, #tpu.memory_space<hbm>> -> memref<1x1x1x8x128xi32, #tpu.memory_space<hbm>>
        %dma_wait3A_595 = tpu.memref_squeeze %dma_wait3A_594 : memref<1x1x1x8x128xi32, #tpu.memory_space<hbm>> -> memref<8x128xi32, #tpu.memory_space<hbm>>
        %dma_wait3A_596 = arith.constant 0 : i32
        %dma_wait3A_597 = arith.constant 0 : i32
        %dma_wait3A_598 = tpu.memref_slice %arg4[%arg0, %arg1, %dma_wait3A_591, %dma_wait3A_596, %dma_wait3A_597] : memref<2x16x20x8x128xi32, #tpu.memory_space<hbm>> -> memref<1x1x1x8x128xi32, #tpu.memory_space<hbm>>
        %dma_wait3A_599 = tpu.memref_squeeze %dma_wait3A_598 : memref<1x1x1x8x128xi32, #tpu.memory_space<hbm>> -> memref<8x128xi32, #tpu.memory_space<hbm>>
        tpu.wait_dma2 semaphore(%arg14 : memref<!tpu.dma_semaphore, #tpu.memory_space<semaphore_mem>>) src(%dma_wait3A_599 : memref<8x128xi32, #tpu.memory_space<hbm>>) dst(%arg8 : memref<8x128xi32, #tpu.memory_space<vmem>>)
      } else {
      }
      %lt3A_543 = arith.constant 19 : i32
      %lt3A_544 = arith.cmpi slt, %add3A_348, %lt3A_543 : i32
      %convert_element_type3A_545 = arith.extui %lt3A_544 : i1 to i32
      %cond3A_546 = arith.constant 0 : i32
      %cond3A_547 = arith.cmpi ne, %convert_element_type3A_545, %cond3A_546 : i32
      scf.if %cond3A_547 {
        %dma_start3A_582 = arith.constant 0 : i32
        %dma_start3A_583 = arith.constant 0 : i32
        %dma_start3A_584 = tpu.memref_slice %arg6[%dma_start3A_582, %dma_start3A_583] : memref<8x128xi32, #tpu.memory_space<vmem>> -> memref<1x128xi32, #tpu.memory_space<vmem>>
        %dma_start3A_585 = tpu.memref_squeeze %dma_start3A_584 : memref<1x128xi32, #tpu.memory_space<vmem>> -> memref<128xi32, #tpu.memory_space<vmem>>
        %dma_start3A_586 = arith.constant 0 : i32
        %dma_start3A_587 = arith.constant 0 : i32
        %dma_start3A_588 = tpu.memref_slice %arg12[%dma_start3A_586, %dma_start3A_587] : memref<10240x128xbf16, #tpu.memory_space<vmem_shared>> -> memref<10240x128xbf16, #tpu.memory_space<vmem_shared>>
        tpu.enqueue_indirect_dma source(%dma_start3A_588 : memref<10240x128xbf16, #tpu.memory_space<vmem_shared>>) target(%arg10 : memref<128x128xbf16, #tpu.memory_space<vmem>>) offsets(%dma_start3A_585 : memref<128xi32, #tpu.memory_space<vmem>>) semaphore(%arg16 : memref<!tpu.dma_semaphore, #tpu.memory_space<semaphore_mem>>)
      } else {
      }
      %dma_wait3A_548 = arith.constant 7 : i32
      %dma_wait3A_549 = arith.constant 0 : i32
      %dma_wait3A_550 = tpu.memref_slice %arg7[%dma_wait3A_548, %dma_wait3A_549] : memref<8x128xi32, #tpu.memory_space<vmem>> -> memref<1x128xi32, #tpu.memory_space<vmem>>
      %dma_wait3A_551 = tpu.memref_squeeze %dma_wait3A_550 : memref<1x128xi32, #tpu.memory_space<vmem>> -> memref<128xi32, #tpu.memory_space<vmem>>
      %dma_wait3A_552 = arith.constant 0 : i32
      %dma_wait3A_553 = arith.constant 0 : i32
      %dma_wait3A_554 = tpu.memref_slice %arg12[%dma_wait3A_552, %dma_wait3A_553] : memref<10240x128xbf16, #tpu.memory_space<vmem_shared>> -> memref<10240x128xbf16, #tpu.memory_space<vmem_shared>>
      tpu.wait_indirect_dma semaphore(%arg17 : memref<!tpu.dma_semaphore, #tpu.memory_space<semaphore_mem>>) src(%dma_wait3A_554 : memref<10240x128xbf16, #tpu.memory_space<vmem_shared>>) dst(%arg11 : memref<128x128xbf16, #tpu.memory_space<vmem>>)
      %dma_start3A_555 = arith.constant 7 : i32
      %dma_start3A_556 = arith.constant 0 : i32
      %dma_start3A_557 = tpu.memref_slice %arg9[%dma_start3A_555, %dma_start3A_556] : memref<8x128xi32, #tpu.memory_space<vmem>> -> memref<1x128xi32, #tpu.memory_space<vmem>>
      %dma_start3A_558 = tpu.memref_squeeze %dma_start3A_557 : memref<1x128xi32, #tpu.memory_space<vmem>> -> memref<128xi32, #tpu.memory_space<vmem>>
      %dma_start3A_559 = arith.constant 0 : i32
      %dma_start3A_560 = arith.constant 0 : i32
      %dma_start3A_561 = tpu.memref_slice %arg13[%dma_start3A_559, %dma_start3A_560] : memref<10240x128xbf16, #tpu.memory_space<vmem_shared>> -> memref<10240x128xbf16, #tpu.memory_space<vmem_shared>>
      tpu.enqueue_indirect_dma source(%arg11 : memref<128x128xbf16, #tpu.memory_space<vmem>>) target(%dma_start3A_561 : memref<10240x128xbf16, #tpu.memory_space<vmem_shared>>) offsets(%dma_start3A_558 : memref<128xi32, #tpu.memory_space<vmem>>) semaphore(%arg19 : memref<!tpu.dma_semaphore, #tpu.memory_space<semaphore_mem>>) {add = true}
      %dma_wait3A_562 = arith.constant 7 : i32
      %dma_wait3A_563 = arith.constant 0 : i32
      %dma_wait3A_564 = tpu.memref_slice %arg9[%dma_wait3A_562, %dma_wait3A_563] : memref<8x128xi32, #tpu.memory_space<vmem>> -> memref<1x128xi32, #tpu.memory_space<vmem>>
      %dma_wait3A_565 = tpu.memref_squeeze %dma_wait3A_564 : memref<1x128xi32, #tpu.memory_space<vmem>> -> memref<128xi32, #tpu.memory_space<vmem>>
      %dma_wait3A_566 = arith.constant 0 : i32
      %dma_wait3A_567 = arith.constant 0 : i32
      %dma_wait3A_568 = tpu.memref_slice %arg13[%dma_wait3A_566, %dma_wait3A_567] : memref<10240x128xbf16, #tpu.memory_space<vmem_shared>> -> memref<10240x128xbf16, #tpu.memory_space<vmem_shared>>
      tpu.wait_indirect_dma semaphore(%arg19 : memref<!tpu.dma_semaphore, #tpu.memory_space<semaphore_mem>>) src(%arg11 : memref<128x128xbf16, #tpu.memory_space<vmem>>) dst(%dma_wait3A_568 : memref<10240x128xbf16, #tpu.memory_space<vmem_shared>>)
      %lt3A_569 = arith.constant 19 : i32
      %lt3A_570 = arith.cmpi slt, %add3A_348, %lt3A_569 : i32
      %convert_element_type3A_571 = arith.extui %lt3A_570 : i1 to i32
      %cond3A_572 = arith.constant 0 : i32
      %cond3A_573 = arith.cmpi ne, %convert_element_type3A_571, %cond3A_572 : i32
      scf.if %cond3A_573 {
        %dma_start3A_582 = arith.constant 1 : i32
        %dma_start3A_583 = arith.constant 0 : i32
        %dma_start3A_584 = tpu.memref_slice %arg6[%dma_start3A_582, %dma_start3A_583] : memref<8x128xi32, #tpu.memory_space<vmem>> -> memref<1x128xi32, #tpu.memory_space<vmem>>
        %dma_start3A_585 = tpu.memref_squeeze %dma_start3A_584 : memref<1x128xi32, #tpu.memory_space<vmem>> -> memref<128xi32, #tpu.memory_space<vmem>>
        %dma_start3A_586 = arith.constant 0 : i32
        %dma_start3A_587 = arith.constant 0 : i32
        %dma_start3A_588 = tpu.memref_slice %arg12[%dma_start3A_586, %dma_start3A_587] : memref<10240x128xbf16, #tpu.memory_space<vmem_shared>> -> memref<10240x128xbf16, #tpu.memory_space<vmem_shared>>
        tpu.enqueue_indirect_dma source(%dma_start3A_588 : memref<10240x128xbf16, #tpu.memory_space<vmem_shared>>) target(%arg11 : memref<128x128xbf16, #tpu.memory_space<vmem>>) offsets(%dma_start3A_585 : memref<128xi32, #tpu.memory_space<vmem>>) semaphore(%arg17 : memref<!tpu.dma_semaphore, #tpu.memory_space<semaphore_mem>>)
      } else {
      }
      %add3A_574 = arith.constant 2 : i32
      %add3A_575 = arith.addi %add3A_348, %add3A_574 : i32
      %lt3A_576 = arith.constant 20 : i32
      %lt3A_577 = arith.cmpi slt, %add3A_575, %lt3A_576 : i32
      %convert_element_type3A_578 = arith.extui %lt3A_577 : i1 to i32
      %cond3A_579 = arith.constant 0 : i32
      %cond3A_580 = arith.cmpi ne, %convert_element_type3A_578, %cond3A_579 : i32
      scf.if %cond3A_580 {
        %add3A_582 = arith.constant 2 : i32
        %add3A_583 = arith.addi %add3A_348, %add3A_582 : i32
        %dma_start3A_584 = arith.constant 0 : i32
        %dma_start3A_585 = arith.constant 0 : i32
        %dma_start3A_586 = tpu.memref_slice %arg3[%arg0, %arg1, %add3A_583, %dma_start3A_584, %dma_start3A_585] : memref<2x16x20x8x128xi32, #tpu.memory_space<hbm>> -> memref<1x1x1x8x128xi32, #tpu.memory_space<hbm>>
        %dma_start3A_587 = tpu.memref_squeeze %dma_start3A_586 : memref<1x1x1x8x128xi32, #tpu.memory_space<hbm>> -> memref<8x128xi32, #tpu.memory_space<hbm>>
        %dma_start3A_588 = arith.constant 0 : i32
        %dma_start3A_589 = arith.constant 0 : i32
        %dma_start3A_590 = tpu.memref_slice %arg3[%arg0, %arg1, %add3A_583, %dma_start3A_588, %dma_start3A_589] : memref<2x16x20x8x128xi32, #tpu.memory_space<hbm>> -> memref<1x1x1x8x128xi32, #tpu.memory_space<hbm>>
        %dma_start3A_591 = tpu.memref_squeeze %dma_start3A_590 : memref<1x1x1x8x128xi32, #tpu.memory_space<hbm>> -> memref<8x128xi32, #tpu.memory_space<hbm>>
        tpu.enqueue_dma source(%dma_start3A_591 : memref<8x128xi32, #tpu.memory_space<hbm>>) target(%arg7 : memref<8x128xi32, #tpu.memory_space<vmem>>) target_semaphore(%arg15 : memref<!tpu.dma_semaphore, #tpu.memory_space<semaphore_mem>>)
        %dma_start3A_592 = arith.constant 0 : i32
        %dma_start3A_593 = arith.constant 0 : i32
        %dma_start3A_594 = tpu.memref_slice %arg4[%arg0, %arg1, %add3A_583, %dma_start3A_592, %dma_start3A_593] : memref<2x16x20x8x128xi32, #tpu.memory_space<hbm>> -> memref<1x1x1x8x128xi32, #tpu.memory_space<hbm>>
        %dma_start3A_595 = tpu.memref_squeeze %dma_start3A_594 : memref<1x1x1x8x128xi32, #tpu.memory_space<hbm>> -> memref<8x128xi32, #tpu.memory_space<hbm>>
        %dma_start3A_596 = arith.constant 0 : i32
        %dma_start3A_597 = arith.constant 0 : i32
        %dma_start3A_598 = tpu.memref_slice %arg4[%arg0, %arg1, %add3A_583, %dma_start3A_596, %dma_start3A_597] : memref<2x16x20x8x128xi32, #tpu.memory_space<hbm>> -> memref<1x1x1x8x128xi32, #tpu.memory_space<hbm>>
        %dma_start3A_599 = tpu.memref_squeeze %dma_start3A_598 : memref<1x1x1x8x128xi32, #tpu.memory_space<hbm>> -> memref<8x128xi32, #tpu.memory_space<hbm>>
        tpu.enqueue_dma source(%dma_start3A_599 : memref<8x128xi32, #tpu.memory_space<hbm>>) target(%arg9 : memref<8x128xi32, #tpu.memory_space<vmem>>) target_semaphore(%arg15 : memref<!tpu.dma_semaphore, #tpu.memory_space<semaphore_mem>>)
      } else {
      }
      %scan3A_581 = arith.constant 0 : i32
      scf.yield %scan3A_581 : i32
    }
    %scan3A_95 = arith.constant 10 : i32
    %barrier3A_96 = arith.constant 0 : index
    tpu.barrier barrier_id(%barrier3A_96)
    %lt3A_97 = arith.constant 15 : i32
    %lt3A_98 = arith.cmpi slt, %arg1, %lt3A_97 : i32
    %convert_element_type3A_99 = arith.extui %lt3A_98 : i1 to i32
    %cond3A_100 = arith.constant 0 : i32
    %cond3A_101 = arith.cmpi ne, %convert_element_type3A_99, %cond3A_100 : i32
    scf.if %cond3A_101 {
      "tpu.region"() ({
        %run_scoped3A = tpu.sem_alloc : memref<!tpu.dma_semaphore, #tpu.memory_space<semaphore_mem>>
        %dma_start3A_107 = arith.constant 0 : i32
        %dma_start3A_108 = tpu.memref_slice %arg5[%arg0, %mul3A_0, %dma_start3A_107] : memref<2x10000x128xbf16, #tpu.memory_space<hbm>> -> memref<1x640x128xbf16, #tpu.memory_space<hbm>>
        %dma_start3A_109 = tpu.memref_squeeze %dma_start3A_108 : memref<1x640x128xbf16, #tpu.memory_space<hbm>> -> memref<640x128xbf16, #tpu.memory_space<hbm>>
        %dma_start3A_110 = arith.constant 0 : i32
        %dma_start3A_111 = tpu.memref_slice %arg13[%mul3A_0, %dma_start3A_110] : memref<10240x128xbf16, #tpu.memory_space<vmem_shared>> -> memref<640x128xbf16, #tpu.memory_space<vmem_shared>>
        tpu.enqueue_dma source(%dma_start3A_111 : memref<640x128xbf16, #tpu.memory_space<vmem_shared>>) target(%dma_start3A_109 : memref<640x128xbf16, #tpu.memory_space<hbm>>) target_semaphore(%run_scoped3A : memref<!tpu.dma_semaphore, #tpu.memory_space<semaphore_mem>>)
        %dma_wait3A_112 = arith.constant 0 : i32
        %dma_wait3A_113 = tpu.memref_slice %arg5[%arg0, %mul3A_0, %dma_wait3A_112] : memref<2x10000x128xbf16, #tpu.memory_space<hbm>> -> memref<1x640x128xbf16, #tpu.memory_space<hbm>>
        %dma_wait3A_114 = tpu.memref_squeeze %dma_wait3A_113 : memref<1x640x128xbf16, #tpu.memory_space<hbm>> -> memref<640x128xbf16, #tpu.memory_space<hbm>>
        %dma_wait3A_115 = arith.constant 0 : i32
        %dma_wait3A_116 = tpu.memref_slice %arg13[%mul3A_0, %dma_wait3A_115] : memref<10240x128xbf16, #tpu.memory_space<vmem_shared>> -> memref<640x128xbf16, #tpu.memory_space<vmem_shared>>
        tpu.wait_dma2 semaphore(%run_scoped3A : memref<!tpu.dma_semaphore, #tpu.memory_space<semaphore_mem>>) src(%dma_wait3A_116 : memref<640x128xbf16, #tpu.memory_space<vmem_shared>>) dst(%dma_wait3A_114 : memref<640x128xbf16, #tpu.memory_space<hbm>>)
        tpu.yield
      }) : () -> ()
    } else {
    }
    %eq3A_102 = arith.constant 15 : i32
    %eq3A_103 = arith.cmpi eq, %arg1, %eq3A_102 : i32
    %convert_element_type3A_104 = arith.extui %eq3A_103 : i1 to i32
    %cond3A_105 = arith.constant 0 : i32
    %cond3A_106 = arith.cmpi ne, %convert_element_type3A_104, %cond3A_105 : i32
    scf.if %cond3A_106 {
      "tpu.region"() ({
        %run_scoped3A = tpu.sem_alloc : memref<!tpu.dma_semaphore, #tpu.memory_space<semaphore_mem>>
        %dma_start3A_107 = arith.constant 0 : i32
        %dma_start3A_108 = tpu.memref_slice %arg5[%arg0, %mul3A_0, %dma_start3A_107] : memref<2x10000x128xbf16, #tpu.memory_space<hbm>> -> memref<1x400x128xbf16, #tpu.memory_space<hbm>>
        %dma_start3A_109 = tpu.memref_squeeze %dma_start3A_108 : memref<1x400x128xbf16, #tpu.memory_space<hbm>> -> memref<400x128xbf16, #tpu.memory_space<hbm>>
        %dma_start3A_110 = arith.constant 0 : i32
        %dma_start3A_111 = tpu.memref_slice %arg13[%mul3A_0, %dma_start3A_110] : memref<10240x128xbf16, #tpu.memory_space<vmem_shared>> -> memref<400x128xbf16, #tpu.memory_space<vmem_shared>>
        tpu.enqueue_dma source(%dma_start3A_111 : memref<400x128xbf16, #tpu.memory_space<vmem_shared>>) target(%dma_start3A_109 : memref<400x128xbf16, #tpu.memory_space<hbm>>) target_semaphore(%run_scoped3A : memref<!tpu.dma_semaphore, #tpu.memory_space<semaphore_mem>>)
        %dma_wait3A_112 = arith.constant 0 : i32
        %dma_wait3A_113 = tpu.memref_slice %arg5[%arg0, %mul3A_0, %dma_wait3A_112] : memref<2x10000x128xbf16, #tpu.memory_space<hbm>> -> memref<1x400x128xbf16, #tpu.memory_space<hbm>>
        %dma_wait3A_114 = tpu.memref_squeeze %dma_wait3A_113 : memref<1x400x128xbf16, #tpu.memory_space<hbm>> -> memref<400x128xbf16, #tpu.memory_space<hbm>>
        %dma_wait3A_115 = arith.constant 0 : i32
        %dma_wait3A_116 = tpu.memref_slice %arg13[%mul3A_0, %dma_wait3A_115] : memref<10240x128xbf16, #tpu.memory_space<vmem_shared>> -> memref<400x128xbf16, #tpu.memory_space<vmem_shared>>
        tpu.wait_dma2 semaphore(%run_scoped3A : memref<!tpu.dma_semaphore, #tpu.memory_space<semaphore_mem>>) src(%dma_wait3A_116 : memref<400x128xbf16, #tpu.memory_space<vmem_shared>>) dst(%dma_wait3A_114 : memref<400x128xbf16, #tpu.memory_space<hbm>>)
        tpu.yield
      }) : () -> ()
    } else {
    }
    return
  }
}

module attributes {stable_mosaic.version = 14 : i64} {
  func.func @_proj_body(%arg0: i32, %arg1: i32, %arg2: memref<1x2000x128xf32, #tpu.memory_space<vmem>>, %arg3: memref<1x128x128xf32, #tpu.memory_space<vmem>>, %arg4: memref<1x1x128xf32, #tpu.memory_space<vmem>>, %arg5: memref<1x2000x160xbf16, #tpu.memory_space<vmem>>) attributes {dimension_semantics = [#tpu.dimension_semantics<arbitrary>, #tpu.dimension_semantics<arbitrary>], iteration_bounds = array<i64: 2, 5>, scalar_prefetch = 0 : i64, scratch_operands = 0 : i64, tpu.core_type = #tpu.core_type<tc>, window_params = [{transform_indices = @transform_0, window_bounds = array<i64: 1, 2000, 128>}, {transform_indices = @transform_1, window_bounds = array<i64: 1, 128, 128>}, {transform_indices = @transform_2, window_bounds = array<i64: 1, 1, 128>}, {transform_indices = @transform_3, window_bounds = array<i64: 1, 2000, 160>}]} {
    %get3A = arith.constant 0 : index
    %get3A_0 = arith.constant 0 : index
    %get3A_1 = arith.constant 0 : index
    %get3A_2 = vector.load %arg2[%get3A, %get3A_0, %get3A_1] : memref<1x2000x128xf32, #tpu.memory_space<vmem>>, vector<1x2000x128xf32>
    %get3A_3 = vector.shape_cast %get3A_2 : vector<1x2000x128xf32> to vector<2000x128xf32>
    %get3A_4 = arith.constant 0 : index
    %get3A_5 = arith.constant 0 : index
    %get3A_6 = arith.constant 0 : index
    %get3A_7 = vector.load %arg3[%get3A_4, %get3A_5, %get3A_6] : memref<1x128x128xf32, #tpu.memory_space<vmem>>, vector<1x128x128xf32>
    %get3A_8 = vector.shape_cast %get3A_7 : vector<1x128x128xf32> to vector<128x128xf32>
    %dot_general3A = arith.constant dense<0.000000e+00> : vector<2000x128xf32>
    %dot_general3A_9 = tpu.matmul %get3A_3, %get3A_8, %dot_general3A {dimension_numbers = #tpu.dot_dimension_numbers<[1], [0], [0], [1], [0, 0, 1, 1], [], []>, transpose_lhs_hint = false} : vector<2000x128xf32>, vector<128x128xf32>, vector<2000x128xf32> -> vector<2000x128xf32>
    %get3A_10 = arith.constant 0 : index
    %get3A_11 = arith.constant 0 : index
    %get3A_12 = arith.constant 0 : index
    %get3A_13 = vector.load %arg4[%get3A_10, %get3A_11, %get3A_12] : memref<1x1x128xf32, #tpu.memory_space<vmem>>, vector<1x1x128xf32>
    %get3A_14 = vector.shape_cast %get3A_13 : vector<1x1x128xf32> to vector<1x128xf32>
    %add3A = vector.broadcast %get3A_14 : vector<1x128xf32> to vector<2000x128xf32>
    %add3A_15 = arith.addf %dot_general3A_9, %add3A : vector<2000x128xf32>
    %max3A = arith.constant 0.000000e+00 : f32
    %max3A_16 = vector.broadcast %max3A : f32 to vector<2000x128xf32>
    %max3A_17 = arith.maximumf %add3A_15, %max3A_16 : vector<2000x128xf32>
    %convert_element_type3A = arith.truncf %max3A_17 : vector<2000x128xf32> to vector<2000x128xbf16>
    %swap3A = arith.constant 0 : index
    %swap3A_18 = arith.constant 0 : index
    %swap3A_19 = arith.constant 0 : index
    %swap3A_20 = vector.load %arg5[%swap3A, %swap3A_18, %swap3A_19] : memref<1x2000x160xbf16, #tpu.memory_space<vmem>>, vector<1x2000x128xbf16>
    %swap3A_21 = vector.shape_cast %swap3A_20 : vector<1x2000x128xbf16> to vector<2000x128xbf16>
    %swap3A_22 = vector.shape_cast %convert_element_type3A : vector<2000x128xbf16> to vector<1x2000x128xbf16>
    tpu.vector_store %arg5[%swap3A, %swap3A_18, %swap3A_19], %swap3A_22 {strides = array<i32>} : memref<1x2000x160xbf16, #tpu.memory_space<vmem>>, vector<1x2000x128xbf16>,
    %broadcast_in_dim3A = arith.constant 1.000000e+00 : bf16
    %broadcast_in_dim3A_23 = vector.broadcast %broadcast_in_dim3A : bf16 to vector<2000x32xbf16>
    %swap3A_24 = arith.constant 0 : index
    %swap3A_25 = arith.constant 0 : index
    %swap3A_26 = arith.constant 128 : index
    %swap3A_27 = vector.load %arg5[%swap3A_24, %swap3A_25, %swap3A_26] : memref<1x2000x160xbf16, #tpu.memory_space<vmem>>, vector<1x2000x32xbf16>
    %swap3A_28 = vector.shape_cast %swap3A_27 : vector<1x2000x32xbf16> to vector<2000x32xbf16>
    %swap3A_29 = vector.shape_cast %broadcast_in_dim3A_23 : vector<2000x32xbf16> to vector<1x2000x32xbf16>
    tpu.vector_store %arg5[%swap3A_24, %swap3A_25, %swap3A_26], %swap3A_29 {strides = array<i32>} : memref<1x2000x160xbf16, #tpu.memory_space<vmem>>, vector<1x2000x32xbf16>,
    return
  }
  func.func @transform_0(%arg0: i32, %arg1: i32) -> (i32, i32, i32) {
    %c0_i32 = arith.constant 0 : i32
    %c0_i32_0 = arith.constant 0 : i32
    return %arg0, %arg1, %c0_i32 : i32, i32, i32
  }
  func.func @transform_1(%arg0: i32, %arg1: i32) -> (i32, i32, i32) {
    %c0_i32 = arith.constant 0 : i32
    %c0_i32_0 = arith.constant 0 : i32
    %c0_i32_1 = arith.constant 0 : i32
    return %arg0, %c0_i32, %c0_i32_0 : i32, i32, i32
  }
  func.func @transform_2(%arg0: i32, %arg1: i32) -> (i32, i32, i32) {
    %c0_i32 = arith.constant 0 : i32
    %c0_i32_0 = arith.constant 0 : i32
    %c0_i32_1 = arith.constant 0 : i32
    return %arg0, %c0_i32, %c0_i32_0 : i32, i32, i32
  }
  func.func @transform_3(%arg0: i32, %arg1: i32) -> (i32, i32, i32) {
    %c0_i32 = arith.constant 0 : i32
    %c0_i32_0 = arith.constant 0 : i32
    return %arg0, %arg1, %c0_i32 : i32, i32, i32
  }
}

module attributes {stable_mosaic.version = 14 : i64} {
  func.func @_combine_body(%arg0: i32, %arg1: i32, %arg2: memref<1x2000x160xbf16, #tpu.memory_space<vmem>>, %arg3: memref<1x2000x160xbf16, #tpu.memory_space<vmem>>, %arg4: memref<1x128x128xf32, #tpu.memory_space<vmem>>, %arg5: memref<1x128x128xf32, #tpu.memory_space<vmem>>, %arg6: memref<1x1x128xf32, #tpu.memory_space<vmem>>, %arg7: memref<1x2000x128xbf16, #tpu.memory_space<vmem>>) attributes {dimension_semantics = [#tpu.dimension_semantics<arbitrary>, #tpu.dimension_semantics<arbitrary>], iteration_bounds = array<i64: 2, 5>, scalar_prefetch = 0 : i64, scratch_operands = 0 : i64, tpu.core_type = #tpu.core_type<tc>, window_params = [{transform_indices = @transform_0, window_bounds = array<i64: 1, 2000, 160>}, {transform_indices = @transform_1, window_bounds = array<i64: 1, 2000, 160>}, {transform_indices = @transform_2, window_bounds = array<i64: 1, 128, 128>}, {transform_indices = @transform_3, window_bounds = array<i64: 1, 128, 128>}, {transform_indices = @transform_4, window_bounds = array<i64: 1, 1, 128>}, {transform_indices = @transform_5, window_bounds = array<i64: 1, 2000, 128>}]} {
    %get3A = arith.constant 0 : index
    %get3A_0 = arith.constant 0 : index
    %get3A_1 = arith.constant 0 : index
    %get3A_2 = vector.load %arg2[%get3A, %get3A_0, %get3A_1] : memref<1x2000x160xbf16, #tpu.memory_space<vmem>>, vector<1x2000x160xbf16>
    %get3A_3 = vector.shape_cast %get3A_2 : vector<1x2000x160xbf16> to vector<2000x160xbf16>
    %convert_element_type3A = arith.extf %get3A_3 : vector<2000x160xbf16> to vector<2000x160xf32>
    %get3A_4 = arith.constant 0 : index
    %get3A_5 = arith.constant 0 : index
    %get3A_6 = arith.constant 0 : index
    %get3A_7 = vector.load %arg2[%get3A_4, %get3A_5, %get3A_6] : memref<1x2000x160xbf16, #tpu.memory_space<vmem>>, vector<1x2000x160xbf16>
    %get3A_8 = vector.shape_cast %get3A_7 : vector<1x2000x160xbf16> to vector<2000x160xbf16>
    %slice3A = vector.extract_strided_slice %get3A_8 {offsets = [0, 128], sizes = [2000, 1], strides = [1, 1]} : vector<2000x160xbf16> to vector<2000x1xbf16>
    %convert_element_type3A_9 = arith.extf %slice3A : vector<2000x1xbf16> to vector<2000x1xf32>
    %max3A = arith.constant 1.000000e+00 : f32
    %max3A_10 = vector.broadcast %max3A : f32 to vector<2000x1xf32>
    %max3A_11 = arith.maximumf %convert_element_type3A_9, %max3A_10 : vector<2000x1xf32>
    %div3A = arith.constant 1.000000e+00 : f32
    %div3A_12 = vector.broadcast %div3A : f32 to vector<2000x1xf32>
    %div3A_13 = arith.divf %div3A_12, %max3A_11 : vector<2000x1xf32>
    %slice3A_14 = vector.extract_strided_slice %convert_element_type3A {offsets = [0, 0], sizes = [2000, 128], strides = [1, 1]} : vector<2000x160xf32> to vector<2000x128xf32>
    %mul3A = vector.broadcast %div3A_13 : vector<2000x1xf32> to vector<2000x128xf32>
    %mul3A_15 = arith.mulf %slice3A_14, %mul3A : vector<2000x128xf32>
    %get3A_16 = arith.constant 0 : index
    %get3A_17 = arith.constant 0 : index
    %get3A_18 = arith.constant 0 : index
    %get3A_19 = vector.load %arg3[%get3A_16, %get3A_17, %get3A_18] : memref<1x2000x160xbf16, #tpu.memory_space<vmem>>, vector<1x2000x160xbf16>
    %get3A_20 = vector.shape_cast %get3A_19 : vector<1x2000x160xbf16> to vector<2000x160xbf16>
    %slice3A_21 = vector.extract_strided_slice %get3A_20 {offsets = [0, 0], sizes = [2000, 128], strides = [1, 1]} : vector<2000x160xbf16> to vector<2000x128xbf16>
    %convert_element_type3A_22 = arith.extf %slice3A_21 : vector<2000x128xbf16> to vector<2000x128xf32>
    %get3A_23 = arith.constant 0 : index
    %get3A_24 = arith.constant 0 : index
    %get3A_25 = arith.constant 0 : index
    %get3A_26 = vector.load %arg4[%get3A_23, %get3A_24, %get3A_25] : memref<1x128x128xf32, #tpu.memory_space<vmem>>, vector<1x128x128xf32>
    %get3A_27 = vector.shape_cast %get3A_26 : vector<1x128x128xf32> to vector<128x128xf32>
    %dot_general3A = arith.constant dense<0.000000e+00> : vector<2000x128xf32>
    %dot_general3A_28 = tpu.matmul %mul3A_15, %get3A_27, %dot_general3A {dimension_numbers = #tpu.dot_dimension_numbers<[1], [0], [0], [1], [0, 0, 1, 1], [], []>, transpose_lhs_hint = false} : vector<2000x128xf32>, vector<128x128xf32>, vector<2000x128xf32> -> vector<2000x128xf32>
    %get3A_29 = arith.constant 0 : index
    %get3A_30 = arith.constant 0 : index
    %get3A_31 = arith.constant 0 : index
    %get3A_32 = vector.load %arg5[%get3A_29, %get3A_30, %get3A_31] : memref<1x128x128xf32, #tpu.memory_space<vmem>>, vector<1x128x128xf32>
    %get3A_33 = vector.shape_cast %get3A_32 : vector<1x128x128xf32> to vector<128x128xf32>
    %dot_general3A_34 = arith.constant dense<0.000000e+00> : vector<2000x128xf32>
    %dot_general3A_35 = tpu.matmul %convert_element_type3A_22, %get3A_33, %dot_general3A_34 {dimension_numbers = #tpu.dot_dimension_numbers<[1], [0], [0], [1], [0, 0, 1, 1], [], []>, transpose_lhs_hint = false} : vector<2000x128xf32>, vector<128x128xf32>, vector<2000x128xf32> -> vector<2000x128xf32>
    %add3A = arith.addf %dot_general3A_28, %dot_general3A_35 : vector<2000x128xf32>
    %get3A_36 = arith.constant 0 : index
    %get3A_37 = arith.constant 0 : index
    %get3A_38 = arith.constant 0 : index
    %get3A_39 = vector.load %arg6[%get3A_36, %get3A_37, %get3A_38] : memref<1x1x128xf32, #tpu.memory_space<vmem>>, vector<1x1x128xf32>
    %get3A_40 = vector.shape_cast %get3A_39 : vector<1x1x128xf32> to vector<1x128xf32>
    %add3A_41 = vector.broadcast %get3A_40 : vector<1x128xf32> to vector<2000x128xf32>
    %add3A_42 = arith.addf %add3A, %add3A_41 : vector<2000x128xf32>
    %max3A_43 = arith.constant 0.000000e+00 : f32
    %max3A_44 = vector.broadcast %max3A_43 : f32 to vector<2000x128xf32>
    %max3A_45 = arith.maximumf %add3A_42, %max3A_44 : vector<2000x128xf32>
    %convert_element_type3A_46 = arith.truncf %max3A_45 : vector<2000x128xf32> to vector<2000x128xbf16>
    %swap3A = arith.constant 0 : index
    %swap3A_47 = arith.constant 0 : index
    %swap3A_48 = arith.constant 0 : index
    %swap3A_49 = vector.load %arg7[%swap3A, %swap3A_47, %swap3A_48] : memref<1x2000x128xbf16, #tpu.memory_space<vmem>>, vector<1x2000x128xbf16>
    %swap3A_50 = vector.shape_cast %swap3A_49 : vector<1x2000x128xbf16> to vector<2000x128xbf16>
    %swap3A_51 = vector.shape_cast %convert_element_type3A_46 : vector<2000x128xbf16> to vector<1x2000x128xbf16>
    tpu.vector_store %arg7[%swap3A, %swap3A_47, %swap3A_48], %swap3A_51 {strides = array<i32>} : memref<1x2000x128xbf16, #tpu.memory_space<vmem>>, vector<1x2000x128xbf16>,
    return
  }
  func.func @transform_0(%arg0: i32, %arg1: i32) -> (i32, i32, i32) {
    %sub3A = arith.constant 1 : i32
    %sub3A_0 = arith.subi %sub3A, %arg0 : i32
    %c0_i32 = arith.constant 0 : i32
    %c0_i32_1 = arith.constant 0 : i32
    return %sub3A_0, %arg1, %c0_i32 : i32, i32, i32
  }
  func.func @transform_1(%arg0: i32, %arg1: i32) -> (i32, i32, i32) {
    %c0_i32 = arith.constant 0 : i32
    %c0_i32_0 = arith.constant 0 : i32
    return %arg0, %arg1, %c0_i32 : i32, i32, i32
  }
  func.func @transform_2(%arg0: i32, %arg1: i32) -> (i32, i32, i32) {
    %c0_i32 = arith.constant 0 : i32
    %c0_i32_0 = arith.constant 0 : i32
    %c0_i32_1 = arith.constant 0 : i32
    return %arg0, %c0_i32, %c0_i32_0 : i32, i32, i32
  }
  func.func @transform_3(%arg0: i32, %arg1: i32) -> (i32, i32, i32) {
    %c0_i32 = arith.constant 0 : i32
    %c0_i32_0 = arith.constant 0 : i32
    %c0_i32_1 = arith.constant 0 : i32
    return %arg0, %c0_i32, %c0_i32_0 : i32, i32, i32
  }
  func.func @transform_4(%arg0: i32, %arg1: i32) -> (i32, i32, i32) {
    %c0_i32 = arith.constant 0 : i32
    %c0_i32_0 = arith.constant 0 : i32
    %c0_i32_1 = arith.constant 0 : i32
    return %arg0, %c0_i32, %c0_i32_0 : i32, i32, i32
  }
  func.func @transform_5(%arg0: i32, %arg1: i32) -> (i32, i32, i32) {
    %c0_i32 = arith.constant 0 : i32
    %c0_i32_0 = arith.constant 0 : i32
    return %arg0, %arg1, %c0_i32 : i32, i32, i32
  }
}

module attributes {stable_mosaic.version = 14 : i64} {
  func.func @_combine_final_body(%arg0: i32, %arg1: i32, %arg2: memref<1x2000x128xbf16, #tpu.memory_space<vmem>>, %arg3: memref<1x2000x128xbf16, #tpu.memory_space<vmem>>, %arg4: memref<1x128x128xf32, #tpu.memory_space<vmem>>, %arg5: memref<1x128x128xf32, #tpu.memory_space<vmem>>, %arg6: memref<1x1x128xf32, #tpu.memory_space<vmem>>, %arg7: memref<1x2000x160xbf16, #tpu.memory_space<vmem>>, %arg8: memref<128x64xf32, #tpu.memory_space<vmem>>, %arg9: memref<1x64xf32, #tpu.memory_space<vmem>>, %arg10: memref<64x10xf32, #tpu.memory_space<vmem>>, %arg11: memref<1x10xf32, #tpu.memory_space<vmem>>, %arg12: memref<1x10xf32, #tpu.memory_space<vmem>>, %arg13: memref<1x128xf32, #tpu.memory_space<vmem>>) attributes {dimension_semantics = [#tpu.dimension_semantics<arbitrary>, #tpu.dimension_semantics<arbitrary>], iteration_bounds = array<i64: 2, 5>, scalar_prefetch = 0 : i64, scratch_operands = 1 : i64, tpu.core_type = #tpu.core_type<tc>, window_params = [{transform_indices = @transform_0, window_bounds = array<i64: 1, 2000, 128>}, {transform_indices = @transform_1, window_bounds = array<i64: 1, 2000, 128>}, {transform_indices = @transform_2, window_bounds = array<i64: 1, 128, 128>}, {transform_indices = @transform_3, window_bounds = array<i64: 1, 128, 128>}, {transform_indices = @transform_4, window_bounds = array<i64: 1, 1, 128>}, {transform_indices = @transform_5, window_bounds = array<i64: 1, 2000, 160>}, {pipeline_mode = #tpu.pipeline_mode<synchronous>, transform_indices = @transform_6, window_bounds = array<i64: 128, 64>}, {pipeline_mode = #tpu.pipeline_mode<synchronous>, transform_indices = @transform_7, window_bounds = array<i64: 1, 64>}, {pipeline_mode = #tpu.pipeline_mode<synchronous>, transform_indices = @transform_8, window_bounds = array<i64: 64, 10>}, {pipeline_mode = #tpu.pipeline_mode<synchronous>, transform_indices = @transform_9, window_bounds = array<i64: 1, 10>}, {pipeline_mode = #tpu.pipeline_mode<synchronous>, transform_indices = @transform_10, window_bounds = array<i64: 1, 10>}]} {
    %get3A = arith.constant 0 : index
    %get3A_0 = arith.constant 0 : index
    %get3A_1 = arith.constant 0 : index
    %get3A_2 = vector.load %arg2[%get3A, %get3A_0, %get3A_1] : memref<1x2000x128xbf16, #tpu.memory_space<vmem>>, vector<1x2000x128xbf16>
    %get3A_3 = vector.shape_cast %get3A_2 : vector<1x2000x128xbf16> to vector<2000x128xbf16>
    %convert_element_type3A = arith.extf %get3A_3 : vector<2000x128xbf16> to vector<2000x128xf32>
    %get3A_4 = arith.constant 0 : index
    %get3A_5 = arith.constant 0 : index
    %get3A_6 = arith.constant 0 : index
    %get3A_7 = vector.load %arg7[%get3A_4, %get3A_5, %get3A_6] : memref<1x2000x160xbf16, #tpu.memory_space<vmem>>, vector<1x2000x160xbf16>
    %get3A_8 = vector.shape_cast %get3A_7 : vector<1x2000x160xbf16> to vector<2000x160xbf16>
    %slice3A = vector.extract_strided_slice %get3A_8 {offsets = [0, 128], sizes = [2000, 1], strides = [1, 1]} : vector<2000x160xbf16> to vector<2000x1xbf16>
    %convert_element_type3A_9 = arith.extf %slice3A : vector<2000x1xbf16> to vector<2000x1xf32>
    %max3A = arith.constant 1.000000e+00 : f32
    %max3A_10 = vector.broadcast %max3A : f32 to vector<2000x1xf32>
    %max3A_11 = arith.maximumf %convert_element_type3A_9, %max3A_10 : vector<2000x1xf32>
    %div3A = arith.constant 1.000000e+00 : f32
    %div3A_12 = vector.broadcast %div3A : f32 to vector<2000x1xf32>
    %div3A_13 = arith.divf %div3A_12, %max3A_11 : vector<2000x1xf32>
    %mul3A = vector.broadcast %div3A_13 : vector<2000x1xf32> to vector<2000x128xf32>
    %mul3A_14 = arith.mulf %convert_element_type3A, %mul3A : vector<2000x128xf32>
    %get3A_15 = arith.constant 0 : index
    %get3A_16 = arith.constant 0 : index
    %get3A_17 = arith.constant 0 : index
    %get3A_18 = vector.load %arg3[%get3A_15, %get3A_16, %get3A_17] : memref<1x2000x128xbf16, #tpu.memory_space<vmem>>, vector<1x2000x128xbf16>
    %get3A_19 = vector.shape_cast %get3A_18 : vector<1x2000x128xbf16> to vector<2000x128xbf16>
    %convert_element_type3A_20 = arith.extf %get3A_19 : vector<2000x128xbf16> to vector<2000x128xf32>
    %get3A_21 = arith.constant 0 : index
    %get3A_22 = arith.constant 0 : index
    %get3A_23 = arith.constant 0 : index
    %get3A_24 = vector.load %arg4[%get3A_21, %get3A_22, %get3A_23] : memref<1x128x128xf32, #tpu.memory_space<vmem>>, vector<1x128x128xf32>
    %get3A_25 = vector.shape_cast %get3A_24 : vector<1x128x128xf32> to vector<128x128xf32>
    %dot_general3A = arith.constant dense<0.000000e+00> : vector<2000x128xf32>
    %dot_general3A_26 = tpu.matmul %mul3A_14, %get3A_25, %dot_general3A {dimension_numbers = #tpu.dot_dimension_numbers<[1], [0], [0], [1], [0, 0, 1, 1], [], []>, transpose_lhs_hint = false} : vector<2000x128xf32>, vector<128x128xf32>, vector<2000x128xf32> -> vector<2000x128xf32>
    %get3A_27 = arith.constant 0 : index
    %get3A_28 = arith.constant 0 : index
    %get3A_29 = arith.constant 0 : index
    %get3A_30 = vector.load %arg5[%get3A_27, %get3A_28, %get3A_29] : memref<1x128x128xf32, #tpu.memory_space<vmem>>, vector<1x128x128xf32>
    %get3A_31 = vector.shape_cast %get3A_30 : vector<1x128x128xf32> to vector<128x128xf32>
    %dot_general3A_32 = arith.constant dense<0.000000e+00> : vector<2000x128xf32>
    %dot_general3A_33 = tpu.matmul %convert_element_type3A_20, %get3A_31, %dot_general3A_32 {dimension_numbers = #tpu.dot_dimension_numbers<[1], [0], [0], [1], [0, 0, 1, 1], [], []>, transpose_lhs_hint = false} : vector<2000x128xf32>, vector<128x128xf32>, vector<2000x128xf32> -> vector<2000x128xf32>
    %add3A = arith.addf %dot_general3A_26, %dot_general3A_33 : vector<2000x128xf32>
    %get3A_34 = arith.constant 0 : index
    %get3A_35 = arith.constant 0 : index
    %get3A_36 = arith.constant 0 : index
    %get3A_37 = vector.load %arg6[%get3A_34, %get3A_35, %get3A_36] : memref<1x1x128xf32, #tpu.memory_space<vmem>>, vector<1x1x128xf32>
    %get3A_38 = vector.shape_cast %get3A_37 : vector<1x1x128xf32> to vector<1x128xf32>
    %add3A_39 = vector.broadcast %get3A_38 : vector<1x128xf32> to vector<2000x128xf32>
    %add3A_40 = arith.addf %add3A, %add3A_39 : vector<2000x128xf32>
    %max3A_41 = arith.constant 0.000000e+00 : f32
    %max3A_42 = vector.broadcast %max3A_41 : f32 to vector<2000x128xf32>
    %max3A_43 = arith.maximumf %add3A_40, %max3A_42 : vector<2000x128xf32>
    %eq3A = arith.constant 0 : i32
    %eq3A_44 = arith.cmpi eq, %arg0, %eq3A : i32
    %eq3A_45 = arith.constant 0 : i32
    %eq3A_46 = arith.cmpi eq, %arg1, %eq3A_45 : i32
    %and3A = arith.andi %eq3A_44, %eq3A_46 : i1
    %convert_element_type3A_47 = arith.extui %and3A : i1 to i32
    %cond3A = arith.constant 0 : i32
    %cond3A_48 = arith.cmpi ne, %convert_element_type3A_47, %cond3A : i32
    scf.if %cond3A_48 {
      %broadcast_in_dim3A_64 = arith.constant 0.000000e+00 : f32
      %broadcast_in_dim3A_65 = vector.broadcast %broadcast_in_dim3A_64 : f32 to vector<1x128xf32>
      %swap3A_66 = arith.constant 0 : index
      %swap3A_67 = arith.constant 0 : index
      %swap3A_68 = vector.load %arg13[%swap3A_66, %swap3A_67] : memref<1x128xf32, #tpu.memory_space<vmem>>, vector<1x128xf32>
      tpu.vector_store %arg13[%swap3A_66, %swap3A_67], %broadcast_in_dim3A_65 {strides = array<i32>} : memref<1x128xf32, #tpu.memory_space<vmem>>, vector<1x128xf32>,
    } else {
    }
    %get3A_49 = arith.constant 0 : index
    %get3A_50 = arith.constant 0 : index
    %get3A_51 = vector.load %arg13[%get3A_49, %get3A_50] : memref<1x128xf32, #tpu.memory_space<vmem>>, vector<1x128xf32>
    %reduce_sum3A = arith.constant dense<0.000000e+00> : vector<128xf32>
    %reduce_sum3A_52 = vector.multi_reduction <add>, %max3A_43, %reduce_sum3A [0] : vector<2000x128xf32> to vector<128xf32>
    %broadcast_in_dim3A = vector.shape_cast %reduce_sum3A_52 : vector<128xf32> to vector<1x128xf32>
    %add3A_53 = arith.addf %get3A_51, %broadcast_in_dim3A : vector<1x128xf32>
    %swap3A = arith.constant 0 : index
    %swap3A_54 = arith.constant 0 : index
    %swap3A_55 = vector.load %arg13[%swap3A, %swap3A_54] : memref<1x128xf32, #tpu.memory_space<vmem>>, vector<1x128xf32>
    tpu.vector_store %arg13[%swap3A, %swap3A_54], %add3A_53 {strides = array<i32>} : memref<1x128xf32, #tpu.memory_space<vmem>>, vector<1x128xf32>,
    %eq3A_56 = arith.constant 1 : i32
    %eq3A_57 = arith.cmpi eq, %arg0, %eq3A_56 : i32
    %eq3A_58 = arith.constant 4 : i32
    %eq3A_59 = arith.cmpi eq, %arg1, %eq3A_58 : i32
    %and3A_60 = arith.andi %eq3A_57, %eq3A_59 : i1
    %convert_element_type3A_61 = arith.extui %and3A_60 : i1 to i32
    %cond3A_62 = arith.constant 0 : i32
    %cond3A_63 = arith.cmpi ne, %convert_element_type3A_61, %cond3A_62 : i32
    scf.if %cond3A_63 {
      %get3A_64 = arith.constant 0 : index
      %get3A_65 = arith.constant 0 : index
      %get3A_66 = vector.load %arg13[%get3A_64, %get3A_65] : memref<1x128xf32, #tpu.memory_space<vmem>>, vector<1x128xf32>
      %mul3A_67 = arith.constant 5.000000e-05 : f32
      %mul3A_68 = vector.broadcast %mul3A_67 : f32 to vector<1x128xf32>
      %mul3A_69 = arith.mulf %get3A_66, %mul3A_68 : vector<1x128xf32>
      %get3A_70 = arith.constant 0 : index
      %get3A_71 = arith.constant 0 : index
      %get3A_72 = vector.load %arg8[%get3A_70, %get3A_71] : memref<128x64xf32, #tpu.memory_space<vmem>>, vector<128x64xf32>
      %dot_general3A_73 = arith.constant dense<0.000000e+00> : vector<1x64xf32>
      %dot_general3A_74 = tpu.matmul %mul3A_69, %get3A_72, %dot_general3A_73 {dimension_numbers = #tpu.dot_dimension_numbers<[1], [0], [0], [1], [0, 0, 1, 1], [], []>, transpose_lhs_hint = false} : vector<1x128xf32>, vector<128x64xf32>, vector<1x64xf32> -> vector<1x64xf32>
      %get3A_75 = arith.constant 0 : index
      %get3A_76 = arith.constant 0 : index
      %get3A_77 = vector.load %arg9[%get3A_75, %get3A_76] : memref<1x64xf32, #tpu.memory_space<vmem>>, vector<1x64xf32>
      %add3A_78 = arith.addf %dot_general3A_74, %get3A_77 : vector<1x64xf32>
      %max3A_79 = arith.constant 0.000000e+00 : f32
      %max3A_80 = vector.broadcast %max3A_79 : f32 to vector<1x64xf32>
      %max3A_81 = arith.maximumf %add3A_78, %max3A_80 : vector<1x64xf32>
      %get3A_82 = arith.constant 0 : index
      %get3A_83 = arith.constant 0 : index
      %get3A_84 = vector.load %arg10[%get3A_82, %get3A_83] : memref<64x10xf32, #tpu.memory_space<vmem>>, vector<64x10xf32>
      %dot_general3A_85 = arith.constant dense<0.000000e+00> : vector<1x10xf32>
      %dot_general3A_86 = tpu.matmul %max3A_81, %get3A_84, %dot_general3A_85 {dimension_numbers = #tpu.dot_dimension_numbers<[1], [0], [0], [1], [0, 0, 1, 1], [], []>, transpose_lhs_hint = false} : vector<1x64xf32>, vector<64x10xf32>, vector<1x10xf32> -> vector<1x10xf32>
      %get3A_87 = arith.constant 0 : index
      %get3A_88 = arith.constant 0 : index
      %get3A_89 = vector.load %arg11[%get3A_87, %get3A_88] : memref<1x10xf32, #tpu.memory_space<vmem>>, vector<1x10xf32>
      %add3A_90 = arith.addf %dot_general3A_86, %get3A_89 : vector<1x10xf32>
      %swap3A_91 = arith.constant 0 : index
      %swap3A_92 = arith.constant 0 : index
      %swap3A_93 = vector.load %arg12[%swap3A_91, %swap3A_92] : memref<1x10xf32, #tpu.memory_space<vmem>>, vector<1x10xf32>
      tpu.vector_store %arg12[%swap3A_91, %swap3A_92], %add3A_90 {strides = array<i32>} : memref<1x10xf32, #tpu.memory_space<vmem>>, vector<1x10xf32>,
    } else {
    }
    return
  }
  func.func @transform_0(%arg0: i32, %arg1: i32) -> (i32, i32, i32) {
    %sub3A = arith.constant 1 : i32
    %sub3A_0 = arith.subi %sub3A, %arg0 : i32
    %c0_i32 = arith.constant 0 : i32
    %c0_i32_1 = arith.constant 0 : i32
    return %sub3A_0, %arg1, %c0_i32 : i32, i32, i32
  }
  func.func @transform_1(%arg0: i32, %arg1: i32) -> (i32, i32, i32) {
    %c0_i32 = arith.constant 0 : i32
    %c0_i32_0 = arith.constant 0 : i32
    return %arg0, %arg1, %c0_i32 : i32, i32, i32
  }
  func.func @transform_2(%arg0: i32, %arg1: i32) -> (i32, i32, i32) {
    %c0_i32 = arith.constant 0 : i32
    %c0_i32_0 = arith.constant 0 : i32
    %c0_i32_1 = arith.constant 0 : i32
    return %arg0, %c0_i32, %c0_i32_0 : i32, i32, i32
  }
  func.func @transform_3(%arg0: i32, %arg1: i32) -> (i32, i32, i32) {
    %c0_i32 = arith.constant 0 : i32
    %c0_i32_0 = arith.constant 0 : i32
    %c0_i32_1 = arith.constant 0 : i32
    return %arg0, %c0_i32, %c0_i32_0 : i32, i32, i32
  }
  func.func @transform_4(%arg0: i32, %arg1: i32) -> (i32, i32, i32) {
    %c0_i32 = arith.constant 0 : i32
    %c0_i32_0 = arith.constant 0 : i32
    %c0_i32_1 = arith.constant 0 : i32
    return %arg0, %c0_i32, %c0_i32_0 : i32, i32, i32
  }
  func.func @transform_5(%arg0: i32, %arg1: i32) -> (i32, i32, i32) {
    %sub3A = arith.constant 1 : i32
    %sub3A_0 = arith.subi %sub3A, %arg0 : i32
    %c0_i32 = arith.constant 0 : i32
    %c0_i32_1 = arith.constant 0 : i32
    return %sub3A_0, %arg1, %c0_i32 : i32, i32, i32
  }
  func.func @transform_6(%arg0: i32, %arg1: i32) -> (i32, i32) {
    %c0_i32 = arith.constant 0 : i32
    %c0_i32_0 = arith.constant 0 : i32
    %c0_i32_1 = arith.constant 0 : i32
    return %c0_i32, %c0_i32_0 : i32, i32
  }
  func.func @transform_7(%arg0: i32, %arg1: i32) -> (i32, i32) {
    %c0_i32 = arith.constant 0 : i32
    %c0_i32_0 = arith.constant 0 : i32
    %c0_i32_1 = arith.constant 0 : i32
    return %c0_i32, %c0_i32_0 : i32, i32
  }
  func.func @transform_8(%arg0: i32, %arg1: i32) -> (i32, i32) {
    %c0_i32 = arith.constant 0 : i32
    %c0_i32_0 = arith.constant 0 : i32
    %c0_i32_1 = arith.constant 0 : i32
    return %c0_i32, %c0_i32_0 : i32, i32
  }
  func.func @transform_9(%arg0: i32, %arg1: i32) -> (i32, i32) {
    %c0_i32 = arith.constant 0 : i32
    %c0_i32_0 = arith.constant 0 : i32
    %c0_i32_1 = arith.constant 0 : i32
    return %c0_i32, %c0_i32_0 : i32, i32
  }
  func.func @transform_10(%arg0: i32, %arg1: i32) -> (i32, i32) {
    %c0_i32 = arith.constant 0 : i32
    %c0_i32_0 = arith.constant 0 : i32
    %c0_i32_1 = arith.constant 0 : i32
    return %c0_i32, %c0_i32_0 : i32, i32
  }
}

</mosaic_0001>

<sc_bundles>
// kernel: kernel.10.cloned.1.call-start
scs
__scs_entry_jumppad:
0x0: {  	(pc) =	sbr.rel $0x88, $3  }
0x1: {  	(tag) =	ssettag $0x0;
	lr =	simm.s32 $0x1  }
0x2: {  	[smem:$0x3F81] =	sst lr;
	_ =	strace $0xD0000000  }
0x3: {  	_ = 	snop  }
0x4: {  	_ = 	snop  }
0x5: {  	_ = 	snop  }
0x6: {  	_ = 	snop  }
0x7: {  	_ = 	snop  }
__scs_overlays_trampoline_lowered:
0x8: {  	[smem:$0x3F90] =	sst s0  }
0x9: {  	[smem:$0x3F91] =	sst s1  }
0xa: {  	[smem:$0x3F92] =	sst s2  }
0xb: {  	[smem:$0x3F93] =	sst s3  }
0xc: {  	[smem:$0x3F94] =	sst s4  }
0xd: {  	[smem:$0x3F95] =	sst s5  }
0xe: {  	[smem:$0x3F96] =	sst s6  }
0xf: {  	[smem:$0x3F97] =	sst s7  }
0x10: {  	[smem:$0x3F98] =	sst s8  }
0x11: {  	[smem:$0x3F99] =	sst s9;
	s0 =	simm.s32 @!p0 $0x0  }
0x12: {  	s1 =	sld [smem:$0x3F7F];
	s0 =	simm.s32 @p0 $0x1  }
0x13: {  	[smem:$0x3F9A] =	sst s0;
	s0 =	simm.s32 @!p1 $0x0  }
0x14: {  	s2 =	sld [smem:$0x3F7E];
	s0 =	simm.s32 @p1 $0x1  }
0x15: {  	[smem:$0x3F9B] =	sst s0;
	s0 =	simm.s32 @!p2 $0x0  }
0x16: {  	s3 =	sld [smem:$0x3FDB];
	s0 =	simm.s32 @p2 $0x1  }
0x17: {  	s4 =	simm.s32 $0x1BF5;
	[smem:$0x3F9D] =	sst s0  }
0x18: {  	s0 =	sld [smem:$0x3F80];
	_ =	swait.ge [sflag:s4], $0x0  }
0x19: {  	s7 =	sld [smem:$0x3F81]  }
0x1a: {  	s8 =	sadd.s32 $0xFFFFE003, lr  }
0x1b: {  	s9 =	sadd.s32 $0xFFFFFEF7, lr;
	s5 =	simm.s32 $0xFFFFFFFF;
	p2 =	slt.u32 s8, $0xFFFFF086  }
0x1c: {  	p1 =	slt.u32 s9, $0xF7A;
	s5 =	simm.s32 @!p2 $0x0  }
0x1d: {  	s5 =	simm.s32 @p1 $0x1;
	p0 =	seq.s32 s7, s2  }
0x1e: {  	s7 =	smul.u32 @!p0 $0xF7A, s2;
	p2 =	seq.s32 @!p0 s5, $0x0  }
0x1f: {  	s9 =	smul.u32 $0xF7A, s1;
	s8 =	simm.s32 @!p0 $0x1BF5;
	p2 =	por !p2, p0  }
0x20: {  	[sflag:s8] =	ssyncset.s32 @!p0 $0xFFFFF086;
	s6 =	sadd.s32 @!p0 s3, s7;
	s7 =	simm.s32 @!p0 $0x108  }
0x21: {  	s3 =	sadd.s32 s3, s9;
	s6 =	sadd.s32 @!p0 $0x88, s6;
	s7 =	simm.s32 @p2 $0x1082  }
0x22: {  	[simem:s7], [sflag:s8] =	dma.local @!p0 [hbm:s6], $0xF7A  }
0x23: {  	s9 =	sor.u32 $0xD0000000, s2;
	s6 =	simm.s32 $0x108;
	_ =	swait.ge @!p0 [sflag:s8], $0x0  }
0x24: {  	s3 =	sadd.s32 $0x88, s3;
	s6 =	simm.s32 @!p1 $0x1082;
	[sflag:s4] =	ssyncset.s32 $0xFFFFF086  }
0x25: {  	[simem:s6], [sflag:s4] =	dma.local [hbm:s3], $0xF7A  }
0x26: {  	[smem:$0x3F81] =	sst s1;
	(tag) =	ssettag s2;
	_ =	strace s9  }
0x27: {  	s1 =	sld [smem:$0x3F91]  }
0x28: {  	s2 =	sld [smem:$0x3F92]  }
0x29: {  	s4 =	sld [smem:$0x3F94]  }
0x2a: {  	p0 =	seq.s32 s5, $0x0;
	s5 =	sld [smem:$0x3F95]  }
0x2b: {  	s6 =	sld [smem:$0x3F96]  }
0x2c: {  	s7 =	sld [smem:$0x3F97]  }
0x2d: {  	s3 =	simm.s32 $0x108;
	s8 =	sld [smem:$0x3F98]  }
0x2e: {  	s3 =	simm.s32 @!p0 $0x1082;
	s9 =	sld [smem:$0x3F99]  }
0x2f: {  	lr =	sadd.s32 s0, s3;
	s0 =	sld [smem:$0x3F90]  }
0x30: {  	s3 =	sld [smem:$0x3F93]  }
0x31: {  	[smem:$0x3F9C] =	sst s10  }
0x32: {  	s10 =	sld [smem:$0x3F9A];
	_ =	sdelay $0x3  }
0x33: {  	p0 =	seq.s32 s10, $0x1;
	s10 =	sld [smem:$0x3F9C];
	_ =	sdelay $0x3  }
0x34: {  	[smem:$0x3F9C] =	sst s10  }
0x35: {  	s10 =	sld [smem:$0x3F9B];
	_ =	sdelay $0x3  }
0x36: {  	p1 =	seq.s32 s10, $0x1;
	s10 =	sld [smem:$0x3F9C];
	_ =	sdelay $0x3  }
0x37: {  	[smem:$0x3F9C] =	sst s10  }
0x38: {  	s10 =	sld [smem:$0x3F9D]  }
0x39: {  	_ = 	snop;
	(pc) =	sbr.ind lr, $3  }
0x3a: {  	_ = 	snop  }
0x3b: {  	_ = 	snop  }
0x3c: {  	p2 =	seq.s32 s10, $0x1;
	s10 =	sld [smem:$0x3F9C]  }
0x3d: {  	_ =	shalt  }
0x3e: {  	_ =	shalt  }
0x3f: {  	_ =	shalt  }
0x40: {  	_ =	shalt  }
0x41: {  	_ =	shalt  }
0x42: {  	_ =	shalt  }
0x43: {  	_ =	shalt  }
0x44: {  	_ =	shalt  }
0x45: {  	_ =	shalt  }
0x46: {  	_ =	shalt  }
0x47: {  	_ =	shalt  }
0x48: {  	_ =	shalt  }
0x49: {  	_ =	shalt  }
0x4a: {  	_ =	shalt  }
0x4b: {  	_ =	shalt  }
0x4c: {  	_ =	shalt  }
0x4d: {  	_ =	shalt  }
0x4e: {  	_ =	shalt  }
0x4f: {  	_ =	shalt  }
0x50: {  	_ =	shalt  }
0x51: {  	_ =	shalt  }
0x52: {  	_ =	shalt  }
0x53: {  	_ =	shalt  }
0x54: {  	_ =	shalt  }
0x55: {  	_ =	shalt  }
0x56: {  	_ =	shalt  }
0x57: {  	_ =	shalt  }
0x58: {  	_ =	shalt  }
0x59: {  	_ =	shalt  }
0x5a: {  	_ =	shalt  }
0x5b: {  	_ =	shalt  }
0x5c: {  	_ =	shalt  }
0x5d: {  	_ =	shalt  }
0x5e: {  	_ =	shalt  }
0x5f: {  	_ =	shalt  }
0x60: {  	_ =	shalt  }
0x61: {  	_ =	shalt  }
0x62: {  	_ =	shalt  }
0x63: {  	_ =	shalt  }
0x64: {  	_ =	shalt  }
0x65: {  	_ =	shalt  }
0x66: {  	_ =	shalt  }
0x67: {  	_ =	shalt  }
0x68: {  	_ =	shalt  }
0x69: {  	_ =	shalt  }
0x6a: {  	_ =	shalt  }
0x6b: {  	_ =	shalt  }
0x6c: {  	_ =	shalt  }
0x6d: {  	_ =	shalt  }
0x6e: {  	_ =	shalt  }
0x6f: {  	_ =	shalt  }
0x70: {  	_ =	shalt  }
0x71: {  	_ =	shalt  }
0x72: {  	_ =	shalt  }
0x73: {  	_ =	shalt  }
0x74: {  	_ =	shalt  }
0x75: {  	_ =	shalt  }
0x76: {  	_ =	shalt  }
0x77: {  	_ =	shalt  }
0x78: {  	_ =	shalt  }
0x79: {  	_ =	shalt  }
0x7a: {  	_ =	shalt  }
0x7b: {  	_ =	shalt  }
0x7c: {  	_ =	shalt  }
0x7d: {  	_ =	shalt  }
0x7e: {  	_ =	shalt  }
0x7f: {  	_ =	shalt  }
0x80: {  	_ =	shalt  }
0x81: {  	_ =	shalt  }
0x82: {  	_ =	shalt  }
0x83: {  	_ =	shalt  }
0x84: {  	_ =	shalt  }
0x85: {  	_ =	shalt  }
0x86: {  	_ =	shalt  }
0x87: {  	_ =	shalt  }
.Lfunc_end0:
.L_simem_size_0:
called_computation.1_lowered:
.L_overlay_start_0:
0x88: {  	s2 =	sld [smem:$0x3FD9]  }
0x89: {  	s3 =	sld [smem:$0x3FFE];
	_ =	sdelay $0x1  }
0x8a: {  	s1 =	srdreg.scid  }
0x8b: {  	s0 =	sand.u32 $0x1, s1  }
0x8c: {  	s16 =	sshll.u32 s0, $0xA;
	s2 =	sadd.s32 s3, s2  }
0x8d: {  	s2 =	sadd.s32 s2, s16  }
0x8e: {  	[smem:$0x3FA8] =	sst s2  }
0x8f: {  	_ = 	snop  }
0x90: {  	(tm) =	ssettm $0x1  }
0x91: {  	s17 =	sld [smem:$0x3FFB];
	_ =	sdelay $0x3  }
0x92: {  	_ =	strace s17  }
0x93: {  	s2 =	sld [smem:$0x3FFC];
	_ =	sdelay $0x3  }
0x94: {  	_ =	strace s2  }
0x95: {  	s2 =	sld [smem:$0x3FFD];
	_ =	sdelay $0x3  }
0x96: {  	_ =	strace s2  }
0x97: {  	_ =	strace $0x8FFFFFFF  }
0x98: {  	s18 =	sld [smem:$0x3FDB];
	_ =	sdelay $0x1  }
0x99: {  	s19 =	simm.s32 $_scs_section_size  }
0x9a: {  	s4 =	simm.s32 $_size__tile_overlayer_lowered;
	s5 =	simm.s32 $_tile_overlayer_lowered  }
0x9b: {  	s22 =	simm.s32 $0x1BFF;
	s21 =	sshll.u32 s5, $0x1;
	s2 =	sadd.s32 s19, s18  }
0x9c: {  	s6 =	simm.s32 $0x0;
	s20 =	sshll.u32 s4, $0x1;
	s4 =	sadd.s32 s21, s2  }
0x9d: {  	[timem:s6], [sflag:s22] =	dma.local [hbm:s4], s20  }
0x9e: {  	_ =	swait.ge [sflag:s22], s20  }
0x9f: {  	s3 =	ssub.s32 $0x0, s20;
	[sflag:s22] =	ssyncset.done $0x0  }
0xa0: {  	[sflag:s22] =	ssyncadd.s32 s3;
	_ =	sdelay $0x1  }
0xa1: {  	s23 =	simm.s32 $0x1B8B  }
0xa2: {  	_ =	swait.ge [sflag:s23], $0x1  }
0xa3: {  	[sflag:s23] =	ssyncset.done $0x0  }
0xa4: {  	s25 =	simm.s32 $0x1B8E;
	s24 =	sld [smem:$0x3FFE];
	[sflag:s23] =	ssyncadd.s32 $0xFFFFFFFF  }
0xa5: {  	s26 =	simm.s32 $execute0_lowered;
	[smem:$0x3FD2] =	sst s25  }
0xa6: {  	s4 =	sshll.u32 s26, $0x1;
	_ =	strace $0x80000049;
	[dreg:$0x1] =	wrdreg $0xFFFFFFFF  }
0xa7: {  	s28 =	simm.s32 $_size_execute0_lowered;
	s2 =	sadd.s32 s2, s4;
	[dreg:$0x0] =	wrdreg $0x0  }
0xa8: {  	s4 =	sshll.u32 s28, $0x1;
	[dreg:$0x2] =	wrdreg s2  }
0xa9: {  	[dreg:$0x3] =	wrdreg s4  }
0xaa: {  	[dreg:$0x4] =	wrdreg $0xC0  }
0xab: {  	_ =	task [dreg:s6], $0x5FFFF  }
0xac: {  	[dreg:$0x1] =	wrdreg $0xFFFFFFFF  }
0xad: {  	[dreg:$0x0] =	wrdreg $0x60  }
0xae: {  	[dreg:$0x2] =	wrdreg s24  }
0xaf: {  	[dreg:$0x3] =	wrdreg $0x50000  }
0xb0: {  	[dreg:$0x4] =	wrdreg $0xF0000  }
0xb1: {  	[dreg:$0x5] =	wrdreg $0x9  }
0xb2: {  	_ =	task.clear_ibuf [dreg:s6], $0x6FFFF;
	_ =	strace $0x90000049  }
0xb3: {  	s29 =	simm.s32 $0x9;
	_ =	strace $0x8000004B  }
0xb4: {  	_ =	swait.ge [sflag:s29], $0x1  }
0xb5: {  	[sflag:s29] =	ssyncadd.s32 $0xFFFFFFFF  }
0xb6: {  	_ =	strace $0x9000004B  }
0xb7: {  	_ =	sfence  }
0xb8: {  	s30 =	sld [smem:$0x0];
	_ =	sdelay $0x2  }
0xb9: {  	s31 =	sshll.u32 s1, $0xD;
	s1 =	sshrl.u32 s1, $0x2  }
0xba: {  	s3 =	sand.u32 $0x4000, s31;
	s1 =	sadd.s32 s1, s30  }
0xbb: {  	s0 =	sor.u32 s3, s0;
	s1 =	sshll.u32 s1, $0x11  }
0xbc: {  	s0 =	sor.u32 s1, s0  }
0xbd: {  	s0 =	sadd.s32 $0x8F2B, s0  }
0xbe: {  	[sflag:s0] =	ssyncadd.remote.s32 $0x1  }
0xbf: {  	_ =	sfence.sel $0xFFFF  }
0xc0: {  	[dreg:$0x0] =	wrdreg $0xFFFFFFFF;
	(pc) =	sbr.abs _section_cstart, $3  }
0xc1: {  	[dreg:$0x1] =	wrdreg $0xFFFFFFFF  }
0xc2: {  	_ =	task.clear_ibuf [dreg:s6], $0x2FFFF;
	_ =	strace $0x9FFFFFFF  }
0xc3: {  	(tm) =	ssettm $0x7FFFFFFF  }
tec
execute0_lowered:
.L_overlay_start_1:
0x0: {  	(tag) =	ssettag $0x1  }
0x1: {  	s0 =	rddreg [dreg:$0x0]  }
0x2: {  	s1 =	rddreg [dreg:$0x1]  }
0x3: {  	s2 =	rddreg [dreg:$0x2]  }
0x4: {  	s3 =	simm.s32 $0x0;
	s4 =	srdreg.scid;
	s16 =	stileid.u32  }
0x5: {  	s28 =	simm.s32 $0x400;
	s29 =	simm.s32 $0xC00;
	s30 =	simm.s32 $0x1  }
0x6: {  	s31 =	simm.s32 $0x80;
	[smem:$0x7FF] =	sst s3;
	s4 =	sand.u32 $0x1, s4  }
0x7: {  	s7 =	sadd.s32 $0x4800, s0;
	s5 =	sadd.s32 $0x83800, s0;
	s10 =	smul.u32 $0x14000, s16  }
0x8: {  	s6 =	sadd.s32 $0x97800, s0;
	s0 =	sadd.s32 $0x2BA00, s0;
	s13 =	smul.u32 $0x28000, s16  }
0x9: {  	s26 =	smul.u32 $0x5000, s16;
	s15 =	sadd.s32 $0x96000, s1;
	p0 =	seq.s32 s16, $0xF  }
0xa: {  	s16 =	simm.s32 $0x680;
	s8 =	smul.u32 $0x138800, s4;
	s9 =	ssub.s32 $0x2, s4  }
0xb: {  	_ =	strace $0x8000004A;
	s4 =	smul.u32 $0x50000, s4;
	s11 =	sshrl.u32 s9, $0x1  }
0xc: {  	s13 =	sshrl.u32 s13, $0x2;
	s9 =	ssub.s32 s9, s11;
	s25 =	sadd.s32 s10, s8  }
0xd: {  	s10 =	sshrl.u32 s10, $0x1;
	s8 =	sshrl.u32 s8, $0x4;
	s13 =	sadd.s32 s13, s2  }
0xe: {  	s4 =	sadd.s32 s26, s4;
	s12 =	sadd.s32 s10, s1;
	s10 =	sadd.s32 s10, s2  }
0xf: {  	s11 =	sshrl.u32 s25, $0x4;
	s17 =	sadd.s32 $0x2000, s13;
	[dreg:$0x6] =	wrdreg s10  }
0x10: {  	s8 =	sadd.s32 $0x12C00, s8;
	s18 =	sadd.s32 $0x4000, s13;
	[dreg:$0x7] =	wrdreg s17  }
0x11: {  	s19 =	sadd.s32 $0x6000, s13;
	s20 =	sshrl.u32 s4, $0x3;
	[dreg:$0x8] =	wrdreg s18  }
0x12: {  	s25 =	smax.u32 s9, $0x1;
	s26 =	sor.u32 $0xC00, s4;
	[dreg:$0x9] =	wrdreg s19  }
0x13: {  	s4 =	simm.s32 $0x3;
	s14 =	sadd.s32 s7, s11;
	[dreg:$0x11] =	wrdreg s25  }
0x14: {  	s7 =	sadd.s32 s7, s8;
	s21 =	sadd.s32 s5, s20;
	[dreg:$0x12] =	wrdreg s26  }
0x15: {  	s22 =	sor.u32 $0x80, s20;
	s10 =	sadd.s32 s6, s20;
	[dreg:$0x4] =	wrdreg s14  }
0x16: {  	s24 =	sadd.s32 s0, s11;
	s0 =	sadd.s32 s0, s8;
	[dreg:$0x5] =	wrdreg s7  }
0x17: {  	s17 =	simm.s32 $0xE00;
	s18 =	simm.s32 $0x700;
	[dreg:$0xb] =	wrdreg s21  }
0x18: {  	s19 =	simm.s32 $0xE80;
	s20 =	simm.s32 $0x780;
	[dreg:$0xc] =	wrdreg s10  }
0x19: {  	s11 =	simm.s32 $0x0;
	s7 =	sadd.s32 $0x8000, s13;
	[dreg:$0xf] =	wrdreg s24  }
0x1a: {  	s23 =	sadd.s32 s5, s22;
	[dreg:$0x10] =	wrdreg s0;
	s0 =	sshrl.u32 @p0 s15, $0x3  }
0x1b: {  	s24 =	simm.s32 $0x3000;
	s10 =	simm.s32 $0x4;
	s21 =	simm.s32 $0x2  }
0x1c: {  	s13 =	simm.s32 $0xD00;
	s14 =	simm.s32 $0x600;
	[dreg:$0xa] =	wrdreg s7  }
0x1d: {  	s15 =	simm.s32 $0xD80;
	[dreg:$0xd] =	wrdreg s23;
	s7 =	sadd.s32 s6, s22  }
0x1e: {  	[dreg:$0x13] =	wrdreg s0;
	s0 =	sshrl.u32 @!p0 s12, $0x3;
	s12 =	simm.s32 $0x6  }
0x1f: {  	s22 =	simm.s32 $0xF00;
	s23 =	simm.s32 $0xF80;
	[dreg:$0xe] =	wrdreg s7  }
0x20: {  	v0 =	vimm.bf16 $0.0e+00;
	[dreg:$0x14] =	wrdreg s0;
	s0 =	simm.s32 $0x1000;
	s7 =	simm.s32 $0x5  }
.LBB2_1:
0x21: {  	[dreg:$0x15] =	wrdreg s11  }
0x22: {  	s8 =	rddreg [dreg:$0x5]  }
0x23: {  	s9 =	simm.s32 @p0 $0x1FC7;
	s11 =	rddreg [dreg:$0x13]  }
0x24: {  	[spmem:s11], [sflag:s9] =	dma.local @p0 [hbm:s8], $0xC80  }
0x25: {  	s9 =	simm.s32 @p0 $0x7  }
0x26: {  	s8 =	stileid.u32;
	_ =	swait.ge @p0 [sflag:s9], $0xC80  }
0x27: {  	s25 =	sshll.u32 @!p0 s8, $0x6;
	[sflag:s9] =	ssyncset.done @p0 $0x0;
	s8 =	rddreg [dreg:$0x4]  }
0x28: {  	s11 =	sor.u32 @!p0 $0x1C07, s25;
	[sflag:s9] =	ssyncadd.s32 @p0 $0xFFFFF380;
	s9 =	rddreg [dreg:$0x14]  }
0x29: {  	[dreg:$0x16] =	wrdreg s11  }
0x2a: {  	[spmem:s9], [sflag:s11] =	dma.local @!p0 [hbm:s8], $0x1400  }
0x2b: {  	s9 =	simm.s32 @!p0 $0x7  }
0x2c: {  	_ =	swait.ge @!p0 [sflag:s9], $0x1400  }
0x2d: {  	[sflag:s9] =	ssyncset.done @!p0 $0x0  }
0x2e: {  	s25 =	simm.s32 $0x100;
	[sflag:s9] =	ssyncadd.s32 @!p0 $0xFFFFEC00;
	s9 =	simm.s32 $0x0  }
.LBB2_2:
0x2f: {  	p1 =	sne.s32 s25, $0x7F00;
	[tilespmem:s9+$0x3030] =	vst v0;
	s26 =	smov.u32 s25;
	s25 =	sadd.s32 $0x100, s25  }
.Ltmp0:
0x30: {  	[tilespmem:s9+$0x3020] =	vst v0;
	(pc) =	sbr.rel @p1 .LBB2_2-.Ltmp0, $3  }
0x31: {  	[tilespmem:s9+$0x3000] =	vst v0  }
0x32: {  	[tilespmem:s9+$0x3010] =	vst v0;
	_ =	sdelay $0x1  }
0x33: {  	s9 =	sshra.s32 s26, $0x2  }
0x34: {  	[tilespmem:s9+$0x3030] =	vst v0  }
0x35: {  	[tilespmem:s9+$0x3020] =	vst v0  }
0x36: {  	[tilespmem:s9+$0x3000] =	vst v0  }
0x37: {  	[tilespmem:s9+$0x3010] =	vst v0;
	s8 =	rddreg [dreg:$0x6];
	s9 =	simm.s32 $0x7  }
0x38: {  	[spmem:s8] =	stream.linear.scatter [tilespmem:s24], [sflag:$0x7], $0x2000, $0x38;
	[tilespmem:$0x19000] =	vst v63  }
0x39: {  	_ =	swait.ge [sflag:s9], $0x2000  }
0x3a: {  	[sflag:s9] =	ssyncset.done $0x0  }
0x3b: {  	s11 =	rddreg [dreg:$0x7];
	[sflag:s9] =	ssyncadd.s32 $0xFFFFE000  }
0x3c: {  	[spmem:s11] =	stream.linear.scatter [tilespmem:s24], [sflag:$0x7], $0x2000, $0x38;
	[tilespmem:$0x19000] =	vst v63  }
0x3d: {  	_ =	swait.ge [sflag:s9], $0x2000  }
0x3e: {  	[sflag:s9] =	ssyncset.done $0x0  }
0x3f: {  	s25 =	rddreg [dreg:$0x8];
	[sflag:s9] =	ssyncadd.s32 $0xFFFFE000  }
0x40: {  	[spmem:s25] =	stream.linear.scatter [tilespmem:s24], [sflag:$0x7], $0x2000, $0x38;
	[tilespmem:$0x19000] =	vst v63  }
0x41: {  	_ =	swait.ge [sflag:s9], $0x2000  }
0x42: {  	[sflag:s9] =	ssyncset.done $0x0  }
0x43: {  	s26 =	rddreg [dreg:$0x9];
	[sflag:s9] =	ssyncadd.s32 $0xFFFFE000  }
0x44: {  	[spmem:s26] =	stream.linear.scatter [tilespmem:s24], [sflag:$0x7], $0x2000, $0x38;
	[tilespmem:$0x19000] =	vst v63  }
0x45: {  	_ =	swait.ge [sflag:s9], $0x2000  }
0x46: {  	[sflag:s9] =	ssyncset.done $0x0  }
0x47: {  	s11 =	rddreg [dreg:$0xa];
	[sflag:s9] =	ssyncadd.s32 $0xFFFFE000  }
0x48: {  	[spmem:s11] =	stream.linear.scatter [tilespmem:s24], [sflag:$0x7], $0x2000, $0x38;
	[tilespmem:$0x19000] =	vst v63  }
0x49: {  	_ =	swait.ge [sflag:s9], $0x2000  }
0x4a: {  	[sflag:s9] =	ssyncset.done $0x0  }
0x4b: {  	[sflag:s9] =	ssyncadd.s32 $0xFFFFE000  }
0x4c: {  	[bflag:$0x0] =	sbarrier.arrive $0xFFFF  }
0x4d: {  	s9 =	simm.s32 $0x0;
	s25 =	rddreg [dreg:$0xb]  }
0x4e: {  	[tilespmem:s9], [sflag:$0x1] =	stream.linear.gather [hbm4b:s25+s9], $0x400, $0x38;
	[tilespmem:$0x19000] =	vst v63  }
0x4f: {  	s11 =	simm.s32 $0x800;
	s26 =	rddreg [dreg:$0xc]  }
0x50: {  	[tilespmem:s11], [sflag:$0x1] =	stream.linear.gather [hbm4b:s26+s9], $0x400, $0x38;
	[tilespmem:$0x19000] =	vst v63  }
0x51: {  	s25 =	rddreg [dreg:$0xd]  }
0x52: {  	[tilespmem:s28], [sflag:$0x2] =	stream.linear.gather [hbm4b:s25+s9], $0x400, $0x38;
	[tilespmem:$0x19000] =	vst v63  }
0x53: {  	s26 =	rddreg [dreg:$0xe]  }
0x54: {  	[tilespmem:s29], [sflag:$0x2] =	stream.linear.gather [hbm4b:s26+s9], $0x400, $0x38;
	[tilespmem:$0x19000] =	vst v63  }
0x55: {  	_ =	swait.ge [sflag:s30], $0x400  }
0x56: {  	[sflag:s30] =	ssyncset.done $0x0  }
0x57: {  	[sflag:s30] =	ssyncadd.s32 $0xFFFFFC00  }
0x58: {  	_ =	swait.ge [sflag:s30], $0x400  }
.Ltmp1:
0x59: {  	[sflag:s30] =	ssyncset.done $0x0;
	(pc) =	sbr.rel .LBB2_4-.Ltmp1, $4  }
0x5a: {  	[sflag:s30] =	ssyncadd.s32 $0xFFFFFC00  }
0x5b: {  	[tilespmem:s0], [sflag:$0x3] =	stream.indirect.gather [spmem:s1], $0x40, s9, s31, $0xb8;
	[tilespmem:$0x19000] =	vst v63  }
0x5c: {  	s25 =	rddreg [dreg:$0x12]  }
0x5d: {  	[tilespmem:s24], [sflag:$0x4] =	stream.indirect.gather [spmem:s1], $0x40, s31, s31, $0xb8;
	[tilespmem:$0x19000] =	vst v63  }
.LBB2_5:
0x5e: {  	_ =	swait.ge [sflag:s30], $0x400  }
0x5f: {  	[sflag:s30] =	ssyncset.done $0x0  }
0x60: {  	[sflag:s30] =	ssyncadd.s32 $0xFFFFFC00  }
0x61: {  	_ =	swait.ge [sflag:s30], $0x400  }
0x62: {  	[sflag:s30] =	ssyncset.done $0x0  }
0x63: {  	[sflag:s30] =	ssyncadd.s32 $0xFFFFFC00  }
0x64: {  	[tilespmem:s0], [sflag:$0x3] =	stream.indirect.gather [spmem:s1], $0x40, s3, s31, $0xb8;
	[tilespmem:$0x19000] =	vst v63  }
0x65: {  	_ =	swait.ge [sflag:s10], $0x2000  }
0x66: {  	[sflag:s10] =	ssyncset.done $0x0  }
0x67: {  	[sflag:s10] =	ssyncadd.s32 $0xFFFFE000  }
0x68: {  	[spmem:s2] =	stream.indirect.scatter.add.bf16 [tilespmem:s24], [sflag:$0x6], $0x40, s23, s31, $0xb8;
	[tilespmem:$0x19000] =	vst v63  }
0x69: {  	_ =	swait.ge [sflag:s12], $0x2000  }
0x6a: {  	[sflag:s12] =	ssyncset.done $0x0  }
0x6b: {  	[sflag:s12] =	ssyncadd.s32 $0xFFFFE000  }
0x6c: {  	[tilespmem:s24], [sflag:$0x4] =	stream.indirect.gather [spmem:s1], $0x40, s31, s31, $0xb8;
	[tilespmem:$0x19000] =	vst v63  }
.LBB2_7:
0x6d: {  	s8 =	sshrl.u32 s25, $0x3  }
0x6e: {  	s11 =	sadd.s32 s5, s8  }
0x6f: {  	[tilespmem:s28], [sflag:$0x2] =	stream.linear.gather [hbm4b:s11+s3], $0x400, $0x38;
	[tilespmem:$0x19000] =	vst v63  }
0x70: {  	s9 =	sadd.s32 $0x1, s9;
	s25 =	sadd.s32 $0x800, s25;
	s8 =	sadd.s32 s6, s8  }
0x71: {  	[tilespmem:s29], [sflag:$0x2] =	stream.linear.gather [hbm4b:s8+s3], $0x400, $0x38;
	[tilespmem:$0x19000] =	vst v63  }
.LBB2_4:
0x72: {  	_ =	swait.ge [sflag:s4], $0x2000  }
0x73: {  	[sflag:s4] =	ssyncset.done $0x0  }
0x74: {  	s8 =	simm.s32 $0x800;
	[sflag:s4] =	ssyncadd.s32 $0xFFFFE000  }
0x75: {  	[spmem:s2] =	stream.indirect.scatter.add.bf16 [tilespmem:s0], [sflag:$0x5], $0x40, s8, s31, $0xb8;
	[tilespmem:$0x19000] =	vst v63  }
0x76: {  	_ =	swait.ge [sflag:s7], $0x2000  }
0x77: {  	[sflag:s7] =	ssyncset.done $0x0  }
0x78: {  	s26 =	simm.s32 $0x100;
	[sflag:s7] =	ssyncadd.s32 $0xFFFFE000  }
0x79: {  	[tilespmem:s0], [sflag:$0x3] =	stream.indirect.gather [spmem:s1], $0x40, s26, s31, $0xb8;
	[tilespmem:$0x19000] =	vst v63  }
0x7a: {  	_ =	swait.ge [sflag:s10], $0x2000  }
0x7b: {  	[sflag:s10] =	ssyncset.done $0x0  }
0x7c: {  	s11 =	simm.s32 $0x880;
	[sflag:s10] =	ssyncadd.s32 $0xFFFFE000  }
0x7d: {  	[spmem:s2] =	stream.indirect.scatter.add.bf16 [tilespmem:s24], [sflag:$0x6], $0x40, s11, s31, $0xb8;
	[tilespmem:$0x19000] =	vst v63  }
0x7e: {  	_ =	swait.ge [sflag:s12], $0x2000  }
0x7f: {  	[sflag:s12] =	ssyncset.done $0x0  }
0x80: {  	s26 =	simm.s32 $0x180;
	[sflag:s12] =	ssyncadd.s32 $0xFFFFE000  }
0x81: {  	[tilespmem:s24], [sflag:$0x4] =	stream.indirect.gather [spmem:s1], $0x40, s26, s31, $0xb8;
	[tilespmem:$0x19000] =	vst v63  }
0x82: {  	_ =	swait.ge [sflag:s4], $0x2000  }
0x83: {  	[sflag:s4] =	ssyncset.done $0x0  }
0x84: {  	s11 =	simm.s32 $0x900;
	[sflag:s4] =	ssyncadd.s32 $0xFFFFE000  }
0x85: {  	[spmem:s2] =	stream.indirect.scatter.add.bf16 [tilespmem:s0], [sflag:$0x5], $0x40, s11, s31, $0xb8;
	[tilespmem:$0x19000] =	vst v63  }
0x86: {  	_ =	swait.ge [sflag:s7], $0x2000  }
0x87: {  	[sflag:s7] =	ssyncset.done $0x0  }
0x88: {  	s26 =	simm.s32 $0x200;
	[sflag:s7] =	ssyncadd.s32 $0xFFFFE000  }
0x89: {  	[tilespmem:s0], [sflag:$0x3] =	stream.indirect.gather [spmem:s1], $0x40, s26, s31, $0xb8;
	[tilespmem:$0x19000] =	vst v63  }
0x8a: {  	_ =	swait.ge [sflag:s10], $0x2000  }
0x8b: {  	[sflag:s10] =	ssyncset.done $0x0  }
0x8c: {  	s11 =	simm.s32 $0x980;
	[sflag:s10] =	ssyncadd.s32 $0xFFFFE000  }
0x8d: {  	[spmem:s2] =	stream.indirect.scatter.add.bf16 [tilespmem:s24], [sflag:$0x6], $0x40, s11, s31, $0xb8;
	[tilespmem:$0x19000] =	vst v63  }
0x8e: {  	_ =	swait.ge [sflag:s12], $0x2000  }
0x8f: {  	[sflag:s12] =	ssyncset.done $0x0  }
0x90: {  	s26 =	simm.s32 $0x280;
	[sflag:s12] =	ssyncadd.s32 $0xFFFFE000  }
0x91: {  	[tilespmem:s24], [sflag:$0x4] =	stream.indirect.gather [spmem:s1], $0x40, s26, s31, $0xb8;
	[tilespmem:$0x19000] =	vst v63  }
0x92: {  	_ =	swait.ge [sflag:s4], $0x2000  }
0x93: {  	[sflag:s4] =	ssyncset.done $0x0  }
0x94: {  	s11 =	simm.s32 $0xA00;
	[sflag:s4] =	ssyncadd.s32 $0xFFFFE000  }
0x95: {  	[spmem:s2] =	stream.indirect.scatter.add.bf16 [tilespmem:s0], [sflag:$0x5], $0x40, s11, s31, $0xb8;
	[tilespmem:$0x19000] =	vst v63  }
0x96: {  	_ =	swait.ge [sflag:s7], $0x2000  }
0x97: {  	[sflag:s7] =	ssyncset.done $0x0  }
0x98: {  	s26 =	simm.s32 $0x300;
	[sflag:s7] =	ssyncadd.s32 $0xFFFFE000  }
0x99: {  	[tilespmem:s0], [sflag:$0x3] =	stream.indirect.gather [spmem:s1], $0x40, s26, s31, $0xb8;
	[tilespmem:$0x19000] =	vst v63  }
0x9a: {  	_ =	swait.ge [sflag:s10], $0x2000  }
0x9b: {  	[sflag:s10] =	ssyncset.done $0x0  }
0x9c: {  	s11 =	simm.s32 $0xA80;
	[sflag:s10] =	ssyncadd.s32 $0xFFFFE000  }
0x9d: {  	[spmem:s2] =	stream.indirect.scatter.add.bf16 [tilespmem:s24], [sflag:$0x6], $0x40, s11, s31, $0xb8;
	[tilespmem:$0x19000] =	vst v63  }
0x9e: {  	_ =	swait.ge [sflag:s12], $0x2000  }
0x9f: {  	[sflag:s12] =	ssyncset.done $0x0  }
0xa0: {  	s26 =	simm.s32 $0x380;
	[sflag:s12] =	ssyncadd.s32 $0xFFFFE000  }
0xa1: {  	[tilespmem:s24], [sflag:$0x4] =	stream.indirect.gather [spmem:s1], $0x40, s26, s31, $0xb8;
	[tilespmem:$0x19000] =	vst v63  }
0xa2: {  	_ =	swait.ge [sflag:s4], $0x2000  }
0xa3: {  	[sflag:s4] =	ssyncset.done $0x0  }
0xa4: {  	s11 =	simm.s32 $0xB00;
	[sflag:s4] =	ssyncadd.s32 $0xFFFFE000  }
0xa5: {  	[spmem:s2] =	stream.indirect.scatter.add.bf16 [tilespmem:s0], [sflag:$0x5], $0x40, s11, s31, $0xb8;
	[tilespmem:$0x19000] =	vst v63  }
0xa6: {  	_ =	swait.ge [sflag:s7], $0x2000  }
0xa7: {  	[sflag:s7] =	ssyncset.done $0x0  }
0xa8: {  	[sflag:s7] =	ssyncadd.s32 $0xFFFFE000  }
0xa9: {  	_ =	swait.ge [sflag:s21], $0x400  }
0xaa: {  	[sflag:s21] =	ssyncset.done $0x0  }
0xab: {  	[sflag:s21] =	ssyncadd.s32 $0xFFFFFC00  }
0xac: {  	_ =	swait.ge [sflag:s21], $0x400  }
0xad: {  	[sflag:s21] =	ssyncset.done $0x0  }
0xae: {  	[sflag:s21] =	ssyncadd.s32 $0xFFFFFC00  }
0xaf: {  	[tilespmem:s0], [sflag:$0x3] =	stream.indirect.gather [spmem:s1], $0x40, s28, s31, $0xb8;
	[tilespmem:$0x19000] =	vst v63  }
0xb0: {  	_ =	swait.ge [sflag:s10], $0x2000  }
0xb1: {  	[sflag:s10] =	ssyncset.done $0x0  }
0xb2: {  	s26 =	simm.s32 $0xB80;
	[sflag:s10] =	ssyncadd.s32 $0xFFFFE000  }
0xb3: {  	[spmem:s2] =	stream.indirect.scatter.add.bf16 [tilespmem:s24], [sflag:$0x6], $0x40, s26, s31, $0xb8;
	[tilespmem:$0x19000] =	vst v63  }
0xb4: {  	p1 =	seq.s32 s9, $0x9;
	_ =	swait.ge [sflag:s12], $0x2000  }
0xb5: {  	s26 =	sadd.s32 @!p1 $0xFFFFFC00, s25;
	[sflag:s12] =	ssyncset.done $0x0  }
0xb6: {  	s11 =	simm.s32 $0x480;
	s26 =	sshrl.u32 @!p1 s26, $0x3;
	[sflag:s12] =	ssyncadd.s32 $0xFFFFE000  }
0xb7: {  	[tilespmem:s24], [sflag:$0x4] =	stream.indirect.gather [spmem:s1], $0x40, s11, s31, $0xb8;
	[tilespmem:$0x19000] =	vst v63  }
0xb8: {  	s8 =	sadd.s32 @!p1 s5, s26;
	s11 =	simm.s32 @!p1 $0x0  }
0xb9: {  	[tilespmem:s11], [sflag:$0x1] =	stream.linear.gather @!p1 [hbm4b:s8+s11], $0x400, $0x38;
	[tilespmem:$0x19000] =	vst v63  }
0xba: {  	s8 =	sadd.s32 @!p1 s6, s26;
	s26 =	simm.s32 @!p1 $0x800  }
0xbb: {  	[tilespmem:s26], [sflag:$0x1] =	stream.linear.gather @!p1 [hbm4b:s8+s11], $0x400, $0x38;
	[tilespmem:$0x19000] =	vst v63  }
0xbc: {  	_ =	swait.ge [sflag:s4], $0x2000  }
0xbd: {  	[sflag:s4] =	ssyncset.done $0x0  }
0xbe: {  	[sflag:s4] =	ssyncadd.s32 $0xFFFFE000  }
0xbf: {  	[spmem:s2] =	stream.indirect.scatter.add.bf16 [tilespmem:s0], [sflag:$0x5], $0x40, s29, s31, $0xb8;
	[tilespmem:$0x19000] =	vst v63  }
0xc0: {  	_ =	swait.ge [sflag:s7], $0x2000  }
0xc1: {  	[sflag:s7] =	ssyncset.done $0x0  }
0xc2: {  	s26 =	simm.s32 $0x500;
	[sflag:s7] =	ssyncadd.s32 $0xFFFFE000  }
0xc3: {  	[tilespmem:s0], [sflag:$0x3] =	stream.indirect.gather [spmem:s1], $0x40, s26, s31, $0xb8;
	[tilespmem:$0x19000] =	vst v63  }
0xc4: {  	_ =	swait.ge [sflag:s10], $0x2000  }
0xc5: {  	[sflag:s10] =	ssyncset.done $0x0  }
0xc6: {  	s11 =	simm.s32 $0xC80;
	[sflag:s10] =	ssyncadd.s32 $0xFFFFE000  }
0xc7: {  	[spmem:s2] =	stream.indirect.scatter.add.bf16 [tilespmem:s24], [sflag:$0x6], $0x40, s11, s31, $0xb8;
	[tilespmem:$0x19000] =	vst v63  }
0xc8: {  	_ =	swait.ge [sflag:s12], $0x2000  }
0xc9: {  	[sflag:s12] =	ssyncset.done $0x0  }
0xca: {  	s26 =	simm.s32 $0x580;
	[sflag:s12] =	ssyncadd.s32 $0xFFFFE000  }
0xcb: {  	[tilespmem:s24], [sflag:$0x4] =	stream.indirect.gather [spmem:s1], $0x40, s26, s31, $0xb8;
	[tilespmem:$0x19000] =	vst v63  }
0xcc: {  	_ =	swait.ge [sflag:s4], $0x2000  }
0xcd: {  	[sflag:s4] =	ssyncset.done $0x0  }
0xce: {  	[sflag:s4] =	ssyncadd.s32 $0xFFFFE000  }
0xcf: {  	[spmem:s2] =	stream.indirect.scatter.add.bf16 [tilespmem:s0], [sflag:$0x5], $0x40, s13, s31, $0xb8;
	[tilespmem:$0x19000] =	vst v63  }
0xd0: {  	_ =	swait.ge [sflag:s7], $0x2000  }
0xd1: {  	[sflag:s7] =	ssyncset.done $0x0  }
0xd2: {  	[sflag:s7] =	ssyncadd.s32 $0xFFFFE000  }
0xd3: {  	[tilespmem:s0], [sflag:$0x3] =	stream.indirect.gather [spmem:s1], $0x40, s14, s31, $0xb8;
	[tilespmem:$0x19000] =	vst v63  }
0xd4: {  	_ =	swait.ge [sflag:s10], $0x2000  }
0xd5: {  	[sflag:s10] =	ssyncset.done $0x0  }
0xd6: {  	[sflag:s10] =	ssyncadd.s32 $0xFFFFE000  }
0xd7: {  	[spmem:s2] =	stream.indirect.scatter.add.bf16 [tilespmem:s24], [sflag:$0x6], $0x40, s15, s31, $0xb8;
	[tilespmem:$0x19000] =	vst v63  }
0xd8: {  	_ =	swait.ge [sflag:s12], $0x2000  }
0xd9: {  	[sflag:s12] =	ssyncset.done $0x0  }
0xda: {  	[sflag:s12] =	ssyncadd.s32 $0xFFFFE000  }
0xdb: {  	[tilespmem:s24], [sflag:$0x4] =	stream.indirect.gather [spmem:s1], $0x40, s16, s31, $0xb8;
	[tilespmem:$0x19000] =	vst v63  }
0xdc: {  	_ =	swait.ge [sflag:s4], $0x2000  }
0xdd: {  	[sflag:s4] =	ssyncset.done $0x0  }
0xde: {  	[sflag:s4] =	ssyncadd.s32 $0xFFFFE000  }
0xdf: {  	[spmem:s2] =	stream.indirect.scatter.add.bf16 [tilespmem:s0], [sflag:$0x5], $0x40, s17, s31, $0xb8;
	[tilespmem:$0x19000] =	vst v63  }
0xe0: {  	_ =	swait.ge [sflag:s7], $0x2000  }
0xe1: {  	[sflag:s7] =	ssyncset.done $0x0  }
0xe2: {  	[sflag:s7] =	ssyncadd.s32 $0xFFFFE000  }
0xe3: {  	[tilespmem:s0], [sflag:$0x3] =	stream.indirect.gather [spmem:s1], $0x40, s18, s31, $0xb8;
	[tilespmem:$0x19000] =	vst v63  }
0xe4: {  	_ =	swait.ge [sflag:s10], $0x2000  }
0xe5: {  	[sflag:s10] =	ssyncset.done $0x0  }
0xe6: {  	[sflag:s10] =	ssyncadd.s32 $0xFFFFE000  }
0xe7: {  	[spmem:s2] =	stream.indirect.scatter.add.bf16 [tilespmem:s24], [sflag:$0x6], $0x40, s19, s31, $0xb8;
	[tilespmem:$0x19000] =	vst v63  }
0xe8: {  	_ =	swait.ge [sflag:s12], $0x2000  }
0xe9: {  	[sflag:s12] =	ssyncset.done $0x0  }
0xea: {  	[sflag:s12] =	ssyncadd.s32 $0xFFFFE000  }
0xeb: {  	[tilespmem:s24], [sflag:$0x4] =	stream.indirect.gather [spmem:s1], $0x40, s20, s31, $0xb8;
	[tilespmem:$0x19000] =	vst v63  }
0xec: {  	_ =	swait.ge [sflag:s4], $0x2000  }
0xed: {  	p2 =	sgt.u32 s9, $0x8;
	[sflag:s4] =	ssyncset.done $0x0  }
.Ltmp2:
0xee: {  	[sflag:s4] =	ssyncadd.s32 $0xFFFFE000;
	(pc) =	sbr.rel @!p2 .LBB2_5-.Ltmp2, $4  }
0xef: {  	[spmem:s2] =	stream.indirect.scatter.add.bf16 [tilespmem:s0], [sflag:$0x5], $0x40, s22, s31, $0xb8;
	[tilespmem:$0x19000] =	vst v63  }
0xf0: {  	_ =	swait.ge [sflag:s7], $0x2000  }
0xf1: {  	[sflag:s7] =	ssyncset.done $0x0  }
0xf2: {  	[sflag:s7] =	ssyncadd.s32 $0xFFFFE000  }
0xf3: {  	_ =	swait.ge [sflag:s10], $0x2000  }
0xf4: {  	[sflag:s10] =	ssyncset.done $0x0  }
.Ltmp3:
0xf5: {  	[sflag:s10] =	ssyncadd.s32 $0xFFFFE000;
	(pc) =	sbr.rel @!p1 .LBB2_7-.Ltmp3, $4  }
0xf6: {  	[spmem:s2] =	stream.indirect.scatter.add.bf16 [tilespmem:s24], [sflag:$0x6], $0x40, s23, s31, $0xb8;
	[tilespmem:$0x19000] =	vst v63  }
0xf7: {  	_ =	swait.ge [sflag:s12], $0x2000  }
0xf8: {  	[sflag:s12] =	ssyncset.done $0x0  }
0xf9: {  	[sflag:s12] =	ssyncadd.s32 $0xFFFFE000  }
0xfa: {  	[bflag:$0x0] =	sbarrier.arrive $0xFFFF  }
0xfb: {  	s11 =	rddreg [dreg:$0x6]  }
0xfc: {  	s9 =	simm.s32 @p0 $0x1FC7;
	s25 =	rddreg [dreg:$0x10];
	s8 =	sshrl.u32 @p0 s11, $0x3  }
0xfd: {  	[hbm:s25], [sflag:s9] =	dma.local @p0 [spmem:s8], $0xC80  }
0xfe: {  	s8 =	simm.s32 @p0 $0x7  }
0xff: {  	_ =	swait.ge @p0 [sflag:s8], $0xC80  }
0x100: {  	[sflag:s8] =	ssyncset.done @p0 $0x0;
	s9 =	rddreg [dreg:$0xf]  }
0x101: {  	[sflag:s8] =	ssyncadd.s32 @p0 $0xFFFFF380;
	s8 =	sshrl.u32 @!p0 s11, $0x3;
	s11 =	rddreg [dreg:$0x16]  }
0x102: {  	[hbm:s9], [sflag:s11] =	dma.local @!p0 [spmem:s8], $0x1400  }
0x103: {  	s8 =	simm.s32 @!p0 $0x7  }
0x104: {  	_ =	swait.ge @!p0 [sflag:s8], $0x1400  }
0x105: {  	s25 =	rddreg [dreg:$0x15]  }
0x106: {  	s26 =	rddreg [dreg:$0x11];
	s11 =	sadd.s32 $0x1, s25  }
0x107: {  	p1 =	sne.s32 s11, s26  }
.Ltmp4:
0x108: {  	_ = 	snop;
	(pc) =	sbr.rel @p1 .LBB2_1-.Ltmp4, $3  }
0x109: {  	_ =	sdelay $0x1  }
0x10a: {  	[sflag:s8] =	ssyncset.done @!p0 $0x0  }
0x10b: {  	[sflag:s8] =	ssyncadd.s32 @!p0 $0xFFFFEC00  }
0x10c: {  	_ =	sfence.sel $0x180000  }
0x10d: {  	[bflag:$0x0] =	sbarrier.arrive $0xFFFF  }
0x10e: {  	_ =	strace $0x9000004A  }
0x10f: {  	s0 =	stileid.u32;
	[bflag:$0x2] =	sbarrier.arrive $0xFFFF  }
0x110: {  	p0 =	sne.s32 s0, $0x0;
	s0 =	rddreg [dreg:$0x3]  }
0x111: {  	s0 =	sadd.s32 @!p0 $0x100000, s0  }
0x112: {  	[sflag:s0] =	ssyncadd.tile.s32 @!p0 $0x1;
	_ =	shalt  }
.Lfunc_end2:
_tile_overlayer_lowered:
.L_overlay_start_2:
0x113: {  	(tag) =	ssettag $0x2  }
0x114: {  	s0 =	rddreg [dreg:$0x0];
	s2 =	stileid.u32  }
0x115: {  	s1 =	rddreg [dreg:$0x1];
	p0 =	sne.s32 s2, $0x0  }
0x116: {  	s3 =	rddreg [dreg:$0x2];
	[bflag:$0x3] =	sbarrier.arrive $0xFFFF;
	s2 =	simm.s32 @!p0 $0x1C07  }
0x117: {  	[timem:s3], [sflag:s2] =	dma.local @!p0 [hbm:s0], s1  }
0x118: {  	s0 =	simm.s32 @!p0 $0x7  }
0x119: {  	_ =	swait.ge @!p0 [sflag:s0], s1  }
0x11a: {  	s1 =	ssub.s32 @!p0 $0x0, s1;
	[sflag:s0] =	ssyncset.done @!p0 $0x0  }
0x11b: {  	[sflag:s0] =	ssyncadd.s32 @!p0 s1  }
0x11c: {  	[bflag:$0x3] =	sbarrier.arrive $0xFFFF  }
0x11d: {  	_ =	shalt  }

// kernel: kernel.7.cloned.1.call-start
scs
__scs_entry_jumppad:
0x0: {  	(pc) =	sbr.rel $0x88, $3  }
0x1: {  	(tag) =	ssettag $0x0;
	lr =	simm.s32 $0x1  }
0x2: {  	[smem:$0x3F81] =	sst lr;
	_ =	strace $0xD0000000  }
0x3: {  	_ = 	snop  }
0x4: {  	_ = 	snop  }
0x5: {  	_ = 	snop  }
0x6: {  	_ = 	snop  }
0x7: {  	_ = 	snop  }
__scs_overlays_trampoline_lowered:
0x8: {  	[smem:$0x3F90] =	sst s0  }
0x9: {  	[smem:$0x3F91] =	sst s1  }
0xa: {  	[smem:$0x3F92] =	sst s2  }
0xb: {  	[smem:$0x3F93] =	sst s3  }
0xc: {  	[smem:$0x3F94] =	sst s4  }
0xd: {  	[smem:$0x3F95] =	sst s5  }
0xe: {  	[smem:$0x3F96] =	sst s6  }
0xf: {  	[smem:$0x3F97] =	sst s7  }
0x10: {  	[smem:$0x3F98] =	sst s8  }
0x11: {  	[smem:$0x3F99] =	sst s9;
	s0 =	simm.s32 @!p0 $0x0  }
0x12: {  	s1 =	sld [smem:$0x3F7F];
	s0 =	simm.s32 @p0 $0x1  }
0x13: {  	[smem:$0x3F9A] =	sst s0;
	s0 =	simm.s32 @!p1 $0x0  }
0x14: {  	s2 =	sld [smem:$0x3F7E];
	s0 =	simm.s32 @p1 $0x1  }
0x15: {  	[smem:$0x3F9B] =	sst s0;
	s0 =	simm.s32 @!p2 $0x0  }
0x16: {  	s3 =	sld [smem:$0x3FDB];
	s0 =	simm.s32 @p2 $0x1  }
0x17: {  	s4 =	simm.s32 $0x1BF5;
	[smem:$0x3F9D] =	sst s0  }
0x18: {  	s0 =	sld [smem:$0x3F80];
	_ =	swait.ge [sflag:s4], $0x0  }
0x19: {  	s7 =	sld [smem:$0x3F81]  }
0x1a: {  	s8 =	sadd.s32 $0xFFFFE003, lr  }
0x1b: {  	s9 =	sadd.s32 $0xFFFFFEF7, lr;
	s5 =	simm.s32 $0xFFFFFFFF;
	p2 =	slt.u32 s8, $0xFFFFF086  }
0x1c: {  	p1 =	slt.u32 s9, $0xF7A;
	s5 =	simm.s32 @!p2 $0x0  }
0x1d: {  	s5 =	simm.s32 @p1 $0x1;
	p0 =	seq.s32 s7, s2  }
0x1e: {  	s7 =	smul.u32 @!p0 $0xF7A, s2;
	p2 =	seq.s32 @!p0 s5, $0x0  }
0x1f: {  	s9 =	smul.u32 $0xF7A, s1;
	s8 =	simm.s32 @!p0 $0x1BF5;
	p2 =	por !p2, p0  }
0x20: {  	[sflag:s8] =	ssyncset.s32 @!p0 $0xFFFFF086;
	s6 =	sadd.s32 @!p0 s3, s7;
	s7 =	simm.s32 @!p0 $0x108  }
0x21: {  	s3 =	sadd.s32 s3, s9;
	s6 =	sadd.s32 @!p0 $0x88, s6;
	s7 =	simm.s32 @p2 $0x1082  }
0x22: {  	[simem:s7], [sflag:s8] =	dma.local @!p0 [hbm:s6], $0xF7A  }
0x23: {  	s9 =	sor.u32 $0xD0000000, s2;
	s6 =	simm.s32 $0x108;
	_ =	swait.ge @!p0 [sflag:s8], $0x0  }
0x24: {  	s3 =	sadd.s32 $0x88, s3;
	s6 =	simm.s32 @!p1 $0x1082;
	[sflag:s4] =	ssyncset.s32 $0xFFFFF086  }
0x25: {  	[simem:s6], [sflag:s4] =	dma.local [hbm:s3], $0xF7A  }
0x26: {  	[smem:$0x3F81] =	sst s1;
	(tag) =	ssettag s2;
	_ =	strace s9  }
0x27: {  	s1 =	sld [smem:$0x3F91]  }
0x28: {  	s2 =	sld [smem:$0x3F92]  }
0x29: {  	s4 =	sld [smem:$0x3F94]  }
0x2a: {  	p0 =	seq.s32 s5, $0x0;
	s5 =	sld [smem:$0x3F95]  }
0x2b: {  	s6 =	sld [smem:$0x3F96]  }
0x2c: {  	s7 =	sld [smem:$0x3F97]  }
0x2d: {  	s3 =	simm.s32 $0x108;
	s8 =	sld [smem:$0x3F98]  }
0x2e: {  	s3 =	simm.s32 @!p0 $0x1082;
	s9 =	sld [smem:$0x3F99]  }
0x2f: {  	lr =	sadd.s32 s0, s3;
	s0 =	sld [smem:$0x3F90]  }
0x30: {  	s3 =	sld [smem:$0x3F93]  }
0x31: {  	[smem:$0x3F9C] =	sst s10  }
0x32: {  	s10 =	sld [smem:$0x3F9A];
	_ =	sdelay $0x3  }
0x33: {  	p0 =	seq.s32 s10, $0x1;
	s10 =	sld [smem:$0x3F9C];
	_ =	sdelay $0x3  }
0x34: {  	[smem:$0x3F9C] =	sst s10  }
0x35: {  	s10 =	sld [smem:$0x3F9B];
	_ =	sdelay $0x3  }
0x36: {  	p1 =	seq.s32 s10, $0x1;
	s10 =	sld [smem:$0x3F9C];
	_ =	sdelay $0x3  }
0x37: {  	[smem:$0x3F9C] =	sst s10  }
0x38: {  	s10 =	sld [smem:$0x3F9D]  }
0x39: {  	_ = 	snop;
	(pc) =	sbr.ind lr, $3  }
0x3a: {  	_ = 	snop  }
0x3b: {  	_ = 	snop  }
0x3c: {  	p2 =	seq.s32 s10, $0x1;
	s10 =	sld [smem:$0x3F9C]  }
0x3d: {  	_ =	shalt  }
0x3e: {  	_ =	shalt  }
0x3f: {  	_ =	shalt  }
0x40: {  	_ =	shalt  }
0x41: {  	_ =	shalt  }
0x42: {  	_ =	shalt  }
0x43: {  	_ =	shalt  }
0x44: {  	_ =	shalt  }
0x45: {  	_ =	shalt  }
0x46: {  	_ =	shalt  }
0x47: {  	_ =	shalt  }
0x48: {  	_ =	shalt  }
0x49: {  	_ =	shalt  }
0x4a: {  	_ =	shalt  }
0x4b: {  	_ =	shalt  }
0x4c: {  	_ =	shalt  }
0x4d: {  	_ =	shalt  }
0x4e: {  	_ =	shalt  }
0x4f: {  	_ =	shalt  }
0x50: {  	_ =	shalt  }
0x51: {  	_ =	shalt  }
0x52: {  	_ =	shalt  }
0x53: {  	_ =	shalt  }
0x54: {  	_ =	shalt  }
0x55: {  	_ =	shalt  }
0x56: {  	_ =	shalt  }
0x57: {  	_ =	shalt  }
0x58: {  	_ =	shalt  }
0x59: {  	_ =	shalt  }
0x5a: {  	_ =	shalt  }
0x5b: {  	_ =	shalt  }
0x5c: {  	_ =	shalt  }
0x5d: {  	_ =	shalt  }
0x5e: {  	_ =	shalt  }
0x5f: {  	_ =	shalt  }
0x60: {  	_ =	shalt  }
0x61: {  	_ =	shalt  }
0x62: {  	_ =	shalt  }
0x63: {  	_ =	shalt  }
0x64: {  	_ =	shalt  }
0x65: {  	_ =	shalt  }
0x66: {  	_ =	shalt  }
0x67: {  	_ =	shalt  }
0x68: {  	_ =	shalt  }
0x69: {  	_ =	shalt  }
0x6a: {  	_ =	shalt  }
0x6b: {  	_ =	shalt  }
0x6c: {  	_ =	shalt  }
0x6d: {  	_ =	shalt  }
0x6e: {  	_ =	shalt  }
0x6f: {  	_ =	shalt  }
0x70: {  	_ =	shalt  }
0x71: {  	_ =	shalt  }
0x72: {  	_ =	shalt  }
0x73: {  	_ =	shalt  }
0x74: {  	_ =	shalt  }
0x75: {  	_ =	shalt  }
0x76: {  	_ =	shalt  }
0x77: {  	_ =	shalt  }
0x78: {  	_ =	shalt  }
0x79: {  	_ =	shalt  }
0x7a: {  	_ =	shalt  }
0x7b: {  	_ =	shalt  }
0x7c: {  	_ =	shalt  }
0x7d: {  	_ =	shalt  }
0x7e: {  	_ =	shalt  }
0x7f: {  	_ =	shalt  }
0x80: {  	_ =	shalt  }
0x81: {  	_ =	shalt  }
0x82: {  	_ =	shalt  }
0x83: {  	_ =	shalt  }
0x84: {  	_ =	shalt  }
0x85: {  	_ =	shalt  }
0x86: {  	_ =	shalt  }
0x87: {  	_ =	shalt  }
.Lfunc_end0:
.L_simem_size_0:
called_computation_lowered:
.L_overlay_start_0:
0x88: {  	s2 =	sld [smem:$0x3FD9]  }
0x89: {  	s3 =	sld [smem:$0x3FFE];
	_ =	sdelay $0x1  }
0x8a: {  	s1 =	srdreg.scid  }
0x8b: {  	s0 =	sand.u32 $0x1, s1  }
0x8c: {  	s16 =	sshll.u32 s0, $0xA;
	s2 =	sadd.s32 s3, s2  }
0x8d: {  	s2 =	sadd.s32 s2, s16  }
0x8e: {  	[smem:$0x3FA8] =	sst s2  }
0x8f: {  	_ = 	snop  }
0x90: {  	(tm) =	ssettm $0x1  }
0x91: {  	s17 =	sld [smem:$0x3FFB];
	_ =	sdelay $0x3  }
0x92: {  	_ =	strace s17  }
0x93: {  	s2 =	sld [smem:$0x3FFC];
	_ =	sdelay $0x3  }
0x94: {  	_ =	strace s2  }
0x95: {  	s2 =	sld [smem:$0x3FFD];
	_ =	sdelay $0x3  }
0x96: {  	_ =	strace s2  }
0x97: {  	_ =	strace $0x8FFFFFFF  }
0x98: {  	s18 =	sld [smem:$0x3FDB];
	_ =	sdelay $0x1  }
0x99: {  	s19 =	simm.s32 $_scs_section_size  }
0x9a: {  	s4 =	simm.s32 $_size__tile_overlayer_lowered;
	s5 =	simm.s32 $_tile_overlayer_lowered  }
0x9b: {  	s22 =	simm.s32 $0x1BFF;
	s21 =	sshll.u32 s5, $0x1;
	s2 =	sadd.s32 s19, s18  }
0x9c: {  	s6 =	simm.s32 $0x0;
	s20 =	sshll.u32 s4, $0x1;
	s4 =	sadd.s32 s21, s2  }
0x9d: {  	[timem:s6], [sflag:s22] =	dma.local [hbm:s4], s20  }
0x9e: {  	_ =	swait.ge [sflag:s22], s20  }
0x9f: {  	s3 =	ssub.s32 $0x0, s20;
	[sflag:s22] =	ssyncset.done $0x0  }
0xa0: {  	[sflag:s22] =	ssyncadd.s32 s3;
	_ =	sdelay $0x1  }
0xa1: {  	s23 =	simm.s32 $0x1B8B  }
0xa2: {  	_ =	swait.ge [sflag:s23], $0x1  }
0xa3: {  	[sflag:s23] =	ssyncset.done $0x0  }
0xa4: {  	s25 =	simm.s32 $0x1B8E;
	s24 =	sld [smem:$0x3FFE];
	[sflag:s23] =	ssyncadd.s32 $0xFFFFFFFF  }
0xa5: {  	s26 =	simm.s32 $execute0_lowered;
	[smem:$0x3FD2] =	sst s25  }
0xa6: {  	s4 =	sshll.u32 s26, $0x1;
	_ =	strace $0x80000046;
	[dreg:$0x1] =	wrdreg $0xFFFFFFFF  }
0xa7: {  	s28 =	simm.s32 $_size_execute0_lowered;
	s2 =	sadd.s32 s2, s4;
	[dreg:$0x0] =	wrdreg $0x0  }
0xa8: {  	s4 =	sshll.u32 s28, $0x1;
	[dreg:$0x2] =	wrdreg s2  }
0xa9: {  	[dreg:$0x3] =	wrdreg s4  }
0xaa: {  	[dreg:$0x4] =	wrdreg $0xC0  }
0xab: {  	_ =	task [dreg:s6], $0x5FFFF  }
0xac: {  	[dreg:$0x1] =	wrdreg $0xFFFFFFFF  }
0xad: {  	[dreg:$0x0] =	wrdreg $0x60  }
0xae: {  	[dreg:$0x2] =	wrdreg s24  }
0xaf: {  	[dreg:$0x3] =	wrdreg $0x60000  }
0xb0: {  	[dreg:$0x4] =	wrdreg $0x128000  }
0xb1: {  	[dreg:$0x5] =	wrdreg $0x9  }
0xb2: {  	_ =	task.clear_ibuf [dreg:s6], $0x6FFFF;
	_ =	strace $0x90000046  }
0xb3: {  	s29 =	simm.s32 $0x9;
	_ =	strace $0x80000048  }
0xb4: {  	_ =	swait.ge [sflag:s29], $0x1  }
0xb5: {  	[sflag:s29] =	ssyncadd.s32 $0xFFFFFFFF  }
0xb6: {  	_ =	strace $0x90000048  }
0xb7: {  	_ =	sfence  }
0xb8: {  	s30 =	sld [smem:$0x0];
	_ =	sdelay $0x2  }
0xb9: {  	s31 =	sshll.u32 s1, $0xD;
	s1 =	sshrl.u32 s1, $0x2  }
0xba: {  	s3 =	sand.u32 $0x4000, s31;
	s1 =	sadd.s32 s1, s30  }
0xbb: {  	s0 =	sor.u32 s3, s0;
	s1 =	sshll.u32 s1, $0x11  }
0xbc: {  	s0 =	sor.u32 s1, s0  }
0xbd: {  	s0 =	sadd.s32 $0x8F2B, s0  }
0xbe: {  	[sflag:s0] =	ssyncadd.remote.s32 $0x1  }
0xbf: {  	_ =	sfence.sel $0xFFFF  }
0xc0: {  	[dreg:$0x0] =	wrdreg $0xFFFFFFFF;
	(pc) =	sbr.abs _section_cstart, $3  }
0xc1: {  	[dreg:$0x1] =	wrdreg $0xFFFFFFFF  }
0xc2: {  	_ =	task.clear_ibuf [dreg:s6], $0x2FFFF;
	_ =	strace $0x9FFFFFFF  }
0xc3: {  	(tm) =	ssettm $0x7FFFFFFF  }
tec
execute0_lowered:
.L_overlay_start_1:
0x0: {  	(tag) =	ssettag $0x1  }
0x1: {  	s0 =	rddreg [dreg:$0x0]  }
0x2: {  	s1 =	rddreg [dreg:$0x1]  }
0x3: {  	s2 =	rddreg [dreg:$0x2]  }
0x4: {  	s3 =	simm.s32 $0x0;
	s4 =	srdreg.scid;
	s16 =	stileid.u32  }
0x5: {  	s28 =	simm.s32 $0x400;
	s29 =	simm.s32 $0xC00;
	s30 =	simm.s32 $0x1  }
0x6: {  	s31 =	simm.s32 $0x80;
	[smem:$0x7FF] =	sst s3;
	s4 =	sand.u32 $0x1, s4  }
0x7: {  	s7 =	sadd.s32 $0x52A00, s0;
	s5 =	sadd.s32 $0x83800, s0;
	s10 =	smul.u32 $0x19000, s16  }
0x8: {  	s6 =	sadd.s32 $0x97800, s0;
	s0 =	sadd.s32 $0xAB800, s0;
	s13 =	smul.u32 $0x32000, s16  }
0x9: {  	s26 =	smul.u32 $0x5000, s16;
	s15 =	sadd.s32 $0xBB800, s1;
	p0 =	seq.s32 s16, $0xF  }
0xa: {  	s16 =	simm.s32 $0x680;
	s8 =	smul.u32 $0x186A00, s4;
	s9 =	ssub.s32 $0x2, s4  }
0xb: {  	_ =	strace $0x80000047;
	s4 =	smul.u32 $0x50000, s4;
	s11 =	sshrl.u32 s9, $0x1  }
0xc: {  	s13 =	sshrl.u32 s13, $0x2;
	s9 =	ssub.s32 s9, s11;
	s25 =	sadd.s32 s10, s8  }
0xd: {  	s10 =	sshrl.u32 s10, $0x1;
	s8 =	sshrl.u32 s8, $0x4;
	s13 =	sadd.s32 s13, s2  }
0xe: {  	s4 =	sadd.s32 s26, s4;
	s12 =	sadd.s32 s10, s1;
	s10 =	sadd.s32 s10, s2  }
0xf: {  	s11 =	sshrl.u32 s25, $0x4;
	s17 =	sadd.s32 $0x2800, s13;
	[dreg:$0x6] =	wrdreg s10  }
0x10: {  	s8 =	sadd.s32 $0x17700, s8;
	s18 =	sadd.s32 $0x5000, s13;
	[dreg:$0x7] =	wrdreg s17  }
0x11: {  	s19 =	sadd.s32 $0x7800, s13;
	s20 =	sshrl.u32 s4, $0x3;
	[dreg:$0x8] =	wrdreg s18  }
0x12: {  	s25 =	smax.u32 s9, $0x1;
	s26 =	sor.u32 $0xC00, s4;
	[dreg:$0x9] =	wrdreg s19  }
0x13: {  	s4 =	simm.s32 $0x3;
	s14 =	sadd.s32 s7, s11;
	[dreg:$0x11] =	wrdreg s25  }
0x14: {  	s7 =	sadd.s32 s7, s8;
	s21 =	sadd.s32 s5, s20;
	[dreg:$0x12] =	wrdreg s26  }
0x15: {  	s22 =	sor.u32 $0x80, s20;
	s10 =	sadd.s32 s6, s20;
	[dreg:$0x4] =	wrdreg s14  }
0x16: {  	s24 =	sadd.s32 s0, s11;
	s0 =	sadd.s32 s0, s8;
	[dreg:$0x5] =	wrdreg s7  }
0x17: {  	s17 =	simm.s32 $0xE00;
	s18 =	simm.s32 $0x700;
	[dreg:$0xb] =	wrdreg s21  }
0x18: {  	s19 =	simm.s32 $0xE80;
	s20 =	simm.s32 $0x780;
	[dreg:$0xc] =	wrdreg s10  }
0x19: {  	s11 =	simm.s32 $0x0;
	s7 =	sadd.s32 $0xA000, s13;
	[dreg:$0xf] =	wrdreg s24  }
0x1a: {  	s23 =	sadd.s32 s5, s22;
	[dreg:$0x10] =	wrdreg s0;
	s0 =	sshrl.u32 @p0 s15, $0x3  }
0x1b: {  	s24 =	simm.s32 $0x3800;
	s10 =	simm.s32 $0x4;
	s21 =	simm.s32 $0x2  }
0x1c: {  	s13 =	simm.s32 $0xD00;
	s14 =	simm.s32 $0x600;
	[dreg:$0xa] =	wrdreg s7  }
0x1d: {  	s15 =	simm.s32 $0xD80;
	[dreg:$0xd] =	wrdreg s23;
	s7 =	sadd.s32 s6, s22  }
0x1e: {  	[dreg:$0x13] =	wrdreg s0;
	s0 =	sshrl.u32 @!p0 s12, $0x3;
	s12 =	simm.s32 $0x6  }
0x1f: {  	s22 =	simm.s32 $0xF00;
	s23 =	simm.s32 $0xF80;
	[dreg:$0xe] =	wrdreg s7  }
0x20: {  	v0 =	vimm.bf16 $0.0e+00;
	[dreg:$0x14] =	wrdreg s0;
	s0 =	simm.s32 $0x1000;
	s7 =	simm.s32 $0x5  }
.LBB2_1:
0x21: {  	[dreg:$0x15] =	wrdreg s11  }
0x22: {  	s8 =	rddreg [dreg:$0x5]  }
0x23: {  	s9 =	simm.s32 @p0 $0x1FC7;
	s11 =	rddreg [dreg:$0x13]  }
0x24: {  	[spmem:s11], [sflag:s9] =	dma.local @p0 [hbm:s8], $0xFA0  }
0x25: {  	s9 =	simm.s32 @p0 $0x7  }
0x26: {  	s8 =	stileid.u32;
	_ =	swait.ge @p0 [sflag:s9], $0xFA0  }
0x27: {  	s25 =	sshll.u32 @!p0 s8, $0x6;
	[sflag:s9] =	ssyncset.done @p0 $0x0;
	s8 =	rddreg [dreg:$0x4]  }
0x28: {  	s11 =	sor.u32 @!p0 $0x1C07, s25;
	[sflag:s9] =	ssyncadd.s32 @p0 $0xFFFFF060;
	s9 =	rddreg [dreg:$0x14]  }
0x29: {  	[dreg:$0x16] =	wrdreg s11  }
0x2a: {  	[spmem:s9], [sflag:s11] =	dma.local @!p0 [hbm:s8], $0x1900  }
0x2b: {  	s9 =	simm.s32 @!p0 $0x7  }
0x2c: {  	_ =	swait.ge @!p0 [sflag:s9], $0x1900  }
0x2d: {  	[sflag:s9] =	ssyncset.done @!p0 $0x0  }
0x2e: {  	s25 =	simm.s32 $0x240;
	[sflag:s9] =	ssyncadd.s32 @!p0 $0xFFFFE700;
	s9 =	simm.s32 $0x40  }
.LBB2_2:
0x2f: {  	p1 =	sne.s32 s25, $0x9FC0;
	[tilespmem:s9+$0x3800] =	vst v0;
	s26 =	smov.u32 s25;
	s25 =	sadd.s32 $0x140, s25  }
.Ltmp0:
0x30: {  	[tilespmem:s9+$0x37F0] =	vst v0;
	(pc) =	sbr.rel @p1 .LBB2_2-.Ltmp0, $4  }
0x31: {  	[tilespmem:s9+$0x37E0] =	vst v0  }
0x32: {  	[tilespmem:s9+$0x37C0] =	vst v0  }
0x33: {  	[tilespmem:s9+$0x37D0] =	vst v0  }
0x34: {  	s9 =	sshra.s32 s26, $0x2  }
0x35: {  	[tilespmem:s9+$0x3800] =	vst v0  }
0x36: {  	[tilespmem:s9+$0x37F0] =	vst v0  }
0x37: {  	[tilespmem:s9+$0x37E0] =	vst v0  }
0x38: {  	[tilespmem:s9+$0x37C0] =	vst v0  }
0x39: {  	[tilespmem:s9+$0x37D0] =	vst v0;
	s8 =	rddreg [dreg:$0x6];
	s9 =	simm.s32 $0x7  }
0x3a: {  	[spmem:s8] =	stream.linear.scatter [tilespmem:s24], [sflag:$0x7], $0x2800, $0x38;
	[tilespmem:$0x1F000] =	vst v63  }
0x3b: {  	_ =	swait.ge [sflag:s9], $0x2800  }
0x3c: {  	[sflag:s9] =	ssyncset.done $0x0  }
0x3d: {  	s11 =	rddreg [dreg:$0x7];
	[sflag:s9] =	ssyncadd.s32 $0xFFFFD800  }
0x3e: {  	[spmem:s11] =	stream.linear.scatter [tilespmem:s24], [sflag:$0x7], $0x2800, $0x38;
	[tilespmem:$0x1F000] =	vst v63  }
0x3f: {  	_ =	swait.ge [sflag:s9], $0x2800  }
0x40: {  	[sflag:s9] =	ssyncset.done $0x0  }
0x41: {  	s25 =	rddreg [dreg:$0x8];
	[sflag:s9] =	ssyncadd.s32 $0xFFFFD800  }
0x42: {  	[spmem:s25] =	stream.linear.scatter [tilespmem:s24], [sflag:$0x7], $0x2800, $0x38;
	[tilespmem:$0x1F000] =	vst v63  }
0x43: {  	_ =	swait.ge [sflag:s9], $0x2800  }
0x44: {  	[sflag:s9] =	ssyncset.done $0x0  }
0x45: {  	s26 =	rddreg [dreg:$0x9];
	[sflag:s9] =	ssyncadd.s32 $0xFFFFD800  }
0x46: {  	[spmem:s26] =	stream.linear.scatter [tilespmem:s24], [sflag:$0x7], $0x2800, $0x38;
	[tilespmem:$0x1F000] =	vst v63  }
0x47: {  	_ =	swait.ge [sflag:s9], $0x2800  }
0x48: {  	[sflag:s9] =	ssyncset.done $0x0  }
0x49: {  	s11 =	rddreg [dreg:$0xa];
	[sflag:s9] =	ssyncadd.s32 $0xFFFFD800  }
0x4a: {  	[spmem:s11] =	stream.linear.scatter [tilespmem:s24], [sflag:$0x7], $0x2800, $0x38;
	[tilespmem:$0x1F000] =	vst v63  }
0x4b: {  	_ =	swait.ge [sflag:s9], $0x2800  }
0x4c: {  	[sflag:s9] =	ssyncset.done $0x0  }
0x4d: {  	[sflag:s9] =	ssyncadd.s32 $0xFFFFD800  }
0x4e: {  	[bflag:$0x0] =	sbarrier.arrive $0xFFFF  }
0x4f: {  	s9 =	simm.s32 $0x0;
	s25 =	rddreg [dreg:$0xb]  }
0x50: {  	[tilespmem:s9], [sflag:$0x1] =	stream.linear.gather [hbm4b:s25+s9], $0x400, $0x38;
	[tilespmem:$0x1F000] =	vst v63  }
0x51: {  	s11 =	simm.s32 $0x800;
	s26 =	rddreg [dreg:$0xc]  }
0x52: {  	[tilespmem:s11], [sflag:$0x1] =	stream.linear.gather [hbm4b:s26+s9], $0x400, $0x38;
	[tilespmem:$0x1F000] =	vst v63  }
0x53: {  	s25 =	rddreg [dreg:$0xd]  }
0x54: {  	[tilespmem:s28], [sflag:$0x2] =	stream.linear.gather [hbm4b:s25+s9], $0x400, $0x38;
	[tilespmem:$0x1F000] =	vst v63  }
0x55: {  	s26 =	rddreg [dreg:$0xe]  }
0x56: {  	[tilespmem:s29], [sflag:$0x2] =	stream.linear.gather [hbm4b:s26+s9], $0x400, $0x38;
	[tilespmem:$0x1F000] =	vst v63  }
0x57: {  	_ =	swait.ge [sflag:s30], $0x400  }
0x58: {  	[sflag:s30] =	ssyncset.done $0x0  }
0x59: {  	[sflag:s30] =	ssyncadd.s32 $0xFFFFFC00  }
0x5a: {  	_ =	swait.ge [sflag:s30], $0x400  }
.Ltmp1:
0x5b: {  	[sflag:s30] =	ssyncset.done $0x0;
	(pc) =	sbr.rel .LBB2_4-.Ltmp1, $4  }
0x5c: {  	[sflag:s30] =	ssyncadd.s32 $0xFFFFFC00  }
0x5d: {  	[tilespmem:s0], [sflag:$0x3] =	stream.indirect.gather [spmem:s1], $0x50, s9, s31, $0xb8;
	[tilespmem:$0x1F000] =	vst v63  }
0x5e: {  	s25 =	rddreg [dreg:$0x12]  }
0x5f: {  	[tilespmem:s24], [sflag:$0x4] =	stream.indirect.gather [spmem:s1], $0x50, s31, s31, $0xb8;
	[tilespmem:$0x1F000] =	vst v63  }
.LBB2_5:
0x60: {  	_ =	swait.ge [sflag:s30], $0x400  }
0x61: {  	[sflag:s30] =	ssyncset.done $0x0  }
0x62: {  	[sflag:s30] =	ssyncadd.s32 $0xFFFFFC00  }
0x63: {  	_ =	swait.ge [sflag:s30], $0x400  }
0x64: {  	[sflag:s30] =	ssyncset.done $0x0  }
0x65: {  	[sflag:s30] =	ssyncadd.s32 $0xFFFFFC00  }
0x66: {  	[tilespmem:s0], [sflag:$0x3] =	stream.indirect.gather [spmem:s1], $0x50, s3, s31, $0xb8;
	[tilespmem:$0x1F000] =	vst v63  }
0x67: {  	_ =	swait.ge [sflag:s10], $0x2800  }
0x68: {  	[sflag:s10] =	ssyncset.done $0x0  }
0x69: {  	[sflag:s10] =	ssyncadd.s32 $0xFFFFD800  }
0x6a: {  	[spmem:s2] =	stream.indirect.scatter.add.bf16 [tilespmem:s24], [sflag:$0x6], $0x50, s23, s31, $0xb8;
	[tilespmem:$0x1F000] =	vst v63  }
0x6b: {  	_ =	swait.ge [sflag:s12], $0x2800  }
0x6c: {  	[sflag:s12] =	ssyncset.done $0x0  }
0x6d: {  	[sflag:s12] =	ssyncadd.s32 $0xFFFFD800  }
0x6e: {  	[tilespmem:s24], [sflag:$0x4] =	stream.indirect.gather [spmem:s1], $0x50, s31, s31, $0xb8;
	[tilespmem:$0x1F000] =	vst v63  }
.LBB2_7:
0x6f: {  	s8 =	sshrl.u32 s25, $0x3  }
0x70: {  	s11 =	sadd.s32 s5, s8  }
0x71: {  	[tilespmem:s28], [sflag:$0x2] =	stream.linear.gather [hbm4b:s11+s3], $0x400, $0x38;
	[tilespmem:$0x1F000] =	vst v63  }
0x72: {  	s9 =	sadd.s32 $0x1, s9;
	s25 =	sadd.s32 $0x800, s25;
	s8 =	sadd.s32 s6, s8  }
0x73: {  	[tilespmem:s29], [sflag:$0x2] =	stream.linear.gather [hbm4b:s8+s3], $0x400, $0x38;
	[tilespmem:$0x1F000] =	vst v63  }
.LBB2_4:
0x74: {  	_ =	swait.ge [sflag:s4], $0x2800  }
0x75: {  	[sflag:s4] =	ssyncset.done $0x0  }
0x76: {  	s8 =	simm.s32 $0x800;
	[sflag:s4] =	ssyncadd.s32 $0xFFFFD800  }
0x77: {  	[spmem:s2] =	stream.indirect.scatter.add.bf16 [tilespmem:s0], [sflag:$0x5], $0x50, s8, s31, $0xb8;
	[tilespmem:$0x1F000] =	vst v63  }
0x78: {  	_ =	swait.ge [sflag:s7], $0x2800  }
0x79: {  	[sflag:s7] =	ssyncset.done $0x0  }
0x7a: {  	s26 =	simm.s32 $0x100;
	[sflag:s7] =	ssyncadd.s32 $0xFFFFD800  }
0x7b: {  	[tilespmem:s0], [sflag:$0x3] =	stream.indirect.gather [spmem:s1], $0x50, s26, s31, $0xb8;
	[tilespmem:$0x1F000] =	vst v63  }
0x7c: {  	_ =	swait.ge [sflag:s10], $0x2800  }
0x7d: {  	[sflag:s10] =	ssyncset.done $0x0  }
0x7e: {  	s11 =	simm.s32 $0x880;
	[sflag:s10] =	ssyncadd.s32 $0xFFFFD800  }
0x7f: {  	[spmem:s2] =	stream.indirect.scatter.add.bf16 [tilespmem:s24], [sflag:$0x6], $0x50, s11, s31, $0xb8;
	[tilespmem:$0x1F000] =	vst v63  }
0x80: {  	_ =	swait.ge [sflag:s12], $0x2800  }
0x81: {  	[sflag:s12] =	ssyncset.done $0x0  }
0x82: {  	s26 =	simm.s32 $0x180;
	[sflag:s12] =	ssyncadd.s32 $0xFFFFD800  }
0x83: {  	[tilespmem:s24], [sflag:$0x4] =	stream.indirect.gather [spmem:s1], $0x50, s26, s31, $0xb8;
	[tilespmem:$0x1F000] =	vst v63  }
0x84: {  	_ =	swait.ge [sflag:s4], $0x2800  }
0x85: {  	[sflag:s4] =	ssyncset.done $0x0  }
0x86: {  	s11 =	simm.s32 $0x900;
	[sflag:s4] =	ssyncadd.s32 $0xFFFFD800  }
0x87: {  	[spmem:s2] =	stream.indirect.scatter.add.bf16 [tilespmem:s0], [sflag:$0x5], $0x50, s11, s31, $0xb8;
	[tilespmem:$0x1F000] =	vst v63  }
0x88: {  	_ =	swait.ge [sflag:s7], $0x2800  }
0x89: {  	[sflag:s7] =	ssyncset.done $0x0  }
0x8a: {  	s26 =	simm.s32 $0x200;
	[sflag:s7] =	ssyncadd.s32 $0xFFFFD800  }
0x8b: {  	[tilespmem:s0], [sflag:$0x3] =	stream.indirect.gather [spmem:s1], $0x50, s26, s31, $0xb8;
	[tilespmem:$0x1F000] =	vst v63  }
0x8c: {  	_ =	swait.ge [sflag:s10], $0x2800  }
0x8d: {  	[sflag:s10] =	ssyncset.done $0x0  }
0x8e: {  	s11 =	simm.s32 $0x980;
	[sflag:s10] =	ssyncadd.s32 $0xFFFFD800  }
0x8f: {  	[spmem:s2] =	stream.indirect.scatter.add.bf16 [tilespmem:s24], [sflag:$0x6], $0x50, s11, s31, $0xb8;
	[tilespmem:$0x1F000] =	vst v63  }
0x90: {  	_ =	swait.ge [sflag:s12], $0x2800  }
0x91: {  	[sflag:s12] =	ssyncset.done $0x0  }
0x92: {  	s26 =	simm.s32 $0x280;
	[sflag:s12] =	ssyncadd.s32 $0xFFFFD800  }
0x93: {  	[tilespmem:s24], [sflag:$0x4] =	stream.indirect.gather [spmem:s1], $0x50, s26, s31, $0xb8;
	[tilespmem:$0x1F000] =	vst v63  }
0x94: {  	_ =	swait.ge [sflag:s4], $0x2800  }
0x95: {  	[sflag:s4] =	ssyncset.done $0x0  }
0x96: {  	s11 =	simm.s32 $0xA00;
	[sflag:s4] =	ssyncadd.s32 $0xFFFFD800  }
0x97: {  	[spmem:s2] =	stream.indirect.scatter.add.bf16 [tilespmem:s0], [sflag:$0x5], $0x50, s11, s31, $0xb8;
	[tilespmem:$0x1F000] =	vst v63  }
0x98: {  	_ =	swait.ge [sflag:s7], $0x2800  }
0x99: {  	[sflag:s7] =	ssyncset.done $0x0  }
0x9a: {  	s26 =	simm.s32 $0x300;
	[sflag:s7] =	ssyncadd.s32 $0xFFFFD800  }
0x9b: {  	[tilespmem:s0], [sflag:$0x3] =	stream.indirect.gather [spmem:s1], $0x50, s26, s31, $0xb8;
	[tilespmem:$0x1F000] =	vst v63  }
0x9c: {  	_ =	swait.ge [sflag:s10], $0x2800  }
0x9d: {  	[sflag:s10] =	ssyncset.done $0x0  }
0x9e: {  	s11 =	simm.s32 $0xA80;
	[sflag:s10] =	ssyncadd.s32 $0xFFFFD800  }
0x9f: {  	[spmem:s2] =	stream.indirect.scatter.add.bf16 [tilespmem:s24], [sflag:$0x6], $0x50, s11, s31, $0xb8;
	[tilespmem:$0x1F000] =	vst v63  }
0xa0: {  	_ =	swait.ge [sflag:s12], $0x2800  }
0xa1: {  	[sflag:s12] =	ssyncset.done $0x0  }
0xa2: {  	s26 =	simm.s32 $0x380;
	[sflag:s12] =	ssyncadd.s32 $0xFFFFD800  }
0xa3: {  	[tilespmem:s24], [sflag:$0x4] =	stream.indirect.gather [spmem:s1], $0x50, s26, s31, $0xb8;
	[tilespmem:$0x1F000] =	vst v63  }
0xa4: {  	_ =	swait.ge [sflag:s4], $0x2800  }
0xa5: {  	[sflag:s4] =	ssyncset.done $0x0  }
0xa6: {  	s11 =	simm.s32 $0xB00;
	[sflag:s4] =	ssyncadd.s32 $0xFFFFD800  }
0xa7: {  	[spmem:s2] =	stream.indirect.scatter.add.bf16 [tilespmem:s0], [sflag:$0x5], $0x50, s11, s31, $0xb8;
	[tilespmem:$0x1F000] =	vst v63  }
0xa8: {  	_ =	swait.ge [sflag:s7], $0x2800  }
0xa9: {  	[sflag:s7] =	ssyncset.done $0x0  }
0xaa: {  	[sflag:s7] =	ssyncadd.s32 $0xFFFFD800  }
0xab: {  	_ =	swait.ge [sflag:s21], $0x400  }
0xac: {  	[sflag:s21] =	ssyncset.done $0x0  }
0xad: {  	[sflag:s21] =	ssyncadd.s32 $0xFFFFFC00  }
0xae: {  	_ =	swait.ge [sflag:s21], $0x400  }
0xaf: {  	[sflag:s21] =	ssyncset.done $0x0  }
0xb0: {  	[sflag:s21] =	ssyncadd.s32 $0xFFFFFC00  }
0xb1: {  	[tilespmem:s0], [sflag:$0x3] =	stream.indirect.gather [spmem:s1], $0x50, s28, s31, $0xb8;
	[tilespmem:$0x1F000] =	vst v63  }
0xb2: {  	_ =	swait.ge [sflag:s10], $0x2800  }
0xb3: {  	[sflag:s10] =	ssyncset.done $0x0  }
0xb4: {  	s26 =	simm.s32 $0xB80;
	[sflag:s10] =	ssyncadd.s32 $0xFFFFD800  }
0xb5: {  	[spmem:s2] =	stream.indirect.scatter.add.bf16 [tilespmem:s24], [sflag:$0x6], $0x50, s26, s31, $0xb8;
	[tilespmem:$0x1F000] =	vst v63  }
0xb6: {  	p1 =	seq.s32 s9, $0x9;
	_ =	swait.ge [sflag:s12], $0x2800  }
0xb7: {  	s26 =	sadd.s32 @!p1 $0xFFFFFC00, s25;
	[sflag:s12] =	ssyncset.done $0x0  }
0xb8: {  	s11 =	simm.s32 $0x480;
	s26 =	sshrl.u32 @!p1 s26, $0x3;
	[sflag:s12] =	ssyncadd.s32 $0xFFFFD800  }
0xb9: {  	[tilespmem:s24], [sflag:$0x4] =	stream.indirect.gather [spmem:s1], $0x50, s11, s31, $0xb8;
	[tilespmem:$0x1F000] =	vst v63  }
0xba: {  	s8 =	sadd.s32 @!p1 s5, s26;
	s11 =	simm.s32 @!p1 $0x0  }
0xbb: {  	[tilespmem:s11], [sflag:$0x1] =	stream.linear.gather @!p1 [hbm4b:s8+s11], $0x400, $0x38;
	[tilespmem:$0x1F000] =	vst v63  }
0xbc: {  	s8 =	sadd.s32 @!p1 s6, s26;
	s26 =	simm.s32 @!p1 $0x800  }
0xbd: {  	[tilespmem:s26], [sflag:$0x1] =	stream.linear.gather @!p1 [hbm4b:s8+s11], $0x400, $0x38;
	[tilespmem:$0x1F000] =	vst v63  }
0xbe: {  	_ =	swait.ge [sflag:s4], $0x2800  }
0xbf: {  	[sflag:s4] =	ssyncset.done $0x0  }
0xc0: {  	[sflag:s4] =	ssyncadd.s32 $0xFFFFD800  }
0xc1: {  	[spmem:s2] =	stream.indirect.scatter.add.bf16 [tilespmem:s0], [sflag:$0x5], $0x50, s29, s31, $0xb8;
	[tilespmem:$0x1F000] =	vst v63  }
0xc2: {  	_ =	swait.ge [sflag:s7], $0x2800  }
0xc3: {  	[sflag:s7] =	ssyncset.done $0x0  }
0xc4: {  	s26 =	simm.s32 $0x500;
	[sflag:s7] =	ssyncadd.s32 $0xFFFFD800  }
0xc5: {  	[tilespmem:s0], [sflag:$0x3] =	stream.indirect.gather [spmem:s1], $0x50, s26, s31, $0xb8;
	[tilespmem:$0x1F000] =	vst v63  }
0xc6: {  	_ =	swait.ge [sflag:s10], $0x2800  }
0xc7: {  	[sflag:s10] =	ssyncset.done $0x0  }
0xc8: {  	s11 =	simm.s32 $0xC80;
	[sflag:s10] =	ssyncadd.s32 $0xFFFFD800  }
0xc9: {  	[spmem:s2] =	stream.indirect.scatter.add.bf16 [tilespmem:s24], [sflag:$0x6], $0x50, s11, s31, $0xb8;
	[tilespmem:$0x1F000] =	vst v63  }
0xca: {  	_ =	swait.ge [sflag:s12], $0x2800  }
0xcb: {  	[sflag:s12] =	ssyncset.done $0x0  }
0xcc: {  	s26 =	simm.s32 $0x580;
	[sflag:s12] =	ssyncadd.s32 $0xFFFFD800  }
0xcd: {  	[tilespmem:s24], [sflag:$0x4] =	stream.indirect.gather [spmem:s1], $0x50, s26, s31, $0xb8;
	[tilespmem:$0x1F000] =	vst v63  }
0xce: {  	_ =	swait.ge [sflag:s4], $0x2800  }
0xcf: {  	[sflag:s4] =	ssyncset.done $0x0  }
0xd0: {  	[sflag:s4] =	ssyncadd.s32 $0xFFFFD800  }
0xd1: {  	[spmem:s2] =	stream.indirect.scatter.add.bf16 [tilespmem:s0], [sflag:$0x5], $0x50, s13, s31, $0xb8;
	[tilespmem:$0x1F000] =	vst v63  }
0xd2: {  	_ =	swait.ge [sflag:s7], $0x2800  }
0xd3: {  	[sflag:s7] =	ssyncset.done $0x0  }
0xd4: {  	[sflag:s7] =	ssyncadd.s32 $0xFFFFD800  }
0xd5: {  	[tilespmem:s0], [sflag:$0x3] =	stream.indirect.gather [spmem:s1], $0x50, s14, s31, $0xb8;
	[tilespmem:$0x1F000] =	vst v63  }
0xd6: {  	_ =	swait.ge [sflag:s10], $0x2800  }
0xd7: {  	[sflag:s10] =	ssyncset.done $0x0  }
0xd8: {  	[sflag:s10] =	ssyncadd.s32 $0xFFFFD800  }
0xd9: {  	[spmem:s2] =	stream.indirect.scatter.add.bf16 [tilespmem:s24], [sflag:$0x6], $0x50, s15, s31, $0xb8;
	[tilespmem:$0x1F000] =	vst v63  }
0xda: {  	_ =	swait.ge [sflag:s12], $0x2800  }
0xdb: {  	[sflag:s12] =	ssyncset.done $0x0  }
0xdc: {  	[sflag:s12] =	ssyncadd.s32 $0xFFFFD800  }
0xdd: {  	[tilespmem:s24], [sflag:$0x4] =	stream.indirect.gather [spmem:s1], $0x50, s16, s31, $0xb8;
	[tilespmem:$0x1F000] =	vst v63  }
0xde: {  	_ =	swait.ge [sflag:s4], $0x2800  }
0xdf: {  	[sflag:s4] =	ssyncset.done $0x0  }
0xe0: {  	[sflag:s4] =	ssyncadd.s32 $0xFFFFD800  }
0xe1: {  	[spmem:s2] =	stream.indirect.scatter.add.bf16 [tilespmem:s0], [sflag:$0x5], $0x50, s17, s31, $0xb8;
	[tilespmem:$0x1F000] =	vst v63  }
0xe2: {  	_ =	swait.ge [sflag:s7], $0x2800  }
0xe3: {  	[sflag:s7] =	ssyncset.done $0x0  }
0xe4: {  	[sflag:s7] =	ssyncadd.s32 $0xFFFFD800  }
0xe5: {  	[tilespmem:s0], [sflag:$0x3] =	stream.indirect.gather [spmem:s1], $0x50, s18, s31, $0xb8;
	[tilespmem:$0x1F000] =	vst v63  }
0xe6: {  	_ =	swait.ge [sflag:s10], $0x2800  }
0xe7: {  	[sflag:s10] =	ssyncset.done $0x0  }
0xe8: {  	[sflag:s10] =	ssyncadd.s32 $0xFFFFD800  }
0xe9: {  	[spmem:s2] =	stream.indirect.scatter.add.bf16 [tilespmem:s24], [sflag:$0x6], $0x50, s19, s31, $0xb8;
	[tilespmem:$0x1F000] =	vst v63  }
0xea: {  	_ =	swait.ge [sflag:s12], $0x2800  }
0xeb: {  	[sflag:s12] =	ssyncset.done $0x0  }
0xec: {  	[sflag:s12] =	ssyncadd.s32 $0xFFFFD800  }
0xed: {  	[tilespmem:s24], [sflag:$0x4] =	stream.indirect.gather [spmem:s1], $0x50, s20, s31, $0xb8;
	[tilespmem:$0x1F000] =	vst v63  }
0xee: {  	_ =	swait.ge [sflag:s4], $0x2800  }
0xef: {  	p2 =	sgt.u32 s9, $0x8;
	[sflag:s4] =	ssyncset.done $0x0  }
.Ltmp2:
0xf0: {  	[sflag:s4] =	ssyncadd.s32 $0xFFFFD800;
	(pc) =	sbr.rel @!p2 .LBB2_5-.Ltmp2, $4  }
0xf1: {  	[spmem:s2] =	stream.indirect.scatter.add.bf16 [tilespmem:s0], [sflag:$0x5], $0x50, s22, s31, $0xb8;
	[tilespmem:$0x1F000] =	vst v63  }
0xf2: {  	_ =	swait.ge [sflag:s7], $0x2800  }
0xf3: {  	[sflag:s7] =	ssyncset.done $0x0  }
0xf4: {  	[sflag:s7] =	ssyncadd.s32 $0xFFFFD800  }
0xf5: {  	_ =	swait.ge [sflag:s10], $0x2800  }
0xf6: {  	[sflag:s10] =	ssyncset.done $0x0  }
.Ltmp3:
0xf7: {  	[sflag:s10] =	ssyncadd.s32 $0xFFFFD800;
	(pc) =	sbr.rel @!p1 .LBB2_7-.Ltmp3, $4  }
0xf8: {  	[spmem:s2] =	stream.indirect.scatter.add.bf16 [tilespmem:s24], [sflag:$0x6], $0x50, s23, s31, $0xb8;
	[tilespmem:$0x1F000] =	vst v63  }
0xf9: {  	_ =	swait.ge [sflag:s12], $0x2800  }
0xfa: {  	[sflag:s12] =	ssyncset.done $0x0  }
0xfb: {  	[sflag:s12] =	ssyncadd.s32 $0xFFFFD800  }
0xfc: {  	[bflag:$0x0] =	sbarrier.arrive $0xFFFF  }
0xfd: {  	s11 =	rddreg [dreg:$0x6]  }
0xfe: {  	s9 =	simm.s32 @p0 $0x1FC7;
	s25 =	rddreg [dreg:$0x10];
	s8 =	sshrl.u32 @p0 s11, $0x3  }
0xff: {  	[hbm:s25], [sflag:s9] =	dma.local @p0 [spmem:s8], $0xFA0  }
0x100: {  	s8 =	simm.s32 @p0 $0x7  }
0x101: {  	_ =	swait.ge @p0 [sflag:s8], $0xFA0  }
0x102: {  	[sflag:s8] =	ssyncset.done @p0 $0x0;
	s9 =	rddreg [dreg:$0xf]  }
0x103: {  	[sflag:s8] =	ssyncadd.s32 @p0 $0xFFFFF060;
	s8 =	sshrl.u32 @!p0 s11, $0x3;
	s11 =	rddreg [dreg:$0x16]  }
0x104: {  	[hbm:s9], [sflag:s11] =	dma.local @!p0 [spmem:s8], $0x1900  }
0x105: {  	s8 =	simm.s32 @!p0 $0x7  }
0x106: {  	_ =	swait.ge @!p0 [sflag:s8], $0x1900  }
0x107: {  	s25 =	rddreg [dreg:$0x15]  }
0x108: {  	s26 =	rddreg [dreg:$0x11];
	s11 =	sadd.s32 $0x1, s25  }
0x109: {  	p1 =	sne.s32 s11, s26  }
.Ltmp4:
0x10a: {  	_ = 	snop;
	(pc) =	sbr.rel @p1 .LBB2_1-.Ltmp4, $3  }
0x10b: {  	_ =	sdelay $0x1  }
0x10c: {  	[sflag:s8] =	ssyncset.done @!p0 $0x0  }
0x10d: {  	[sflag:s8] =	ssyncadd.s32 @!p0 $0xFFFFE700  }
0x10e: {  	_ =	sfence.sel $0x180000  }
0x10f: {  	[bflag:$0x0] =	sbarrier.arrive $0xFFFF  }
0x110: {  	_ =	strace $0x90000047  }
0x111: {  	s0 =	stileid.u32;
	[bflag:$0x2] =	sbarrier.arrive $0xFFFF  }
0x112: {  	p0 =	sne.s32 s0, $0x0;
	s0 =	rddreg [dreg:$0x3]  }
0x113: {  	s0 =	sadd.s32 @!p0 $0x100000, s0  }
0x114: {  	[sflag:s0] =	ssyncadd.tile.s32 @!p0 $0x1;
	_ =	shalt  }
.Lfunc_end2:
_tile_overlayer_lowered:
.L_overlay_start_2:
0x115: {  	(tag) =	ssettag $0x2  }
0x116: {  	s0 =	rddreg [dreg:$0x0];
	s2 =	stileid.u32  }
0x117: {  	s1 =	rddreg [dreg:$0x1];
	p0 =	sne.s32 s2, $0x0  }
0x118: {  	s3 =	rddreg [dreg:$0x2];
	[bflag:$0x3] =	sbarrier.arrive $0xFFFF;
	s2 =	simm.s32 @!p0 $0x1C07  }
0x119: {  	[timem:s3], [sflag:s2] =	dma.local @!p0 [hbm:s0], s1  }
0x11a: {  	s0 =	simm.s32 @!p0 $0x7  }
0x11b: {  	_ =	swait.ge @!p0 [sflag:s0], s1  }
0x11c: {  	s1 =	ssub.s32 @!p0 $0x0, s1;
	[sflag:s0] =	ssyncset.done @!p0 $0x0  }
0x11d: {  	[sflag:s0] =	ssyncadd.s32 @!p0 s1  }
0x11e: {  	[bflag:$0x3] =	sbarrier.arrive $0xFFFF  }
0x11f: {  	_ =	shalt  }

</sc_bundles>
